<compile_context>
chip_gen: v7x
topology: tpu7x:2x2x1
jax: 0.10.2.dev20260603
libtpu: 0.0.44.dev20260713+nightly
codegen_flags: <defaults>
</compile_context>

<pallas_src>
import functools

import jax
import jax.numpy as jnp
from jax import lax
from jax.experimental import pallas as pl
from jax.experimental.pallas import tpu as pltpu
from jax.experimental.pallas import tpu_sc as plsc

F = 64
LANES = 16
C = 128
NC, NS = 2, 16
NW = NC * NS


def _mf_body(nchunks, uf_hbm, itf_hbm, iif_hbm, user_hbm, item_hbm,
             ratings_hbm, logits_hbm,
             idx_u, idx_i, u0, it0, iti0, u1, it1, iti1, o1, o2,
             sem0, sem1):
    wid = lax.axis_index("s") * NC + lax.axis_index("c")
    per_w = nchunks * C
    wbase = pl.multiple_of(wid * per_w, 8)
    bufs = ((u0, it0, iti0, sem0), (u1, it1, iti1, sem1))

    pltpu.sync_copy(user_hbm.at[pl.ds(wbase, per_w)], idx_u)
    pltpu.sync_copy(item_hbm.at[pl.ds(wbase, per_w)], idx_i)

    def fire(g, buf):
        start = pl.multiple_of(g * C, 8)
        ub, itb, itib, sem = bufs[buf]
        pltpu.async_copy(uf_hbm.at[idx_u.at[pl.ds(start, C)]], ub, sem)
        pltpu.async_copy(itf_hbm.at[idx_i.at[pl.ds(start, C)]], itb, sem)
        pltpu.async_copy(iif_hbm.at[idx_i.at[pl.ds(start, C)]], itib, sem)

    def drain(buf):
        ub, itb, itib, sem = bufs[buf]
        pltpu.make_async_copy(uf_hbm.at[idx_u.at[pl.ds(0, C)]], ub, sem).wait()
        pltpu.make_async_copy(itf_hbm.at[idx_i.at[pl.ds(0, C)]], itb, sem).wait()
        pltpu.make_async_copy(iif_hbm.at[idx_i.at[pl.ds(0, C)]], itib, sem).wait()

    lane = lax.iota(jnp.int32, LANES)

    def compute(g, buf):
        ub, itb, itib, _ = bufs[buf]
        obase = pl.multiple_of(g * C, LANES)

        def group(g2, carry2):
            e0 = pl.multiple_of(g2 * LANES, LANES)
            acc1 = jnp.zeros((LANES,), jnp.float32)
            acc2 = jnp.zeros((LANES,), jnp.float32)
            for j in range(LANES):
                e = e0 + j
                d1 = jnp.zeros((LANES,), jnp.float32)
                d2 = jnp.zeros((LANES,), jnp.float32)
                for k in range(F // LANES):
                    u = ub[e, pl.ds(k * LANES, LANES)]
                    it = itb[e, pl.ds(k * LANES, LANES)]
                    iti = itib[e, pl.ds(k * LANES, LANES)]
                    d1 = d1 + u * it
                    d2 = d2 + u * iti
                t1 = jnp.sum(d1)
                t2 = jnp.sum(d2)
                mj = lane == j
                acc1 = jnp.where(mj, t1, acc1)
                acc2 = jnp.where(mj, t2, acc2)
            o1[pl.ds(obase + e0, LANES)] = acc1
            o2[pl.ds(obase + e0, LANES)] = acc2
            return carry2

        lax.fori_loop(0, C // LANES, group, 0)

    fire(0, 0)

    def pair(k, carry):
        g = k * 2
        fire(jnp.minimum(g + 1, nchunks - 1), 1)
        drain(0)
        compute(g, 0)
        fire(jnp.minimum(g + 2, nchunks - 1), 0)
        drain(1)
        compute(g + 1, 1)
        return carry

    lax.fori_loop(0, nchunks // 2, pair, 0)
    drain(0)

    pltpu.sync_copy(o1, ratings_hbm.at[pl.ds(wbase, per_w)])
    pltpu.sync_copy(o2, logits_hbm.at[pl.ds(wbase, per_w)])


def kernel(user, item, user_factors, item_factors, item_implicit_factors):
    B, L = user.shape
    BL = B * L
    assert BL % (NW * C) == 0 and (BL // (NW * C)) % 2 == 0
    nchunks = BL // (NW * C)
    per_w = nchunks * C

    mesh = plsc.VectorSubcoreMesh(core_axis_name="c", subcore_axis_name="s")
    call = pl.kernel(
        functools.partial(_mf_body, nchunks),
        out_type=(
            jax.ShapeDtypeStruct((BL,), jnp.float32),
            jax.ShapeDtypeStruct((BL,), jnp.float32),
        ),
        mesh=mesh,
        compiler_params=pltpu.CompilerParams(
            needs_layout_passes=False, use_tc_tiling_on_sc=False
        ),
        scratch_types=[
            pltpu.VMEM((per_w,), jnp.int32),
            pltpu.VMEM((per_w,), jnp.int32),
            pltpu.VMEM((C, F), jnp.float32),
            pltpu.VMEM((C, F), jnp.float32),
            pltpu.VMEM((C, F), jnp.float32),
            pltpu.VMEM((C, F), jnp.float32),
            pltpu.VMEM((C, F), jnp.float32),
            pltpu.VMEM((C, F), jnp.float32),
            pltpu.VMEM((per_w,), jnp.float32),
            pltpu.VMEM((per_w,), jnp.float32),
            pltpu.SemaphoreType.DMA,
            pltpu.SemaphoreType.DMA,
        ],
    )
    ratings, logits = call(
        user_factors, item_factors, item_implicit_factors,
        user.reshape(BL), item.reshape(BL),
    )
    return ratings.reshape(B, L), logits.reshape(B, L)

# --- scband reference (transcript-rebuilt; emitter-appended) ---
"""Pipeline reference for scband-matrix-factorization-1812476199649 (READ-ONLY COPY).

The authoritative reference and input builder live on the scoring server;
editing this copy changes nothing except your own understanding.
"""

import jax, jax.numpy as jnp
import numpy as np

B, L = 16384, 20
N_USERS, N_ITEMS, N_FACTORS = 1000000, 100000, 64


def setup_inputs(seed: int = 0) -> dict:
    key = jax.random.key(seed)
    k1, k2, k3, k4, k5 = jax.random.split(key, 5)
    user = jax.random.randint(k1, (B, L), 0, N_USERS, dtype=jnp.int64 if jax.config.jax_enable_x64 else jnp.int32).astype(jnp.int32)
    item = jax.random.randint(k2, (B, L), 0, N_ITEMS, dtype=jnp.int64 if jax.config.jax_enable_x64 else jnp.int32).astype(jnp.int32)
    user_factors = jax.random.normal(k3, (N_USERS, N_FACTORS), dtype=jnp.float32)
    item_factors = jax.random.normal(k4, (N_ITEMS, N_FACTORS), dtype=jnp.float32)
    item_implicit_factors = jax.random.normal(k5, (N_ITEMS, N_FACTORS), dtype=jnp.float32)
    return {
        "user": user,
        "item": item,
        "user_factors": user_factors,
        "item_factors": item_factors,
        "item_implicit_factors": item_implicit_factors,
    }


def reference(user, item, user_factors, item_factors, item_implicit_factors):
    u = jnp.take(user_factors, user, axis=0)            # [B, L, F]
    it = jnp.take(item_factors, item, axis=0)           # [B, L, F]
    iti = jnp.take(item_implicit_factors, item, axis=0) # [B, L, F]
    predicted_ratings = (u * it).sum(axis=2)            # [B, L]
    predicted_logits = (u * iti).sum(axis=2)            # [B, L]
    return (predicted_ratings, predicted_logits)

if __name__ == "__main__":
    import jax
    _d = setup_inputs()
    print(jax.jit(kernel)(*tuple(_d.values())))

</pallas_src>

<mosaic_0001>
#map = affine_map<(d0, d1) -> (0, 0)>
#map1 = affine_map<(d0, d1) -> (0)>
module attributes {stable_mosaic.version = 14 : i64} {
  func.func @_mf_body(%arg0: i32, %arg1: i32, %arg2: memref<1000000x64xf32, #tpu.memory_space<hbm>>, %arg3: memref<100000x64xf32, #tpu.memory_space<hbm>>, %arg4: memref<100000x64xf32, #tpu.memory_space<hbm>>, %arg5: memref<327680xi32, #tpu.memory_space<hbm>>, %arg6: memref<327680xi32, #tpu.memory_space<hbm>>, %arg7: memref<327680xf32, #tpu.memory_space<hbm>>, %arg8: memref<327680xf32, #tpu.memory_space<hbm>>, %arg9: memref<10240xi32, #tpu.memory_space<vmem>>, %arg10: memref<10240xi32, #tpu.memory_space<vmem>>, %arg11: memref<128x64xf32, #tpu.memory_space<vmem>>, %arg12: memref<128x64xf32, #tpu.memory_space<vmem>>, %arg13: memref<128x64xf32, #tpu.memory_space<vmem>>, %arg14: memref<128x64xf32, #tpu.memory_space<vmem>>, %arg15: memref<128x64xf32, #tpu.memory_space<vmem>>, %arg16: memref<128x64xf32, #tpu.memory_space<vmem>>, %arg17: memref<10240xf32, #tpu.memory_space<vmem>>, %arg18: memref<10240xf32, #tpu.memory_space<vmem>>, %arg19: memref<!tpu.dma_semaphore, #tpu.memory_space<semaphore_mem>>, %arg20: memref<!tpu.dma_semaphore, #tpu.memory_space<semaphore_mem>>) attributes {dimension_semantics = [#tpu.dimension_semantics<core_parallel>, #tpu.dimension_semantics<subcore_parallel>], iteration_bounds = array<i64: 2, 16>, scalar_prefetch = 0 : i64, scratch_operands = 12 : i64, tpu.core_type = #tpu.core_type<sc_vector_subcore>, window_params = [{transform_indices = #map}, {transform_indices = #map}, {transform_indices = #map}, {transform_indices = #map1}, {transform_indices = #map1}, {transform_indices = #map1}, {transform_indices = #map1}]} {
    %mul3A = arith.constant 2 : i32
    %mul3A_0 = arith.muli %arg1, %mul3A : i32
    %add3A = arith.addi %mul3A_0, %arg0 : i32
    %mul3A_1 = arith.constant 10240 : i32
    %mul3A_2 = arith.muli %add3A, %mul3A_1 : i32
    %multiple_of3A = tpu.assume_multiple %mul3A_2, 8 : i32
    "tpu.region"() ({
      %run_scoped3A = tpu.sem_alloc : memref<!tpu.dma_semaphore, #tpu.memory_space<semaphore_mem>>
      %dma_start3A_35 = tpu.memref_slice %arg5[%multiple_of3A] : memref<327680xi32, #tpu.memory_space<hbm>> -> memref<10240xi32, #tpu.memory_space<hbm>>
      %dma_start3A_36 = tpu.memref_slice %arg5[%multiple_of3A] : memref<327680xi32, #tpu.memory_space<hbm>> -> memref<10240xi32, #tpu.memory_space<hbm>>
      tpu.enqueue_dma source(%dma_start3A_36 : memref<10240xi32, #tpu.memory_space<hbm>>) target(%arg9 : memref<10240xi32, #tpu.memory_space<vmem>>) target_semaphore(%run_scoped3A : memref<!tpu.dma_semaphore, #tpu.memory_space<semaphore_mem>>)
      %dma_wait3A_37 = tpu.memref_slice %arg5[%multiple_of3A] : memref<327680xi32, #tpu.memory_space<hbm>> -> memref<10240xi32, #tpu.memory_space<hbm>>
      %dma_wait3A_38 = tpu.memref_slice %arg5[%multiple_of3A] : memref<327680xi32, #tpu.memory_space<hbm>> -> memref<10240xi32, #tpu.memory_space<hbm>>
      tpu.wait_dma2 semaphore(%run_scoped3A : memref<!tpu.dma_semaphore, #tpu.memory_space<semaphore_mem>>) src(%dma_wait3A_38 : memref<10240xi32, #tpu.memory_space<hbm>>) dst(%arg9 : memref<10240xi32, #tpu.memory_space<vmem>>)
      tpu.yield
    }) : () -> ()
    "tpu.region"() ({
      %run_scoped3A = tpu.sem_alloc : memref<!tpu.dma_semaphore, #tpu.memory_space<semaphore_mem>>
      %dma_start3A_35 = tpu.memref_slice %arg6[%multiple_of3A] : memref<327680xi32, #tpu.memory_space<hbm>> -> memref<10240xi32, #tpu.memory_space<hbm>>
      %dma_start3A_36 = tpu.memref_slice %arg6[%multiple_of3A] : memref<327680xi32, #tpu.memory_space<hbm>> -> memref<10240xi32, #tpu.memory_space<hbm>>
      tpu.enqueue_dma source(%dma_start3A_36 : memref<10240xi32, #tpu.memory_space<hbm>>) target(%arg10 : memref<10240xi32, #tpu.memory_space<vmem>>) target_semaphore(%run_scoped3A : memref<!tpu.dma_semaphore, #tpu.memory_space<semaphore_mem>>)
      %dma_wait3A_37 = tpu.memref_slice %arg6[%multiple_of3A] : memref<327680xi32, #tpu.memory_space<hbm>> -> memref<10240xi32, #tpu.memory_space<hbm>>
      %dma_wait3A_38 = tpu.memref_slice %arg6[%multiple_of3A] : memref<327680xi32, #tpu.memory_space<hbm>> -> memref<10240xi32, #tpu.memory_space<hbm>>
      tpu.wait_dma2 semaphore(%run_scoped3A : memref<!tpu.dma_semaphore, #tpu.memory_space<semaphore_mem>>) src(%dma_wait3A_38 : memref<10240xi32, #tpu.memory_space<hbm>>) dst(%arg10 : memref<10240xi32, #tpu.memory_space<vmem>>)
      tpu.yield
    }) : () -> ()
    %iota3A = tpu.iota {dimensions = array<i32: 0>} : vector<16xi32>
    %multiple_of3A_3 = arith.constant 0 : i32
    %multiple_of3A_4 = tpu.assume_multiple %multiple_of3A_3, 8 : i32
    %dma_start3A = tpu.memref_slice %arg9[%multiple_of3A_4] : memref<10240xi32, #tpu.memory_space<vmem>> -> memref<128xi32, #tpu.memory_space<vmem>>
    %dma_start3A_5 = arith.constant 0 : i32
    %dma_start3A_6 = arith.constant 0 : i32
    %dma_start3A_7 = tpu.memref_slice %arg2[%dma_start3A_5, %dma_start3A_6] : memref<1000000x64xf32, #tpu.memory_space<hbm>> -> memref<1000000x64xf32, #tpu.memory_space<hbm>>
    tpu.enqueue_indirect_dma source(%dma_start3A_7 : memref<1000000x64xf32, #tpu.memory_space<hbm>>) target(%arg11 : memref<128x64xf32, #tpu.memory_space<vmem>>) offsets(%dma_start3A : memref<128xi32, #tpu.memory_space<vmem>>) semaphore(%arg19 : memref<!tpu.dma_semaphore, #tpu.memory_space<semaphore_mem>>)
    %dma_start3A_8 = tpu.memref_slice %arg10[%multiple_of3A_4] : memref<10240xi32, #tpu.memory_space<vmem>> -> memref<128xi32, #tpu.memory_space<vmem>>
    %dma_start3A_9 = arith.constant 0 : i32
    %dma_start3A_10 = arith.constant 0 : i32
    %dma_start3A_11 = tpu.memref_slice %arg3[%dma_start3A_9, %dma_start3A_10] : memref<100000x64xf32, #tpu.memory_space<hbm>> -> memref<100000x64xf32, #tpu.memory_space<hbm>>
    tpu.enqueue_indirect_dma source(%dma_start3A_11 : memref<100000x64xf32, #tpu.memory_space<hbm>>) target(%arg12 : memref<128x64xf32, #tpu.memory_space<vmem>>) offsets(%dma_start3A_8 : memref<128xi32, #tpu.memory_space<vmem>>) semaphore(%arg19 : memref<!tpu.dma_semaphore, #tpu.memory_space<semaphore_mem>>)
    %dma_start3A_12 = tpu.memref_slice %arg10[%multiple_of3A_4] : memref<10240xi32, #tpu.memory_space<vmem>> -> memref<128xi32, #tpu.memory_space<vmem>>
    %dma_start3A_13 = arith.constant 0 : i32
    %dma_start3A_14 = arith.constant 0 : i32
    %dma_start3A_15 = tpu.memref_slice %arg4[%dma_start3A_13, %dma_start3A_14] : memref<100000x64xf32, #tpu.memory_space<hbm>> -> memref<100000x64xf32, #tpu.memory_space<hbm>>
    tpu.enqueue_indirect_dma source(%dma_start3A_15 : memref<100000x64xf32, #tpu.memory_space<hbm>>) target(%arg13 : memref<128x64xf32, #tpu.memory_space<vmem>>) offsets(%dma_start3A_12 : memref<128xi32, #tpu.memory_space<vmem>>) semaphore(%arg19 : memref<!tpu.dma_semaphore, #tpu.memory_space<semaphore_mem>>)
    %scan3A = arith.constant 0 : i32
    %scan3A_16 = arith.constant 0 : i32
    %scan3A_17 = arith.constant 40 : i32
    %scan3A_18 = arith.addi %scan3A_16, %scan3A_17 : i32
    %scan3A_19 = arith.constant 1 : i32
    scf.for %scan3A_35 = %scan3A_16 to %scan3A_18 step %scan3A_19  : i32 {
      %mul3A_36 = arith.constant 2 : i32
      %mul3A_37 = arith.muli %scan3A_35, %mul3A_36 : i32
      %add3A_38 = arith.constant 1 : i32
      %add3A_39 = arith.addi %mul3A_37, %add3A_38 : i32
      %min3A = arith.constant 79 : i32
      %min3A_40 = arith.minsi %add3A_39, %min3A : i32
      %mul3A_41 = arith.constant 128 : i32
      %mul3A_42 = arith.muli %min3A_40, %mul3A_41 : i32
      %multiple_of3A_43 = tpu.assume_multiple %mul3A_42, 8 : i32
      %dma_start3A_44 = tpu.memref_slice %arg9[%multiple_of3A_43] : memref<10240xi32, #tpu.memory_space<vmem>> -> memref<128xi32, #tpu.memory_space<vmem>>
      %dma_start3A_45 = arith.constant 0 : i32
      %dma_start3A_46 = arith.constant 0 : i32
      %dma_start3A_47 = tpu.memref_slice %arg2[%dma_start3A_45, %dma_start3A_46] : memref<1000000x64xf32, #tpu.memory_space<hbm>> -> memref<1000000x64xf32, #tpu.memory_space<hbm>>
      tpu.enqueue_indirect_dma source(%dma_start3A_47 : memref<1000000x64xf32, #tpu.memory_space<hbm>>) target(%arg14 : memref<128x64xf32, #tpu.memory_space<vmem>>) offsets(%dma_start3A_44 : memref<128xi32, #tpu.memory_space<vmem>>) semaphore(%arg20 : memref<!tpu.dma_semaphore, #tpu.memory_space<semaphore_mem>>)
      %dma_start3A_48 = tpu.memref_slice %arg10[%multiple_of3A_43] : memref<10240xi32, #tpu.memory_space<vmem>> -> memref<128xi32, #tpu.memory_space<vmem>>
      %dma_start3A_49 = arith.constant 0 : i32
      %dma_start3A_50 = arith.constant 0 : i32
      %dma_start3A_51 = tpu.memref_slice %arg3[%dma_start3A_49, %dma_start3A_50] : memref<100000x64xf32, #tpu.memory_space<hbm>> -> memref<100000x64xf32, #tpu.memory_space<hbm>>
      tpu.enqueue_indirect_dma source(%dma_start3A_51 : memref<100000x64xf32, #tpu.memory_space<hbm>>) target(%arg15 : memref<128x64xf32, #tpu.memory_space<vmem>>) offsets(%dma_start3A_48 : memref<128xi32, #tpu.memory_space<vmem>>) semaphore(%arg20 : memref<!tpu.dma_semaphore, #tpu.memory_space<semaphore_mem>>)
      %dma_start3A_52 = tpu.memref_slice %arg10[%multiple_of3A_43] : memref<10240xi32, #tpu.memory_space<vmem>> -> memref<128xi32, #tpu.memory_space<vmem>>
      %dma_start3A_53 = arith.constant 0 : i32
      %dma_start3A_54 = arith.constant 0 : i32
      %dma_start3A_55 = tpu.memref_slice %arg4[%dma_start3A_53, %dma_start3A_54] : memref<100000x64xf32, #tpu.memory_space<hbm>> -> memref<100000x64xf32, #tpu.memory_space<hbm>>
      tpu.enqueue_indirect_dma source(%dma_start3A_55 : memref<100000x64xf32, #tpu.memory_space<hbm>>) target(%arg16 : memref<128x64xf32, #tpu.memory_space<vmem>>) offsets(%dma_start3A_52 : memref<128xi32, #tpu.memory_space<vmem>>) semaphore(%arg20 : memref<!tpu.dma_semaphore, #tpu.memory_space<semaphore_mem>>)
      %dma_wait3A_56 = arith.constant 0 : i32
      %dma_wait3A_57 = tpu.memref_slice %arg9[%dma_wait3A_56] : memref<10240xi32, #tpu.memory_space<vmem>> -> memref<128xi32, #tpu.memory_space<vmem>>
      %dma_wait3A_58 = arith.constant 0 : i32
      %dma_wait3A_59 = arith.constant 0 : i32
      %dma_wait3A_60 = tpu.memref_slice %arg2[%dma_wait3A_58, %dma_wait3A_59] : memref<1000000x64xf32, #tpu.memory_space<hbm>> -> memref<1000000x64xf32, #tpu.memory_space<hbm>>
      tpu.wait_indirect_dma semaphore(%arg19 : memref<!tpu.dma_semaphore, #tpu.memory_space<semaphore_mem>>) src(%dma_wait3A_60 : memref<1000000x64xf32, #tpu.memory_space<hbm>>) dst(%arg11 : memref<128x64xf32, #tpu.memory_space<vmem>>)
      %dma_wait3A_61 = arith.constant 0 : i32
      %dma_wait3A_62 = tpu.memref_slice %arg10[%dma_wait3A_61] : memref<10240xi32, #tpu.memory_space<vmem>> -> memref<128xi32, #tpu.memory_space<vmem>>
      %dma_wait3A_63 = arith.constant 0 : i32
      %dma_wait3A_64 = arith.constant 0 : i32
      %dma_wait3A_65 = tpu.memref_slice %arg3[%dma_wait3A_63, %dma_wait3A_64] : memref<100000x64xf32, #tpu.memory_space<hbm>> -> memref<100000x64xf32, #tpu.memory_space<hbm>>
      tpu.wait_indirect_dma semaphore(%arg19 : memref<!tpu.dma_semaphore, #tpu.memory_space<semaphore_mem>>) src(%dma_wait3A_65 : memref<100000x64xf32, #tpu.memory_space<hbm>>) dst(%arg12 : memref<128x64xf32, #tpu.memory_space<vmem>>)
      %dma_wait3A_66 = arith.constant 0 : i32
      %dma_wait3A_67 = tpu.memref_slice %arg10[%dma_wait3A_66] : memref<10240xi32, #tpu.memory_space<vmem>> -> memref<128xi32, #tpu.memory_space<vmem>>
      %dma_wait3A_68 = arith.constant 0 : i32
      %dma_wait3A_69 = arith.constant 0 : i32
      %dma_wait3A_70 = tpu.memref_slice %arg4[%dma_wait3A_68, %dma_wait3A_69] : memref<100000x64xf32, #tpu.memory_space<hbm>> -> memref<100000x64xf32, #tpu.memory_space<hbm>>
      tpu.wait_indirect_dma semaphore(%arg19 : memref<!tpu.dma_semaphore, #tpu.memory_space<semaphore_mem>>) src(%dma_wait3A_70 : memref<100000x64xf32, #tpu.memory_space<hbm>>) dst(%arg13 : memref<128x64xf32, #tpu.memory_space<vmem>>)
      %mul3A_71 = arith.constant 128 : i32
      %mul3A_72 = arith.muli %mul3A_37, %mul3A_71 : i32
      %multiple_of3A_73 = tpu.assume_multiple %mul3A_72, 16 : i32
      %scan3A_74 = arith.constant 0 : i32
      %scan3A_75 = arith.constant 0 : i32
      %scan3A_76 = arith.constant 8 : i32
      %scan3A_77 = arith.addi %scan3A_75, %scan3A_76 : i32
      %scan3A_78 = arith.constant 1 : i32
      scf.for %scan3A_125 = %scan3A_75 to %scan3A_77 step %scan3A_78  : i32 {
        %mul3A_126 = arith.constant 16 : i32
        %mul3A_127 = arith.muli %scan3A_125, %mul3A_126 : i32
        %multiple_of3A_128 = tpu.assume_multiple %mul3A_127, 16 : i32
        %broadcast_in_dim3A = arith.constant 0.000000e+00 : f32
        %broadcast_in_dim3A_129 = vector.broadcast %broadcast_in_dim3A : f32 to vector<16xf32>
        %broadcast_in_dim3A_130 = arith.constant 0.000000e+00 : f32
        %broadcast_in_dim3A_131 = vector.broadcast %broadcast_in_dim3A_130 : f32 to vector<16xf32>
        %add3A_132 = arith.constant 0 : i32
        %add3A_133 = arith.addi %multiple_of3A_128, %add3A_132 : i32
        %broadcast_in_dim3A_134 = arith.constant 0.000000e+00 : f32
        %broadcast_in_dim3A_135 = vector.broadcast %broadcast_in_dim3A_134 : f32 to vector<16xf32>
        %broadcast_in_dim3A_136 = arith.constant 0.000000e+00 : f32
        %broadcast_in_dim3A_137 = vector.broadcast %broadcast_in_dim3A_136 : f32 to vector<16xf32>
        %get3A = arith.index_cast %add3A_133 : i32 to index
        %get3A_138 = arith.constant 0 : index
        %get3A_139 = tpu.vector_load %arg11[%get3A, %get3A_138] {strides = array<i32>} : memref<128x64xf32, #tpu.memory_space<vmem>>, vector<16xf32>,
        %get3A_140 = arith.index_cast %add3A_133 : i32 to index
        %get3A_141 = arith.constant 0 : index
        %get3A_142 = tpu.vector_load %arg12[%get3A_140, %get3A_141] {strides = array<i32>} : memref<128x64xf32, #tpu.memory_space<vmem>>, vector<16xf32>,
        %get3A_143 = arith.index_cast %add3A_133 : i32 to index
        %get3A_144 = arith.constant 0 : index
        %get3A_145 = tpu.vector_load %arg13[%get3A_143, %get3A_144] {strides = array<i32>} : memref<128x64xf32, #tpu.memory_space<vmem>>, vector<16xf32>,
        %mul3A_146 = arith.mulf %get3A_139, %get3A_142 : vector<16xf32>
        %add3A_147 = arith.addf %broadcast_in_dim3A_135, %mul3A_146 : vector<16xf32>
        %mul3A_148 = arith.mulf %get3A_139, %get3A_145 : vector<16xf32>
        %add3A_149 = arith.addf %broadcast_in_dim3A_137, %mul3A_148 : vector<16xf32>
        %get3A_150 = arith.index_cast %add3A_133 : i32 to index
        %get3A_151 = arith.constant 16 : index
        %get3A_152 = tpu.vector_load %arg11[%get3A_150, %get3A_151] {strides = array<i32>} : memref<128x64xf32, #tpu.memory_space<vmem>>, vector<16xf32>,
        %get3A_153 = arith.index_cast %add3A_133 : i32 to index
        %get3A_154 = arith.constant 16 : index
        %get3A_155 = tpu.vector_load %arg12[%get3A_153, %get3A_154] {strides = array<i32>} : memref<128x64xf32, #tpu.memory_space<vmem>>, vector<16xf32>,
        %get3A_156 = arith.index_cast %add3A_133 : i32 to index
        %get3A_157 = arith.constant 16 : index
        %get3A_158 = tpu.vector_load %arg13[%get3A_156, %get3A_157] {strides = array<i32>} : memref<128x64xf32, #tpu.memory_space<vmem>>, vector<16xf32>,
        %mul3A_159 = arith.mulf %get3A_152, %get3A_155 : vector<16xf32>
        %add3A_160 = arith.addf %add3A_147, %mul3A_159 : vector<16xf32>
        %mul3A_161 = arith.mulf %get3A_152, %get3A_158 : vector<16xf32>
        %add3A_162 = arith.addf %add3A_149, %mul3A_161 : vector<16xf32>
        %get3A_163 = arith.index_cast %add3A_133 : i32 to index
        %get3A_164 = arith.constant 32 : index
        %get3A_165 = tpu.vector_load %arg11[%get3A_163, %get3A_164] {strides = array<i32>} : memref<128x64xf32, #tpu.memory_space<vmem>>, vector<16xf32>,
        %get3A_166 = arith.index_cast %add3A_133 : i32 to index
        %get3A_167 = arith.constant 32 : index
        %get3A_168 = tpu.vector_load %arg12[%get3A_166, %get3A_167] {strides = array<i32>} : memref<128x64xf32, #tpu.memory_space<vmem>>, vector<16xf32>,
        %get3A_169 = arith.index_cast %add3A_133 : i32 to index
        %get3A_170 = arith.constant 32 : index
        %get3A_171 = tpu.vector_load %arg13[%get3A_169, %get3A_170] {strides = array<i32>} : memref<128x64xf32, #tpu.memory_space<vmem>>, vector<16xf32>,
        %mul3A_172 = arith.mulf %get3A_165, %get3A_168 : vector<16xf32>
        %add3A_173 = arith.addf %add3A_160, %mul3A_172 : vector<16xf32>
        %mul3A_174 = arith.mulf %get3A_165, %get3A_171 : vector<16xf32>
        %add3A_175 = arith.addf %add3A_162, %mul3A_174 : vector<16xf32>
        %get3A_176 = arith.index_cast %add3A_133 : i32 to index
        %get3A_177 = arith.constant 48 : index
        %get3A_178 = tpu.vector_load %arg11[%get3A_176, %get3A_177] {strides = array<i32>} : memref<128x64xf32, #tpu.memory_space<vmem>>, vector<16xf32>,
        %get3A_179 = arith.index_cast %add3A_133 : i32 to index
        %get3A_180 = arith.constant 48 : index
        %get3A_181 = tpu.vector_load %arg12[%get3A_179, %get3A_180] {strides = array<i32>} : memref<128x64xf32, #tpu.memory_space<vmem>>, vector<16xf32>,
        %get3A_182 = arith.index_cast %add3A_133 : i32 to index
        %get3A_183 = arith.constant 48 : index
        %get3A_184 = tpu.vector_load %arg13[%get3A_182, %get3A_183] {strides = array<i32>} : memref<128x64xf32, #tpu.memory_space<vmem>>, vector<16xf32>,
        %mul3A_185 = arith.mulf %get3A_178, %get3A_181 : vector<16xf32>
        %add3A_186 = arith.addf %add3A_173, %mul3A_185 : vector<16xf32>
        %mul3A_187 = arith.mulf %get3A_178, %get3A_184 : vector<16xf32>
        %add3A_188 = arith.addf %add3A_175, %mul3A_187 : vector<16xf32>
        %reduce_sum3A = arith.constant true
        %reduce_sum3A_189 = vector.broadcast %reduce_sum3A : i1 to vector<16xi1>
        %reduce_sum3A_190 = tpu.scan <sum>, %add3A_186 masked %reduce_sum3A_189 : vector<16xf32>, vector<16xi1> -> vector<16xf32>
        %reduce_sum3A_191 = vector.extract %reduce_sum3A_190[15] : f32 from vector<16xf32>
        %reduce_sum3A_192 = arith.constant true
        %reduce_sum3A_193 = vector.broadcast %reduce_sum3A_192 : i1 to vector<16xi1>
        %reduce_sum3A_194 = tpu.scan <sum>, %add3A_188 masked %reduce_sum3A_193 : vector<16xf32>, vector<16xi1> -> vector<16xf32>
        %reduce_sum3A_195 = vector.extract %reduce_sum3A_194[15] : f32 from vector<16xf32>
        %eq3A = arith.constant 0 : i32
        %eq3A_196 = vector.broadcast %eq3A : i32 to vector<16xi32>
        %eq3A_197 = arith.cmpi eq, %iota3A, %eq3A_196 : vector<16xi32>
        %broadcast_in_dim3A_198 = vector.broadcast %reduce_sum3A_191 : f32 to vector<16xf32>
        %select_n3A = arith.select %eq3A_197, %broadcast_in_dim3A_198, %broadcast_in_dim3A_129 : vector<16xi1>, vector<16xf32>
        %broadcast_in_dim3A_199 = vector.broadcast %reduce_sum3A_195 : f32 to vector<16xf32>
        %select_n3A_200 = arith.select %eq3A_197, %broadcast_in_dim3A_199, %broadcast_in_dim3A_131 : vector<16xi1>, vector<16xf32>
        %add3A_201 = arith.constant 1 : i32
        %add3A_202 = arith.addi %multiple_of3A_128, %add3A_201 : i32
        %broadcast_in_dim3A_203 = arith.constant 0.000000e+00 : f32
        %broadcast_in_dim3A_204 = vector.broadcast %broadcast_in_dim3A_203 : f32 to vector<16xf32>
        %broadcast_in_dim3A_205 = arith.constant 0.000000e+00 : f32
        %broadcast_in_dim3A_206 = vector.broadcast %broadcast_in_dim3A_205 : f32 to vector<16xf32>
        %get3A_207 = arith.index_cast %add3A_202 : i32 to index
        %get3A_208 = arith.constant 0 : index
        %get3A_209 = tpu.vector_load %arg11[%get3A_207, %get3A_208] {strides = array<i32>} : memref<128x64xf32, #tpu.memory_space<vmem>>, vector<16xf32>,
        %get3A_210 = arith.index_cast %add3A_202 : i32 to index
        %get3A_211 = arith.constant 0 : index
        %get3A_212 = tpu.vector_load %arg12[%get3A_210, %get3A_211] {strides = array<i32>} : memref<128x64xf32, #tpu.memory_space<vmem>>, vector<16xf32>,
        %get3A_213 = arith.index_cast %add3A_202 : i32 to index
        %get3A_214 = arith.constant 0 : index
        %get3A_215 = tpu.vector_load %arg13[%get3A_213, %get3A_214] {strides = array<i32>} : memref<128x64xf32, #tpu.memory_space<vmem>>, vector<16xf32>,
        %mul3A_216 = arith.mulf %get3A_209, %get3A_212 : vector<16xf32>
        %add3A_217 = arith.addf %broadcast_in_dim3A_204, %mul3A_216 : vector<16xf32>
        %mul3A_218 = arith.mulf %get3A_209, %get3A_215 : vector<16xf32>
        %add3A_219 = arith.addf %broadcast_in_dim3A_206, %mul3A_218 : vector<16xf32>
        %get3A_220 = arith.index_cast %add3A_202 : i32 to index
        %get3A_221 = arith.constant 16 : index
        %get3A_222 = tpu.vector_load %arg11[%get3A_220, %get3A_221] {strides = array<i32>} : memref<128x64xf32, #tpu.memory_space<vmem>>, vector<16xf32>,
        %get3A_223 = arith.index_cast %add3A_202 : i32 to index
        %get3A_224 = arith.constant 16 : index
        %get3A_225 = tpu.vector_load %arg12[%get3A_223, %get3A_224] {strides = array<i32>} : memref<128x64xf32, #tpu.memory_space<vmem>>, vector<16xf32>,
        %get3A_226 = arith.index_cast %add3A_202 : i32 to index
        %get3A_227 = arith.constant 16 : index
        %get3A_228 = tpu.vector_load %arg13[%get3A_226, %get3A_227] {strides = array<i32>} : memref<128x64xf32, #tpu.memory_space<vmem>>, vector<16xf32>,
        %mul3A_229 = arith.mulf %get3A_222, %get3A_225 : vector<16xf32>
        %add3A_230 = arith.addf %add3A_217, %mul3A_229 : vector<16xf32>
        %mul3A_231 = arith.mulf %get3A_222, %get3A_228 : vector<16xf32>
        %add3A_232 = arith.addf %add3A_219, %mul3A_231 : vector<16xf32>
        %get3A_233 = arith.index_cast %add3A_202 : i32 to index
        %get3A_234 = arith.constant 32 : index
        %get3A_235 = tpu.vector_load %arg11[%get3A_233, %get3A_234] {strides = array<i32>} : memref<128x64xf32, #tpu.memory_space<vmem>>, vector<16xf32>,
        %get3A_236 = arith.index_cast %add3A_202 : i32 to index
        %get3A_237 = arith.constant 32 : index
        %get3A_238 = tpu.vector_load %arg12[%get3A_236, %get3A_237] {strides = array<i32>} : memref<128x64xf32, #tpu.memory_space<vmem>>, vector<16xf32>,
        %get3A_239 = arith.index_cast %add3A_202 : i32 to index
        %get3A_240 = arith.constant 32 : index
        %get3A_241 = tpu.vector_load %arg13[%get3A_239, %get3A_240] {strides = array<i32>} : memref<128x64xf32, #tpu.memory_space<vmem>>, vector<16xf32>,
        %mul3A_242 = arith.mulf %get3A_235, %get3A_238 : vector<16xf32>
        %add3A_243 = arith.addf %add3A_230, %mul3A_242 : vector<16xf32>
        %mul3A_244 = arith.mulf %get3A_235, %get3A_241 : vector<16xf32>
        %add3A_245 = arith.addf %add3A_232, %mul3A_244 : vector<16xf32>
        %get3A_246 = arith.index_cast %add3A_202 : i32 to index
        %get3A_247 = arith.constant 48 : index
        %get3A_248 = tpu.vector_load %arg11[%get3A_246, %get3A_247] {strides = array<i32>} : memref<128x64xf32, #tpu.memory_space<vmem>>, vector<16xf32>,
        %get3A_249 = arith.index_cast %add3A_202 : i32 to index
        %get3A_250 = arith.constant 48 : index
        %get3A_251 = tpu.vector_load %arg12[%get3A_249, %get3A_250] {strides = array<i32>} : memref<128x64xf32, #tpu.memory_space<vmem>>, vector<16xf32>,
        %get3A_252 = arith.index_cast %add3A_202 : i32 to index
        %get3A_253 = arith.constant 48 : index
        %get3A_254 = tpu.vector_load %arg13[%get3A_252, %get3A_253] {strides = array<i32>} : memref<128x64xf32, #tpu.memory_space<vmem>>, vector<16xf32>,
        %mul3A_255 = arith.mulf %get3A_248, %get3A_251 : vector<16xf32>
        %add3A_256 = arith.addf %add3A_243, %mul3A_255 : vector<16xf32>
        %mul3A_257 = arith.mulf %get3A_248, %get3A_254 : vector<16xf32>
        %add3A_258 = arith.addf %add3A_245, %mul3A_257 : vector<16xf32>
        %reduce_sum3A_259 = arith.constant true
        %reduce_sum3A_260 = vector.broadcast %reduce_sum3A_259 : i1 to vector<16xi1>
        %reduce_sum3A_261 = tpu.scan <sum>, %add3A_256 masked %reduce_sum3A_260 : vector<16xf32>, vector<16xi1> -> vector<16xf32>
        %reduce_sum3A_262 = vector.extract %reduce_sum3A_261[15] : f32 from vector<16xf32>
        %reduce_sum3A_263 = arith.constant true
        %reduce_sum3A_264 = vector.broadcast %reduce_sum3A_263 : i1 to vector<16xi1>
        %reduce_sum3A_265 = tpu.scan <sum>, %add3A_258 masked %reduce_sum3A_264 : vector<16xf32>, vector<16xi1> -> vector<16xf32>
        %reduce_sum3A_266 = vector.extract %reduce_sum3A_265[15] : f32 from vector<16xf32>
        %eq3A_267 = arith.constant 1 : i32
        %eq3A_268 = vector.broadcast %eq3A_267 : i32 to vector<16xi32>
        %eq3A_269 = arith.cmpi eq, %iota3A, %eq3A_268 : vector<16xi32>
        %broadcast_in_dim3A_270 = vector.broadcast %reduce_sum3A_262 : f32 to vector<16xf32>
        %select_n3A_271 = arith.select %eq3A_269, %broadcast_in_dim3A_270, %select_n3A : vector<16xi1>, vector<16xf32>
        %broadcast_in_dim3A_272 = vector.broadcast %reduce_sum3A_266 : f32 to vector<16xf32>
        %select_n3A_273 = arith.select %eq3A_269, %broadcast_in_dim3A_272, %select_n3A_200 : vector<16xi1>, vector<16xf32>
        %add3A_274 = arith.constant 2 : i32
        %add3A_275 = arith.addi %multiple_of3A_128, %add3A_274 : i32
        %broadcast_in_dim3A_276 = arith.constant 0.000000e+00 : f32
        %broadcast_in_dim3A_277 = vector.broadcast %broadcast_in_dim3A_276 : f32 to vector<16xf32>
        %broadcast_in_dim3A_278 = arith.constant 0.000000e+00 : f32
        %broadcast_in_dim3A_279 = vector.broadcast %broadcast_in_dim3A_278 : f32 to vector<16xf32>
        %get3A_280 = arith.index_cast %add3A_275 : i32 to index
        %get3A_281 = arith.constant 0 : index
        %get3A_282 = tpu.vector_load %arg11[%get3A_280, %get3A_281] {strides = array<i32>} : memref<128x64xf32, #tpu.memory_space<vmem>>, vector<16xf32>,
        %get3A_283 = arith.index_cast %add3A_275 : i32 to index
        %get3A_284 = arith.constant 0 : index
        %get3A_285 = tpu.vector_load %arg12[%get3A_283, %get3A_284] {strides = array<i32>} : memref<128x64xf32, #tpu.memory_space<vmem>>, vector<16xf32>,
        %get3A_286 = arith.index_cast %add3A_275 : i32 to index
        %get3A_287 = arith.constant 0 : index
        %get3A_288 = tpu.vector_load %arg13[%get3A_286, %get3A_287] {strides = array<i32>} : memref<128x64xf32, #tpu.memory_space<vmem>>, vector<16xf32>,
        %mul3A_289 = arith.mulf %get3A_282, %get3A_285 : vector<16xf32>
        %add3A_290 = arith.addf %broadcast_in_dim3A_277, %mul3A_289 : vector<16xf32>
        %mul3A_291 = arith.mulf %get3A_282, %get3A_288 : vector<16xf32>
        %add3A_292 = arith.addf %broadcast_in_dim3A_279, %mul3A_291 : vector<16xf32>
        %get3A_293 = arith.index_cast %add3A_275 : i32 to index
        %get3A_294 = arith.constant 16 : index
        %get3A_295 = tpu.vector_load %arg11[%get3A_293, %get3A_294] {strides = array<i32>} : memref<128x64xf32, #tpu.memory_space<vmem>>, vector<16xf32>,
        %get3A_296 = arith.index_cast %add3A_275 : i32 to index
        %get3A_297 = arith.constant 16 : index
        %get3A_298 = tpu.vector_load %arg12[%get3A_296, %get3A_297] {strides = array<i32>} : memref<128x64xf32, #tpu.memory_space<vmem>>, vector<16xf32>,
        %get3A_299 = arith.index_cast %add3A_275 : i32 to index
        %get3A_300 = arith.constant 16 : index
        %get3A_301 = tpu.vector_load %arg13[%get3A_299, %get3A_300] {strides = array<i32>} : memref<128x64xf32, #tpu.memory_space<vmem>>, vector<16xf32>,
        %mul3A_302 = arith.mulf %get3A_295, %get3A_298 : vector<16xf32>
        %add3A_303 = arith.addf %add3A_290, %mul3A_302 : vector<16xf32>
        %mul3A_304 = arith.mulf %get3A_295, %get3A_301 : vector<16xf32>
        %add3A_305 = arith.addf %add3A_292, %mul3A_304 : vector<16xf32>
        %get3A_306 = arith.index_cast %add3A_275 : i32 to index
        %get3A_307 = arith.constant 32 : index
        %get3A_308 = tpu.vector_load %arg11[%get3A_306, %get3A_307] {strides = array<i32>} : memref<128x64xf32, #tpu.memory_space<vmem>>, vector<16xf32>,
        %get3A_309 = arith.index_cast %add3A_275 : i32 to index
        %get3A_310 = arith.constant 32 : index
        %get3A_311 = tpu.vector_load %arg12[%get3A_309, %get3A_310] {strides = array<i32>} : memref<128x64xf32, #tpu.memory_space<vmem>>, vector<16xf32>,
        %get3A_312 = arith.index_cast %add3A_275 : i32 to index
        %get3A_313 = arith.constant 32 : index
        %get3A_314 = tpu.vector_load %arg13[%get3A_312, %get3A_313] {strides = array<i32>} : memref<128x64xf32, #tpu.memory_space<vmem>>, vector<16xf32>,
        %mul3A_315 = arith.mulf %get3A_308, %get3A_311 : vector<16xf32>
        %add3A_316 = arith.addf %add3A_303, %mul3A_315 : vector<16xf32>
        %mul3A_317 = arith.mulf %get3A_308, %get3A_314 : vector<16xf32>
        %add3A_318 = arith.addf %add3A_305, %mul3A_317 : vector<16xf32>
        %get3A_319 = arith.index_cast %add3A_275 : i32 to index
        %get3A_320 = arith.constant 48 : index
        %get3A_321 = tpu.vector_load %arg11[%get3A_319, %get3A_320] {strides = array<i32>} : memref<128x64xf32, #tpu.memory_space<vmem>>, vector<16xf32>,
        %get3A_322 = arith.index_cast %add3A_275 : i32 to index
        %get3A_323 = arith.constant 48 : index
        %get3A_324 = tpu.vector_load %arg12[%get3A_322, %get3A_323] {strides = array<i32>} : memref<128x64xf32, #tpu.memory_space<vmem>>, vector<16xf32>,
        %get3A_325 = arith.index_cast %add3A_275 : i32 to index
        %get3A_326 = arith.constant 48 : index
        %get3A_327 = tpu.vector_load %arg13[%get3A_325, %get3A_326] {strides = array<i32>} : memref<128x64xf32, #tpu.memory_space<vmem>>, vector<16xf32>,
        %mul3A_328 = arith.mulf %get3A_321, %get3A_324 : vector<16xf32>
        %add3A_329 = arith.addf %add3A_316, %mul3A_328 : vector<16xf32>
        %mul3A_330 = arith.mulf %get3A_321, %get3A_327 : vector<16xf32>
        %add3A_331 = arith.addf %add3A_318, %mul3A_330 : vector<16xf32>
        %reduce_sum3A_332 = arith.constant true
        %reduce_sum3A_333 = vector.broadcast %reduce_sum3A_332 : i1 to vector<16xi1>
        %reduce_sum3A_334 = tpu.scan <sum>, %add3A_329 masked %reduce_sum3A_333 : vector<16xf32>, vector<16xi1> -> vector<16xf32>
        %reduce_sum3A_335 = vector.extract %reduce_sum3A_334[15] : f32 from vector<16xf32>
        %reduce_sum3A_336 = arith.constant true
        %reduce_sum3A_337 = vector.broadcast %reduce_sum3A_336 : i1 to vector<16xi1>
        %reduce_sum3A_338 = tpu.scan <sum>, %add3A_331 masked %reduce_sum3A_337 : vector<16xf32>, vector<16xi1> -> vector<16xf32>
        %reduce_sum3A_339 = vector.extract %reduce_sum3A_338[15] : f32 from vector<16xf32>
        %eq3A_340 = arith.constant 2 : i32
        %eq3A_341 = vector.broadcast %eq3A_340 : i32 to vector<16xi32>
        %eq3A_342 = arith.cmpi eq, %iota3A, %eq3A_341 : vector<16xi32>
        %broadcast_in_dim3A_343 = vector.broadcast %reduce_sum3A_335 : f32 to vector<16xf32>
        %select_n3A_344 = arith.select %eq3A_342, %broadcast_in_dim3A_343, %select_n3A_271 : vector<16xi1>, vector<16xf32>
        %broadcast_in_dim3A_345 = vector.broadcast %reduce_sum3A_339 : f32 to vector<16xf32>
        %select_n3A_346 = arith.select %eq3A_342, %broadcast_in_dim3A_345, %select_n3A_273 : vector<16xi1>, vector<16xf32>
        %add3A_347 = arith.constant 3 : i32
        %add3A_348 = arith.addi %multiple_of3A_128, %add3A_347 : i32
        %broadcast_in_dim3A_349 = arith.constant 0.000000e+00 : f32
        %broadcast_in_dim3A_350 = vector.broadcast %broadcast_in_dim3A_349 : f32 to vector<16xf32>
        %broadcast_in_dim3A_351 = arith.constant 0.000000e+00 : f32
        %broadcast_in_dim3A_352 = vector.broadcast %broadcast_in_dim3A_351 : f32 to vector<16xf32>
        %get3A_353 = arith.index_cast %add3A_348 : i32 to index
        %get3A_354 = arith.constant 0 : index
        %get3A_355 = tpu.vector_load %arg11[%get3A_353, %get3A_354] {strides = array<i32>} : memref<128x64xf32, #tpu.memory_space<vmem>>, vector<16xf32>,
        %get3A_356 = arith.index_cast %add3A_348 : i32 to index
        %get3A_357 = arith.constant 0 : index
        %get3A_358 = tpu.vector_load %arg12[%get3A_356, %get3A_357] {strides = array<i32>} : memref<128x64xf32, #tpu.memory_space<vmem>>, vector<16xf32>,
        %get3A_359 = arith.index_cast %add3A_348 : i32 to index
        %get3A_360 = arith.constant 0 : index
        %get3A_361 = tpu.vector_load %arg13[%get3A_359, %get3A_360] {strides = array<i32>} : memref<128x64xf32, #tpu.memory_space<vmem>>, vector<16xf32>,
        %mul3A_362 = arith.mulf %get3A_355, %get3A_358 : vector<16xf32>
        %add3A_363 = arith.addf %broadcast_in_dim3A_350, %mul3A_362 : vector<16xf32>
        %mul3A_364 = arith.mulf %get3A_355, %get3A_361 : vector<16xf32>
        %add3A_365 = arith.addf %broadcast_in_dim3A_352, %mul3A_364 : vector<16xf32>
        %get3A_366 = arith.index_cast %add3A_348 : i32 to index
        %get3A_367 = arith.constant 16 : index
        %get3A_368 = tpu.vector_load %arg11[%get3A_366, %get3A_367] {strides = array<i32>} : memref<128x64xf32, #tpu.memory_space<vmem>>, vector<16xf32>,
        %get3A_369 = arith.index_cast %add3A_348 : i32 to index
        %get3A_370 = arith.constant 16 : index
        %get3A_371 = tpu.vector_load %arg12[%get3A_369, %get3A_370] {strides = array<i32>} : memref<128x64xf32, #tpu.memory_space<vmem>>, vector<16xf32>,
        %get3A_372 = arith.index_cast %add3A_348 : i32 to index
        %get3A_373 = arith.constant 16 : index
        %get3A_374 = tpu.vector_load %arg13[%get3A_372, %get3A_373] {strides = array<i32>} : memref<128x64xf32, #tpu.memory_space<vmem>>, vector<16xf32>,
        %mul3A_375 = arith.mulf %get3A_368, %get3A_371 : vector<16xf32>
        %add3A_376 = arith.addf %add3A_363, %mul3A_375 : vector<16xf32>
        %mul3A_377 = arith.mulf %get3A_368, %get3A_374 : vector<16xf32>
        %add3A_378 = arith.addf %add3A_365, %mul3A_377 : vector<16xf32>
        %get3A_379 = arith.index_cast %add3A_348 : i32 to index
        %get3A_380 = arith.constant 32 : index
        %get3A_381 = tpu.vector_load %arg11[%get3A_379, %get3A_380] {strides = array<i32>} : memref<128x64xf32, #tpu.memory_space<vmem>>, vector<16xf32>,
        %get3A_382 = arith.index_cast %add3A_348 : i32 to index
        %get3A_383 = arith.constant 32 : index
        %get3A_384 = tpu.vector_load %arg12[%get3A_382, %get3A_383] {strides = array<i32>} : memref<128x64xf32, #tpu.memory_space<vmem>>, vector<16xf32>,
        %get3A_385 = arith.index_cast %add3A_348 : i32 to index
        %get3A_386 = arith.constant 32 : index
        %get3A_387 = tpu.vector_load %arg13[%get3A_385, %get3A_386] {strides = array<i32>} : memref<128x64xf32, #tpu.memory_space<vmem>>, vector<16xf32>,
        %mul3A_388 = arith.mulf %get3A_381, %get3A_384 : vector<16xf32>
        %add3A_389 = arith.addf %add3A_376, %mul3A_388 : vector<16xf32>
        %mul3A_390 = arith.mulf %get3A_381, %get3A_387 : vector<16xf32>
        %add3A_391 = arith.addf %add3A_378, %mul3A_390 : vector<16xf32>
        %get3A_392 = arith.index_cast %add3A_348 : i32 to index
        %get3A_393 = arith.constant 48 : index
        %get3A_394 = tpu.vector_load %arg11[%get3A_392, %get3A_393] {strides = array<i32>} : memref<128x64xf32, #tpu.memory_space<vmem>>, vector<16xf32>,
        %get3A_395 = arith.index_cast %add3A_348 : i32 to index
        %get3A_396 = arith.constant 48 : index
        %get3A_397 = tpu.vector_load %arg12[%get3A_395, %get3A_396] {strides = array<i32>} : memref<128x64xf32, #tpu.memory_space<vmem>>, vector<16xf32>,
        %get3A_398 = arith.index_cast %add3A_348 : i32 to index
        %get3A_399 = arith.constant 48 : index
        %get3A_400 = tpu.vector_load %arg13[%get3A_398, %get3A_399] {strides = array<i32>} : memref<128x64xf32, #tpu.memory_space<vmem>>, vector<16xf32>,
        %mul3A_401 = arith.mulf %get3A_394, %get3A_397 : vector<16xf32>
        %add3A_402 = arith.addf %add3A_389, %mul3A_401 : vector<16xf32>
        %mul3A_403 = arith.mulf %get3A_394, %get3A_400 : vector<16xf32>
        %add3A_404 = arith.addf %add3A_391, %mul3A_403 : vector<16xf32>
        %reduce_sum3A_405 = arith.constant true
        %reduce_sum3A_406 = vector.broadcast %reduce_sum3A_405 : i1 to vector<16xi1>
        %reduce_sum3A_407 = tpu.scan <sum>, %add3A_402 masked %reduce_sum3A_406 : vector<16xf32>, vector<16xi1> -> vector<16xf32>
        %reduce_sum3A_408 = vector.extract %reduce_sum3A_407[15] : f32 from vector<16xf32>
        %reduce_sum3A_409 = arith.constant true
        %reduce_sum3A_410 = vector.broadcast %reduce_sum3A_409 : i1 to vector<16xi1>
        %reduce_sum3A_411 = tpu.scan <sum>, %add3A_404 masked %reduce_sum3A_410 : vector<16xf32>, vector<16xi1> -> vector<16xf32>
        %reduce_sum3A_412 = vector.extract %reduce_sum3A_411[15] : f32 from vector<16xf32>
        %eq3A_413 = arith.constant 3 : i32
        %eq3A_414 = vector.broadcast %eq3A_413 : i32 to vector<16xi32>
        %eq3A_415 = arith.cmpi eq, %iota3A, %eq3A_414 : vector<16xi32>
        %broadcast_in_dim3A_416 = vector.broadcast %reduce_sum3A_408 : f32 to vector<16xf32>
        %select_n3A_417 = arith.select %eq3A_415, %broadcast_in_dim3A_416, %select_n3A_344 : vector<16xi1>, vector<16xf32>
        %broadcast_in_dim3A_418 = vector.broadcast %reduce_sum3A_412 : f32 to vector<16xf32>
        %select_n3A_419 = arith.select %eq3A_415, %broadcast_in_dim3A_418, %select_n3A_346 : vector<16xi1>, vector<16xf32>
        %add3A_420 = arith.constant 4 : i32
        %add3A_421 = arith.addi %multiple_of3A_128, %add3A_420 : i32
        %broadcast_in_dim3A_422 = arith.constant 0.000000e+00 : f32
        %broadcast_in_dim3A_423 = vector.broadcast %broadcast_in_dim3A_422 : f32 to vector<16xf32>
        %broadcast_in_dim3A_424 = arith.constant 0.000000e+00 : f32
        %broadcast_in_dim3A_425 = vector.broadcast %broadcast_in_dim3A_424 : f32 to vector<16xf32>
        %get3A_426 = arith.index_cast %add3A_421 : i32 to index
        %get3A_427 = arith.constant 0 : index
        %get3A_428 = tpu.vector_load %arg11[%get3A_426, %get3A_427] {strides = array<i32>} : memref<128x64xf32, #tpu.memory_space<vmem>>, vector<16xf32>,
        %get3A_429 = arith.index_cast %add3A_421 : i32 to index
        %get3A_430 = arith.constant 0 : index
        %get3A_431 = tpu.vector_load %arg12[%get3A_429, %get3A_430] {strides = array<i32>} : memref<128x64xf32, #tpu.memory_space<vmem>>, vector<16xf32>,
        %get3A_432 = arith.index_cast %add3A_421 : i32 to index
        %get3A_433 = arith.constant 0 : index
        %get3A_434 = tpu.vector_load %arg13[%get3A_432, %get3A_433] {strides = array<i32>} : memref<128x64xf32, #tpu.memory_space<vmem>>, vector<16xf32>,
        %mul3A_435 = arith.mulf %get3A_428, %get3A_431 : vector<16xf32>
        %add3A_436 = arith.addf %broadcast_in_dim3A_423, %mul3A_435 : vector<16xf32>
        %mul3A_437 = arith.mulf %get3A_428, %get3A_434 : vector<16xf32>
        %add3A_438 = arith.addf %broadcast_in_dim3A_425, %mul3A_437 : vector<16xf32>
        %get3A_439 = arith.index_cast %add3A_421 : i32 to index
        %get3A_440 = arith.constant 16 : index
        %get3A_441 = tpu.vector_load %arg11[%get3A_439, %get3A_440] {strides = array<i32>} : memref<128x64xf32, #tpu.memory_space<vmem>>, vector<16xf32>,
        %get3A_442 = arith.index_cast %add3A_421 : i32 to index
        %get3A_443 = arith.constant 16 : index
        %get3A_444 = tpu.vector_load %arg12[%get3A_442, %get3A_443] {strides = array<i32>} : memref<128x64xf32, #tpu.memory_space<vmem>>, vector<16xf32>,
        %get3A_445 = arith.index_cast %add3A_421 : i32 to index
        %get3A_446 = arith.constant 16 : index
        %get3A_447 = tpu.vector_load %arg13[%get3A_445, %get3A_446] {strides = array<i32>} : memref<128x64xf32, #tpu.memory_space<vmem>>, vector<16xf32>,
        %mul3A_448 = arith.mulf %get3A_441, %get3A_444 : vector<16xf32>
        %add3A_449 = arith.addf %add3A_436, %mul3A_448 : vector<16xf32>
        %mul3A_450 = arith.mulf %get3A_441, %get3A_447 : vector<16xf32>
        %add3A_451 = arith.addf %add3A_438, %mul3A_450 : vector<16xf32>
        %get3A_452 = arith.index_cast %add3A_421 : i32 to index
        %get3A_453 = arith.constant 32 : index
        %get3A_454 = tpu.vector_load %arg11[%get3A_452, %get3A_453] {strides = array<i32>} : memref<128x64xf32, #tpu.memory_space<vmem>>, vector<16xf32>,
        %get3A_455 = arith.index_cast %add3A_421 : i32 to index
        %get3A_456 = arith.constant 32 : index
        %get3A_457 = tpu.vector_load %arg12[%get3A_455, %get3A_456] {strides = array<i32>} : memref<128x64xf32, #tpu.memory_space<vmem>>, vector<16xf32>,
        %get3A_458 = arith.index_cast %add3A_421 : i32 to index
        %get3A_459 = arith.constant 32 : index
        %get3A_460 = tpu.vector_load %arg13[%get3A_458, %get3A_459] {strides = array<i32>} : memref<128x64xf32, #tpu.memory_space<vmem>>, vector<16xf32>,
        %mul3A_461 = arith.mulf %get3A_454, %get3A_457 : vector<16xf32>
        %add3A_462 = arith.addf %add3A_449, %mul3A_461 : vector<16xf32>
        %mul3A_463 = arith.mulf %get3A_454, %get3A_460 : vector<16xf32>
        %add3A_464 = arith.addf %add3A_451, %mul3A_463 : vector<16xf32>
        %get3A_465 = arith.index_cast %add3A_421 : i32 to index
        %get3A_466 = arith.constant 48 : index
        %get3A_467 = tpu.vector_load %arg11[%get3A_465, %get3A_466] {strides = array<i32>} : memref<128x64xf32, #tpu.memory_space<vmem>>, vector<16xf32>,
        %get3A_468 = arith.index_cast %add3A_421 : i32 to index
        %get3A_469 = arith.constant 48 : index
        %get3A_470 = tpu.vector_load %arg12[%get3A_468, %get3A_469] {strides = array<i32>} : memref<128x64xf32, #tpu.memory_space<vmem>>, vector<16xf32>,
        %get3A_471 = arith.index_cast %add3A_421 : i32 to index
        %get3A_472 = arith.constant 48 : index
        %get3A_473 = tpu.vector_load %arg13[%get3A_471, %get3A_472] {strides = array<i32>} : memref<128x64xf32, #tpu.memory_space<vmem>>, vector<16xf32>,
        %mul3A_474 = arith.mulf %get3A_467, %get3A_470 : vector<16xf32>
        %add3A_475 = arith.addf %add3A_462, %mul3A_474 : vector<16xf32>
        %mul3A_476 = arith.mulf %get3A_467, %get3A_473 : vector<16xf32>
        %add3A_477 = arith.addf %add3A_464, %mul3A_476 : vector<16xf32>
        %reduce_sum3A_478 = arith.constant true
        %reduce_sum3A_479 = vector.broadcast %reduce_sum3A_478 : i1 to vector<16xi1>
        %reduce_sum3A_480 = tpu.scan <sum>, %add3A_475 masked %reduce_sum3A_479 : vector<16xf32>, vector<16xi1> -> vector<16xf32>
        %reduce_sum3A_481 = vector.extract %reduce_sum3A_480[15] : f32 from vector<16xf32>
        %reduce_sum3A_482 = arith.constant true
        %reduce_sum3A_483 = vector.broadcast %reduce_sum3A_482 : i1 to vector<16xi1>
        %reduce_sum3A_484 = tpu.scan <sum>, %add3A_477 masked %reduce_sum3A_483 : vector<16xf32>, vector<16xi1> -> vector<16xf32>
        %reduce_sum3A_485 = vector.extract %reduce_sum3A_484[15] : f32 from vector<16xf32>
        %eq3A_486 = arith.constant 4 : i32
        %eq3A_487 = vector.broadcast %eq3A_486 : i32 to vector<16xi32>
        %eq3A_488 = arith.cmpi eq, %iota3A, %eq3A_487 : vector<16xi32>
        %broadcast_in_dim3A_489 = vector.broadcast %reduce_sum3A_481 : f32 to vector<16xf32>
        %select_n3A_490 = arith.select %eq3A_488, %broadcast_in_dim3A_489, %select_n3A_417 : vector<16xi1>, vector<16xf32>
        %broadcast_in_dim3A_491 = vector.broadcast %reduce_sum3A_485 : f32 to vector<16xf32>
        %select_n3A_492 = arith.select %eq3A_488, %broadcast_in_dim3A_491, %select_n3A_419 : vector<16xi1>, vector<16xf32>
        %add3A_493 = arith.constant 5 : i32
        %add3A_494 = arith.addi %multiple_of3A_128, %add3A_493 : i32
        %broadcast_in_dim3A_495 = arith.constant 0.000000e+00 : f32
        %broadcast_in_dim3A_496 = vector.broadcast %broadcast_in_dim3A_495 : f32 to vector<16xf32>
        %broadcast_in_dim3A_497 = arith.constant 0.000000e+00 : f32
        %broadcast_in_dim3A_498 = vector.broadcast %broadcast_in_dim3A_497 : f32 to vector<16xf32>
        %get3A_499 = arith.index_cast %add3A_494 : i32 to index
        %get3A_500 = arith.constant 0 : index
        %get3A_501 = tpu.vector_load %arg11[%get3A_499, %get3A_500] {strides = array<i32>} : memref<128x64xf32, #tpu.memory_space<vmem>>, vector<16xf32>,
        %get3A_502 = arith.index_cast %add3A_494 : i32 to index
        %get3A_503 = arith.constant 0 : index
        %get3A_504 = tpu.vector_load %arg12[%get3A_502, %get3A_503] {strides = array<i32>} : memref<128x64xf32, #tpu.memory_space<vmem>>, vector<16xf32>,
        %get3A_505 = arith.index_cast %add3A_494 : i32 to index
        %get3A_506 = arith.constant 0 : index
        %get3A_507 = tpu.vector_load %arg13[%get3A_505, %get3A_506] {strides = array<i32>} : memref<128x64xf32, #tpu.memory_space<vmem>>, vector<16xf32>,
        %mul3A_508 = arith.mulf %get3A_501, %get3A_504 : vector<16xf32>
        %add3A_509 = arith.addf %broadcast_in_dim3A_496, %mul3A_508 : vector<16xf32>
        %mul3A_510 = arith.mulf %get3A_501, %get3A_507 : vector<16xf32>
        %add3A_511 = arith.addf %broadcast_in_dim3A_498, %mul3A_510 : vector<16xf32>
        %get3A_512 = arith.index_cast %add3A_494 : i32 to index
        %get3A_513 = arith.constant 16 : index
        %get3A_514 = tpu.vector_load %arg11[%get3A_512, %get3A_513] {strides = array<i32>} : memref<128x64xf32, #tpu.memory_space<vmem>>, vector<16xf32>,
        %get3A_515 = arith.index_cast %add3A_494 : i32 to index
        %get3A_516 = arith.constant 16 : index
        %get3A_517 = tpu.vector_load %arg12[%get3A_515, %get3A_516] {strides = array<i32>} : memref<128x64xf32, #tpu.memory_space<vmem>>, vector<16xf32>,
        %get3A_518 = arith.index_cast %add3A_494 : i32 to index
        %get3A_519 = arith.constant 16 : index
        %get3A_520 = tpu.vector_load %arg13[%get3A_518, %get3A_519] {strides = array<i32>} : memref<128x64xf32, #tpu.memory_space<vmem>>, vector<16xf32>,
        %mul3A_521 = arith.mulf %get3A_514, %get3A_517 : vector<16xf32>
        %add3A_522 = arith.addf %add3A_509, %mul3A_521 : vector<16xf32>
        %mul3A_523 = arith.mulf %get3A_514, %get3A_520 : vector<16xf32>
        %add3A_524 = arith.addf %add3A_511, %mul3A_523 : vector<16xf32>
        %get3A_525 = arith.index_cast %add3A_494 : i32 to index
        %get3A_526 = arith.constant 32 : index
        %get3A_527 = tpu.vector_load %arg11[%get3A_525, %get3A_526] {strides = array<i32>} : memref<128x64xf32, #tpu.memory_space<vmem>>, vector<16xf32>,
        %get3A_528 = arith.index_cast %add3A_494 : i32 to index
        %get3A_529 = arith.constant 32 : index
        %get3A_530 = tpu.vector_load %arg12[%get3A_528, %get3A_529] {strides = array<i32>} : memref<128x64xf32, #tpu.memory_space<vmem>>, vector<16xf32>,
        %get3A_531 = arith.index_cast %add3A_494 : i32 to index
        %get3A_532 = arith.constant 32 : index
        %get3A_533 = tpu.vector_load %arg13[%get3A_531, %get3A_532] {strides = array<i32>} : memref<128x64xf32, #tpu.memory_space<vmem>>, vector<16xf32>,
        %mul3A_534 = arith.mulf %get3A_527, %get3A_530 : vector<16xf32>
        %add3A_535 = arith.addf %add3A_522, %mul3A_534 : vector<16xf32>
        %mul3A_536 = arith.mulf %get3A_527, %get3A_533 : vector<16xf32>
        %add3A_537 = arith.addf %add3A_524, %mul3A_536 : vector<16xf32>
        %get3A_538 = arith.index_cast %add3A_494 : i32 to index
        %get3A_539 = arith.constant 48 : index
        %get3A_540 = tpu.vector_load %arg11[%get3A_538, %get3A_539] {strides = array<i32>} : memref<128x64xf32, #tpu.memory_space<vmem>>, vector<16xf32>,
        %get3A_541 = arith.index_cast %add3A_494 : i32 to index
        %get3A_542 = arith.constant 48 : index
        %get3A_543 = tpu.vector_load %arg12[%get3A_541, %get3A_542] {strides = array<i32>} : memref<128x64xf32, #tpu.memory_space<vmem>>, vector<16xf32>,
        %get3A_544 = arith.index_cast %add3A_494 : i32 to index
        %get3A_545 = arith.constant 48 : index
        %get3A_546 = tpu.vector_load %arg13[%get3A_544, %get3A_545] {strides = array<i32>} : memref<128x64xf32, #tpu.memory_space<vmem>>, vector<16xf32>,
        %mul3A_547 = arith.mulf %get3A_540, %get3A_543 : vector<16xf32>
        %add3A_548 = arith.addf %add3A_535, %mul3A_547 : vector<16xf32>
        %mul3A_549 = arith.mulf %get3A_540, %get3A_546 : vector<16xf32>
        %add3A_550 = arith.addf %add3A_537, %mul3A_549 : vector<16xf32>
        %reduce_sum3A_551 = arith.constant true
        %reduce_sum3A_552 = vector.broadcast %reduce_sum3A_551 : i1 to vector<16xi1>
        %reduce_sum3A_553 = tpu.scan <sum>, %add3A_548 masked %reduce_sum3A_552 : vector<16xf32>, vector<16xi1> -> vector<16xf32>
        %reduce_sum3A_554 = vector.extract %reduce_sum3A_553[15] : f32 from vector<16xf32>
        %reduce_sum3A_555 = arith.constant true
        %reduce_sum3A_556 = vector.broadcast %reduce_sum3A_555 : i1 to vector<16xi1>
        %reduce_sum3A_557 = tpu.scan <sum>, %add3A_550 masked %reduce_sum3A_556 : vector<16xf32>, vector<16xi1> -> vector<16xf32>
        %reduce_sum3A_558 = vector.extract %reduce_sum3A_557[15] : f32 from vector<16xf32>
        %eq3A_559 = arith.constant 5 : i32
        %eq3A_560 = vector.broadcast %eq3A_559 : i32 to vector<16xi32>
        %eq3A_561 = arith.cmpi eq, %iota3A, %eq3A_560 : vector<16xi32>
        %broadcast_in_dim3A_562 = vector.broadcast %reduce_sum3A_554 : f32 to vector<16xf32>
        %select_n3A_563 = arith.select %eq3A_561, %broadcast_in_dim3A_562, %select_n3A_490 : vector<16xi1>, vector<16xf32>
        %broadcast_in_dim3A_564 = vector.broadcast %reduce_sum3A_558 : f32 to vector<16xf32>
        %select_n3A_565 = arith.select %eq3A_561, %broadcast_in_dim3A_564, %select_n3A_492 : vector<16xi1>, vector<16xf32>
        %add3A_566 = arith.constant 6 : i32
        %add3A_567 = arith.addi %multiple_of3A_128, %add3A_566 : i32
        %broadcast_in_dim3A_568 = arith.constant 0.000000e+00 : f32
        %broadcast_in_dim3A_569 = vector.broadcast %broadcast_in_dim3A_568 : f32 to vector<16xf32>
        %broadcast_in_dim3A_570 = arith.constant 0.000000e+00 : f32
        %broadcast_in_dim3A_571 = vector.broadcast %broadcast_in_dim3A_570 : f32 to vector<16xf32>
        %get3A_572 = arith.index_cast %add3A_567 : i32 to index
        %get3A_573 = arith.constant 0 : index
        %get3A_574 = tpu.vector_load %arg11[%get3A_572, %get3A_573] {strides = array<i32>} : memref<128x64xf32, #tpu.memory_space<vmem>>, vector<16xf32>,
        %get3A_575 = arith.index_cast %add3A_567 : i32 to index
        %get3A_576 = arith.constant 0 : index
        %get3A_577 = tpu.vector_load %arg12[%get3A_575, %get3A_576] {strides = array<i32>} : memref<128x64xf32, #tpu.memory_space<vmem>>, vector<16xf32>,
        %get3A_578 = arith.index_cast %add3A_567 : i32 to index
        %get3A_579 = arith.constant 0 : index
        %get3A_580 = tpu.vector_load %arg13[%get3A_578, %get3A_579] {strides = array<i32>} : memref<128x64xf32, #tpu.memory_space<vmem>>, vector<16xf32>,
        %mul3A_581 = arith.mulf %get3A_574, %get3A_577 : vector<16xf32>
        %add3A_582 = arith.addf %broadcast_in_dim3A_569, %mul3A_581 : vector<16xf32>
        %mul3A_583 = arith.mulf %get3A_574, %get3A_580 : vector<16xf32>
        %add3A_584 = arith.addf %broadcast_in_dim3A_571, %mul3A_583 : vector<16xf32>
        %get3A_585 = arith.index_cast %add3A_567 : i32 to index
        %get3A_586 = arith.constant 16 : index
        %get3A_587 = tpu.vector_load %arg11[%get3A_585, %get3A_586] {strides = array<i32>} : memref<128x64xf32, #tpu.memory_space<vmem>>, vector<16xf32>,
        %get3A_588 = arith.index_cast %add3A_567 : i32 to index
        %get3A_589 = arith.constant 16 : index
        %get3A_590 = tpu.vector_load %arg12[%get3A_588, %get3A_589] {strides = array<i32>} : memref<128x64xf32, #tpu.memory_space<vmem>>, vector<16xf32>,
        %get3A_591 = arith.index_cast %add3A_567 : i32 to index
        %get3A_592 = arith.constant 16 : index
        %get3A_593 = tpu.vector_load %arg13[%get3A_591, %get3A_592] {strides = array<i32>} : memref<128x64xf32, #tpu.memory_space<vmem>>, vector<16xf32>,
        %mul3A_594 = arith.mulf %get3A_587, %get3A_590 : vector<16xf32>
        %add3A_595 = arith.addf %add3A_582, %mul3A_594 : vector<16xf32>
        %mul3A_596 = arith.mulf %get3A_587, %get3A_593 : vector<16xf32>
        %add3A_597 = arith.addf %add3A_584, %mul3A_596 : vector<16xf32>
        %get3A_598 = arith.index_cast %add3A_567 : i32 to index
        %get3A_599 = arith.constant 32 : index
        %get3A_600 = tpu.vector_load %arg11[%get3A_598, %get3A_599] {strides = array<i32>} : memref<128x64xf32, #tpu.memory_space<vmem>>, vector<16xf32>,
        %get3A_601 = arith.index_cast %add3A_567 : i32 to index
        %get3A_602 = arith.constant 32 : index
        %get3A_603 = tpu.vector_load %arg12[%get3A_601, %get3A_602] {strides = array<i32>} : memref<128x64xf32, #tpu.memory_space<vmem>>, vector<16xf32>,
        %get3A_604 = arith.index_cast %add3A_567 : i32 to index
        %get3A_605 = arith.constant 32 : index
        %get3A_606 = tpu.vector_load %arg13[%get3A_604, %get3A_605] {strides = array<i32>} : memref<128x64xf32, #tpu.memory_space<vmem>>, vector<16xf32>,
        %mul3A_607 = arith.mulf %get3A_600, %get3A_603 : vector<16xf32>
        %add3A_608 = arith.addf %add3A_595, %mul3A_607 : vector<16xf32>
        %mul3A_609 = arith.mulf %get3A_600, %get3A_606 : vector<16xf32>
        %add3A_610 = arith.addf %add3A_597, %mul3A_609 : vector<16xf32>
        %get3A_611 = arith.index_cast %add3A_567 : i32 to index
        %get3A_612 = arith.constant 48 : index
        %get3A_613 = tpu.vector_load %arg11[%get3A_611, %get3A_612] {strides = array<i32>} : memref<128x64xf32, #tpu.memory_space<vmem>>, vector<16xf32>,
        %get3A_614 = arith.index_cast %add3A_567 : i32 to index
        %get3A_615 = arith.constant 48 : index
        %get3A_616 = tpu.vector_load %arg12[%get3A_614, %get3A_615] {strides = array<i32>} : memref<128x64xf32, #tpu.memory_space<vmem>>, vector<16xf32>,
        %get3A_617 = arith.index_cast %add3A_567 : i32 to index
        %get3A_618 = arith.constant 48 : index
        %get3A_619 = tpu.vector_load %arg13[%get3A_617, %get3A_618] {strides = array<i32>} : memref<128x64xf32, #tpu.memory_space<vmem>>, vector<16xf32>,
        %mul3A_620 = arith.mulf %get3A_613, %get3A_616 : vector<16xf32>
        %add3A_621 = arith.addf %add3A_608, %mul3A_620 : vector<16xf32>
        %mul3A_622 = arith.mulf %get3A_613, %get3A_619 : vector<16xf32>
        %add3A_623 = arith.addf %add3A_610, %mul3A_622 : vector<16xf32>
        %reduce_sum3A_624 = arith.constant true
        %reduce_sum3A_625 = vector.broadcast %reduce_sum3A_624 : i1 to vector<16xi1>
        %reduce_sum3A_626 = tpu.scan <sum>, %add3A_621 masked %reduce_sum3A_625 : vector<16xf32>, vector<16xi1> -> vector<16xf32>
        %reduce_sum3A_627 = vector.extract %reduce_sum3A_626[15] : f32 from vector<16xf32>
        %reduce_sum3A_628 = arith.constant true
        %reduce_sum3A_629 = vector.broadcast %reduce_sum3A_628 : i1 to vector<16xi1>
        %reduce_sum3A_630 = tpu.scan <sum>, %add3A_623 masked %reduce_sum3A_629 : vector<16xf32>, vector<16xi1> -> vector<16xf32>
        %reduce_sum3A_631 = vector.extract %reduce_sum3A_630[15] : f32 from vector<16xf32>
        %eq3A_632 = arith.constant 6 : i32
        %eq3A_633 = vector.broadcast %eq3A_632 : i32 to vector<16xi32>
        %eq3A_634 = arith.cmpi eq, %iota3A, %eq3A_633 : vector<16xi32>
        %broadcast_in_dim3A_635 = vector.broadcast %reduce_sum3A_627 : f32 to vector<16xf32>
        %select_n3A_636 = arith.select %eq3A_634, %broadcast_in_dim3A_635, %select_n3A_563 : vector<16xi1>, vector<16xf32>
        %broadcast_in_dim3A_637 = vector.broadcast %reduce_sum3A_631 : f32 to vector<16xf32>
        %select_n3A_638 = arith.select %eq3A_634, %broadcast_in_dim3A_637, %select_n3A_565 : vector<16xi1>, vector<16xf32>
        %add3A_639 = arith.constant 7 : i32
        %add3A_640 = arith.addi %multiple_of3A_128, %add3A_639 : i32
        %broadcast_in_dim3A_641 = arith.constant 0.000000e+00 : f32
        %broadcast_in_dim3A_642 = vector.broadcast %broadcast_in_dim3A_641 : f32 to vector<16xf32>
        %broadcast_in_dim3A_643 = arith.constant 0.000000e+00 : f32
        %broadcast_in_dim3A_644 = vector.broadcast %broadcast_in_dim3A_643 : f32 to vector<16xf32>
        %get3A_645 = arith.index_cast %add3A_640 : i32 to index
        %get3A_646 = arith.constant 0 : index
        %get3A_647 = tpu.vector_load %arg11[%get3A_645, %get3A_646] {strides = array<i32>} : memref<128x64xf32, #tpu.memory_space<vmem>>, vector<16xf32>,
        %get3A_648 = arith.index_cast %add3A_640 : i32 to index
        %get3A_649 = arith.constant 0 : index
        %get3A_650 = tpu.vector_load %arg12[%get3A_648, %get3A_649] {strides = array<i32>} : memref<128x64xf32, #tpu.memory_space<vmem>>, vector<16xf32>,
        %get3A_651 = arith.index_cast %add3A_640 : i32 to index
        %get3A_652 = arith.constant 0 : index
        %get3A_653 = tpu.vector_load %arg13[%get3A_651, %get3A_652] {strides = array<i32>} : memref<128x64xf32, #tpu.memory_space<vmem>>, vector<16xf32>,
        %mul3A_654 = arith.mulf %get3A_647, %get3A_650 : vector<16xf32>
        %add3A_655 = arith.addf %broadcast_in_dim3A_642, %mul3A_654 : vector<16xf32>
        %mul3A_656 = arith.mulf %get3A_647, %get3A_653 : vector<16xf32>
        %add3A_657 = arith.addf %broadcast_in_dim3A_644, %mul3A_656 : vector<16xf32>
        %get3A_658 = arith.index_cast %add3A_640 : i32 to index
        %get3A_659 = arith.constant 16 : index
        %get3A_660 = tpu.vector_load %arg11[%get3A_658, %get3A_659] {strides = array<i32>} : memref<128x64xf32, #tpu.memory_space<vmem>>, vector<16xf32>,
        %get3A_661 = arith.index_cast %add3A_640 : i32 to index
        %get3A_662 = arith.constant 16 : index
        %get3A_663 = tpu.vector_load %arg12[%get3A_661, %get3A_662] {strides = array<i32>} : memref<128x64xf32, #tpu.memory_space<vmem>>, vector<16xf32>,
        %get3A_664 = arith.index_cast %add3A_640 : i32 to index
        %get3A_665 = arith.constant 16 : index
        %get3A_666 = tpu.vector_load %arg13[%get3A_664, %get3A_665] {strides = array<i32>} : memref<128x64xf32, #tpu.memory_space<vmem>>, vector<16xf32>,
        %mul3A_667 = arith.mulf %get3A_660, %get3A_663 : vector<16xf32>
        %add3A_668 = arith.addf %add3A_655, %mul3A_667 : vector<16xf32>
        %mul3A_669 = arith.mulf %get3A_660, %get3A_666 : vector<16xf32>
        %add3A_670 = arith.addf %add3A_657, %mul3A_669 : vector<16xf32>
        %get3A_671 = arith.index_cast %add3A_640 : i32 to index
        %get3A_672 = arith.constant 32 : index
        %get3A_673 = tpu.vector_load %arg11[%get3A_671, %get3A_672] {strides = array<i32>} : memref<128x64xf32, #tpu.memory_space<vmem>>, vector<16xf32>,
        %get3A_674 = arith.index_cast %add3A_640 : i32 to index
        %get3A_675 = arith.constant 32 : index
        %get3A_676 = tpu.vector_load %arg12[%get3A_674, %get3A_675] {strides = array<i32>} : memref<128x64xf32, #tpu.memory_space<vmem>>, vector<16xf32>,
        %get3A_677 = arith.index_cast %add3A_640 : i32 to index
        %get3A_678 = arith.constant 32 : index
        %get3A_679 = tpu.vector_load %arg13[%get3A_677, %get3A_678] {strides = array<i32>} : memref<128x64xf32, #tpu.memory_space<vmem>>, vector<16xf32>,
        %mul3A_680 = arith.mulf %get3A_673, %get3A_676 : vector<16xf32>
        %add3A_681 = arith.addf %add3A_668, %mul3A_680 : vector<16xf32>
        %mul3A_682 = arith.mulf %get3A_673, %get3A_679 : vector<16xf32>
        %add3A_683 = arith.addf %add3A_670, %mul3A_682 : vector<16xf32>
        %get3A_684 = arith.index_cast %add3A_640 : i32 to index
        %get3A_685 = arith.constant 48 : index
        %get3A_686 = tpu.vector_load %arg11[%get3A_684, %get3A_685] {strides = array<i32>} : memref<128x64xf32, #tpu.memory_space<vmem>>, vector<16xf32>,
        %get3A_687 = arith.index_cast %add3A_640 : i32 to index
        %get3A_688 = arith.constant 48 : index
        %get3A_689 = tpu.vector_load %arg12[%get3A_687, %get3A_688] {strides = array<i32>} : memref<128x64xf32, #tpu.memory_space<vmem>>, vector<16xf32>,
        %get3A_690 = arith.index_cast %add3A_640 : i32 to index
        %get3A_691 = arith.constant 48 : index
        %get3A_692 = tpu.vector_load %arg13[%get3A_690, %get3A_691] {strides = array<i32>} : memref<128x64xf32, #tpu.memory_space<vmem>>, vector<16xf32>,
        %mul3A_693 = arith.mulf %get3A_686, %get3A_689 : vector<16xf32>
        %add3A_694 = arith.addf %add3A_681, %mul3A_693 : vector<16xf32>
        %mul3A_695 = arith.mulf %get3A_686, %get3A_692 : vector<16xf32>
        %add3A_696 = arith.addf %add3A_683, %mul3A_695 : vector<16xf32>
        %reduce_sum3A_697 = arith.constant true
        %reduce_sum3A_698 = vector.broadcast %reduce_sum3A_697 : i1 to vector<16xi1>
        %reduce_sum3A_699 = tpu.scan <sum>, %add3A_694 masked %reduce_sum3A_698 : vector<16xf32>, vector<16xi1> -> vector<16xf32>
        %reduce_sum3A_700 = vector.extract %reduce_sum3A_699[15] : f32 from vector<16xf32>
        %reduce_sum3A_701 = arith.constant true
        %reduce_sum3A_702 = vector.broadcast %reduce_sum3A_701 : i1 to vector<16xi1>
        %reduce_sum3A_703 = tpu.scan <sum>, %add3A_696 masked %reduce_sum3A_702 : vector<16xf32>, vector<16xi1> -> vector<16xf32>
        %reduce_sum3A_704 = vector.extract %reduce_sum3A_703[15] : f32 from vector<16xf32>
        %eq3A_705 = arith.constant 7 : i32
        %eq3A_706 = vector.broadcast %eq3A_705 : i32 to vector<16xi32>
        %eq3A_707 = arith.cmpi eq, %iota3A, %eq3A_706 : vector<16xi32>
        %broadcast_in_dim3A_708 = vector.broadcast %reduce_sum3A_700 : f32 to vector<16xf32>
        %select_n3A_709 = arith.select %eq3A_707, %broadcast_in_dim3A_708, %select_n3A_636 : vector<16xi1>, vector<16xf32>
        %broadcast_in_dim3A_710 = vector.broadcast %reduce_sum3A_704 : f32 to vector<16xf32>
        %select_n3A_711 = arith.select %eq3A_707, %broadcast_in_dim3A_710, %select_n3A_638 : vector<16xi1>, vector<16xf32>
        %add3A_712 = arith.constant 8 : i32
        %add3A_713 = arith.addi %multiple_of3A_128, %add3A_712 : i32
        %broadcast_in_dim3A_714 = arith.constant 0.000000e+00 : f32
        %broadcast_in_dim3A_715 = vector.broadcast %broadcast_in_dim3A_714 : f32 to vector<16xf32>
        %broadcast_in_dim3A_716 = arith.constant 0.000000e+00 : f32
        %broadcast_in_dim3A_717 = vector.broadcast %broadcast_in_dim3A_716 : f32 to vector<16xf32>
        %get3A_718 = arith.index_cast %add3A_713 : i32 to index
        %get3A_719 = arith.constant 0 : index
        %get3A_720 = tpu.vector_load %arg11[%get3A_718, %get3A_719] {strides = array<i32>} : memref<128x64xf32, #tpu.memory_space<vmem>>, vector<16xf32>,
        %get3A_721 = arith.index_cast %add3A_713 : i32 to index
        %get3A_722 = arith.constant 0 : index
        %get3A_723 = tpu.vector_load %arg12[%get3A_721, %get3A_722] {strides = array<i32>} : memref<128x64xf32, #tpu.memory_space<vmem>>, vector<16xf32>,
        %get3A_724 = arith.index_cast %add3A_713 : i32 to index
        %get3A_725 = arith.constant 0 : index
        %get3A_726 = tpu.vector_load %arg13[%get3A_724, %get3A_725] {strides = array<i32>} : memref<128x64xf32, #tpu.memory_space<vmem>>, vector<16xf32>,
        %mul3A_727 = arith.mulf %get3A_720, %get3A_723 : vector<16xf32>
        %add3A_728 = arith.addf %broadcast_in_dim3A_715, %mul3A_727 : vector<16xf32>
        %mul3A_729 = arith.mulf %get3A_720, %get3A_726 : vector<16xf32>
        %add3A_730 = arith.addf %broadcast_in_dim3A_717, %mul3A_729 : vector<16xf32>
        %get3A_731 = arith.index_cast %add3A_713 : i32 to index
        %get3A_732 = arith.constant 16 : index
        %get3A_733 = tpu.vector_load %arg11[%get3A_731, %get3A_732] {strides = array<i32>} : memref<128x64xf32, #tpu.memory_space<vmem>>, vector<16xf32>,
        %get3A_734 = arith.index_cast %add3A_713 : i32 to index
        %get3A_735 = arith.constant 16 : index
        %get3A_736 = tpu.vector_load %arg12[%get3A_734, %get3A_735] {strides = array<i32>} : memref<128x64xf32, #tpu.memory_space<vmem>>, vector<16xf32>,
        %get3A_737 = arith.index_cast %add3A_713 : i32 to index
        %get3A_738 = arith.constant 16 : index
        %get3A_739 = tpu.vector_load %arg13[%get3A_737, %get3A_738] {strides = array<i32>} : memref<128x64xf32, #tpu.memory_space<vmem>>, vector<16xf32>,
        %mul3A_740 = arith.mulf %get3A_733, %get3A_736 : vector<16xf32>
        %add3A_741 = arith.addf %add3A_728, %mul3A_740 : vector<16xf32>
        %mul3A_742 = arith.mulf %get3A_733, %get3A_739 : vector<16xf32>
        %add3A_743 = arith.addf %add3A_730, %mul3A_742 : vector<16xf32>
        %get3A_744 = arith.index_cast %add3A_713 : i32 to index
        %get3A_745 = arith.constant 32 : index
        %get3A_746 = tpu.vector_load %arg11[%get3A_744, %get3A_745] {strides = array<i32>} : memref<128x64xf32, #tpu.memory_space<vmem>>, vector<16xf32>,
        %get3A_747 = arith.index_cast %add3A_713 : i32 to index
        %get3A_748 = arith.constant 32 : index
        %get3A_749 = tpu.vector_load %arg12[%get3A_747, %get3A_748] {strides = array<i32>} : memref<128x64xf32, #tpu.memory_space<vmem>>, vector<16xf32>,
        %get3A_750 = arith.index_cast %add3A_713 : i32 to index
        %get3A_751 = arith.constant 32 : index
        %get3A_752 = tpu.vector_load %arg13[%get3A_750, %get3A_751] {strides = array<i32>} : memref<128x64xf32, #tpu.memory_space<vmem>>, vector<16xf32>,
        %mul3A_753 = arith.mulf %get3A_746, %get3A_749 : vector<16xf32>
        %add3A_754 = arith.addf %add3A_741, %mul3A_753 : vector<16xf32>
        %mul3A_755 = arith.mulf %get3A_746, %get3A_752 : vector<16xf32>
        %add3A_756 = arith.addf %add3A_743, %mul3A_755 : vector<16xf32>
        %get3A_757 = arith.index_cast %add3A_713 : i32 to index
        %get3A_758 = arith.constant 48 : index
        %get3A_759 = tpu.vector_load %arg11[%get3A_757, %get3A_758] {strides = array<i32>} : memref<128x64xf32, #tpu.memory_space<vmem>>, vector<16xf32>,
        %get3A_760 = arith.index_cast %add3A_713 : i32 to index
        %get3A_761 = arith.constant 48 : index
        %get3A_762 = tpu.vector_load %arg12[%get3A_760, %get3A_761] {strides = array<i32>} : memref<128x64xf32, #tpu.memory_space<vmem>>, vector<16xf32>,
        %get3A_763 = arith.index_cast %add3A_713 : i32 to index
        %get3A_764 = arith.constant 48 : index
        %get3A_765 = tpu.vector_load %arg13[%get3A_763, %get3A_764] {strides = array<i32>} : memref<128x64xf32, #tpu.memory_space<vmem>>, vector<16xf32>,
        %mul3A_766 = arith.mulf %get3A_759, %get3A_762 : vector<16xf32>
        %add3A_767 = arith.addf %add3A_754, %mul3A_766 : vector<16xf32>
        %mul3A_768 = arith.mulf %get3A_759, %get3A_765 : vector<16xf32>
        %add3A_769 = arith.addf %add3A_756, %mul3A_768 : vector<16xf32>
        %reduce_sum3A_770 = arith.constant true
        %reduce_sum3A_771 = vector.broadcast %reduce_sum3A_770 : i1 to vector<16xi1>
        %reduce_sum3A_772 = tpu.scan <sum>, %add3A_767 masked %reduce_sum3A_771 : vector<16xf32>, vector<16xi1> -> vector<16xf32>
        %reduce_sum3A_773 = vector.extract %reduce_sum3A_772[15] : f32 from vector<16xf32>
        %reduce_sum3A_774 = arith.constant true
        %reduce_sum3A_775 = vector.broadcast %reduce_sum3A_774 : i1 to vector<16xi1>
        %reduce_sum3A_776 = tpu.scan <sum>, %add3A_769 masked %reduce_sum3A_775 : vector<16xf32>, vector<16xi1> -> vector<16xf32>
        %reduce_sum3A_777 = vector.extract %reduce_sum3A_776[15] : f32 from vector<16xf32>
        %eq3A_778 = arith.constant 8 : i32
        %eq3A_779 = vector.broadcast %eq3A_778 : i32 to vector<16xi32>
        %eq3A_780 = arith.cmpi eq, %iota3A, %eq3A_779 : vector<16xi32>
        %broadcast_in_dim3A_781 = vector.broadcast %reduce_sum3A_773 : f32 to vector<16xf32>
        %select_n3A_782 = arith.select %eq3A_780, %broadcast_in_dim3A_781, %select_n3A_709 : vector<16xi1>, vector<16xf32>
        %broadcast_in_dim3A_783 = vector.broadcast %reduce_sum3A_777 : f32 to vector<16xf32>
        %select_n3A_784 = arith.select %eq3A_780, %broadcast_in_dim3A_783, %select_n3A_711 : vector<16xi1>, vector<16xf32>
        %add3A_785 = arith.constant 9 : i32
        %add3A_786 = arith.addi %multiple_of3A_128, %add3A_785 : i32
        %broadcast_in_dim3A_787 = arith.constant 0.000000e+00 : f32
        %broadcast_in_dim3A_788 = vector.broadcast %broadcast_in_dim3A_787 : f32 to vector<16xf32>
        %broadcast_in_dim3A_789 = arith.constant 0.000000e+00 : f32
        %broadcast_in_dim3A_790 = vector.broadcast %broadcast_in_dim3A_789 : f32 to vector<16xf32>
        %get3A_791 = arith.index_cast %add3A_786 : i32 to index
        %get3A_792 = arith.constant 0 : index
        %get3A_793 = tpu.vector_load %arg11[%get3A_791, %get3A_792] {strides = array<i32>} : memref<128x64xf32, #tpu.memory_space<vmem>>, vector<16xf32>,
        %get3A_794 = arith.index_cast %add3A_786 : i32 to index
        %get3A_795 = arith.constant 0 : index
        %get3A_796 = tpu.vector_load %arg12[%get3A_794, %get3A_795] {strides = array<i32>} : memref<128x64xf32, #tpu.memory_space<vmem>>, vector<16xf32>,
        %get3A_797 = arith.index_cast %add3A_786 : i32 to index
        %get3A_798 = arith.constant 0 : index
        %get3A_799 = tpu.vector_load %arg13[%get3A_797, %get3A_798] {strides = array<i32>} : memref<128x64xf32, #tpu.memory_space<vmem>>, vector<16xf32>,
        %mul3A_800 = arith.mulf %get3A_793, %get3A_796 : vector<16xf32>
        %add3A_801 = arith.addf %broadcast_in_dim3A_788, %mul3A_800 : vector<16xf32>
        %mul3A_802 = arith.mulf %get3A_793, %get3A_799 : vector<16xf32>
        %add3A_803 = arith.addf %broadcast_in_dim3A_790, %mul3A_802 : vector<16xf32>
        %get3A_804 = arith.index_cast %add3A_786 : i32 to index
        %get3A_805 = arith.constant 16 : index
        %get3A_806 = tpu.vector_load %arg11[%get3A_804, %get3A_805] {strides = array<i32>} : memref<128x64xf32, #tpu.memory_space<vmem>>, vector<16xf32>,
        %get3A_807 = arith.index_cast %add3A_786 : i32 to index
        %get3A_808 = arith.constant 16 : index
        %get3A_809 = tpu.vector_load %arg12[%get3A_807, %get3A_808] {strides = array<i32>} : memref<128x64xf32, #tpu.memory_space<vmem>>, vector<16xf32>,
        %get3A_810 = arith.index_cast %add3A_786 : i32 to index
        %get3A_811 = arith.constant 16 : index
        %get3A_812 = tpu.vector_load %arg13[%get3A_810, %get3A_811] {strides = array<i32>} : memref<128x64xf32, #tpu.memory_space<vmem>>, vector<16xf32>,
        %mul3A_813 = arith.mulf %get3A_806, %get3A_809 : vector<16xf32>
        %add3A_814 = arith.addf %add3A_801, %mul3A_813 : vector<16xf32>
        %mul3A_815 = arith.mulf %get3A_806, %get3A_812 : vector<16xf32>
        %add3A_816 = arith.addf %add3A_803, %mul3A_815 : vector<16xf32>
        %get3A_817 = arith.index_cast %add3A_786 : i32 to index
        %get3A_818 = arith.constant 32 : index
        %get3A_819 = tpu.vector_load %arg11[%get3A_817, %get3A_818] {strides = array<i32>} : memref<128x64xf32, #tpu.memory_space<vmem>>, vector<16xf32>,
        %get3A_820 = arith.index_cast %add3A_786 : i32 to index
        %get3A_821 = arith.constant 32 : index
        %get3A_822 = tpu.vector_load %arg12[%get3A_820, %get3A_821] {strides = array<i32>} : memref<128x64xf32, #tpu.memory_space<vmem>>, vector<16xf32>,
        %get3A_823 = arith.index_cast %add3A_786 : i32 to index
        %get3A_824 = arith.constant 32 : index
        %get3A_825 = tpu.vector_load %arg13[%get3A_823, %get3A_824] {strides = array<i32>} : memref<128x64xf32, #tpu.memory_space<vmem>>, vector<16xf32>,
        %mul3A_826 = arith.mulf %get3A_819, %get3A_822 : vector<16xf32>
        %add3A_827 = arith.addf %add3A_814, %mul3A_826 : vector<16xf32>
        %mul3A_828 = arith.mulf %get3A_819, %get3A_825 : vector<16xf32>
        %add3A_829 = arith.addf %add3A_816, %mul3A_828 : vector<16xf32>
        %get3A_830 = arith.index_cast %add3A_786 : i32 to index
        %get3A_831 = arith.constant 48 : index
        %get3A_832 = tpu.vector_load %arg11[%get3A_830, %get3A_831] {strides = array<i32>} : memref<128x64xf32, #tpu.memory_space<vmem>>, vector<16xf32>,
        %get3A_833 = arith.index_cast %add3A_786 : i32 to index
        %get3A_834 = arith.constant 48 : index
        %get3A_835 = tpu.vector_load %arg12[%get3A_833, %get3A_834] {strides = array<i32>} : memref<128x64xf32, #tpu.memory_space<vmem>>, vector<16xf32>,
        %get3A_836 = arith.index_cast %add3A_786 : i32 to index
        %get3A_837 = arith.constant 48 : index
        %get3A_838 = tpu.vector_load %arg13[%get3A_836, %get3A_837] {strides = array<i32>} : memref<128x64xf32, #tpu.memory_space<vmem>>, vector<16xf32>,
        %mul3A_839 = arith.mulf %get3A_832, %get3A_835 : vector<16xf32>
        %add3A_840 = arith.addf %add3A_827, %mul3A_839 : vector<16xf32>
        %mul3A_841 = arith.mulf %get3A_832, %get3A_838 : vector<16xf32>
        %add3A_842 = arith.addf %add3A_829, %mul3A_841 : vector<16xf32>
        %reduce_sum3A_843 = arith.constant true
        %reduce_sum3A_844 = vector.broadcast %reduce_sum3A_843 : i1 to vector<16xi1>
        %reduce_sum3A_845 = tpu.scan <sum>, %add3A_840 masked %reduce_sum3A_844 : vector<16xf32>, vector<16xi1> -> vector<16xf32>
        %reduce_sum3A_846 = vector.extract %reduce_sum3A_845[15] : f32 from vector<16xf32>
        %reduce_sum3A_847 = arith.constant true
        %reduce_sum3A_848 = vector.broadcast %reduce_sum3A_847 : i1 to vector<16xi1>
        %reduce_sum3A_849 = tpu.scan <sum>, %add3A_842 masked %reduce_sum3A_848 : vector<16xf32>, vector<16xi1> -> vector<16xf32>
        %reduce_sum3A_850 = vector.extract %reduce_sum3A_849[15] : f32 from vector<16xf32>
        %eq3A_851 = arith.constant 9 : i32
        %eq3A_852 = vector.broadcast %eq3A_851 : i32 to vector<16xi32>
        %eq3A_853 = arith.cmpi eq, %iota3A, %eq3A_852 : vector<16xi32>
        %broadcast_in_dim3A_854 = vector.broadcast %reduce_sum3A_846 : f32 to vector<16xf32>
        %select_n3A_855 = arith.select %eq3A_853, %broadcast_in_dim3A_854, %select_n3A_782 : vector<16xi1>, vector<16xf32>
        %broadcast_in_dim3A_856 = vector.broadcast %reduce_sum3A_850 : f32 to vector<16xf32>
        %select_n3A_857 = arith.select %eq3A_853, %broadcast_in_dim3A_856, %select_n3A_784 : vector<16xi1>, vector<16xf32>
        %add3A_858 = arith.constant 10 : i32
        %add3A_859 = arith.addi %multiple_of3A_128, %add3A_858 : i32
        %broadcast_in_dim3A_860 = arith.constant 0.000000e+00 : f32
        %broadcast_in_dim3A_861 = vector.broadcast %broadcast_in_dim3A_860 : f32 to vector<16xf32>
        %broadcast_in_dim3A_862 = arith.constant 0.000000e+00 : f32
        %broadcast_in_dim3A_863 = vector.broadcast %broadcast_in_dim3A_862 : f32 to vector<16xf32>
        %get3A_864 = arith.index_cast %add3A_859 : i32 to index
        %get3A_865 = arith.constant 0 : index
        %get3A_866 = tpu.vector_load %arg11[%get3A_864, %get3A_865] {strides = array<i32>} : memref<128x64xf32, #tpu.memory_space<vmem>>, vector<16xf32>,
        %get3A_867 = arith.index_cast %add3A_859 : i32 to index
        %get3A_868 = arith.constant 0 : index
        %get3A_869 = tpu.vector_load %arg12[%get3A_867, %get3A_868] {strides = array<i32>} : memref<128x64xf32, #tpu.memory_space<vmem>>, vector<16xf32>,
        %get3A_870 = arith.index_cast %add3A_859 : i32 to index
        %get3A_871 = arith.constant 0 : index
        %get3A_872 = tpu.vector_load %arg13[%get3A_870, %get3A_871] {strides = array<i32>} : memref<128x64xf32, #tpu.memory_space<vmem>>, vector<16xf32>,
        %mul3A_873 = arith.mulf %get3A_866, %get3A_869 : vector<16xf32>
        %add3A_874 = arith.addf %broadcast_in_dim3A_861, %mul3A_873 : vector<16xf32>
        %mul3A_875 = arith.mulf %get3A_866, %get3A_872 : vector<16xf32>
        %add3A_876 = arith.addf %broadcast_in_dim3A_863, %mul3A_875 : vector<16xf32>
        %get3A_877 = arith.index_cast %add3A_859 : i32 to index
        %get3A_878 = arith.constant 16 : index
        %get3A_879 = tpu.vector_load %arg11[%get3A_877, %get3A_878] {strides = array<i32>} : memref<128x64xf32, #tpu.memory_space<vmem>>, vector<16xf32>,
        %get3A_880 = arith.index_cast %add3A_859 : i32 to index
        %get3A_881 = arith.constant 16 : index
        %get3A_882 = tpu.vector_load %arg12[%get3A_880, %get3A_881] {strides = array<i32>} : memref<128x64xf32, #tpu.memory_space<vmem>>, vector<16xf32>,
        %get3A_883 = arith.index_cast %add3A_859 : i32 to index
        %get3A_884 = arith.constant 16 : index
        %get3A_885 = tpu.vector_load %arg13[%get3A_883, %get3A_884] {strides = array<i32>} : memref<128x64xf32, #tpu.memory_space<vmem>>, vector<16xf32>,
        %mul3A_886 = arith.mulf %get3A_879, %get3A_882 : vector<16xf32>
        %add3A_887 = arith.addf %add3A_874, %mul3A_886 : vector<16xf32>
        %mul3A_888 = arith.mulf %get3A_879, %get3A_885 : vector<16xf32>
        %add3A_889 = arith.addf %add3A_876, %mul3A_888 : vector<16xf32>
        %get3A_890 = arith.index_cast %add3A_859 : i32 to index
        %get3A_891 = arith.constant 32 : index
        %get3A_892 = tpu.vector_load %arg11[%get3A_890, %get3A_891] {strides = array<i32>} : memref<128x64xf32, #tpu.memory_space<vmem>>, vector<16xf32>,
        %get3A_893 = arith.index_cast %add3A_859 : i32 to index
        %get3A_894 = arith.constant 32 : index
        %get3A_895 = tpu.vector_load %arg12[%get3A_893, %get3A_894] {strides = array<i32>} : memref<128x64xf32, #tpu.memory_space<vmem>>, vector<16xf32>,
        %get3A_896 = arith.index_cast %add3A_859 : i32 to index
        %get3A_897 = arith.constant 32 : index
        %get3A_898 = tpu.vector_load %arg13[%get3A_896, %get3A_897] {strides = array<i32>} : memref<128x64xf32, #tpu.memory_space<vmem>>, vector<16xf32>,
        %mul3A_899 = arith.mulf %get3A_892, %get3A_895 : vector<16xf32>
        %add3A_900 = arith.addf %add3A_887, %mul3A_899 : vector<16xf32>
        %mul3A_901 = arith.mulf %get3A_892, %get3A_898 : vector<16xf32>
        %add3A_902 = arith.addf %add3A_889, %mul3A_901 : vector<16xf32>
        %get3A_903 = arith.index_cast %add3A_859 : i32 to index
        %get3A_904 = arith.constant 48 : index
        %get3A_905 = tpu.vector_load %arg11[%get3A_903, %get3A_904] {strides = array<i32>} : memref<128x64xf32, #tpu.memory_space<vmem>>, vector<16xf32>,
        %get3A_906 = arith.index_cast %add3A_859 : i32 to index
        %get3A_907 = arith.constant 48 : index
        %get3A_908 = tpu.vector_load %arg12[%get3A_906, %get3A_907] {strides = array<i32>} : memref<128x64xf32, #tpu.memory_space<vmem>>, vector<16xf32>,
        %get3A_909 = arith.index_cast %add3A_859 : i32 to index
        %get3A_910 = arith.constant 48 : index
        %get3A_911 = tpu.vector_load %arg13[%get3A_909, %get3A_910] {strides = array<i32>} : memref<128x64xf32, #tpu.memory_space<vmem>>, vector<16xf32>,
        %mul3A_912 = arith.mulf %get3A_905, %get3A_908 : vector<16xf32>
        %add3A_913 = arith.addf %add3A_900, %mul3A_912 : vector<16xf32>
        %mul3A_914 = arith.mulf %get3A_905, %get3A_911 : vector<16xf32>
        %add3A_915 = arith.addf %add3A_902, %mul3A_914 : vector<16xf32>
        %reduce_sum3A_916 = arith.constant true
        %reduce_sum3A_917 = vector.broadcast %reduce_sum3A_916 : i1 to vector<16xi1>
        %reduce_sum3A_918 = tpu.scan <sum>, %add3A_913 masked %reduce_sum3A_917 : vector<16xf32>, vector<16xi1> -> vector<16xf32>
        %reduce_sum3A_919 = vector.extract %reduce_sum3A_918[15] : f32 from vector<16xf32>
        %reduce_sum3A_920 = arith.constant true
        %reduce_sum3A_921 = vector.broadcast %reduce_sum3A_920 : i1 to vector<16xi1>
        %reduce_sum3A_922 = tpu.scan <sum>, %add3A_915 masked %reduce_sum3A_921 : vector<16xf32>, vector<16xi1> -> vector<16xf32>
        %reduce_sum3A_923 = vector.extract %reduce_sum3A_922[15] : f32 from vector<16xf32>
        %eq3A_924 = arith.constant 10 : i32
        %eq3A_925 = vector.broadcast %eq3A_924 : i32 to vector<16xi32>
        %eq3A_926 = arith.cmpi eq, %iota3A, %eq3A_925 : vector<16xi32>
        %broadcast_in_dim3A_927 = vector.broadcast %reduce_sum3A_919 : f32 to vector<16xf32>
        %select_n3A_928 = arith.select %eq3A_926, %broadcast_in_dim3A_927, %select_n3A_855 : vector<16xi1>, vector<16xf32>
        %broadcast_in_dim3A_929 = vector.broadcast %reduce_sum3A_923 : f32 to vector<16xf32>
        %select_n3A_930 = arith.select %eq3A_926, %broadcast_in_dim3A_929, %select_n3A_857 : vector<16xi1>, vector<16xf32>
        %add3A_931 = arith.constant 11 : i32
        %add3A_932 = arith.addi %multiple_of3A_128, %add3A_931 : i32
        %broadcast_in_dim3A_933 = arith.constant 0.000000e+00 : f32
        %broadcast_in_dim3A_934 = vector.broadcast %broadcast_in_dim3A_933 : f32 to vector<16xf32>
        %broadcast_in_dim3A_935 = arith.constant 0.000000e+00 : f32
        %broadcast_in_dim3A_936 = vector.broadcast %broadcast_in_dim3A_935 : f32 to vector<16xf32>
        %get3A_937 = arith.index_cast %add3A_932 : i32 to index
        %get3A_938 = arith.constant 0 : index
        %get3A_939 = tpu.vector_load %arg11[%get3A_937, %get3A_938] {strides = array<i32>} : memref<128x64xf32, #tpu.memory_space<vmem>>, vector<16xf32>,
        %get3A_940 = arith.index_cast %add3A_932 : i32 to index
        %get3A_941 = arith.constant 0 : index
        %get3A_942 = tpu.vector_load %arg12[%get3A_940, %get3A_941] {strides = array<i32>} : memref<128x64xf32, #tpu.memory_space<vmem>>, vector<16xf32>,
        %get3A_943 = arith.index_cast %add3A_932 : i32 to index
        %get3A_944 = arith.constant 0 : index
        %get3A_945 = tpu.vector_load %arg13[%get3A_943, %get3A_944] {strides = array<i32>} : memref<128x64xf32, #tpu.memory_space<vmem>>, vector<16xf32>,
        %mul3A_946 = arith.mulf %get3A_939, %get3A_942 : vector<16xf32>
        %add3A_947 = arith.addf %broadcast_in_dim3A_934, %mul3A_946 : vector<16xf32>
        %mul3A_948 = arith.mulf %get3A_939, %get3A_945 : vector<16xf32>
        %add3A_949 = arith.addf %broadcast_in_dim3A_936, %mul3A_948 : vector<16xf32>
        %get3A_950 = arith.index_cast %add3A_932 : i32 to index
        %get3A_951 = arith.constant 16 : index
        %get3A_952 = tpu.vector_load %arg11[%get3A_950, %get3A_951] {strides = array<i32>} : memref<128x64xf32, #tpu.memory_space<vmem>>, vector<16xf32>,
        %get3A_953 = arith.index_cast %add3A_932 : i32 to index
        %get3A_954 = arith.constant 16 : index
        %get3A_955 = tpu.vector_load %arg12[%get3A_953, %get3A_954] {strides = array<i32>} : memref<128x64xf32, #tpu.memory_space<vmem>>, vector<16xf32>,
        %get3A_956 = arith.index_cast %add3A_932 : i32 to index
        %get3A_957 = arith.constant 16 : index
        %get3A_958 = tpu.vector_load %arg13[%get3A_956, %get3A_957] {strides = array<i32>} : memref<128x64xf32, #tpu.memory_space<vmem>>, vector<16xf32>,
        %mul3A_959 = arith.mulf %get3A_952, %get3A_955 : vector<16xf32>
        %add3A_960 = arith.addf %add3A_947, %mul3A_959 : vector<16xf32>
        %mul3A_961 = arith.mulf %get3A_952, %get3A_958 : vector<16xf32>
        %add3A_962 = arith.addf %add3A_949, %mul3A_961 : vector<16xf32>
        %get3A_963 = arith.index_cast %add3A_932 : i32 to index
        %get3A_964 = arith.constant 32 : index
        %get3A_965 = tpu.vector_load %arg11[%get3A_963, %get3A_964] {strides = array<i32>} : memref<128x64xf32, #tpu.memory_space<vmem>>, vector<16xf32>,
        %get3A_966 = arith.index_cast %add3A_932 : i32 to index
        %get3A_967 = arith.constant 32 : index
        %get3A_968 = tpu.vector_load %arg12[%get3A_966, %get3A_967] {strides = array<i32>} : memref<128x64xf32, #tpu.memory_space<vmem>>, vector<16xf32>,
        %get3A_969 = arith.index_cast %add3A_932 : i32 to index
        %get3A_970 = arith.constant 32 : index
        %get3A_971 = tpu.vector_load %arg13[%get3A_969, %get3A_970] {strides = array<i32>} : memref<128x64xf32, #tpu.memory_space<vmem>>, vector<16xf32>,
        %mul3A_972 = arith.mulf %get3A_965, %get3A_968 : vector<16xf32>
        %add3A_973 = arith.addf %add3A_960, %mul3A_972 : vector<16xf32>
        %mul3A_974 = arith.mulf %get3A_965, %get3A_971 : vector<16xf32>
        %add3A_975 = arith.addf %add3A_962, %mul3A_974 : vector<16xf32>
        %get3A_976 = arith.index_cast %add3A_932 : i32 to index
        %get3A_977 = arith.constant 48 : index
        %get3A_978 = tpu.vector_load %arg11[%get3A_976, %get3A_977] {strides = array<i32>} : memref<128x64xf32, #tpu.memory_space<vmem>>, vector<16xf32>,
        %get3A_979 = arith.index_cast %add3A_932 : i32 to index
        %get3A_980 = arith.constant 48 : index
        %get3A_981 = tpu.vector_load %arg12[%get3A_979, %get3A_980] {strides = array<i32>} : memref<128x64xf32, #tpu.memory_space<vmem>>, vector<16xf32>,
        %get3A_982 = arith.index_cast %add3A_932 : i32 to index
        %get3A_983 = arith.constant 48 : index
        %get3A_984 = tpu.vector_load %arg13[%get3A_982, %get3A_983] {strides = array<i32>} : memref<128x64xf32, #tpu.memory_space<vmem>>, vector<16xf32>,
        %mul3A_985 = arith.mulf %get3A_978, %get3A_981 : vector<16xf32>
        %add3A_986 = arith.addf %add3A_973, %mul3A_985 : vector<16xf32>
        %mul3A_987 = arith.mulf %get3A_978, %get3A_984 : vector<16xf32>
        %add3A_988 = arith.addf %add3A_975, %mul3A_987 : vector<16xf32>
        %reduce_sum3A_989 = arith.constant true
        %reduce_sum3A_990 = vector.broadcast %reduce_sum3A_989 : i1 to vector<16xi1>
        %reduce_sum3A_991 = tpu.scan <sum>, %add3A_986 masked %reduce_sum3A_990 : vector<16xf32>, vector<16xi1> -> vector<16xf32>
        %reduce_sum3A_992 = vector.extract %reduce_sum3A_991[15] : f32 from vector<16xf32>
        %reduce_sum3A_993 = arith.constant true
        %reduce_sum3A_994 = vector.broadcast %reduce_sum3A_993 : i1 to vector<16xi1>
        %reduce_sum3A_995 = tpu.scan <sum>, %add3A_988 masked %reduce_sum3A_994 : vector<16xf32>, vector<16xi1> -> vector<16xf32>
        %reduce_sum3A_996 = vector.extract %reduce_sum3A_995[15] : f32 from vector<16xf32>
        %eq3A_997 = arith.constant 11 : i32
        %eq3A_998 = vector.broadcast %eq3A_997 : i32 to vector<16xi32>
        %eq3A_999 = arith.cmpi eq, %iota3A, %eq3A_998 : vector<16xi32>
        %broadcast_in_dim3A_1000 = vector.broadcast %reduce_sum3A_992 : f32 to vector<16xf32>
        %select_n3A_1001 = arith.select %eq3A_999, %broadcast_in_dim3A_1000, %select_n3A_928 : vector<16xi1>, vector<16xf32>
        %broadcast_in_dim3A_1002 = vector.broadcast %reduce_sum3A_996 : f32 to vector<16xf32>
        %select_n3A_1003 = arith.select %eq3A_999, %broadcast_in_dim3A_1002, %select_n3A_930 : vector<16xi1>, vector<16xf32>
        %add3A_1004 = arith.constant 12 : i32
        %add3A_1005 = arith.addi %multiple_of3A_128, %add3A_1004 : i32
        %broadcast_in_dim3A_1006 = arith.constant 0.000000e+00 : f32
        %broadcast_in_dim3A_1007 = vector.broadcast %broadcast_in_dim3A_1006 : f32 to vector<16xf32>
        %broadcast_in_dim3A_1008 = arith.constant 0.000000e+00 : f32
        %broadcast_in_dim3A_1009 = vector.broadcast %broadcast_in_dim3A_1008 : f32 to vector<16xf32>
        %get3A_1010 = arith.index_cast %add3A_1005 : i32 to index
        %get3A_1011 = arith.constant 0 : index
        %get3A_1012 = tpu.vector_load %arg11[%get3A_1010, %get3A_1011] {strides = array<i32>} : memref<128x64xf32, #tpu.memory_space<vmem>>, vector<16xf32>,
        %get3A_1013 = arith.index_cast %add3A_1005 : i32 to index
        %get3A_1014 = arith.constant 0 : index
        %get3A_1015 = tpu.vector_load %arg12[%get3A_1013, %get3A_1014] {strides = array<i32>} : memref<128x64xf32, #tpu.memory_space<vmem>>, vector<16xf32>,
        %get3A_1016 = arith.index_cast %add3A_1005 : i32 to index
        %get3A_1017 = arith.constant 0 : index
        %get3A_1018 = tpu.vector_load %arg13[%get3A_1016, %get3A_1017] {strides = array<i32>} : memref<128x64xf32, #tpu.memory_space<vmem>>, vector<16xf32>,
        %mul3A_1019 = arith.mulf %get3A_1012, %get3A_1015 : vector<16xf32>
        %add3A_1020 = arith.addf %broadcast_in_dim3A_1007, %mul3A_1019 : vector<16xf32>
        %mul3A_1021 = arith.mulf %get3A_1012, %get3A_1018 : vector<16xf32>
        %add3A_1022 = arith.addf %broadcast_in_dim3A_1009, %mul3A_1021 : vector<16xf32>
        %get3A_1023 = arith.index_cast %add3A_1005 : i32 to index
        %get3A_1024 = arith.constant 16 : index
        %get3A_1025 = tpu.vector_load %arg11[%get3A_1023, %get3A_1024] {strides = array<i32>} : memref<128x64xf32, #tpu.memory_space<vmem>>, vector<16xf32>,
        %get3A_1026 = arith.index_cast %add3A_1005 : i32 to index
        %get3A_1027 = arith.constant 16 : index
        %get3A_1028 = tpu.vector_load %arg12[%get3A_1026, %get3A_1027] {strides = array<i32>} : memref<128x64xf32, #tpu.memory_space<vmem>>, vector<16xf32>,
        %get3A_1029 = arith.index_cast %add3A_1005 : i32 to index
        %get3A_1030 = arith.constant 16 : index
        %get3A_1031 = tpu.vector_load %arg13[%get3A_1029, %get3A_1030] {strides = array<i32>} : memref<128x64xf32, #tpu.memory_space<vmem>>, vector<16xf32>,
        %mul3A_1032 = arith.mulf %get3A_1025, %get3A_1028 : vector<16xf32>
        %add3A_1033 = arith.addf %add3A_1020, %mul3A_1032 : vector<16xf32>
        %mul3A_1034 = arith.mulf %get3A_1025, %get3A_1031 : vector<16xf32>
        %add3A_1035 = arith.addf %add3A_1022, %mul3A_1034 : vector<16xf32>
        %get3A_1036 = arith.index_cast %add3A_1005 : i32 to index
        %get3A_1037 = arith.constant 32 : index
        %get3A_1038 = tpu.vector_load %arg11[%get3A_1036, %get3A_1037] {strides = array<i32>} : memref<128x64xf32, #tpu.memory_space<vmem>>, vector<16xf32>,
        %get3A_1039 = arith.index_cast %add3A_1005 : i32 to index
        %get3A_1040 = arith.constant 32 : index
        %get3A_1041 = tpu.vector_load %arg12[%get3A_1039, %get3A_1040] {strides = array<i32>} : memref<128x64xf32, #tpu.memory_space<vmem>>, vector<16xf32>,
        %get3A_1042 = arith.index_cast %add3A_1005 : i32 to index
        %get3A_1043 = arith.constant 32 : index
        %get3A_1044 = tpu.vector_load %arg13[%get3A_1042, %get3A_1043] {strides = array<i32>} : memref<128x64xf32, #tpu.memory_space<vmem>>, vector<16xf32>,
        %mul3A_1045 = arith.mulf %get3A_1038, %get3A_1041 : vector<16xf32>
        %add3A_1046 = arith.addf %add3A_1033, %mul3A_1045 : vector<16xf32>
        %mul3A_1047 = arith.mulf %get3A_1038, %get3A_1044 : vector<16xf32>
        %add3A_1048 = arith.addf %add3A_1035, %mul3A_1047 : vector<16xf32>
        %get3A_1049 = arith.index_cast %add3A_1005 : i32 to index
        %get3A_1050 = arith.constant 48 : index
        %get3A_1051 = tpu.vector_load %arg11[%get3A_1049, %get3A_1050] {strides = array<i32>} : memref<128x64xf32, #tpu.memory_space<vmem>>, vector<16xf32>,
        %get3A_1052 = arith.index_cast %add3A_1005 : i32 to index
        %get3A_1053 = arith.constant 48 : index
        %get3A_1054 = tpu.vector_load %arg12[%get3A_1052, %get3A_1053] {strides = array<i32>} : memref<128x64xf32, #tpu.memory_space<vmem>>, vector<16xf32>,
        %get3A_1055 = arith.index_cast %add3A_1005 : i32 to index
        %get3A_1056 = arith.constant 48 : index
        %get3A_1057 = tpu.vector_load %arg13[%get3A_1055, %get3A_1056] {strides = array<i32>} : memref<128x64xf32, #tpu.memory_space<vmem>>, vector<16xf32>,
        %mul3A_1058 = arith.mulf %get3A_1051, %get3A_1054 : vector<16xf32>
        %add3A_1059 = arith.addf %add3A_1046, %mul3A_1058 : vector<16xf32>
        %mul3A_1060 = arith.mulf %get3A_1051, %get3A_1057 : vector<16xf32>
        %add3A_1061 = arith.addf %add3A_1048, %mul3A_1060 : vector<16xf32>
        %reduce_sum3A_1062 = arith.constant true
        %reduce_sum3A_1063 = vector.broadcast %reduce_sum3A_1062 : i1 to vector<16xi1>
        %reduce_sum3A_1064 = tpu.scan <sum>, %add3A_1059 masked %reduce_sum3A_1063 : vector<16xf32>, vector<16xi1> -> vector<16xf32>
        %reduce_sum3A_1065 = vector.extract %reduce_sum3A_1064[15] : f32 from vector<16xf32>
        %reduce_sum3A_1066 = arith.constant true
        %reduce_sum3A_1067 = vector.broadcast %reduce_sum3A_1066 : i1 to vector<16xi1>
        %reduce_sum3A_1068 = tpu.scan <sum>, %add3A_1061 masked %reduce_sum3A_1067 : vector<16xf32>, vector<16xi1> -> vector<16xf32>
        %reduce_sum3A_1069 = vector.extract %reduce_sum3A_1068[15] : f32 from vector<16xf32>
        %eq3A_1070 = arith.constant 12 : i32
        %eq3A_1071 = vector.broadcast %eq3A_1070 : i32 to vector<16xi32>
        %eq3A_1072 = arith.cmpi eq, %iota3A, %eq3A_1071 : vector<16xi32>
        %broadcast_in_dim3A_1073 = vector.broadcast %reduce_sum3A_1065 : f32 to vector<16xf32>
        %select_n3A_1074 = arith.select %eq3A_1072, %broadcast_in_dim3A_1073, %select_n3A_1001 : vector<16xi1>, vector<16xf32>
        %broadcast_in_dim3A_1075 = vector.broadcast %reduce_sum3A_1069 : f32 to vector<16xf32>
        %select_n3A_1076 = arith.select %eq3A_1072, %broadcast_in_dim3A_1075, %select_n3A_1003 : vector<16xi1>, vector<16xf32>
        %add3A_1077 = arith.constant 13 : i32
        %add3A_1078 = arith.addi %multiple_of3A_128, %add3A_1077 : i32
        %broadcast_in_dim3A_1079 = arith.constant 0.000000e+00 : f32
        %broadcast_in_dim3A_1080 = vector.broadcast %broadcast_in_dim3A_1079 : f32 to vector<16xf32>
        %broadcast_in_dim3A_1081 = arith.constant 0.000000e+00 : f32
        %broadcast_in_dim3A_1082 = vector.broadcast %broadcast_in_dim3A_1081 : f32 to vector<16xf32>
        %get3A_1083 = arith.index_cast %add3A_1078 : i32 to index
        %get3A_1084 = arith.constant 0 : index
        %get3A_1085 = tpu.vector_load %arg11[%get3A_1083, %get3A_1084] {strides = array<i32>} : memref<128x64xf32, #tpu.memory_space<vmem>>, vector<16xf32>,
        %get3A_1086 = arith.index_cast %add3A_1078 : i32 to index
        %get3A_1087 = arith.constant 0 : index
        %get3A_1088 = tpu.vector_load %arg12[%get3A_1086, %get3A_1087] {strides = array<i32>} : memref<128x64xf32, #tpu.memory_space<vmem>>, vector<16xf32>,
        %get3A_1089 = arith.index_cast %add3A_1078 : i32 to index
        %get3A_1090 = arith.constant 0 : index
        %get3A_1091 = tpu.vector_load %arg13[%get3A_1089, %get3A_1090] {strides = array<i32>} : memref<128x64xf32, #tpu.memory_space<vmem>>, vector<16xf32>,
        %mul3A_1092 = arith.mulf %get3A_1085, %get3A_1088 : vector<16xf32>
        %add3A_1093 = arith.addf %broadcast_in_dim3A_1080, %mul3A_1092 : vector<16xf32>
        %mul3A_1094 = arith.mulf %get3A_1085, %get3A_1091 : vector<16xf32>
        %add3A_1095 = arith.addf %broadcast_in_dim3A_1082, %mul3A_1094 : vector<16xf32>
        %get3A_1096 = arith.index_cast %add3A_1078 : i32 to index
        %get3A_1097 = arith.constant 16 : index
        %get3A_1098 = tpu.vector_load %arg11[%get3A_1096, %get3A_1097] {strides = array<i32>} : memref<128x64xf32, #tpu.memory_space<vmem>>, vector<16xf32>,
        %get3A_1099 = arith.index_cast %add3A_1078 : i32 to index
        %get3A_1100 = arith.constant 16 : index
        %get3A_1101 = tpu.vector_load %arg12[%get3A_1099, %get3A_1100] {strides = array<i32>} : memref<128x64xf32, #tpu.memory_space<vmem>>, vector<16xf32>,
        %get3A_1102 = arith.index_cast %add3A_1078 : i32 to index
        %get3A_1103 = arith.constant 16 : index
        %get3A_1104 = tpu.vector_load %arg13[%get3A_1102, %get3A_1103] {strides = array<i32>} : memref<128x64xf32, #tpu.memory_space<vmem>>, vector<16xf32>,
        %mul3A_1105 = arith.mulf %get3A_1098, %get3A_1101 : vector<16xf32>
        %add3A_1106 = arith.addf %add3A_1093, %mul3A_1105 : vector<16xf32>
        %mul3A_1107 = arith.mulf %get3A_1098, %get3A_1104 : vector<16xf32>
        %add3A_1108 = arith.addf %add3A_1095, %mul3A_1107 : vector<16xf32>
        %get3A_1109 = arith.index_cast %add3A_1078 : i32 to index
        %get3A_1110 = arith.constant 32 : index
        %get3A_1111 = tpu.vector_load %arg11[%get3A_1109, %get3A_1110] {strides = array<i32>} : memref<128x64xf32, #tpu.memory_space<vmem>>, vector<16xf32>,
        %get3A_1112 = arith.index_cast %add3A_1078 : i32 to index
        %get3A_1113 = arith.constant 32 : index
        %get3A_1114 = tpu.vector_load %arg12[%get3A_1112, %get3A_1113] {strides = array<i32>} : memref<128x64xf32, #tpu.memory_space<vmem>>, vector<16xf32>,
        %get3A_1115 = arith.index_cast %add3A_1078 : i32 to index
        %get3A_1116 = arith.constant 32 : index
        %get3A_1117 = tpu.vector_load %arg13[%get3A_1115, %get3A_1116] {strides = array<i32>} : memref<128x64xf32, #tpu.memory_space<vmem>>, vector<16xf32>,
        %mul3A_1118 = arith.mulf %get3A_1111, %get3A_1114 : vector<16xf32>
        %add3A_1119 = arith.addf %add3A_1106, %mul3A_1118 : vector<16xf32>
        %mul3A_1120 = arith.mulf %get3A_1111, %get3A_1117 : vector<16xf32>
        %add3A_1121 = arith.addf %add3A_1108, %mul3A_1120 : vector<16xf32>
        %get3A_1122 = arith.index_cast %add3A_1078 : i32 to index
        %get3A_1123 = arith.constant 48 : index
        %get3A_1124 = tpu.vector_load %arg11[%get3A_1122, %get3A_1123] {strides = array<i32>} : memref<128x64xf32, #tpu.memory_space<vmem>>, vector<16xf32>,
        %get3A_1125 = arith.index_cast %add3A_1078 : i32 to index
        %get3A_1126 = arith.constant 48 : index
        %get3A_1127 = tpu.vector_load %arg12[%get3A_1125, %get3A_1126] {strides = array<i32>} : memref<128x64xf32, #tpu.memory_space<vmem>>, vector<16xf32>,
        %get3A_1128 = arith.index_cast %add3A_1078 : i32 to index
        %get3A_1129 = arith.constant 48 : index
        %get3A_1130 = tpu.vector_load %arg13[%get3A_1128, %get3A_1129] {strides = array<i32>} : memref<128x64xf32, #tpu.memory_space<vmem>>, vector<16xf32>,
        %mul3A_1131 = arith.mulf %get3A_1124, %get3A_1127 : vector<16xf32>
        %add3A_1132 = arith.addf %add3A_1119, %mul3A_1131 : vector<16xf32>
        %mul3A_1133 = arith.mulf %get3A_1124, %get3A_1130 : vector<16xf32>
        %add3A_1134 = arith.addf %add3A_1121, %mul3A_1133 : vector<16xf32>
        %reduce_sum3A_1135 = arith.constant true
        %reduce_sum3A_1136 = vector.broadcast %reduce_sum3A_1135 : i1 to vector<16xi1>
        %reduce_sum3A_1137 = tpu.scan <sum>, %add3A_1132 masked %reduce_sum3A_1136 : vector<16xf32>, vector<16xi1> -> vector<16xf32>
        %reduce_sum3A_1138 = vector.extract %reduce_sum3A_1137[15] : f32 from vector<16xf32>
        %reduce_sum3A_1139 = arith.constant true
        %reduce_sum3A_1140 = vector.broadcast %reduce_sum3A_1139 : i1 to vector<16xi1>
        %reduce_sum3A_1141 = tpu.scan <sum>, %add3A_1134 masked %reduce_sum3A_1140 : vector<16xf32>, vector<16xi1> -> vector<16xf32>
        %reduce_sum3A_1142 = vector.extract %reduce_sum3A_1141[15] : f32 from vector<16xf32>
        %eq3A_1143 = arith.constant 13 : i32
        %eq3A_1144 = vector.broadcast %eq3A_1143 : i32 to vector<16xi32>
        %eq3A_1145 = arith.cmpi eq, %iota3A, %eq3A_1144 : vector<16xi32>
        %broadcast_in_dim3A_1146 = vector.broadcast %reduce_sum3A_1138 : f32 to vector<16xf32>
        %select_n3A_1147 = arith.select %eq3A_1145, %broadcast_in_dim3A_1146, %select_n3A_1074 : vector<16xi1>, vector<16xf32>
        %broadcast_in_dim3A_1148 = vector.broadcast %reduce_sum3A_1142 : f32 to vector<16xf32>
        %select_n3A_1149 = arith.select %eq3A_1145, %broadcast_in_dim3A_1148, %select_n3A_1076 : vector<16xi1>, vector<16xf32>
        %add3A_1150 = arith.constant 14 : i32
        %add3A_1151 = arith.addi %multiple_of3A_128, %add3A_1150 : i32
        %broadcast_in_dim3A_1152 = arith.constant 0.000000e+00 : f32
        %broadcast_in_dim3A_1153 = vector.broadcast %broadcast_in_dim3A_1152 : f32 to vector<16xf32>
        %broadcast_in_dim3A_1154 = arith.constant 0.000000e+00 : f32
        %broadcast_in_dim3A_1155 = vector.broadcast %broadcast_in_dim3A_1154 : f32 to vector<16xf32>
        %get3A_1156 = arith.index_cast %add3A_1151 : i32 to index
        %get3A_1157 = arith.constant 0 : index
        %get3A_1158 = tpu.vector_load %arg11[%get3A_1156, %get3A_1157] {strides = array<i32>} : memref<128x64xf32, #tpu.memory_space<vmem>>, vector<16xf32>,
        %get3A_1159 = arith.index_cast %add3A_1151 : i32 to index
        %get3A_1160 = arith.constant 0 : index
        %get3A_1161 = tpu.vector_load %arg12[%get3A_1159, %get3A_1160] {strides = array<i32>} : memref<128x64xf32, #tpu.memory_space<vmem>>, vector<16xf32>,
        %get3A_1162 = arith.index_cast %add3A_1151 : i32 to index
        %get3A_1163 = arith.constant 0 : index
        %get3A_1164 = tpu.vector_load %arg13[%get3A_1162, %get3A_1163] {strides = array<i32>} : memref<128x64xf32, #tpu.memory_space<vmem>>, vector<16xf32>,
        %mul3A_1165 = arith.mulf %get3A_1158, %get3A_1161 : vector<16xf32>
        %add3A_1166 = arith.addf %broadcast_in_dim3A_1153, %mul3A_1165 : vector<16xf32>
        %mul3A_1167 = arith.mulf %get3A_1158, %get3A_1164 : vector<16xf32>
        %add3A_1168 = arith.addf %broadcast_in_dim3A_1155, %mul3A_1167 : vector<16xf32>
        %get3A_1169 = arith.index_cast %add3A_1151 : i32 to index
        %get3A_1170 = arith.constant 16 : index
        %get3A_1171 = tpu.vector_load %arg11[%get3A_1169, %get3A_1170] {strides = array<i32>} : memref<128x64xf32, #tpu.memory_space<vmem>>, vector<16xf32>,
        %get3A_1172 = arith.index_cast %add3A_1151 : i32 to index
        %get3A_1173 = arith.constant 16 : index
        %get3A_1174 = tpu.vector_load %arg12[%get3A_1172, %get3A_1173] {strides = array<i32>} : memref<128x64xf32, #tpu.memory_space<vmem>>, vector<16xf32>,
        %get3A_1175 = arith.index_cast %add3A_1151 : i32 to index
        %get3A_1176 = arith.constant 16 : index
        %get3A_1177 = tpu.vector_load %arg13[%get3A_1175, %get3A_1176] {strides = array<i32>} : memref<128x64xf32, #tpu.memory_space<vmem>>, vector<16xf32>,
        %mul3A_1178 = arith.mulf %get3A_1171, %get3A_1174 : vector<16xf32>
        %add3A_1179 = arith.addf %add3A_1166, %mul3A_1178 : vector<16xf32>
        %mul3A_1180 = arith.mulf %get3A_1171, %get3A_1177 : vector<16xf32>
        %add3A_1181 = arith.addf %add3A_1168, %mul3A_1180 : vector<16xf32>
        %get3A_1182 = arith.index_cast %add3A_1151 : i32 to index
        %get3A_1183 = arith.constant 32 : index
        %get3A_1184 = tpu.vector_load %arg11[%get3A_1182, %get3A_1183] {strides = array<i32>} : memref<128x64xf32, #tpu.memory_space<vmem>>, vector<16xf32>,
        %get3A_1185 = arith.index_cast %add3A_1151 : i32 to index
        %get3A_1186 = arith.constant 32 : index
        %get3A_1187 = tpu.vector_load %arg12[%get3A_1185, %get3A_1186] {strides = array<i32>} : memref<128x64xf32, #tpu.memory_space<vmem>>, vector<16xf32>,
        %get3A_1188 = arith.index_cast %add3A_1151 : i32 to index
        %get3A_1189 = arith.constant 32 : index
        %get3A_1190 = tpu.vector_load %arg13[%get3A_1188, %get3A_1189] {strides = array<i32>} : memref<128x64xf32, #tpu.memory_space<vmem>>, vector<16xf32>,
        %mul3A_1191 = arith.mulf %get3A_1184, %get3A_1187 : vector<16xf32>
        %add3A_1192 = arith.addf %add3A_1179, %mul3A_1191 : vector<16xf32>
        %mul3A_1193 = arith.mulf %get3A_1184, %get3A_1190 : vector<16xf32>
        %add3A_1194 = arith.addf %add3A_1181, %mul3A_1193 : vector<16xf32>
        %get3A_1195 = arith.index_cast %add3A_1151 : i32 to index
        %get3A_1196 = arith.constant 48 : index
        %get3A_1197 = tpu.vector_load %arg11[%get3A_1195, %get3A_1196] {strides = array<i32>} : memref<128x64xf32, #tpu.memory_space<vmem>>, vector<16xf32>,
        %get3A_1198 = arith.index_cast %add3A_1151 : i32 to index
        %get3A_1199 = arith.constant 48 : index
        %get3A_1200 = tpu.vector_load %arg12[%get3A_1198, %get3A_1199] {strides = array<i32>} : memref<128x64xf32, #tpu.memory_space<vmem>>, vector<16xf32>,
        %get3A_1201 = arith.index_cast %add3A_1151 : i32 to index
        %get3A_1202 = arith.constant 48 : index
        %get3A_1203 = tpu.vector_load %arg13[%get3A_1201, %get3A_1202] {strides = array<i32>} : memref<128x64xf32, #tpu.memory_space<vmem>>, vector<16xf32>,
        %mul3A_1204 = arith.mulf %get3A_1197, %get3A_1200 : vector<16xf32>
        %add3A_1205 = arith.addf %add3A_1192, %mul3A_1204 : vector<16xf32>
        %mul3A_1206 = arith.mulf %get3A_1197, %get3A_1203 : vector<16xf32>
        %add3A_1207 = arith.addf %add3A_1194, %mul3A_1206 : vector<16xf32>
        %reduce_sum3A_1208 = arith.constant true
        %reduce_sum3A_1209 = vector.broadcast %reduce_sum3A_1208 : i1 to vector<16xi1>
        %reduce_sum3A_1210 = tpu.scan <sum>, %add3A_1205 masked %reduce_sum3A_1209 : vector<16xf32>, vector<16xi1> -> vector<16xf32>
        %reduce_sum3A_1211 = vector.extract %reduce_sum3A_1210[15] : f32 from vector<16xf32>
        %reduce_sum3A_1212 = arith.constant true
        %reduce_sum3A_1213 = vector.broadcast %reduce_sum3A_1212 : i1 to vector<16xi1>
        %reduce_sum3A_1214 = tpu.scan <sum>, %add3A_1207 masked %reduce_sum3A_1213 : vector<16xf32>, vector<16xi1> -> vector<16xf32>
        %reduce_sum3A_1215 = vector.extract %reduce_sum3A_1214[15] : f32 from vector<16xf32>
        %eq3A_1216 = arith.constant 14 : i32
        %eq3A_1217 = vector.broadcast %eq3A_1216 : i32 to vector<16xi32>
        %eq3A_1218 = arith.cmpi eq, %iota3A, %eq3A_1217 : vector<16xi32>
        %broadcast_in_dim3A_1219 = vector.broadcast %reduce_sum3A_1211 : f32 to vector<16xf32>
        %select_n3A_1220 = arith.select %eq3A_1218, %broadcast_in_dim3A_1219, %select_n3A_1147 : vector<16xi1>, vector<16xf32>
        %broadcast_in_dim3A_1221 = vector.broadcast %reduce_sum3A_1215 : f32 to vector<16xf32>
        %select_n3A_1222 = arith.select %eq3A_1218, %broadcast_in_dim3A_1221, %select_n3A_1149 : vector<16xi1>, vector<16xf32>
        %add3A_1223 = arith.constant 15 : i32
        %add3A_1224 = arith.addi %multiple_of3A_128, %add3A_1223 : i32
        %broadcast_in_dim3A_1225 = arith.constant 0.000000e+00 : f32
        %broadcast_in_dim3A_1226 = vector.broadcast %broadcast_in_dim3A_1225 : f32 to vector<16xf32>
        %broadcast_in_dim3A_1227 = arith.constant 0.000000e+00 : f32
        %broadcast_in_dim3A_1228 = vector.broadcast %broadcast_in_dim3A_1227 : f32 to vector<16xf32>
        %get3A_1229 = arith.index_cast %add3A_1224 : i32 to index
        %get3A_1230 = arith.constant 0 : index
        %get3A_1231 = tpu.vector_load %arg11[%get3A_1229, %get3A_1230] {strides = array<i32>} : memref<128x64xf32, #tpu.memory_space<vmem>>, vector<16xf32>,
        %get3A_1232 = arith.index_cast %add3A_1224 : i32 to index
        %get3A_1233 = arith.constant 0 : index
        %get3A_1234 = tpu.vector_load %arg12[%get3A_1232, %get3A_1233] {strides = array<i32>} : memref<128x64xf32, #tpu.memory_space<vmem>>, vector<16xf32>,
        %get3A_1235 = arith.index_cast %add3A_1224 : i32 to index
        %get3A_1236 = arith.constant 0 : index
        %get3A_1237 = tpu.vector_load %arg13[%get3A_1235, %get3A_1236] {strides = array<i32>} : memref<128x64xf32, #tpu.memory_space<vmem>>, vector<16xf32>,
        %mul3A_1238 = arith.mulf %get3A_1231, %get3A_1234 : vector<16xf32>
        %add3A_1239 = arith.addf %broadcast_in_dim3A_1226, %mul3A_1238 : vector<16xf32>
        %mul3A_1240 = arith.mulf %get3A_1231, %get3A_1237 : vector<16xf32>
        %add3A_1241 = arith.addf %broadcast_in_dim3A_1228, %mul3A_1240 : vector<16xf32>
        %get3A_1242 = arith.index_cast %add3A_1224 : i32 to index
        %get3A_1243 = arith.constant 16 : index
        %get3A_1244 = tpu.vector_load %arg11[%get3A_1242, %get3A_1243] {strides = array<i32>} : memref<128x64xf32, #tpu.memory_space<vmem>>, vector<16xf32>,
        %get3A_1245 = arith.index_cast %add3A_1224 : i32 to index
        %get3A_1246 = arith.constant 16 : index
        %get3A_1247 = tpu.vector_load %arg12[%get3A_1245, %get3A_1246] {strides = array<i32>} : memref<128x64xf32, #tpu.memory_space<vmem>>, vector<16xf32>,
        %get3A_1248 = arith.index_cast %add3A_1224 : i32 to index
        %get3A_1249 = arith.constant 16 : index
        %get3A_1250 = tpu.vector_load %arg13[%get3A_1248, %get3A_1249] {strides = array<i32>} : memref<128x64xf32, #tpu.memory_space<vmem>>, vector<16xf32>,
        %mul3A_1251 = arith.mulf %get3A_1244, %get3A_1247 : vector<16xf32>
        %add3A_1252 = arith.addf %add3A_1239, %mul3A_1251 : vector<16xf32>
        %mul3A_1253 = arith.mulf %get3A_1244, %get3A_1250 : vector<16xf32>
        %add3A_1254 = arith.addf %add3A_1241, %mul3A_1253 : vector<16xf32>
        %get3A_1255 = arith.index_cast %add3A_1224 : i32 to index
        %get3A_1256 = arith.constant 32 : index
        %get3A_1257 = tpu.vector_load %arg11[%get3A_1255, %get3A_1256] {strides = array<i32>} : memref<128x64xf32, #tpu.memory_space<vmem>>, vector<16xf32>,
        %get3A_1258 = arith.index_cast %add3A_1224 : i32 to index
        %get3A_1259 = arith.constant 32 : index
        %get3A_1260 = tpu.vector_load %arg12[%get3A_1258, %get3A_1259] {strides = array<i32>} : memref<128x64xf32, #tpu.memory_space<vmem>>, vector<16xf32>,
        %get3A_1261 = arith.index_cast %add3A_1224 : i32 to index
        %get3A_1262 = arith.constant 32 : index
        %get3A_1263 = tpu.vector_load %arg13[%get3A_1261, %get3A_1262] {strides = array<i32>} : memref<128x64xf32, #tpu.memory_space<vmem>>, vector<16xf32>,
        %mul3A_1264 = arith.mulf %get3A_1257, %get3A_1260 : vector<16xf32>
        %add3A_1265 = arith.addf %add3A_1252, %mul3A_1264 : vector<16xf32>
        %mul3A_1266 = arith.mulf %get3A_1257, %get3A_1263 : vector<16xf32>
        %add3A_1267 = arith.addf %add3A_1254, %mul3A_1266 : vector<16xf32>
        %get3A_1268 = arith.index_cast %add3A_1224 : i32 to index
        %get3A_1269 = arith.constant 48 : index
        %get3A_1270 = tpu.vector_load %arg11[%get3A_1268, %get3A_1269] {strides = array<i32>} : memref<128x64xf32, #tpu.memory_space<vmem>>, vector<16xf32>,
        %get3A_1271 = arith.index_cast %add3A_1224 : i32 to index
        %get3A_1272 = arith.constant 48 : index
        %get3A_1273 = tpu.vector_load %arg12[%get3A_1271, %get3A_1272] {strides = array<i32>} : memref<128x64xf32, #tpu.memory_space<vmem>>, vector<16xf32>,
        %get3A_1274 = arith.index_cast %add3A_1224 : i32 to index
        %get3A_1275 = arith.constant 48 : index
        %get3A_1276 = tpu.vector_load %arg13[%get3A_1274, %get3A_1275] {strides = array<i32>} : memref<128x64xf32, #tpu.memory_space<vmem>>, vector<16xf32>,
        %mul3A_1277 = arith.mulf %get3A_1270, %get3A_1273 : vector<16xf32>
        %add3A_1278 = arith.addf %add3A_1265, %mul3A_1277 : vector<16xf32>
        %mul3A_1279 = arith.mulf %get3A_1270, %get3A_1276 : vector<16xf32>
        %add3A_1280 = arith.addf %add3A_1267, %mul3A_1279 : vector<16xf32>
        %reduce_sum3A_1281 = arith.constant true
        %reduce_sum3A_1282 = vector.broadcast %reduce_sum3A_1281 : i1 to vector<16xi1>
        %reduce_sum3A_1283 = tpu.scan <sum>, %add3A_1278 masked %reduce_sum3A_1282 : vector<16xf32>, vector<16xi1> -> vector<16xf32>
        %reduce_sum3A_1284 = vector.extract %reduce_sum3A_1283[15] : f32 from vector<16xf32>
        %reduce_sum3A_1285 = arith.constant true
        %reduce_sum3A_1286 = vector.broadcast %reduce_sum3A_1285 : i1 to vector<16xi1>
        %reduce_sum3A_1287 = tpu.scan <sum>, %add3A_1280 masked %reduce_sum3A_1286 : vector<16xf32>, vector<16xi1> -> vector<16xf32>
        %reduce_sum3A_1288 = vector.extract %reduce_sum3A_1287[15] : f32 from vector<16xf32>
        %eq3A_1289 = arith.constant 15 : i32
        %eq3A_1290 = vector.broadcast %eq3A_1289 : i32 to vector<16xi32>
        %eq3A_1291 = arith.cmpi eq, %iota3A, %eq3A_1290 : vector<16xi32>
        %broadcast_in_dim3A_1292 = vector.broadcast %reduce_sum3A_1284 : f32 to vector<16xf32>
        %select_n3A_1293 = arith.select %eq3A_1291, %broadcast_in_dim3A_1292, %select_n3A_1220 : vector<16xi1>, vector<16xf32>
        %broadcast_in_dim3A_1294 = vector.broadcast %reduce_sum3A_1288 : f32 to vector<16xf32>
        %select_n3A_1295 = arith.select %eq3A_1291, %broadcast_in_dim3A_1294, %select_n3A_1222 : vector<16xi1>, vector<16xf32>
        %add3A_1296 = arith.addi %multiple_of3A_73, %multiple_of3A_128 : i32
        %swap3A = arith.index_cast %add3A_1296 : i32 to index
        %swap3A_1297 = tpu.vector_load %arg17[%swap3A] {strides = array<i32>} : memref<10240xf32, #tpu.memory_space<vmem>>, vector<16xf32>,
        tpu.vector_store %arg17[%swap3A], %select_n3A_1293 {strides = array<i32>} : memref<10240xf32, #tpu.memory_space<vmem>>, vector<16xf32>,
        %add3A_1298 = arith.addi %multiple_of3A_73, %multiple_of3A_128 : i32
        %swap3A_1299 = arith.index_cast %add3A_1298 : i32 to index
        %swap3A_1300 = tpu.vector_load %arg18[%swap3A_1299] {strides = array<i32>} : memref<10240xf32, #tpu.memory_space<vmem>>, vector<16xf32>,
        tpu.vector_store %arg18[%swap3A_1299], %select_n3A_1295 {strides = array<i32>} : memref<10240xf32, #tpu.memory_space<vmem>>, vector<16xf32>,
      }
      %scan3A_79 = arith.constant 8 : i32
      %add3A_80 = arith.constant 2 : i32
      %add3A_81 = arith.addi %mul3A_37, %add3A_80 : i32
      %min3A_82 = arith.constant 79 : i32
      %min3A_83 = arith.minsi %add3A_81, %min3A_82 : i32
      %mul3A_84 = arith.constant 128 : i32
      %mul3A_85 = arith.muli %min3A_83, %mul3A_84 : i32
      %multiple_of3A_86 = tpu.assume_multiple %mul3A_85, 8 : i32
      %dma_start3A_87 = tpu.memref_slice %arg9[%multiple_of3A_86] : memref<10240xi32, #tpu.memory_space<vmem>> -> memref<128xi32, #tpu.memory_space<vmem>>
      %dma_start3A_88 = arith.constant 0 : i32
      %dma_start3A_89 = arith.constant 0 : i32
      %dma_start3A_90 = tpu.memref_slice %arg2[%dma_start3A_88, %dma_start3A_89] : memref<1000000x64xf32, #tpu.memory_space<hbm>> -> memref<1000000x64xf32, #tpu.memory_space<hbm>>
      tpu.enqueue_indirect_dma source(%dma_start3A_90 : memref<1000000x64xf32, #tpu.memory_space<hbm>>) target(%arg11 : memref<128x64xf32, #tpu.memory_space<vmem>>) offsets(%dma_start3A_87 : memref<128xi32, #tpu.memory_space<vmem>>) semaphore(%arg19 : memref<!tpu.dma_semaphore, #tpu.memory_space<semaphore_mem>>)
      %dma_start3A_91 = tpu.memref_slice %arg10[%multiple_of3A_86] : memref<10240xi32, #tpu.memory_space<vmem>> -> memref<128xi32, #tpu.memory_space<vmem>>
      %dma_start3A_92 = arith.constant 0 : i32
      %dma_start3A_93 = arith.constant 0 : i32
      %dma_start3A_94 = tpu.memref_slice %arg3[%dma_start3A_92, %dma_start3A_93] : memref<100000x64xf32, #tpu.memory_space<hbm>> -> memref<100000x64xf32, #tpu.memory_space<hbm>>
      tpu.enqueue_indirect_dma source(%dma_start3A_94 : memref<100000x64xf32, #tpu.memory_space<hbm>>) target(%arg12 : memref<128x64xf32, #tpu.memory_space<vmem>>) offsets(%dma_start3A_91 : memref<128xi32, #tpu.memory_space<vmem>>) semaphore(%arg19 : memref<!tpu.dma_semaphore, #tpu.memory_space<semaphore_mem>>)
      %dma_start3A_95 = tpu.memref_slice %arg10[%multiple_of3A_86] : memref<10240xi32, #tpu.memory_space<vmem>> -> memref<128xi32, #tpu.memory_space<vmem>>
      %dma_start3A_96 = arith.constant 0 : i32
      %dma_start3A_97 = arith.constant 0 : i32
      %dma_start3A_98 = tpu.memref_slice %arg4[%dma_start3A_96, %dma_start3A_97] : memref<100000x64xf32, #tpu.memory_space<hbm>> -> memref<100000x64xf32, #tpu.memory_space<hbm>>
      tpu.enqueue_indirect_dma source(%dma_start3A_98 : memref<100000x64xf32, #tpu.memory_space<hbm>>) target(%arg13 : memref<128x64xf32, #tpu.memory_space<vmem>>) offsets(%dma_start3A_95 : memref<128xi32, #tpu.memory_space<vmem>>) semaphore(%arg19 : memref<!tpu.dma_semaphore, #tpu.memory_space<semaphore_mem>>)
      %dma_wait3A_99 = arith.constant 0 : i32
      %dma_wait3A_100 = tpu.memref_slice %arg9[%dma_wait3A_99] : memref<10240xi32, #tpu.memory_space<vmem>> -> memref<128xi32, #tpu.memory_space<vmem>>
      %dma_wait3A_101 = arith.constant 0 : i32
      %dma_wait3A_102 = arith.constant 0 : i32
      %dma_wait3A_103 = tpu.memref_slice %arg2[%dma_wait3A_101, %dma_wait3A_102] : memref<1000000x64xf32, #tpu.memory_space<hbm>> -> memref<1000000x64xf32, #tpu.memory_space<hbm>>
      tpu.wait_indirect_dma semaphore(%arg20 : memref<!tpu.dma_semaphore, #tpu.memory_space<semaphore_mem>>) src(%dma_wait3A_103 : memref<1000000x64xf32, #tpu.memory_space<hbm>>) dst(%arg14 : memref<128x64xf32, #tpu.memory_space<vmem>>)
      %dma_wait3A_104 = arith.constant 0 : i32
      %dma_wait3A_105 = tpu.memref_slice %arg10[%dma_wait3A_104] : memref<10240xi32, #tpu.memory_space<vmem>> -> memref<128xi32, #tpu.memory_space<vmem>>
      %dma_wait3A_106 = arith.constant 0 : i32
      %dma_wait3A_107 = arith.constant 0 : i32
      %dma_wait3A_108 = tpu.memref_slice %arg3[%dma_wait3A_106, %dma_wait3A_107] : memref<100000x64xf32, #tpu.memory_space<hbm>> -> memref<100000x64xf32, #tpu.memory_space<hbm>>
      tpu.wait_indirect_dma semaphore(%arg20 : memref<!tpu.dma_semaphore, #tpu.memory_space<semaphore_mem>>) src(%dma_wait3A_108 : memref<100000x64xf32, #tpu.memory_space<hbm>>) dst(%arg15 : memref<128x64xf32, #tpu.memory_space<vmem>>)
      %dma_wait3A_109 = arith.constant 0 : i32
      %dma_wait3A_110 = tpu.memref_slice %arg10[%dma_wait3A_109] : memref<10240xi32, #tpu.memory_space<vmem>> -> memref<128xi32, #tpu.memory_space<vmem>>
      %dma_wait3A_111 = arith.constant 0 : i32
      %dma_wait3A_112 = arith.constant 0 : i32
      %dma_wait3A_113 = tpu.memref_slice %arg4[%dma_wait3A_111, %dma_wait3A_112] : memref<100000x64xf32, #tpu.memory_space<hbm>> -> memref<100000x64xf32, #tpu.memory_space<hbm>>
      tpu.wait_indirect_dma semaphore(%arg20 : memref<!tpu.dma_semaphore, #tpu.memory_space<semaphore_mem>>) src(%dma_wait3A_113 : memref<100000x64xf32, #tpu.memory_space<hbm>>) dst(%arg16 : memref<128x64xf32, #tpu.memory_space<vmem>>)
      %add3A_114 = arith.constant 1 : i32
      %add3A_115 = arith.addi %mul3A_37, %add3A_114 : i32
      %mul3A_116 = arith.constant 128 : i32
      %mul3A_117 = arith.muli %add3A_115, %mul3A_116 : i32
      %multiple_of3A_118 = tpu.assume_multiple %mul3A_117, 16 : i32
      %scan3A_119 = arith.constant 0 : i32
      %scan3A_120 = arith.constant 0 : i32
      %scan3A_121 = arith.constant 8 : i32
      %scan3A_122 = arith.addi %scan3A_120, %scan3A_121 : i32
      %scan3A_123 = arith.constant 1 : i32
      scf.for %scan3A_125 = %scan3A_120 to %scan3A_122 step %scan3A_123  : i32 {
        %mul3A_126 = arith.constant 16 : i32
        %mul3A_127 = arith.muli %scan3A_125, %mul3A_126 : i32
        %multiple_of3A_128 = tpu.assume_multiple %mul3A_127, 16 : i32
        %broadcast_in_dim3A = arith.constant 0.000000e+00 : f32
        %broadcast_in_dim3A_129 = vector.broadcast %broadcast_in_dim3A : f32 to vector<16xf32>
        %broadcast_in_dim3A_130 = arith.constant 0.000000e+00 : f32
        %broadcast_in_dim3A_131 = vector.broadcast %broadcast_in_dim3A_130 : f32 to vector<16xf32>
        %add3A_132 = arith.constant 0 : i32
        %add3A_133 = arith.addi %multiple_of3A_128, %add3A_132 : i32
        %broadcast_in_dim3A_134 = arith.constant 0.000000e+00 : f32
        %broadcast_in_dim3A_135 = vector.broadcast %broadcast_in_dim3A_134 : f32 to vector<16xf32>
        %broadcast_in_dim3A_136 = arith.constant 0.000000e+00 : f32
        %broadcast_in_dim3A_137 = vector.broadcast %broadcast_in_dim3A_136 : f32 to vector<16xf32>
        %get3A = arith.index_cast %add3A_133 : i32 to index
        %get3A_138 = arith.constant 0 : index
        %get3A_139 = tpu.vector_load %arg14[%get3A, %get3A_138] {strides = array<i32>} : memref<128x64xf32, #tpu.memory_space<vmem>>, vector<16xf32>,
        %get3A_140 = arith.index_cast %add3A_133 : i32 to index
        %get3A_141 = arith.constant 0 : index
        %get3A_142 = tpu.vector_load %arg15[%get3A_140, %get3A_141] {strides = array<i32>} : memref<128x64xf32, #tpu.memory_space<vmem>>, vector<16xf32>,
        %get3A_143 = arith.index_cast %add3A_133 : i32 to index
        %get3A_144 = arith.constant 0 : index
        %get3A_145 = tpu.vector_load %arg16[%get3A_143, %get3A_144] {strides = array<i32>} : memref<128x64xf32, #tpu.memory_space<vmem>>, vector<16xf32>,
        %mul3A_146 = arith.mulf %get3A_139, %get3A_142 : vector<16xf32>
        %add3A_147 = arith.addf %broadcast_in_dim3A_135, %mul3A_146 : vector<16xf32>
        %mul3A_148 = arith.mulf %get3A_139, %get3A_145 : vector<16xf32>
        %add3A_149 = arith.addf %broadcast_in_dim3A_137, %mul3A_148 : vector<16xf32>
        %get3A_150 = arith.index_cast %add3A_133 : i32 to index
        %get3A_151 = arith.constant 16 : index
        %get3A_152 = tpu.vector_load %arg14[%get3A_150, %get3A_151] {strides = array<i32>} : memref<128x64xf32, #tpu.memory_space<vmem>>, vector<16xf32>,
        %get3A_153 = arith.index_cast %add3A_133 : i32 to index
        %get3A_154 = arith.constant 16 : index
        %get3A_155 = tpu.vector_load %arg15[%get3A_153, %get3A_154] {strides = array<i32>} : memref<128x64xf32, #tpu.memory_space<vmem>>, vector<16xf32>,
        %get3A_156 = arith.index_cast %add3A_133 : i32 to index
        %get3A_157 = arith.constant 16 : index
        %get3A_158 = tpu.vector_load %arg16[%get3A_156, %get3A_157] {strides = array<i32>} : memref<128x64xf32, #tpu.memory_space<vmem>>, vector<16xf32>,
        %mul3A_159 = arith.mulf %get3A_152, %get3A_155 : vector<16xf32>
        %add3A_160 = arith.addf %add3A_147, %mul3A_159 : vector<16xf32>
        %mul3A_161 = arith.mulf %get3A_152, %get3A_158 : vector<16xf32>
        %add3A_162 = arith.addf %add3A_149, %mul3A_161 : vector<16xf32>
        %get3A_163 = arith.index_cast %add3A_133 : i32 to index
        %get3A_164 = arith.constant 32 : index
        %get3A_165 = tpu.vector_load %arg14[%get3A_163, %get3A_164] {strides = array<i32>} : memref<128x64xf32, #tpu.memory_space<vmem>>, vector<16xf32>,
        %get3A_166 = arith.index_cast %add3A_133 : i32 to index
        %get3A_167 = arith.constant 32 : index
        %get3A_168 = tpu.vector_load %arg15[%get3A_166, %get3A_167] {strides = array<i32>} : memref<128x64xf32, #tpu.memory_space<vmem>>, vector<16xf32>,
        %get3A_169 = arith.index_cast %add3A_133 : i32 to index
        %get3A_170 = arith.constant 32 : index
        %get3A_171 = tpu.vector_load %arg16[%get3A_169, %get3A_170] {strides = array<i32>} : memref<128x64xf32, #tpu.memory_space<vmem>>, vector<16xf32>,
        %mul3A_172 = arith.mulf %get3A_165, %get3A_168 : vector<16xf32>
        %add3A_173 = arith.addf %add3A_160, %mul3A_172 : vector<16xf32>
        %mul3A_174 = arith.mulf %get3A_165, %get3A_171 : vector<16xf32>
        %add3A_175 = arith.addf %add3A_162, %mul3A_174 : vector<16xf32>
        %get3A_176 = arith.index_cast %add3A_133 : i32 to index
        %get3A_177 = arith.constant 48 : index
        %get3A_178 = tpu.vector_load %arg14[%get3A_176, %get3A_177] {strides = array<i32>} : memref<128x64xf32, #tpu.memory_space<vmem>>, vector<16xf32>,
        %get3A_179 = arith.index_cast %add3A_133 : i32 to index
        %get3A_180 = arith.constant 48 : index
        %get3A_181 = tpu.vector_load %arg15[%get3A_179, %get3A_180] {strides = array<i32>} : memref<128x64xf32, #tpu.memory_space<vmem>>, vector<16xf32>,
        %get3A_182 = arith.index_cast %add3A_133 : i32 to index
        %get3A_183 = arith.constant 48 : index
        %get3A_184 = tpu.vector_load %arg16[%get3A_182, %get3A_183] {strides = array<i32>} : memref<128x64xf32, #tpu.memory_space<vmem>>, vector<16xf32>,
        %mul3A_185 = arith.mulf %get3A_178, %get3A_181 : vector<16xf32>
        %add3A_186 = arith.addf %add3A_173, %mul3A_185 : vector<16xf32>
        %mul3A_187 = arith.mulf %get3A_178, %get3A_184 : vector<16xf32>
        %add3A_188 = arith.addf %add3A_175, %mul3A_187 : vector<16xf32>
        %reduce_sum3A = arith.constant true
        %reduce_sum3A_189 = vector.broadcast %reduce_sum3A : i1 to vector<16xi1>
        %reduce_sum3A_190 = tpu.scan <sum>, %add3A_186 masked %reduce_sum3A_189 : vector<16xf32>, vector<16xi1> -> vector<16xf32>
        %reduce_sum3A_191 = vector.extract %reduce_sum3A_190[15] : f32 from vector<16xf32>
        %reduce_sum3A_192 = arith.constant true
        %reduce_sum3A_193 = vector.broadcast %reduce_sum3A_192 : i1 to vector<16xi1>
        %reduce_sum3A_194 = tpu.scan <sum>, %add3A_188 masked %reduce_sum3A_193 : vector<16xf32>, vector<16xi1> -> vector<16xf32>
        %reduce_sum3A_195 = vector.extract %reduce_sum3A_194[15] : f32 from vector<16xf32>
        %eq3A = arith.constant 0 : i32
        %eq3A_196 = vector.broadcast %eq3A : i32 to vector<16xi32>
        %eq3A_197 = arith.cmpi eq, %iota3A, %eq3A_196 : vector<16xi32>
        %broadcast_in_dim3A_198 = vector.broadcast %reduce_sum3A_191 : f32 to vector<16xf32>
        %select_n3A = arith.select %eq3A_197, %broadcast_in_dim3A_198, %broadcast_in_dim3A_129 : vector<16xi1>, vector<16xf32>
        %broadcast_in_dim3A_199 = vector.broadcast %reduce_sum3A_195 : f32 to vector<16xf32>
        %select_n3A_200 = arith.select %eq3A_197, %broadcast_in_dim3A_199, %broadcast_in_dim3A_131 : vector<16xi1>, vector<16xf32>
        %add3A_201 = arith.constant 1 : i32
        %add3A_202 = arith.addi %multiple_of3A_128, %add3A_201 : i32
        %broadcast_in_dim3A_203 = arith.constant 0.000000e+00 : f32
        %broadcast_in_dim3A_204 = vector.broadcast %broadcast_in_dim3A_203 : f32 to vector<16xf32>
        %broadcast_in_dim3A_205 = arith.constant 0.000000e+00 : f32
        %broadcast_in_dim3A_206 = vector.broadcast %broadcast_in_dim3A_205 : f32 to vector<16xf32>
        %get3A_207 = arith.index_cast %add3A_202 : i32 to index
        %get3A_208 = arith.constant 0 : index
        %get3A_209 = tpu.vector_load %arg14[%get3A_207, %get3A_208] {strides = array<i32>} : memref<128x64xf32, #tpu.memory_space<vmem>>, vector<16xf32>,
        %get3A_210 = arith.index_cast %add3A_202 : i32 to index
        %get3A_211 = arith.constant 0 : index
        %get3A_212 = tpu.vector_load %arg15[%get3A_210, %get3A_211] {strides = array<i32>} : memref<128x64xf32, #tpu.memory_space<vmem>>, vector<16xf32>,
        %get3A_213 = arith.index_cast %add3A_202 : i32 to index
        %get3A_214 = arith.constant 0 : index
        %get3A_215 = tpu.vector_load %arg16[%get3A_213, %get3A_214] {strides = array<i32>} : memref<128x64xf32, #tpu.memory_space<vmem>>, vector<16xf32>,
        %mul3A_216 = arith.mulf %get3A_209, %get3A_212 : vector<16xf32>
        %add3A_217 = arith.addf %broadcast_in_dim3A_204, %mul3A_216 : vector<16xf32>
        %mul3A_218 = arith.mulf %get3A_209, %get3A_215 : vector<16xf32>
        %add3A_219 = arith.addf %broadcast_in_dim3A_206, %mul3A_218 : vector<16xf32>
        %get3A_220 = arith.index_cast %add3A_202 : i32 to index
        %get3A_221 = arith.constant 16 : index
        %get3A_222 = tpu.vector_load %arg14[%get3A_220, %get3A_221] {strides = array<i32>} : memref<128x64xf32, #tpu.memory_space<vmem>>, vector<16xf32>,
        %get3A_223 = arith.index_cast %add3A_202 : i32 to index
        %get3A_224 = arith.constant 16 : index
        %get3A_225 = tpu.vector_load %arg15[%get3A_223, %get3A_224] {strides = array<i32>} : memref<128x64xf32, #tpu.memory_space<vmem>>, vector<16xf32>,
        %get3A_226 = arith.index_cast %add3A_202 : i32 to index
        %get3A_227 = arith.constant 16 : index
        %get3A_228 = tpu.vector_load %arg16[%get3A_226, %get3A_227] {strides = array<i32>} : memref<128x64xf32, #tpu.memory_space<vmem>>, vector<16xf32>,
        %mul3A_229 = arith.mulf %get3A_222, %get3A_225 : vector<16xf32>
        %add3A_230 = arith.addf %add3A_217, %mul3A_229 : vector<16xf32>
        %mul3A_231 = arith.mulf %get3A_222, %get3A_228 : vector<16xf32>
        %add3A_232 = arith.addf %add3A_219, %mul3A_231 : vector<16xf32>
        %get3A_233 = arith.index_cast %add3A_202 : i32 to index
        %get3A_234 = arith.constant 32 : index
        %get3A_235 = tpu.vector_load %arg14[%get3A_233, %get3A_234] {strides = array<i32>} : memref<128x64xf32, #tpu.memory_space<vmem>>, vector<16xf32>,
        %get3A_236 = arith.index_cast %add3A_202 : i32 to index
        %get3A_237 = arith.constant 32 : index
        %get3A_238 = tpu.vector_load %arg15[%get3A_236, %get3A_237] {strides = array<i32>} : memref<128x64xf32, #tpu.memory_space<vmem>>, vector<16xf32>,
        %get3A_239 = arith.index_cast %add3A_202 : i32 to index
        %get3A_240 = arith.constant 32 : index
        %get3A_241 = tpu.vector_load %arg16[%get3A_239, %get3A_240] {strides = array<i32>} : memref<128x64xf32, #tpu.memory_space<vmem>>, vector<16xf32>,
        %mul3A_242 = arith.mulf %get3A_235, %get3A_238 : vector<16xf32>
        %add3A_243 = arith.addf %add3A_230, %mul3A_242 : vector<16xf32>
        %mul3A_244 = arith.mulf %get3A_235, %get3A_241 : vector<16xf32>
        %add3A_245 = arith.addf %add3A_232, %mul3A_244 : vector<16xf32>
        %get3A_246 = arith.index_cast %add3A_202 : i32 to index
        %get3A_247 = arith.constant 48 : index
        %get3A_248 = tpu.vector_load %arg14[%get3A_246, %get3A_247] {strides = array<i32>} : memref<128x64xf32, #tpu.memory_space<vmem>>, vector<16xf32>,
        %get3A_249 = arith.index_cast %add3A_202 : i32 to index
        %get3A_250 = arith.constant 48 : index
        %get3A_251 = tpu.vector_load %arg15[%get3A_249, %get3A_250] {strides = array<i32>} : memref<128x64xf32, #tpu.memory_space<vmem>>, vector<16xf32>,
        %get3A_252 = arith.index_cast %add3A_202 : i32 to index
        %get3A_253 = arith.constant 48 : index
        %get3A_254 = tpu.vector_load %arg16[%get3A_252, %get3A_253] {strides = array<i32>} : memref<128x64xf32, #tpu.memory_space<vmem>>, vector<16xf32>,
        %mul3A_255 = arith.mulf %get3A_248, %get3A_251 : vector<16xf32>
        %add3A_256 = arith.addf %add3A_243, %mul3A_255 : vector<16xf32>
        %mul3A_257 = arith.mulf %get3A_248, %get3A_254 : vector<16xf32>
        %add3A_258 = arith.addf %add3A_245, %mul3A_257 : vector<16xf32>
        %reduce_sum3A_259 = arith.constant true
        %reduce_sum3A_260 = vector.broadcast %reduce_sum3A_259 : i1 to vector<16xi1>
        %reduce_sum3A_261 = tpu.scan <sum>, %add3A_256 masked %reduce_sum3A_260 : vector<16xf32>, vector<16xi1> -> vector<16xf32>
        %reduce_sum3A_262 = vector.extract %reduce_sum3A_261[15] : f32 from vector<16xf32>
        %reduce_sum3A_263 = arith.constant true
        %reduce_sum3A_264 = vector.broadcast %reduce_sum3A_263 : i1 to vector<16xi1>
        %reduce_sum3A_265 = tpu.scan <sum>, %add3A_258 masked %reduce_sum3A_264 : vector<16xf32>, vector<16xi1> -> vector<16xf32>
        %reduce_sum3A_266 = vector.extract %reduce_sum3A_265[15] : f32 from vector<16xf32>
        %eq3A_267 = arith.constant 1 : i32
        %eq3A_268 = vector.broadcast %eq3A_267 : i32 to vector<16xi32>
        %eq3A_269 = arith.cmpi eq, %iota3A, %eq3A_268 : vector<16xi32>
        %broadcast_in_dim3A_270 = vector.broadcast %reduce_sum3A_262 : f32 to vector<16xf32>
        %select_n3A_271 = arith.select %eq3A_269, %broadcast_in_dim3A_270, %select_n3A : vector<16xi1>, vector<16xf32>
        %broadcast_in_dim3A_272 = vector.broadcast %reduce_sum3A_266 : f32 to vector<16xf32>
        %select_n3A_273 = arith.select %eq3A_269, %broadcast_in_dim3A_272, %select_n3A_200 : vector<16xi1>, vector<16xf32>
        %add3A_274 = arith.constant 2 : i32
        %add3A_275 = arith.addi %multiple_of3A_128, %add3A_274 : i32
        %broadcast_in_dim3A_276 = arith.constant 0.000000e+00 : f32
        %broadcast_in_dim3A_277 = vector.broadcast %broadcast_in_dim3A_276 : f32 to vector<16xf32>
        %broadcast_in_dim3A_278 = arith.constant 0.000000e+00 : f32
        %broadcast_in_dim3A_279 = vector.broadcast %broadcast_in_dim3A_278 : f32 to vector<16xf32>
        %get3A_280 = arith.index_cast %add3A_275 : i32 to index
        %get3A_281 = arith.constant 0 : index
        %get3A_282 = tpu.vector_load %arg14[%get3A_280, %get3A_281] {strides = array<i32>} : memref<128x64xf32, #tpu.memory_space<vmem>>, vector<16xf32>,
        %get3A_283 = arith.index_cast %add3A_275 : i32 to index
        %get3A_284 = arith.constant 0 : index
        %get3A_285 = tpu.vector_load %arg15[%get3A_283, %get3A_284] {strides = array<i32>} : memref<128x64xf32, #tpu.memory_space<vmem>>, vector<16xf32>,
        %get3A_286 = arith.index_cast %add3A_275 : i32 to index
        %get3A_287 = arith.constant 0 : index
        %get3A_288 = tpu.vector_load %arg16[%get3A_286, %get3A_287] {strides = array<i32>} : memref<128x64xf32, #tpu.memory_space<vmem>>, vector<16xf32>,
        %mul3A_289 = arith.mulf %get3A_282, %get3A_285 : vector<16xf32>
        %add3A_290 = arith.addf %broadcast_in_dim3A_277, %mul3A_289 : vector<16xf32>
        %mul3A_291 = arith.mulf %get3A_282, %get3A_288 : vector<16xf32>
        %add3A_292 = arith.addf %broadcast_in_dim3A_279, %mul3A_291 : vector<16xf32>
        %get3A_293 = arith.index_cast %add3A_275 : i32 to index
        %get3A_294 = arith.constant 16 : index
        %get3A_295 = tpu.vector_load %arg14[%get3A_293, %get3A_294] {strides = array<i32>} : memref<128x64xf32, #tpu.memory_space<vmem>>, vector<16xf32>,
        %get3A_296 = arith.index_cast %add3A_275 : i32 to index
        %get3A_297 = arith.constant 16 : index
        %get3A_298 = tpu.vector_load %arg15[%get3A_296, %get3A_297] {strides = array<i32>} : memref<128x64xf32, #tpu.memory_space<vmem>>, vector<16xf32>,
        %get3A_299 = arith.index_cast %add3A_275 : i32 to index
        %get3A_300 = arith.constant 16 : index
        %get3A_301 = tpu.vector_load %arg16[%get3A_299, %get3A_300] {strides = array<i32>} : memref<128x64xf32, #tpu.memory_space<vmem>>, vector<16xf32>,
        %mul3A_302 = arith.mulf %get3A_295, %get3A_298 : vector<16xf32>
        %add3A_303 = arith.addf %add3A_290, %mul3A_302 : vector<16xf32>
        %mul3A_304 = arith.mulf %get3A_295, %get3A_301 : vector<16xf32>
        %add3A_305 = arith.addf %add3A_292, %mul3A_304 : vector<16xf32>
        %get3A_306 = arith.index_cast %add3A_275 : i32 to index
        %get3A_307 = arith.constant 32 : index
        %get3A_308 = tpu.vector_load %arg14[%get3A_306, %get3A_307] {strides = array<i32>} : memref<128x64xf32, #tpu.memory_space<vmem>>, vector<16xf32>,
        %get3A_309 = arith.index_cast %add3A_275 : i32 to index
        %get3A_310 = arith.constant 32 : index
        %get3A_311 = tpu.vector_load %arg15[%get3A_309, %get3A_310] {strides = array<i32>} : memref<128x64xf32, #tpu.memory_space<vmem>>, vector<16xf32>,
        %get3A_312 = arith.index_cast %add3A_275 : i32 to index
        %get3A_313 = arith.constant 32 : index
        %get3A_314 = tpu.vector_load %arg16[%get3A_312, %get3A_313] {strides = array<i32>} : memref<128x64xf32, #tpu.memory_space<vmem>>, vector<16xf32>,
        %mul3A_315 = arith.mulf %get3A_308, %get3A_311 : vector<16xf32>
        %add3A_316 = arith.addf %add3A_303, %mul3A_315 : vector<16xf32>
        %mul3A_317 = arith.mulf %get3A_308, %get3A_314 : vector<16xf32>
        %add3A_318 = arith.addf %add3A_305, %mul3A_317 : vector<16xf32>
        %get3A_319 = arith.index_cast %add3A_275 : i32 to index
        %get3A_320 = arith.constant 48 : index
        %get3A_321 = tpu.vector_load %arg14[%get3A_319, %get3A_320] {strides = array<i32>} : memref<128x64xf32, #tpu.memory_space<vmem>>, vector<16xf32>,
        %get3A_322 = arith.index_cast %add3A_275 : i32 to index
        %get3A_323 = arith.constant 48 : index
        %get3A_324 = tpu.vector_load %arg15[%get3A_322, %get3A_323] {strides = array<i32>} : memref<128x64xf32, #tpu.memory_space<vmem>>, vector<16xf32>,
        %get3A_325 = arith.index_cast %add3A_275 : i32 to index
        %get3A_326 = arith.constant 48 : index
        %get3A_327 = tpu.vector_load %arg16[%get3A_325, %get3A_326] {strides = array<i32>} : memref<128x64xf32, #tpu.memory_space<vmem>>, vector<16xf32>,
        %mul3A_328 = arith.mulf %get3A_321, %get3A_324 : vector<16xf32>
        %add3A_329 = arith.addf %add3A_316, %mul3A_328 : vector<16xf32>
        %mul3A_330 = arith.mulf %get3A_321, %get3A_327 : vector<16xf32>
        %add3A_331 = arith.addf %add3A_318, %mul3A_330 : vector<16xf32>
        %reduce_sum3A_332 = arith.constant true
        %reduce_sum3A_333 = vector.broadcast %reduce_sum3A_332 : i1 to vector<16xi1>
        %reduce_sum3A_334 = tpu.scan <sum>, %add3A_329 masked %reduce_sum3A_333 : vector<16xf32>, vector<16xi1> -> vector<16xf32>
        %reduce_sum3A_335 = vector.extract %reduce_sum3A_334[15] : f32 from vector<16xf32>
        %reduce_sum3A_336 = arith.constant true
        %reduce_sum3A_337 = vector.broadcast %reduce_sum3A_336 : i1 to vector<16xi1>
        %reduce_sum3A_338 = tpu.scan <sum>, %add3A_331 masked %reduce_sum3A_337 : vector<16xf32>, vector<16xi1> -> vector<16xf32>
        %reduce_sum3A_339 = vector.extract %reduce_sum3A_338[15] : f32 from vector<16xf32>
        %eq3A_340 = arith.constant 2 : i32
        %eq3A_341 = vector.broadcast %eq3A_340 : i32 to vector<16xi32>
        %eq3A_342 = arith.cmpi eq, %iota3A, %eq3A_341 : vector<16xi32>
        %broadcast_in_dim3A_343 = vector.broadcast %reduce_sum3A_335 : f32 to vector<16xf32>
        %select_n3A_344 = arith.select %eq3A_342, %broadcast_in_dim3A_343, %select_n3A_271 : vector<16xi1>, vector<16xf32>
        %broadcast_in_dim3A_345 = vector.broadcast %reduce_sum3A_339 : f32 to vector<16xf32>
        %select_n3A_346 = arith.select %eq3A_342, %broadcast_in_dim3A_345, %select_n3A_273 : vector<16xi1>, vector<16xf32>
        %add3A_347 = arith.constant 3 : i32
        %add3A_348 = arith.addi %multiple_of3A_128, %add3A_347 : i32
        %broadcast_in_dim3A_349 = arith.constant 0.000000e+00 : f32
        %broadcast_in_dim3A_350 = vector.broadcast %broadcast_in_dim3A_349 : f32 to vector<16xf32>
        %broadcast_in_dim3A_351 = arith.constant 0.000000e+00 : f32
        %broadcast_in_dim3A_352 = vector.broadcast %broadcast_in_dim3A_351 : f32 to vector<16xf32>
        %get3A_353 = arith.index_cast %add3A_348 : i32 to index
        %get3A_354 = arith.constant 0 : index
        %get3A_355 = tpu.vector_load %arg14[%get3A_353, %get3A_354] {strides = array<i32>} : memref<128x64xf32, #tpu.memory_space<vmem>>, vector<16xf32>,
        %get3A_356 = arith.index_cast %add3A_348 : i32 to index
        %get3A_357 = arith.constant 0 : index
        %get3A_358 = tpu.vector_load %arg15[%get3A_356, %get3A_357] {strides = array<i32>} : memref<128x64xf32, #tpu.memory_space<vmem>>, vector<16xf32>,
        %get3A_359 = arith.index_cast %add3A_348 : i32 to index
        %get3A_360 = arith.constant 0 : index
        %get3A_361 = tpu.vector_load %arg16[%get3A_359, %get3A_360] {strides = array<i32>} : memref<128x64xf32, #tpu.memory_space<vmem>>, vector<16xf32>,
        %mul3A_362 = arith.mulf %get3A_355, %get3A_358 : vector<16xf32>
        %add3A_363 = arith.addf %broadcast_in_dim3A_350, %mul3A_362 : vector<16xf32>
        %mul3A_364 = arith.mulf %get3A_355, %get3A_361 : vector<16xf32>
        %add3A_365 = arith.addf %broadcast_in_dim3A_352, %mul3A_364 : vector<16xf32>
        %get3A_366 = arith.index_cast %add3A_348 : i32 to index
        %get3A_367 = arith.constant 16 : index
        %get3A_368 = tpu.vector_load %arg14[%get3A_366, %get3A_367] {strides = array<i32>} : memref<128x64xf32, #tpu.memory_space<vmem>>, vector<16xf32>,
        %get3A_369 = arith.index_cast %add3A_348 : i32 to index
        %get3A_370 = arith.constant 16 : index
        %get3A_371 = tpu.vector_load %arg15[%get3A_369, %get3A_370] {strides = array<i32>} : memref<128x64xf32, #tpu.memory_space<vmem>>, vector<16xf32>,
        %get3A_372 = arith.index_cast %add3A_348 : i32 to index
        %get3A_373 = arith.constant 16 : index
        %get3A_374 = tpu.vector_load %arg16[%get3A_372, %get3A_373] {strides = array<i32>} : memref<128x64xf32, #tpu.memory_space<vmem>>, vector<16xf32>,
        %mul3A_375 = arith.mulf %get3A_368, %get3A_371 : vector<16xf32>
        %add3A_376 = arith.addf %add3A_363, %mul3A_375 : vector<16xf32>
        %mul3A_377 = arith.mulf %get3A_368, %get3A_374 : vector<16xf32>
        %add3A_378 = arith.addf %add3A_365, %mul3A_377 : vector<16xf32>
        %get3A_379 = arith.index_cast %add3A_348 : i32 to index
        %get3A_380 = arith.constant 32 : index
        %get3A_381 = tpu.vector_load %arg14[%get3A_379, %get3A_380] {strides = array<i32>} : memref<128x64xf32, #tpu.memory_space<vmem>>, vector<16xf32>,
        %get3A_382 = arith.index_cast %add3A_348 : i32 to index
        %get3A_383 = arith.constant 32 : index
        %get3A_384 = tpu.vector_load %arg15[%get3A_382, %get3A_383] {strides = array<i32>} : memref<128x64xf32, #tpu.memory_space<vmem>>, vector<16xf32>,
        %get3A_385 = arith.index_cast %add3A_348 : i32 to index
        %get3A_386 = arith.constant 32 : index
        %get3A_387 = tpu.vector_load %arg16[%get3A_385, %get3A_386] {strides = array<i32>} : memref<128x64xf32, #tpu.memory_space<vmem>>, vector<16xf32>,
        %mul3A_388 = arith.mulf %get3A_381, %get3A_384 : vector<16xf32>
        %add3A_389 = arith.addf %add3A_376, %mul3A_388 : vector<16xf32>
        %mul3A_390 = arith.mulf %get3A_381, %get3A_387 : vector<16xf32>
        %add3A_391 = arith.addf %add3A_378, %mul3A_390 : vector<16xf32>
        %get3A_392 = arith.index_cast %add3A_348 : i32 to index
        %get3A_393 = arith.constant 48 : index
        %get3A_394 = tpu.vector_load %arg14[%get3A_392, %get3A_393] {strides = array<i32>} : memref<128x64xf32, #tpu.memory_space<vmem>>, vector<16xf32>,
        %get3A_395 = arith.index_cast %add3A_348 : i32 to index
        %get3A_396 = arith.constant 48 : index
        %get3A_397 = tpu.vector_load %arg15[%get3A_395, %get3A_396] {strides = array<i32>} : memref<128x64xf32, #tpu.memory_space<vmem>>, vector<16xf32>,
        %get3A_398 = arith.index_cast %add3A_348 : i32 to index
        %get3A_399 = arith.constant 48 : index
        %get3A_400 = tpu.vector_load %arg16[%get3A_398, %get3A_399] {strides = array<i32>} : memref<128x64xf32, #tpu.memory_space<vmem>>, vector<16xf32>,
        %mul3A_401 = arith.mulf %get3A_394, %get3A_397 : vector<16xf32>
        %add3A_402 = arith.addf %add3A_389, %mul3A_401 : vector<16xf32>
        %mul3A_403 = arith.mulf %get3A_394, %get3A_400 : vector<16xf32>
        %add3A_404 = arith.addf %add3A_391, %mul3A_403 : vector<16xf32>
        %reduce_sum3A_405 = arith.constant true
        %reduce_sum3A_406 = vector.broadcast %reduce_sum3A_405 : i1 to vector<16xi1>
        %reduce_sum3A_407 = tpu.scan <sum>, %add3A_402 masked %reduce_sum3A_406 : vector<16xf32>, vector<16xi1> -> vector<16xf32>
        %reduce_sum3A_408 = vector.extract %reduce_sum3A_407[15] : f32 from vector<16xf32>
        %reduce_sum3A_409 = arith.constant true
        %reduce_sum3A_410 = vector.broadcast %reduce_sum3A_409 : i1 to vector<16xi1>
        %reduce_sum3A_411 = tpu.scan <sum>, %add3A_404 masked %reduce_sum3A_410 : vector<16xf32>, vector<16xi1> -> vector<16xf32>
        %reduce_sum3A_412 = vector.extract %reduce_sum3A_411[15] : f32 from vector<16xf32>
        %eq3A_413 = arith.constant 3 : i32
        %eq3A_414 = vector.broadcast %eq3A_413 : i32 to vector<16xi32>
        %eq3A_415 = arith.cmpi eq, %iota3A, %eq3A_414 : vector<16xi32>
        %broadcast_in_dim3A_416 = vector.broadcast %reduce_sum3A_408 : f32 to vector<16xf32>
        %select_n3A_417 = arith.select %eq3A_415, %broadcast_in_dim3A_416, %select_n3A_344 : vector<16xi1>, vector<16xf32>
        %broadcast_in_dim3A_418 = vector.broadcast %reduce_sum3A_412 : f32 to vector<16xf32>
        %select_n3A_419 = arith.select %eq3A_415, %broadcast_in_dim3A_418, %select_n3A_346 : vector<16xi1>, vector<16xf32>
        %add3A_420 = arith.constant 4 : i32
        %add3A_421 = arith.addi %multiple_of3A_128, %add3A_420 : i32
        %broadcast_in_dim3A_422 = arith.constant 0.000000e+00 : f32
        %broadcast_in_dim3A_423 = vector.broadcast %broadcast_in_dim3A_422 : f32 to vector<16xf32>
        %broadcast_in_dim3A_424 = arith.constant 0.000000e+00 : f32
        %broadcast_in_dim3A_425 = vector.broadcast %broadcast_in_dim3A_424 : f32 to vector<16xf32>
        %get3A_426 = arith.index_cast %add3A_421 : i32 to index
        %get3A_427 = arith.constant 0 : index
        %get3A_428 = tpu.vector_load %arg14[%get3A_426, %get3A_427] {strides = array<i32>} : memref<128x64xf32, #tpu.memory_space<vmem>>, vector<16xf32>,
        %get3A_429 = arith.index_cast %add3A_421 : i32 to index
        %get3A_430 = arith.constant 0 : index
        %get3A_431 = tpu.vector_load %arg15[%get3A_429, %get3A_430] {strides = array<i32>} : memref<128x64xf32, #tpu.memory_space<vmem>>, vector<16xf32>,
        %get3A_432 = arith.index_cast %add3A_421 : i32 to index
        %get3A_433 = arith.constant 0 : index
        %get3A_434 = tpu.vector_load %arg16[%get3A_432, %get3A_433] {strides = array<i32>} : memref<128x64xf32, #tpu.memory_space<vmem>>, vector<16xf32>,
        %mul3A_435 = arith.mulf %get3A_428, %get3A_431 : vector<16xf32>
        %add3A_436 = arith.addf %broadcast_in_dim3A_423, %mul3A_435 : vector<16xf32>
        %mul3A_437 = arith.mulf %get3A_428, %get3A_434 : vector<16xf32>
        %add3A_438 = arith.addf %broadcast_in_dim3A_425, %mul3A_437 : vector<16xf32>
        %get3A_439 = arith.index_cast %add3A_421 : i32 to index
        %get3A_440 = arith.constant 16 : index
        %get3A_441 = tpu.vector_load %arg14[%get3A_439, %get3A_440] {strides = array<i32>} : memref<128x64xf32, #tpu.memory_space<vmem>>, vector<16xf32>,
        %get3A_442 = arith.index_cast %add3A_421 : i32 to index
        %get3A_443 = arith.constant 16 : index
        %get3A_444 = tpu.vector_load %arg15[%get3A_442, %get3A_443] {strides = array<i32>} : memref<128x64xf32, #tpu.memory_space<vmem>>, vector<16xf32>,
        %get3A_445 = arith.index_cast %add3A_421 : i32 to index
        %get3A_446 = arith.constant 16 : index
        %get3A_447 = tpu.vector_load %arg16[%get3A_445, %get3A_446] {strides = array<i32>} : memref<128x64xf32, #tpu.memory_space<vmem>>, vector<16xf32>,
        %mul3A_448 = arith.mulf %get3A_441, %get3A_444 : vector<16xf32>
        %add3A_449 = arith.addf %add3A_436, %mul3A_448 : vector<16xf32>
        %mul3A_450 = arith.mulf %get3A_441, %get3A_447 : vector<16xf32>
        %add3A_451 = arith.addf %add3A_438, %mul3A_450 : vector<16xf32>
        %get3A_452 = arith.index_cast %add3A_421 : i32 to index
        %get3A_453 = arith.constant 32 : index
        %get3A_454 = tpu.vector_load %arg14[%get3A_452, %get3A_453] {strides = array<i32>} : memref<128x64xf32, #tpu.memory_space<vmem>>, vector<16xf32>,
        %get3A_455 = arith.index_cast %add3A_421 : i32 to index
        %get3A_456 = arith.constant 32 : index
        %get3A_457 = tpu.vector_load %arg15[%get3A_455, %get3A_456] {strides = array<i32>} : memref<128x64xf32, #tpu.memory_space<vmem>>, vector<16xf32>,
        %get3A_458 = arith.index_cast %add3A_421 : i32 to index
        %get3A_459 = arith.constant 32 : index
        %get3A_460 = tpu.vector_load %arg16[%get3A_458, %get3A_459] {strides = array<i32>} : memref<128x64xf32, #tpu.memory_space<vmem>>, vector<16xf32>,
        %mul3A_461 = arith.mulf %get3A_454, %get3A_457 : vector<16xf32>
        %add3A_462 = arith.addf %add3A_449, %mul3A_461 : vector<16xf32>
        %mul3A_463 = arith.mulf %get3A_454, %get3A_460 : vector<16xf32>
        %add3A_464 = arith.addf %add3A_451, %mul3A_463 : vector<16xf32>
        %get3A_465 = arith.index_cast %add3A_421 : i32 to index
        %get3A_466 = arith.constant 48 : index
        %get3A_467 = tpu.vector_load %arg14[%get3A_465, %get3A_466] {strides = array<i32>} : memref<128x64xf32, #tpu.memory_space<vmem>>, vector<16xf32>,
        %get3A_468 = arith.index_cast %add3A_421 : i32 to index
        %get3A_469 = arith.constant 48 : index
        %get3A_470 = tpu.vector_load %arg15[%get3A_468, %get3A_469] {strides = array<i32>} : memref<128x64xf32, #tpu.memory_space<vmem>>, vector<16xf32>,
        %get3A_471 = arith.index_cast %add3A_421 : i32 to index
        %get3A_472 = arith.constant 48 : index
        %get3A_473 = tpu.vector_load %arg16[%get3A_471, %get3A_472] {strides = array<i32>} : memref<128x64xf32, #tpu.memory_space<vmem>>, vector<16xf32>,
        %mul3A_474 = arith.mulf %get3A_467, %get3A_470 : vector<16xf32>
        %add3A_475 = arith.addf %add3A_462, %mul3A_474 : vector<16xf32>
        %mul3A_476 = arith.mulf %get3A_467, %get3A_473 : vector<16xf32>
        %add3A_477 = arith.addf %add3A_464, %mul3A_476 : vector<16xf32>
        %reduce_sum3A_478 = arith.constant true
        %reduce_sum3A_479 = vector.broadcast %reduce_sum3A_478 : i1 to vector<16xi1>
        %reduce_sum3A_480 = tpu.scan <sum>, %add3A_475 masked %reduce_sum3A_479 : vector<16xf32>, vector<16xi1> -> vector<16xf32>
        %reduce_sum3A_481 = vector.extract %reduce_sum3A_480[15] : f32 from vector<16xf32>
        %reduce_sum3A_482 = arith.constant true
        %reduce_sum3A_483 = vector.broadcast %reduce_sum3A_482 : i1 to vector<16xi1>
        %reduce_sum3A_484 = tpu.scan <sum>, %add3A_477 masked %reduce_sum3A_483 : vector<16xf32>, vector<16xi1> -> vector<16xf32>
        %reduce_sum3A_485 = vector.extract %reduce_sum3A_484[15] : f32 from vector<16xf32>
        %eq3A_486 = arith.constant 4 : i32
        %eq3A_487 = vector.broadcast %eq3A_486 : i32 to vector<16xi32>
        %eq3A_488 = arith.cmpi eq, %iota3A, %eq3A_487 : vector<16xi32>
        %broadcast_in_dim3A_489 = vector.broadcast %reduce_sum3A_481 : f32 to vector<16xf32>
        %select_n3A_490 = arith.select %eq3A_488, %broadcast_in_dim3A_489, %select_n3A_417 : vector<16xi1>, vector<16xf32>
        %broadcast_in_dim3A_491 = vector.broadcast %reduce_sum3A_485 : f32 to vector<16xf32>
        %select_n3A_492 = arith.select %eq3A_488, %broadcast_in_dim3A_491, %select_n3A_419 : vector<16xi1>, vector<16xf32>
        %add3A_493 = arith.constant 5 : i32
        %add3A_494 = arith.addi %multiple_of3A_128, %add3A_493 : i32
        %broadcast_in_dim3A_495 = arith.constant 0.000000e+00 : f32
        %broadcast_in_dim3A_496 = vector.broadcast %broadcast_in_dim3A_495 : f32 to vector<16xf32>
        %broadcast_in_dim3A_497 = arith.constant 0.000000e+00 : f32
        %broadcast_in_dim3A_498 = vector.broadcast %broadcast_in_dim3A_497 : f32 to vector<16xf32>
        %get3A_499 = arith.index_cast %add3A_494 : i32 to index
        %get3A_500 = arith.constant 0 : index
        %get3A_501 = tpu.vector_load %arg14[%get3A_499, %get3A_500] {strides = array<i32>} : memref<128x64xf32, #tpu.memory_space<vmem>>, vector<16xf32>,
        %get3A_502 = arith.index_cast %add3A_494 : i32 to index
        %get3A_503 = arith.constant 0 : index
        %get3A_504 = tpu.vector_load %arg15[%get3A_502, %get3A_503] {strides = array<i32>} : memref<128x64xf32, #tpu.memory_space<vmem>>, vector<16xf32>,
        %get3A_505 = arith.index_cast %add3A_494 : i32 to index
        %get3A_506 = arith.constant 0 : index
        %get3A_507 = tpu.vector_load %arg16[%get3A_505, %get3A_506] {strides = array<i32>} : memref<128x64xf32, #tpu.memory_space<vmem>>, vector<16xf32>,
        %mul3A_508 = arith.mulf %get3A_501, %get3A_504 : vector<16xf32>
        %add3A_509 = arith.addf %broadcast_in_dim3A_496, %mul3A_508 : vector<16xf32>
        %mul3A_510 = arith.mulf %get3A_501, %get3A_507 : vector<16xf32>
        %add3A_511 = arith.addf %broadcast_in_dim3A_498, %mul3A_510 : vector<16xf32>
        %get3A_512 = arith.index_cast %add3A_494 : i32 to index
        %get3A_513 = arith.constant 16 : index
        %get3A_514 = tpu.vector_load %arg14[%get3A_512, %get3A_513] {strides = array<i32>} : memref<128x64xf32, #tpu.memory_space<vmem>>, vector<16xf32>,
        %get3A_515 = arith.index_cast %add3A_494 : i32 to index
        %get3A_516 = arith.constant 16 : index
        %get3A_517 = tpu.vector_load %arg15[%get3A_515, %get3A_516] {strides = array<i32>} : memref<128x64xf32, #tpu.memory_space<vmem>>, vector<16xf32>,
        %get3A_518 = arith.index_cast %add3A_494 : i32 to index
        %get3A_519 = arith.constant 16 : index
        %get3A_520 = tpu.vector_load %arg16[%get3A_518, %get3A_519] {strides = array<i32>} : memref<128x64xf32, #tpu.memory_space<vmem>>, vector<16xf32>,
        %mul3A_521 = arith.mulf %get3A_514, %get3A_517 : vector<16xf32>
        %add3A_522 = arith.addf %add3A_509, %mul3A_521 : vector<16xf32>
        %mul3A_523 = arith.mulf %get3A_514, %get3A_520 : vector<16xf32>
        %add3A_524 = arith.addf %add3A_511, %mul3A_523 : vector<16xf32>
        %get3A_525 = arith.index_cast %add3A_494 : i32 to index
        %get3A_526 = arith.constant 32 : index
        %get3A_527 = tpu.vector_load %arg14[%get3A_525, %get3A_526] {strides = array<i32>} : memref<128x64xf32, #tpu.memory_space<vmem>>, vector<16xf32>,
        %get3A_528 = arith.index_cast %add3A_494 : i32 to index
        %get3A_529 = arith.constant 32 : index
        %get3A_530 = tpu.vector_load %arg15[%get3A_528, %get3A_529] {strides = array<i32>} : memref<128x64xf32, #tpu.memory_space<vmem>>, vector<16xf32>,
        %get3A_531 = arith.index_cast %add3A_494 : i32 to index
        %get3A_532 = arith.constant 32 : index
        %get3A_533 = tpu.vector_load %arg16[%get3A_531, %get3A_532] {strides = array<i32>} : memref<128x64xf32, #tpu.memory_space<vmem>>, vector<16xf32>,
        %mul3A_534 = arith.mulf %get3A_527, %get3A_530 : vector<16xf32>
        %add3A_535 = arith.addf %add3A_522, %mul3A_534 : vector<16xf32>
        %mul3A_536 = arith.mulf %get3A_527, %get3A_533 : vector<16xf32>
        %add3A_537 = arith.addf %add3A_524, %mul3A_536 : vector<16xf32>
        %get3A_538 = arith.index_cast %add3A_494 : i32 to index
        %get3A_539 = arith.constant 48 : index
        %get3A_540 = tpu.vector_load %arg14[%get3A_538, %get3A_539] {strides = array<i32>} : memref<128x64xf32, #tpu.memory_space<vmem>>, vector<16xf32>,
        %get3A_541 = arith.index_cast %add3A_494 : i32 to index
        %get3A_542 = arith.constant 48 : index
        %get3A_543 = tpu.vector_load %arg15[%get3A_541, %get3A_542] {strides = array<i32>} : memref<128x64xf32, #tpu.memory_space<vmem>>, vector<16xf32>,
        %get3A_544 = arith.index_cast %add3A_494 : i32 to index
        %get3A_545 = arith.constant 48 : index
        %get3A_546 = tpu.vector_load %arg16[%get3A_544, %get3A_545] {strides = array<i32>} : memref<128x64xf32, #tpu.memory_space<vmem>>, vector<16xf32>,
        %mul3A_547 = arith.mulf %get3A_540, %get3A_543 : vector<16xf32>
        %add3A_548 = arith.addf %add3A_535, %mul3A_547 : vector<16xf32>
        %mul3A_549 = arith.mulf %get3A_540, %get3A_546 : vector<16xf32>
        %add3A_550 = arith.addf %add3A_537, %mul3A_549 : vector<16xf32>
        %reduce_sum3A_551 = arith.constant true
        %reduce_sum3A_552 = vector.broadcast %reduce_sum3A_551 : i1 to vector<16xi1>
        %reduce_sum3A_553 = tpu.scan <sum>, %add3A_548 masked %reduce_sum3A_552 : vector<16xf32>, vector<16xi1> -> vector<16xf32>
        %reduce_sum3A_554 = vector.extract %reduce_sum3A_553[15] : f32 from vector<16xf32>
        %reduce_sum3A_555 = arith.constant true
        %reduce_sum3A_556 = vector.broadcast %reduce_sum3A_555 : i1 to vector<16xi1>
        %reduce_sum3A_557 = tpu.scan <sum>, %add3A_550 masked %reduce_sum3A_556 : vector<16xf32>, vector<16xi1> -> vector<16xf32>
        %reduce_sum3A_558 = vector.extract %reduce_sum3A_557[15] : f32 from vector<16xf32>
        %eq3A_559 = arith.constant 5 : i32
        %eq3A_560 = vector.broadcast %eq3A_559 : i32 to vector<16xi32>
        %eq3A_561 = arith.cmpi eq, %iota3A, %eq3A_560 : vector<16xi32>
        %broadcast_in_dim3A_562 = vector.broadcast %reduce_sum3A_554 : f32 to vector<16xf32>
        %select_n3A_563 = arith.select %eq3A_561, %broadcast_in_dim3A_562, %select_n3A_490 : vector<16xi1>, vector<16xf32>
        %broadcast_in_dim3A_564 = vector.broadcast %reduce_sum3A_558 : f32 to vector<16xf32>
        %select_n3A_565 = arith.select %eq3A_561, %broadcast_in_dim3A_564, %select_n3A_492 : vector<16xi1>, vector<16xf32>
        %add3A_566 = arith.constant 6 : i32
        %add3A_567 = arith.addi %multiple_of3A_128, %add3A_566 : i32
        %broadcast_in_dim3A_568 = arith.constant 0.000000e+00 : f32
        %broadcast_in_dim3A_569 = vector.broadcast %broadcast_in_dim3A_568 : f32 to vector<16xf32>
        %broadcast_in_dim3A_570 = arith.constant 0.000000e+00 : f32
        %broadcast_in_dim3A_571 = vector.broadcast %broadcast_in_dim3A_570 : f32 to vector<16xf32>
        %get3A_572 = arith.index_cast %add3A_567 : i32 to index
        %get3A_573 = arith.constant 0 : index
        %get3A_574 = tpu.vector_load %arg14[%get3A_572, %get3A_573] {strides = array<i32>} : memref<128x64xf32, #tpu.memory_space<vmem>>, vector<16xf32>,
        %get3A_575 = arith.index_cast %add3A_567 : i32 to index
        %get3A_576 = arith.constant 0 : index
        %get3A_577 = tpu.vector_load %arg15[%get3A_575, %get3A_576] {strides = array<i32>} : memref<128x64xf32, #tpu.memory_space<vmem>>, vector<16xf32>,
        %get3A_578 = arith.index_cast %add3A_567 : i32 to index
        %get3A_579 = arith.constant 0 : index
        %get3A_580 = tpu.vector_load %arg16[%get3A_578, %get3A_579] {strides = array<i32>} : memref<128x64xf32, #tpu.memory_space<vmem>>, vector<16xf32>,
        %mul3A_581 = arith.mulf %get3A_574, %get3A_577 : vector<16xf32>
        %add3A_582 = arith.addf %broadcast_in_dim3A_569, %mul3A_581 : vector<16xf32>
        %mul3A_583 = arith.mulf %get3A_574, %get3A_580 : vector<16xf32>
        %add3A_584 = arith.addf %broadcast_in_dim3A_571, %mul3A_583 : vector<16xf32>
        %get3A_585 = arith.index_cast %add3A_567 : i32 to index
        %get3A_586 = arith.constant 16 : index
        %get3A_587 = tpu.vector_load %arg14[%get3A_585, %get3A_586] {strides = array<i32>} : memref<128x64xf32, #tpu.memory_space<vmem>>, vector<16xf32>,
        %get3A_588 = arith.index_cast %add3A_567 : i32 to index
        %get3A_589 = arith.constant 16 : index
        %get3A_590 = tpu.vector_load %arg15[%get3A_588, %get3A_589] {strides = array<i32>} : memref<128x64xf32, #tpu.memory_space<vmem>>, vector<16xf32>,
        %get3A_591 = arith.index_cast %add3A_567 : i32 to index
        %get3A_592 = arith.constant 16 : index
        %get3A_593 = tpu.vector_load %arg16[%get3A_591, %get3A_592] {strides = array<i32>} : memref<128x64xf32, #tpu.memory_space<vmem>>, vector<16xf32>,
        %mul3A_594 = arith.mulf %get3A_587, %get3A_590 : vector<16xf32>
        %add3A_595 = arith.addf %add3A_582, %mul3A_594 : vector<16xf32>
        %mul3A_596 = arith.mulf %get3A_587, %get3A_593 : vector<16xf32>
        %add3A_597 = arith.addf %add3A_584, %mul3A_596 : vector<16xf32>
        %get3A_598 = arith.index_cast %add3A_567 : i32 to index
        %get3A_599 = arith.constant 32 : index
        %get3A_600 = tpu.vector_load %arg14[%get3A_598, %get3A_599] {strides = array<i32>} : memref<128x64xf32, #tpu.memory_space<vmem>>, vector<16xf32>,
        %get3A_601 = arith.index_cast %add3A_567 : i32 to index
        %get3A_602 = arith.constant 32 : index
        %get3A_603 = tpu.vector_load %arg15[%get3A_601, %get3A_602] {strides = array<i32>} : memref<128x64xf32, #tpu.memory_space<vmem>>, vector<16xf32>,
        %get3A_604 = arith.index_cast %add3A_567 : i32 to index
        %get3A_605 = arith.constant 32 : index
        %get3A_606 = tpu.vector_load %arg16[%get3A_604, %get3A_605] {strides = array<i32>} : memref<128x64xf32, #tpu.memory_space<vmem>>, vector<16xf32>,
        %mul3A_607 = arith.mulf %get3A_600, %get3A_603 : vector<16xf32>
        %add3A_608 = arith.addf %add3A_595, %mul3A_607 : vector<16xf32>
        %mul3A_609 = arith.mulf %get3A_600, %get3A_606 : vector<16xf32>
        %add3A_610 = arith.addf %add3A_597, %mul3A_609 : vector<16xf32>
        %get3A_611 = arith.index_cast %add3A_567 : i32 to index
        %get3A_612 = arith.constant 48 : index
        %get3A_613 = tpu.vector_load %arg14[%get3A_611, %get3A_612] {strides = array<i32>} : memref<128x64xf32, #tpu.memory_space<vmem>>, vector<16xf32>,
        %get3A_614 = arith.index_cast %add3A_567 : i32 to index
        %get3A_615 = arith.constant 48 : index
        %get3A_616 = tpu.vector_load %arg15[%get3A_614, %get3A_615] {strides = array<i32>} : memref<128x64xf32, #tpu.memory_space<vmem>>, vector<16xf32>,
        %get3A_617 = arith.index_cast %add3A_567 : i32 to index
        %get3A_618 = arith.constant 48 : index
        %get3A_619 = tpu.vector_load %arg16[%get3A_617, %get3A_618] {strides = array<i32>} : memref<128x64xf32, #tpu.memory_space<vmem>>, vector<16xf32>,
        %mul3A_620 = arith.mulf %get3A_613, %get3A_616 : vector<16xf32>
        %add3A_621 = arith.addf %add3A_608, %mul3A_620 : vector<16xf32>
        %mul3A_622 = arith.mulf %get3A_613, %get3A_619 : vector<16xf32>
        %add3A_623 = arith.addf %add3A_610, %mul3A_622 : vector<16xf32>
        %reduce_sum3A_624 = arith.constant true
        %reduce_sum3A_625 = vector.broadcast %reduce_sum3A_624 : i1 to vector<16xi1>
        %reduce_sum3A_626 = tpu.scan <sum>, %add3A_621 masked %reduce_sum3A_625 : vector<16xf32>, vector<16xi1> -> vector<16xf32>
        %reduce_sum3A_627 = vector.extract %reduce_sum3A_626[15] : f32 from vector<16xf32>
        %reduce_sum3A_628 = arith.constant true
        %reduce_sum3A_629 = vector.broadcast %reduce_sum3A_628 : i1 to vector<16xi1>
        %reduce_sum3A_630 = tpu.scan <sum>, %add3A_623 masked %reduce_sum3A_629 : vector<16xf32>, vector<16xi1> -> vector<16xf32>
        %reduce_sum3A_631 = vector.extract %reduce_sum3A_630[15] : f32 from vector<16xf32>
        %eq3A_632 = arith.constant 6 : i32
        %eq3A_633 = vector.broadcast %eq3A_632 : i32 to vector<16xi32>
        %eq3A_634 = arith.cmpi eq, %iota3A, %eq3A_633 : vector<16xi32>
        %broadcast_in_dim3A_635 = vector.broadcast %reduce_sum3A_627 : f32 to vector<16xf32>
        %select_n3A_636 = arith.select %eq3A_634, %broadcast_in_dim3A_635, %select_n3A_563 : vector<16xi1>, vector<16xf32>
        %broadcast_in_dim3A_637 = vector.broadcast %reduce_sum3A_631 : f32 to vector<16xf32>
        %select_n3A_638 = arith.select %eq3A_634, %broadcast_in_dim3A_637, %select_n3A_565 : vector<16xi1>, vector<16xf32>
        %add3A_639 = arith.constant 7 : i32
        %add3A_640 = arith.addi %multiple_of3A_128, %add3A_639 : i32
        %broadcast_in_dim3A_641 = arith.constant 0.000000e+00 : f32
        %broadcast_in_dim3A_642 = vector.broadcast %broadcast_in_dim3A_641 : f32 to vector<16xf32>
        %broadcast_in_dim3A_643 = arith.constant 0.000000e+00 : f32
        %broadcast_in_dim3A_644 = vector.broadcast %broadcast_in_dim3A_643 : f32 to vector<16xf32>
        %get3A_645 = arith.index_cast %add3A_640 : i32 to index
        %get3A_646 = arith.constant 0 : index
        %get3A_647 = tpu.vector_load %arg14[%get3A_645, %get3A_646] {strides = array<i32>} : memref<128x64xf32, #tpu.memory_space<vmem>>, vector<16xf32>,
        %get3A_648 = arith.index_cast %add3A_640 : i32 to index
        %get3A_649 = arith.constant 0 : index
        %get3A_650 = tpu.vector_load %arg15[%get3A_648, %get3A_649] {strides = array<i32>} : memref<128x64xf32, #tpu.memory_space<vmem>>, vector<16xf32>,
        %get3A_651 = arith.index_cast %add3A_640 : i32 to index
        %get3A_652 = arith.constant 0 : index
        %get3A_653 = tpu.vector_load %arg16[%get3A_651, %get3A_652] {strides = array<i32>} : memref<128x64xf32, #tpu.memory_space<vmem>>, vector<16xf32>,
        %mul3A_654 = arith.mulf %get3A_647, %get3A_650 : vector<16xf32>
        %add3A_655 = arith.addf %broadcast_in_dim3A_642, %mul3A_654 : vector<16xf32>
        %mul3A_656 = arith.mulf %get3A_647, %get3A_653 : vector<16xf32>
        %add3A_657 = arith.addf %broadcast_in_dim3A_644, %mul3A_656 : vector<16xf32>
        %get3A_658 = arith.index_cast %add3A_640 : i32 to index
        %get3A_659 = arith.constant 16 : index
        %get3A_660 = tpu.vector_load %arg14[%get3A_658, %get3A_659] {strides = array<i32>} : memref<128x64xf32, #tpu.memory_space<vmem>>, vector<16xf32>,
        %get3A_661 = arith.index_cast %add3A_640 : i32 to index
        %get3A_662 = arith.constant 16 : index
        %get3A_663 = tpu.vector_load %arg15[%get3A_661, %get3A_662] {strides = array<i32>} : memref<128x64xf32, #tpu.memory_space<vmem>>, vector<16xf32>,
        %get3A_664 = arith.index_cast %add3A_640 : i32 to index
        %get3A_665 = arith.constant 16 : index
        %get3A_666 = tpu.vector_load %arg16[%get3A_664, %get3A_665] {strides = array<i32>} : memref<128x64xf32, #tpu.memory_space<vmem>>, vector<16xf32>,
        %mul3A_667 = arith.mulf %get3A_660, %get3A_663 : vector<16xf32>
        %add3A_668 = arith.addf %add3A_655, %mul3A_667 : vector<16xf32>
        %mul3A_669 = arith.mulf %get3A_660, %get3A_666 : vector<16xf32>
        %add3A_670 = arith.addf %add3A_657, %mul3A_669 : vector<16xf32>
        %get3A_671 = arith.index_cast %add3A_640 : i32 to index
        %get3A_672 = arith.constant 32 : index
        %get3A_673 = tpu.vector_load %arg14[%get3A_671, %get3A_672] {strides = array<i32>} : memref<128x64xf32, #tpu.memory_space<vmem>>, vector<16xf32>,
        %get3A_674 = arith.index_cast %add3A_640 : i32 to index
        %get3A_675 = arith.constant 32 : index
        %get3A_676 = tpu.vector_load %arg15[%get3A_674, %get3A_675] {strides = array<i32>} : memref<128x64xf32, #tpu.memory_space<vmem>>, vector<16xf32>,
        %get3A_677 = arith.index_cast %add3A_640 : i32 to index
        %get3A_678 = arith.constant 32 : index
        %get3A_679 = tpu.vector_load %arg16[%get3A_677, %get3A_678] {strides = array<i32>} : memref<128x64xf32, #tpu.memory_space<vmem>>, vector<16xf32>,
        %mul3A_680 = arith.mulf %get3A_673, %get3A_676 : vector<16xf32>
        %add3A_681 = arith.addf %add3A_668, %mul3A_680 : vector<16xf32>
        %mul3A_682 = arith.mulf %get3A_673, %get3A_679 : vector<16xf32>
        %add3A_683 = arith.addf %add3A_670, %mul3A_682 : vector<16xf32>
        %get3A_684 = arith.index_cast %add3A_640 : i32 to index
        %get3A_685 = arith.constant 48 : index
        %get3A_686 = tpu.vector_load %arg14[%get3A_684, %get3A_685] {strides = array<i32>} : memref<128x64xf32, #tpu.memory_space<vmem>>, vector<16xf32>,
        %get3A_687 = arith.index_cast %add3A_640 : i32 to index
        %get3A_688 = arith.constant 48 : index
        %get3A_689 = tpu.vector_load %arg15[%get3A_687, %get3A_688] {strides = array<i32>} : memref<128x64xf32, #tpu.memory_space<vmem>>, vector<16xf32>,
        %get3A_690 = arith.index_cast %add3A_640 : i32 to index
        %get3A_691 = arith.constant 48 : index
        %get3A_692 = tpu.vector_load %arg16[%get3A_690, %get3A_691] {strides = array<i32>} : memref<128x64xf32, #tpu.memory_space<vmem>>, vector<16xf32>,
        %mul3A_693 = arith.mulf %get3A_686, %get3A_689 : vector<16xf32>
        %add3A_694 = arith.addf %add3A_681, %mul3A_693 : vector<16xf32>
        %mul3A_695 = arith.mulf %get3A_686, %get3A_692 : vector<16xf32>
        %add3A_696 = arith.addf %add3A_683, %mul3A_695 : vector<16xf32>
        %reduce_sum3A_697 = arith.constant true
        %reduce_sum3A_698 = vector.broadcast %reduce_sum3A_697 : i1 to vector<16xi1>
        %reduce_sum3A_699 = tpu.scan <sum>, %add3A_694 masked %reduce_sum3A_698 : vector<16xf32>, vector<16xi1> -> vector<16xf32>
        %reduce_sum3A_700 = vector.extract %reduce_sum3A_699[15] : f32 from vector<16xf32>
        %reduce_sum3A_701 = arith.constant true
        %reduce_sum3A_702 = vector.broadcast %reduce_sum3A_701 : i1 to vector<16xi1>
        %reduce_sum3A_703 = tpu.scan <sum>, %add3A_696 masked %reduce_sum3A_702 : vector<16xf32>, vector<16xi1> -> vector<16xf32>
        %reduce_sum3A_704 = vector.extract %reduce_sum3A_703[15] : f32 from vector<16xf32>
        %eq3A_705 = arith.constant 7 : i32
        %eq3A_706 = vector.broadcast %eq3A_705 : i32 to vector<16xi32>
        %eq3A_707 = arith.cmpi eq, %iota3A, %eq3A_706 : vector<16xi32>
        %broadcast_in_dim3A_708 = vector.broadcast %reduce_sum3A_700 : f32 to vector<16xf32>
        %select_n3A_709 = arith.select %eq3A_707, %broadcast_in_dim3A_708, %select_n3A_636 : vector<16xi1>, vector<16xf32>
        %broadcast_in_dim3A_710 = vector.broadcast %reduce_sum3A_704 : f32 to vector<16xf32>
        %select_n3A_711 = arith.select %eq3A_707, %broadcast_in_dim3A_710, %select_n3A_638 : vector<16xi1>, vector<16xf32>
        %add3A_712 = arith.constant 8 : i32
        %add3A_713 = arith.addi %multiple_of3A_128, %add3A_712 : i32
        %broadcast_in_dim3A_714 = arith.constant 0.000000e+00 : f32
        %broadcast_in_dim3A_715 = vector.broadcast %broadcast_in_dim3A_714 : f32 to vector<16xf32>
        %broadcast_in_dim3A_716 = arith.constant 0.000000e+00 : f32
        %broadcast_in_dim3A_717 = vector.broadcast %broadcast_in_dim3A_716 : f32 to vector<16xf32>
        %get3A_718 = arith.index_cast %add3A_713 : i32 to index
        %get3A_719 = arith.constant 0 : index
        %get3A_720 = tpu.vector_load %arg14[%get3A_718, %get3A_719] {strides = array<i32>} : memref<128x64xf32, #tpu.memory_space<vmem>>, vector<16xf32>,
        %get3A_721 = arith.index_cast %add3A_713 : i32 to index
        %get3A_722 = arith.constant 0 : index
        %get3A_723 = tpu.vector_load %arg15[%get3A_721, %get3A_722] {strides = array<i32>} : memref<128x64xf32, #tpu.memory_space<vmem>>, vector<16xf32>,
        %get3A_724 = arith.index_cast %add3A_713 : i32 to index
        %get3A_725 = arith.constant 0 : index
        %get3A_726 = tpu.vector_load %arg16[%get3A_724, %get3A_725] {strides = array<i32>} : memref<128x64xf32, #tpu.memory_space<vmem>>, vector<16xf32>,
        %mul3A_727 = arith.mulf %get3A_720, %get3A_723 : vector<16xf32>
        %add3A_728 = arith.addf %broadcast_in_dim3A_715, %mul3A_727 : vector<16xf32>
        %mul3A_729 = arith.mulf %get3A_720, %get3A_726 : vector<16xf32>
        %add3A_730 = arith.addf %broadcast_in_dim3A_717, %mul3A_729 : vector<16xf32>
        %get3A_731 = arith.index_cast %add3A_713 : i32 to index
        %get3A_732 = arith.constant 16 : index
        %get3A_733 = tpu.vector_load %arg14[%get3A_731, %get3A_732] {strides = array<i32>} : memref<128x64xf32, #tpu.memory_space<vmem>>, vector<16xf32>,
        %get3A_734 = arith.index_cast %add3A_713 : i32 to index
        %get3A_735 = arith.constant 16 : index
        %get3A_736 = tpu.vector_load %arg15[%get3A_734, %get3A_735] {strides = array<i32>} : memref<128x64xf32, #tpu.memory_space<vmem>>, vector<16xf32>,
        %get3A_737 = arith.index_cast %add3A_713 : i32 to index
        %get3A_738 = arith.constant 16 : index
        %get3A_739 = tpu.vector_load %arg16[%get3A_737, %get3A_738] {strides = array<i32>} : memref<128x64xf32, #tpu.memory_space<vmem>>, vector<16xf32>,
        %mul3A_740 = arith.mulf %get3A_733, %get3A_736 : vector<16xf32>
        %add3A_741 = arith.addf %add3A_728, %mul3A_740 : vector<16xf32>
        %mul3A_742 = arith.mulf %get3A_733, %get3A_739 : vector<16xf32>
        %add3A_743 = arith.addf %add3A_730, %mul3A_742 : vector<16xf32>
        %get3A_744 = arith.index_cast %add3A_713 : i32 to index
        %get3A_745 = arith.constant 32 : index
        %get3A_746 = tpu.vector_load %arg14[%get3A_744, %get3A_745] {strides = array<i32>} : memref<128x64xf32, #tpu.memory_space<vmem>>, vector<16xf32>,
        %get3A_747 = arith.index_cast %add3A_713 : i32 to index
        %get3A_748 = arith.constant 32 : index
        %get3A_749 = tpu.vector_load %arg15[%get3A_747, %get3A_748] {strides = array<i32>} : memref<128x64xf32, #tpu.memory_space<vmem>>, vector<16xf32>,
        %get3A_750 = arith.index_cast %add3A_713 : i32 to index
        %get3A_751 = arith.constant 32 : index
        %get3A_752 = tpu.vector_load %arg16[%get3A_750, %get3A_751] {strides = array<i32>} : memref<128x64xf32, #tpu.memory_space<vmem>>, vector<16xf32>,
        %mul3A_753 = arith.mulf %get3A_746, %get3A_749 : vector<16xf32>
        %add3A_754 = arith.addf %add3A_741, %mul3A_753 : vector<16xf32>
        %mul3A_755 = arith.mulf %get3A_746, %get3A_752 : vector<16xf32>
        %add3A_756 = arith.addf %add3A_743, %mul3A_755 : vector<16xf32>
        %get3A_757 = arith.index_cast %add3A_713 : i32 to index
        %get3A_758 = arith.constant 48 : index
        %get3A_759 = tpu.vector_load %arg14[%get3A_757, %get3A_758] {strides = array<i32>} : memref<128x64xf32, #tpu.memory_space<vmem>>, vector<16xf32>,
        %get3A_760 = arith.index_cast %add3A_713 : i32 to index
        %get3A_761 = arith.constant 48 : index
        %get3A_762 = tpu.vector_load %arg15[%get3A_760, %get3A_761] {strides = array<i32>} : memref<128x64xf32, #tpu.memory_space<vmem>>, vector<16xf32>,
        %get3A_763 = arith.index_cast %add3A_713 : i32 to index
        %get3A_764 = arith.constant 48 : index
        %get3A_765 = tpu.vector_load %arg16[%get3A_763, %get3A_764] {strides = array<i32>} : memref<128x64xf32, #tpu.memory_space<vmem>>, vector<16xf32>,
        %mul3A_766 = arith.mulf %get3A_759, %get3A_762 : vector<16xf32>
        %add3A_767 = arith.addf %add3A_754, %mul3A_766 : vector<16xf32>
        %mul3A_768 = arith.mulf %get3A_759, %get3A_765 : vector<16xf32>
        %add3A_769 = arith.addf %add3A_756, %mul3A_768 : vector<16xf32>
        %reduce_sum3A_770 = arith.constant true
        %reduce_sum3A_771 = vector.broadcast %reduce_sum3A_770 : i1 to vector<16xi1>
        %reduce_sum3A_772 = tpu.scan <sum>, %add3A_767 masked %reduce_sum3A_771 : vector<16xf32>, vector<16xi1> -> vector<16xf32>
        %reduce_sum3A_773 = vector.extract %reduce_sum3A_772[15] : f32 from vector<16xf32>
        %reduce_sum3A_774 = arith.constant true
        %reduce_sum3A_775 = vector.broadcast %reduce_sum3A_774 : i1 to vector<16xi1>
        %reduce_sum3A_776 = tpu.scan <sum>, %add3A_769 masked %reduce_sum3A_775 : vector<16xf32>, vector<16xi1> -> vector<16xf32>
        %reduce_sum3A_777 = vector.extract %reduce_sum3A_776[15] : f32 from vector<16xf32>
        %eq3A_778 = arith.constant 8 : i32
        %eq3A_779 = vector.broadcast %eq3A_778 : i32 to vector<16xi32>
        %eq3A_780 = arith.cmpi eq, %iota3A, %eq3A_779 : vector<16xi32>
        %broadcast_in_dim3A_781 = vector.broadcast %reduce_sum3A_773 : f32 to vector<16xf32>
        %select_n3A_782 = arith.select %eq3A_780, %broadcast_in_dim3A_781, %select_n3A_709 : vector<16xi1>, vector<16xf32>
        %broadcast_in_dim3A_783 = vector.broadcast %reduce_sum3A_777 : f32 to vector<16xf32>
        %select_n3A_784 = arith.select %eq3A_780, %broadcast_in_dim3A_783, %select_n3A_711 : vector<16xi1>, vector<16xf32>
        %add3A_785 = arith.constant 9 : i32
        %add3A_786 = arith.addi %multiple_of3A_128, %add3A_785 : i32
        %broadcast_in_dim3A_787 = arith.constant 0.000000e+00 : f32
        %broadcast_in_dim3A_788 = vector.broadcast %broadcast_in_dim3A_787 : f32 to vector<16xf32>
        %broadcast_in_dim3A_789 = arith.constant 0.000000e+00 : f32
        %broadcast_in_dim3A_790 = vector.broadcast %broadcast_in_dim3A_789 : f32 to vector<16xf32>
        %get3A_791 = arith.index_cast %add3A_786 : i32 to index
        %get3A_792 = arith.constant 0 : index
        %get3A_793 = tpu.vector_load %arg14[%get3A_791, %get3A_792] {strides = array<i32>} : memref<128x64xf32, #tpu.memory_space<vmem>>, vector<16xf32>,
        %get3A_794 = arith.index_cast %add3A_786 : i32 to index
        %get3A_795 = arith.constant 0 : index
        %get3A_796 = tpu.vector_load %arg15[%get3A_794, %get3A_795] {strides = array<i32>} : memref<128x64xf32, #tpu.memory_space<vmem>>, vector<16xf32>,
        %get3A_797 = arith.index_cast %add3A_786 : i32 to index
        %get3A_798 = arith.constant 0 : index
        %get3A_799 = tpu.vector_load %arg16[%get3A_797, %get3A_798] {strides = array<i32>} : memref<128x64xf32, #tpu.memory_space<vmem>>, vector<16xf32>,
        %mul3A_800 = arith.mulf %get3A_793, %get3A_796 : vector<16xf32>
        %add3A_801 = arith.addf %broadcast_in_dim3A_788, %mul3A_800 : vector<16xf32>
        %mul3A_802 = arith.mulf %get3A_793, %get3A_799 : vector<16xf32>
        %add3A_803 = arith.addf %broadcast_in_dim3A_790, %mul3A_802 : vector<16xf32>
        %get3A_804 = arith.index_cast %add3A_786 : i32 to index
        %get3A_805 = arith.constant 16 : index
        %get3A_806 = tpu.vector_load %arg14[%get3A_804, %get3A_805] {strides = array<i32>} : memref<128x64xf32, #tpu.memory_space<vmem>>, vector<16xf32>,
        %get3A_807 = arith.index_cast %add3A_786 : i32 to index
        %get3A_808 = arith.constant 16 : index
        %get3A_809 = tpu.vector_load %arg15[%get3A_807, %get3A_808] {strides = array<i32>} : memref<128x64xf32, #tpu.memory_space<vmem>>, vector<16xf32>,
        %get3A_810 = arith.index_cast %add3A_786 : i32 to index
        %get3A_811 = arith.constant 16 : index
        %get3A_812 = tpu.vector_load %arg16[%get3A_810, %get3A_811] {strides = array<i32>} : memref<128x64xf32, #tpu.memory_space<vmem>>, vector<16xf32>,
        %mul3A_813 = arith.mulf %get3A_806, %get3A_809 : vector<16xf32>
        %add3A_814 = arith.addf %add3A_801, %mul3A_813 : vector<16xf32>
        %mul3A_815 = arith.mulf %get3A_806, %get3A_812 : vector<16xf32>
        %add3A_816 = arith.addf %add3A_803, %mul3A_815 : vector<16xf32>
        %get3A_817 = arith.index_cast %add3A_786 : i32 to index
        %get3A_818 = arith.constant 32 : index
        %get3A_819 = tpu.vector_load %arg14[%get3A_817, %get3A_818] {strides = array<i32>} : memref<128x64xf32, #tpu.memory_space<vmem>>, vector<16xf32>,
        %get3A_820 = arith.index_cast %add3A_786 : i32 to index
        %get3A_821 = arith.constant 32 : index
        %get3A_822 = tpu.vector_load %arg15[%get3A_820, %get3A_821] {strides = array<i32>} : memref<128x64xf32, #tpu.memory_space<vmem>>, vector<16xf32>,
        %get3A_823 = arith.index_cast %add3A_786 : i32 to index
        %get3A_824 = arith.constant 32 : index
        %get3A_825 = tpu.vector_load %arg16[%get3A_823, %get3A_824] {strides = array<i32>} : memref<128x64xf32, #tpu.memory_space<vmem>>, vector<16xf32>,
        %mul3A_826 = arith.mulf %get3A_819, %get3A_822 : vector<16xf32>
        %add3A_827 = arith.addf %add3A_814, %mul3A_826 : vector<16xf32>
        %mul3A_828 = arith.mulf %get3A_819, %get3A_825 : vector<16xf32>
        %add3A_829 = arith.addf %add3A_816, %mul3A_828 : vector<16xf32>
        %get3A_830 = arith.index_cast %add3A_786 : i32 to index
        %get3A_831 = arith.constant 48 : index
        %get3A_832 = tpu.vector_load %arg14[%get3A_830, %get3A_831] {strides = array<i32>} : memref<128x64xf32, #tpu.memory_space<vmem>>, vector<16xf32>,
        %get3A_833 = arith.index_cast %add3A_786 : i32 to index
        %get3A_834 = arith.constant 48 : index
        %get3A_835 = tpu.vector_load %arg15[%get3A_833, %get3A_834] {strides = array<i32>} : memref<128x64xf32, #tpu.memory_space<vmem>>, vector<16xf32>,
        %get3A_836 = arith.index_cast %add3A_786 : i32 to index
        %get3A_837 = arith.constant 48 : index
        %get3A_838 = tpu.vector_load %arg16[%get3A_836, %get3A_837] {strides = array<i32>} : memref<128x64xf32, #tpu.memory_space<vmem>>, vector<16xf32>,
        %mul3A_839 = arith.mulf %get3A_832, %get3A_835 : vector<16xf32>
        %add3A_840 = arith.addf %add3A_827, %mul3A_839 : vector<16xf32>
        %mul3A_841 = arith.mulf %get3A_832, %get3A_838 : vector<16xf32>
        %add3A_842 = arith.addf %add3A_829, %mul3A_841 : vector<16xf32>
        %reduce_sum3A_843 = arith.constant true
        %reduce_sum3A_844 = vector.broadcast %reduce_sum3A_843 : i1 to vector<16xi1>
        %reduce_sum3A_845 = tpu.scan <sum>, %add3A_840 masked %reduce_sum3A_844 : vector<16xf32>, vector<16xi1> -> vector<16xf32>
        %reduce_sum3A_846 = vector.extract %reduce_sum3A_845[15] : f32 from vector<16xf32>
        %reduce_sum3A_847 = arith.constant true
        %reduce_sum3A_848 = vector.broadcast %reduce_sum3A_847 : i1 to vector<16xi1>
        %reduce_sum3A_849 = tpu.scan <sum>, %add3A_842 masked %reduce_sum3A_848 : vector<16xf32>, vector<16xi1> -> vector<16xf32>
        %reduce_sum3A_850 = vector.extract %reduce_sum3A_849[15] : f32 from vector<16xf32>
        %eq3A_851 = arith.constant 9 : i32
        %eq3A_852 = vector.broadcast %eq3A_851 : i32 to vector<16xi32>
        %eq3A_853 = arith.cmpi eq, %iota3A, %eq3A_852 : vector<16xi32>
        %broadcast_in_dim3A_854 = vector.broadcast %reduce_sum3A_846 : f32 to vector<16xf32>
        %select_n3A_855 = arith.select %eq3A_853, %broadcast_in_dim3A_854, %select_n3A_782 : vector<16xi1>, vector<16xf32>
        %broadcast_in_dim3A_856 = vector.broadcast %reduce_sum3A_850 : f32 to vector<16xf32>
        %select_n3A_857 = arith.select %eq3A_853, %broadcast_in_dim3A_856, %select_n3A_784 : vector<16xi1>, vector<16xf32>
        %add3A_858 = arith.constant 10 : i32
        %add3A_859 = arith.addi %multiple_of3A_128, %add3A_858 : i32
        %broadcast_in_dim3A_860 = arith.constant 0.000000e+00 : f32
        %broadcast_in_dim3A_861 = vector.broadcast %broadcast_in_dim3A_860 : f32 to vector<16xf32>
        %broadcast_in_dim3A_862 = arith.constant 0.000000e+00 : f32
        %broadcast_in_dim3A_863 = vector.broadcast %broadcast_in_dim3A_862 : f32 to vector<16xf32>
        %get3A_864 = arith.index_cast %add3A_859 : i32 to index
        %get3A_865 = arith.constant 0 : index
        %get3A_866 = tpu.vector_load %arg14[%get3A_864, %get3A_865] {strides = array<i32>} : memref<128x64xf32, #tpu.memory_space<vmem>>, vector<16xf32>,
        %get3A_867 = arith.index_cast %add3A_859 : i32 to index
        %get3A_868 = arith.constant 0 : index
        %get3A_869 = tpu.vector_load %arg15[%get3A_867, %get3A_868] {strides = array<i32>} : memref<128x64xf32, #tpu.memory_space<vmem>>, vector<16xf32>,
        %get3A_870 = arith.index_cast %add3A_859 : i32 to index
        %get3A_871 = arith.constant 0 : index
        %get3A_872 = tpu.vector_load %arg16[%get3A_870, %get3A_871] {strides = array<i32>} : memref<128x64xf32, #tpu.memory_space<vmem>>, vector<16xf32>,
        %mul3A_873 = arith.mulf %get3A_866, %get3A_869 : vector<16xf32>
        %add3A_874 = arith.addf %broadcast_in_dim3A_861, %mul3A_873 : vector<16xf32>
        %mul3A_875 = arith.mulf %get3A_866, %get3A_872 : vector<16xf32>
        %add3A_876 = arith.addf %broadcast_in_dim3A_863, %mul3A_875 : vector<16xf32>
        %get3A_877 = arith.index_cast %add3A_859 : i32 to index
        %get3A_878 = arith.constant 16 : index
        %get3A_879 = tpu.vector_load %arg14[%get3A_877, %get3A_878] {strides = array<i32>} : memref<128x64xf32, #tpu.memory_space<vmem>>, vector<16xf32>,
        %get3A_880 = arith.index_cast %add3A_859 : i32 to index
        %get3A_881 = arith.constant 16 : index
        %get3A_882 = tpu.vector_load %arg15[%get3A_880, %get3A_881] {strides = array<i32>} : memref<128x64xf32, #tpu.memory_space<vmem>>, vector<16xf32>,
        %get3A_883 = arith.index_cast %add3A_859 : i32 to index
        %get3A_884 = arith.constant 16 : index
        %get3A_885 = tpu.vector_load %arg16[%get3A_883, %get3A_884] {strides = array<i32>} : memref<128x64xf32, #tpu.memory_space<vmem>>, vector<16xf32>,
        %mul3A_886 = arith.mulf %get3A_879, %get3A_882 : vector<16xf32>
        %add3A_887 = arith.addf %add3A_874, %mul3A_886 : vector<16xf32>
        %mul3A_888 = arith.mulf %get3A_879, %get3A_885 : vector<16xf32>
        %add3A_889 = arith.addf %add3A_876, %mul3A_888 : vector<16xf32>
        %get3A_890 = arith.index_cast %add3A_859 : i32 to index
        %get3A_891 = arith.constant 32 : index
        %get3A_892 = tpu.vector_load %arg14[%get3A_890, %get3A_891] {strides = array<i32>} : memref<128x64xf32, #tpu.memory_space<vmem>>, vector<16xf32>,
        %get3A_893 = arith.index_cast %add3A_859 : i32 to index
        %get3A_894 = arith.constant 32 : index
        %get3A_895 = tpu.vector_load %arg15[%get3A_893, %get3A_894] {strides = array<i32>} : memref<128x64xf32, #tpu.memory_space<vmem>>, vector<16xf32>,
        %get3A_896 = arith.index_cast %add3A_859 : i32 to index
        %get3A_897 = arith.constant 32 : index
        %get3A_898 = tpu.vector_load %arg16[%get3A_896, %get3A_897] {strides = array<i32>} : memref<128x64xf32, #tpu.memory_space<vmem>>, vector<16xf32>,
        %mul3A_899 = arith.mulf %get3A_892, %get3A_895 : vector<16xf32>
        %add3A_900 = arith.addf %add3A_887, %mul3A_899 : vector<16xf32>
        %mul3A_901 = arith.mulf %get3A_892, %get3A_898 : vector<16xf32>
        %add3A_902 = arith.addf %add3A_889, %mul3A_901 : vector<16xf32>
        %get3A_903 = arith.index_cast %add3A_859 : i32 to index
        %get3A_904 = arith.constant 48 : index
        %get3A_905 = tpu.vector_load %arg14[%get3A_903, %get3A_904] {strides = array<i32>} : memref<128x64xf32, #tpu.memory_space<vmem>>, vector<16xf32>,
        %get3A_906 = arith.index_cast %add3A_859 : i32 to index
        %get3A_907 = arith.constant 48 : index
        %get3A_908 = tpu.vector_load %arg15[%get3A_906, %get3A_907] {strides = array<i32>} : memref<128x64xf32, #tpu.memory_space<vmem>>, vector<16xf32>,
        %get3A_909 = arith.index_cast %add3A_859 : i32 to index
        %get3A_910 = arith.constant 48 : index
        %get3A_911 = tpu.vector_load %arg16[%get3A_909, %get3A_910] {strides = array<i32>} : memref<128x64xf32, #tpu.memory_space<vmem>>, vector<16xf32>,
        %mul3A_912 = arith.mulf %get3A_905, %get3A_908 : vector<16xf32>
        %add3A_913 = arith.addf %add3A_900, %mul3A_912 : vector<16xf32>
        %mul3A_914 = arith.mulf %get3A_905, %get3A_911 : vector<16xf32>
        %add3A_915 = arith.addf %add3A_902, %mul3A_914 : vector<16xf32>
        %reduce_sum3A_916 = arith.constant true
        %reduce_sum3A_917 = vector.broadcast %reduce_sum3A_916 : i1 to vector<16xi1>
        %reduce_sum3A_918 = tpu.scan <sum>, %add3A_913 masked %reduce_sum3A_917 : vector<16xf32>, vector<16xi1> -> vector<16xf32>
        %reduce_sum3A_919 = vector.extract %reduce_sum3A_918[15] : f32 from vector<16xf32>
        %reduce_sum3A_920 = arith.constant true
        %reduce_sum3A_921 = vector.broadcast %reduce_sum3A_920 : i1 to vector<16xi1>
        %reduce_sum3A_922 = tpu.scan <sum>, %add3A_915 masked %reduce_sum3A_921 : vector<16xf32>, vector<16xi1> -> vector<16xf32>
        %reduce_sum3A_923 = vector.extract %reduce_sum3A_922[15] : f32 from vector<16xf32>
        %eq3A_924 = arith.constant 10 : i32
        %eq3A_925 = vector.broadcast %eq3A_924 : i32 to vector<16xi32>
        %eq3A_926 = arith.cmpi eq, %iota3A, %eq3A_925 : vector<16xi32>
        %broadcast_in_dim3A_927 = vector.broadcast %reduce_sum3A_919 : f32 to vector<16xf32>
        %select_n3A_928 = arith.select %eq3A_926, %broadcast_in_dim3A_927, %select_n3A_855 : vector<16xi1>, vector<16xf32>
        %broadcast_in_dim3A_929 = vector.broadcast %reduce_sum3A_923 : f32 to vector<16xf32>
        %select_n3A_930 = arith.select %eq3A_926, %broadcast_in_dim3A_929, %select_n3A_857 : vector<16xi1>, vector<16xf32>
        %add3A_931 = arith.constant 11 : i32
        %add3A_932 = arith.addi %multiple_of3A_128, %add3A_931 : i32
        %broadcast_in_dim3A_933 = arith.constant 0.000000e+00 : f32
        %broadcast_in_dim3A_934 = vector.broadcast %broadcast_in_dim3A_933 : f32 to vector<16xf32>
        %broadcast_in_dim3A_935 = arith.constant 0.000000e+00 : f32
        %broadcast_in_dim3A_936 = vector.broadcast %broadcast_in_dim3A_935 : f32 to vector<16xf32>
        %get3A_937 = arith.index_cast %add3A_932 : i32 to index
        %get3A_938 = arith.constant 0 : index
        %get3A_939 = tpu.vector_load %arg14[%get3A_937, %get3A_938] {strides = array<i32>} : memref<128x64xf32, #tpu.memory_space<vmem>>, vector<16xf32>,
        %get3A_940 = arith.index_cast %add3A_932 : i32 to index
        %get3A_941 = arith.constant 0 : index
        %get3A_942 = tpu.vector_load %arg15[%get3A_940, %get3A_941] {strides = array<i32>} : memref<128x64xf32, #tpu.memory_space<vmem>>, vector<16xf32>,
        %get3A_943 = arith.index_cast %add3A_932 : i32 to index
        %get3A_944 = arith.constant 0 : index
        %get3A_945 = tpu.vector_load %arg16[%get3A_943, %get3A_944] {strides = array<i32>} : memref<128x64xf32, #tpu.memory_space<vmem>>, vector<16xf32>,
        %mul3A_946 = arith.mulf %get3A_939, %get3A_942 : vector<16xf32>
        %add3A_947 = arith.addf %broadcast_in_dim3A_934, %mul3A_946 : vector<16xf32>
        %mul3A_948 = arith.mulf %get3A_939, %get3A_945 : vector<16xf32>
        %add3A_949 = arith.addf %broadcast_in_dim3A_936, %mul3A_948 : vector<16xf32>
        %get3A_950 = arith.index_cast %add3A_932 : i32 to index
        %get3A_951 = arith.constant 16 : index
        %get3A_952 = tpu.vector_load %arg14[%get3A_950, %get3A_951] {strides = array<i32>} : memref<128x64xf32, #tpu.memory_space<vmem>>, vector<16xf32>,
        %get3A_953 = arith.index_cast %add3A_932 : i32 to index
        %get3A_954 = arith.constant 16 : index
        %get3A_955 = tpu.vector_load %arg15[%get3A_953, %get3A_954] {strides = array<i32>} : memref<128x64xf32, #tpu.memory_space<vmem>>, vector<16xf32>,
        %get3A_956 = arith.index_cast %add3A_932 : i32 to index
        %get3A_957 = arith.constant 16 : index
        %get3A_958 = tpu.vector_load %arg16[%get3A_956, %get3A_957] {strides = array<i32>} : memref<128x64xf32, #tpu.memory_space<vmem>>, vector<16xf32>,
        %mul3A_959 = arith.mulf %get3A_952, %get3A_955 : vector<16xf32>
        %add3A_960 = arith.addf %add3A_947, %mul3A_959 : vector<16xf32>
        %mul3A_961 = arith.mulf %get3A_952, %get3A_958 : vector<16xf32>
        %add3A_962 = arith.addf %add3A_949, %mul3A_961 : vector<16xf32>
        %get3A_963 = arith.index_cast %add3A_932 : i32 to index
        %get3A_964 = arith.constant 32 : index
        %get3A_965 = tpu.vector_load %arg14[%get3A_963, %get3A_964] {strides = array<i32>} : memref<128x64xf32, #tpu.memory_space<vmem>>, vector<16xf32>,
        %get3A_966 = arith.index_cast %add3A_932 : i32 to index
        %get3A_967 = arith.constant 32 : index
        %get3A_968 = tpu.vector_load %arg15[%get3A_966, %get3A_967] {strides = array<i32>} : memref<128x64xf32, #tpu.memory_space<vmem>>, vector<16xf32>,
        %get3A_969 = arith.index_cast %add3A_932 : i32 to index
        %get3A_970 = arith.constant 32 : index
        %get3A_971 = tpu.vector_load %arg16[%get3A_969, %get3A_970] {strides = array<i32>} : memref<128x64xf32, #tpu.memory_space<vmem>>, vector<16xf32>,
        %mul3A_972 = arith.mulf %get3A_965, %get3A_968 : vector<16xf32>
        %add3A_973 = arith.addf %add3A_960, %mul3A_972 : vector<16xf32>
        %mul3A_974 = arith.mulf %get3A_965, %get3A_971 : vector<16xf32>
        %add3A_975 = arith.addf %add3A_962, %mul3A_974 : vector<16xf32>
        %get3A_976 = arith.index_cast %add3A_932 : i32 to index
        %get3A_977 = arith.constant 48 : index
        %get3A_978 = tpu.vector_load %arg14[%get3A_976, %get3A_977] {strides = array<i32>} : memref<128x64xf32, #tpu.memory_space<vmem>>, vector<16xf32>,
        %get3A_979 = arith.index_cast %add3A_932 : i32 to index
        %get3A_980 = arith.constant 48 : index
        %get3A_981 = tpu.vector_load %arg15[%get3A_979, %get3A_980] {strides = array<i32>} : memref<128x64xf32, #tpu.memory_space<vmem>>, vector<16xf32>,
        %get3A_982 = arith.index_cast %add3A_932 : i32 to index
        %get3A_983 = arith.constant 48 : index
        %get3A_984 = tpu.vector_load %arg16[%get3A_982, %get3A_983] {strides = array<i32>} : memref<128x64xf32, #tpu.memory_space<vmem>>, vector<16xf32>,
        %mul3A_985 = arith.mulf %get3A_978, %get3A_981 : vector<16xf32>
        %add3A_986 = arith.addf %add3A_973, %mul3A_985 : vector<16xf32>
        %mul3A_987 = arith.mulf %get3A_978, %get3A_984 : vector<16xf32>
        %add3A_988 = arith.addf %add3A_975, %mul3A_987 : vector<16xf32>
        %reduce_sum3A_989 = arith.constant true
        %reduce_sum3A_990 = vector.broadcast %reduce_sum3A_989 : i1 to vector<16xi1>
        %reduce_sum3A_991 = tpu.scan <sum>, %add3A_986 masked %reduce_sum3A_990 : vector<16xf32>, vector<16xi1> -> vector<16xf32>
        %reduce_sum3A_992 = vector.extract %reduce_sum3A_991[15] : f32 from vector<16xf32>
        %reduce_sum3A_993 = arith.constant true
        %reduce_sum3A_994 = vector.broadcast %reduce_sum3A_993 : i1 to vector<16xi1>
        %reduce_sum3A_995 = tpu.scan <sum>, %add3A_988 masked %reduce_sum3A_994 : vector<16xf32>, vector<16xi1> -> vector<16xf32>
        %reduce_sum3A_996 = vector.extract %reduce_sum3A_995[15] : f32 from vector<16xf32>
        %eq3A_997 = arith.constant 11 : i32
        %eq3A_998 = vector.broadcast %eq3A_997 : i32 to vector<16xi32>
        %eq3A_999 = arith.cmpi eq, %iota3A, %eq3A_998 : vector<16xi32>
        %broadcast_in_dim3A_1000 = vector.broadcast %reduce_sum3A_992 : f32 to vector<16xf32>
        %select_n3A_1001 = arith.select %eq3A_999, %broadcast_in_dim3A_1000, %select_n3A_928 : vector<16xi1>, vector<16xf32>
        %broadcast_in_dim3A_1002 = vector.broadcast %reduce_sum3A_996 : f32 to vector<16xf32>
        %select_n3A_1003 = arith.select %eq3A_999, %broadcast_in_dim3A_1002, %select_n3A_930 : vector<16xi1>, vector<16xf32>
        %add3A_1004 = arith.constant 12 : i32
        %add3A_1005 = arith.addi %multiple_of3A_128, %add3A_1004 : i32
        %broadcast_in_dim3A_1006 = arith.constant 0.000000e+00 : f32
        %broadcast_in_dim3A_1007 = vector.broadcast %broadcast_in_dim3A_1006 : f32 to vector<16xf32>
        %broadcast_in_dim3A_1008 = arith.constant 0.000000e+00 : f32
        %broadcast_in_dim3A_1009 = vector.broadcast %broadcast_in_dim3A_1008 : f32 to vector<16xf32>
        %get3A_1010 = arith.index_cast %add3A_1005 : i32 to index
        %get3A_1011 = arith.constant 0 : index
        %get3A_1012 = tpu.vector_load %arg14[%get3A_1010, %get3A_1011] {strides = array<i32>} : memref<128x64xf32, #tpu.memory_space<vmem>>, vector<16xf32>,
        %get3A_1013 = arith.index_cast %add3A_1005 : i32 to index
        %get3A_1014 = arith.constant 0 : index
        %get3A_1015 = tpu.vector_load %arg15[%get3A_1013, %get3A_1014] {strides = array<i32>} : memref<128x64xf32, #tpu.memory_space<vmem>>, vector<16xf32>,
        %get3A_1016 = arith.index_cast %add3A_1005 : i32 to index
        %get3A_1017 = arith.constant 0 : index
        %get3A_1018 = tpu.vector_load %arg16[%get3A_1016, %get3A_1017] {strides = array<i32>} : memref<128x64xf32, #tpu.memory_space<vmem>>, vector<16xf32>,
        %mul3A_1019 = arith.mulf %get3A_1012, %get3A_1015 : vector<16xf32>
        %add3A_1020 = arith.addf %broadcast_in_dim3A_1007, %mul3A_1019 : vector<16xf32>
        %mul3A_1021 = arith.mulf %get3A_1012, %get3A_1018 : vector<16xf32>
        %add3A_1022 = arith.addf %broadcast_in_dim3A_1009, %mul3A_1021 : vector<16xf32>
        %get3A_1023 = arith.index_cast %add3A_1005 : i32 to index
        %get3A_1024 = arith.constant 16 : index
        %get3A_1025 = tpu.vector_load %arg14[%get3A_1023, %get3A_1024] {strides = array<i32>} : memref<128x64xf32, #tpu.memory_space<vmem>>, vector<16xf32>,
        %get3A_1026 = arith.index_cast %add3A_1005 : i32 to index
        %get3A_1027 = arith.constant 16 : index
        %get3A_1028 = tpu.vector_load %arg15[%get3A_1026, %get3A_1027] {strides = array<i32>} : memref<128x64xf32, #tpu.memory_space<vmem>>, vector<16xf32>,
        %get3A_1029 = arith.index_cast %add3A_1005 : i32 to index
        %get3A_1030 = arith.constant 16 : index
        %get3A_1031 = tpu.vector_load %arg16[%get3A_1029, %get3A_1030] {strides = array<i32>} : memref<128x64xf32, #tpu.memory_space<vmem>>, vector<16xf32>,
        %mul3A_1032 = arith.mulf %get3A_1025, %get3A_1028 : vector<16xf32>
        %add3A_1033 = arith.addf %add3A_1020, %mul3A_1032 : vector<16xf32>
        %mul3A_1034 = arith.mulf %get3A_1025, %get3A_1031 : vector<16xf32>
        %add3A_1035 = arith.addf %add3A_1022, %mul3A_1034 : vector<16xf32>
        %get3A_1036 = arith.index_cast %add3A_1005 : i32 to index
        %get3A_1037 = arith.constant 32 : index
        %get3A_1038 = tpu.vector_load %arg14[%get3A_1036, %get3A_1037] {strides = array<i32>} : memref<128x64xf32, #tpu.memory_space<vmem>>, vector<16xf32>,
        %get3A_1039 = arith.index_cast %add3A_1005 : i32 to index
        %get3A_1040 = arith.constant 32 : index
        %get3A_1041 = tpu.vector_load %arg15[%get3A_1039, %get3A_1040] {strides = array<i32>} : memref<128x64xf32, #tpu.memory_space<vmem>>, vector<16xf32>,
        %get3A_1042 = arith.index_cast %add3A_1005 : i32 to index
        %get3A_1043 = arith.constant 32 : index
        %get3A_1044 = tpu.vector_load %arg16[%get3A_1042, %get3A_1043] {strides = array<i32>} : memref<128x64xf32, #tpu.memory_space<vmem>>, vector<16xf32>,
        %mul3A_1045 = arith.mulf %get3A_1038, %get3A_1041 : vector<16xf32>
        %add3A_1046 = arith.addf %add3A_1033, %mul3A_1045 : vector<16xf32>
        %mul3A_1047 = arith.mulf %get3A_1038, %get3A_1044 : vector<16xf32>
        %add3A_1048 = arith.addf %add3A_1035, %mul3A_1047 : vector<16xf32>
        %get3A_1049 = arith.index_cast %add3A_1005 : i32 to index
        %get3A_1050 = arith.constant 48 : index
        %get3A_1051 = tpu.vector_load %arg14[%get3A_1049, %get3A_1050] {strides = array<i32>} : memref<128x64xf32, #tpu.memory_space<vmem>>, vector<16xf32>,
        %get3A_1052 = arith.index_cast %add3A_1005 : i32 to index
        %get3A_1053 = arith.constant 48 : index
        %get3A_1054 = tpu.vector_load %arg15[%get3A_1052, %get3A_1053] {strides = array<i32>} : memref<128x64xf32, #tpu.memory_space<vmem>>, vector<16xf32>,
        %get3A_1055 = arith.index_cast %add3A_1005 : i32 to index
        %get3A_1056 = arith.constant 48 : index
        %get3A_1057 = tpu.vector_load %arg16[%get3A_1055, %get3A_1056] {strides = array<i32>} : memref<128x64xf32, #tpu.memory_space<vmem>>, vector<16xf32>,
        %mul3A_1058 = arith.mulf %get3A_1051, %get3A_1054 : vector<16xf32>
        %add3A_1059 = arith.addf %add3A_1046, %mul3A_1058 : vector<16xf32>
        %mul3A_1060 = arith.mulf %get3A_1051, %get3A_1057 : vector<16xf32>
        %add3A_1061 = arith.addf %add3A_1048, %mul3A_1060 : vector<16xf32>
        %reduce_sum3A_1062 = arith.constant true
        %reduce_sum3A_1063 = vector.broadcast %reduce_sum3A_1062 : i1 to vector<16xi1>
        %reduce_sum3A_1064 = tpu.scan <sum>, %add3A_1059 masked %reduce_sum3A_1063 : vector<16xf32>, vector<16xi1> -> vector<16xf32>
        %reduce_sum3A_1065 = vector.extract %reduce_sum3A_1064[15] : f32 from vector<16xf32>
        %reduce_sum3A_1066 = arith.constant true
        %reduce_sum3A_1067 = vector.broadcast %reduce_sum3A_1066 : i1 to vector<16xi1>
        %reduce_sum3A_1068 = tpu.scan <sum>, %add3A_1061 masked %reduce_sum3A_1067 : vector<16xf32>, vector<16xi1> -> vector<16xf32>
        %reduce_sum3A_1069 = vector.extract %reduce_sum3A_1068[15] : f32 from vector<16xf32>
        %eq3A_1070 = arith.constant 12 : i32
        %eq3A_1071 = vector.broadcast %eq3A_1070 : i32 to vector<16xi32>
        %eq3A_1072 = arith.cmpi eq, %iota3A, %eq3A_1071 : vector<16xi32>
        %broadcast_in_dim3A_1073 = vector.broadcast %reduce_sum3A_1065 : f32 to vector<16xf32>
        %select_n3A_1074 = arith.select %eq3A_1072, %broadcast_in_dim3A_1073, %select_n3A_1001 : vector<16xi1>, vector<16xf32>
        %broadcast_in_dim3A_1075 = vector.broadcast %reduce_sum3A_1069 : f32 to vector<16xf32>
        %select_n3A_1076 = arith.select %eq3A_1072, %broadcast_in_dim3A_1075, %select_n3A_1003 : vector<16xi1>, vector<16xf32>
        %add3A_1077 = arith.constant 13 : i32
        %add3A_1078 = arith.addi %multiple_of3A_128, %add3A_1077 : i32
        %broadcast_in_dim3A_1079 = arith.constant 0.000000e+00 : f32
        %broadcast_in_dim3A_1080 = vector.broadcast %broadcast_in_dim3A_1079 : f32 to vector<16xf32>
        %broadcast_in_dim3A_1081 = arith.constant 0.000000e+00 : f32
        %broadcast_in_dim3A_1082 = vector.broadcast %broadcast_in_dim3A_1081 : f32 to vector<16xf32>
        %get3A_1083 = arith.index_cast %add3A_1078 : i32 to index
        %get3A_1084 = arith.constant 0 : index
        %get3A_1085 = tpu.vector_load %arg14[%get3A_1083, %get3A_1084] {strides = array<i32>} : memref<128x64xf32, #tpu.memory_space<vmem>>, vector<16xf32>,
        %get3A_1086 = arith.index_cast %add3A_1078 : i32 to index
        %get3A_1087 = arith.constant 0 : index
        %get3A_1088 = tpu.vector_load %arg15[%get3A_1086, %get3A_1087] {strides = array<i32>} : memref<128x64xf32, #tpu.memory_space<vmem>>, vector<16xf32>,
        %get3A_1089 = arith.index_cast %add3A_1078 : i32 to index
        %get3A_1090 = arith.constant 0 : index
        %get3A_1091 = tpu.vector_load %arg16[%get3A_1089, %get3A_1090] {strides = array<i32>} : memref<128x64xf32, #tpu.memory_space<vmem>>, vector<16xf32>,
        %mul3A_1092 = arith.mulf %get3A_1085, %get3A_1088 : vector<16xf32>
        %add3A_1093 = arith.addf %broadcast_in_dim3A_1080, %mul3A_1092 : vector<16xf32>
        %mul3A_1094 = arith.mulf %get3A_1085, %get3A_1091 : vector<16xf32>
        %add3A_1095 = arith.addf %broadcast_in_dim3A_1082, %mul3A_1094 : vector<16xf32>
        %get3A_1096 = arith.index_cast %add3A_1078 : i32 to index
        %get3A_1097 = arith.constant 16 : index
        %get3A_1098 = tpu.vector_load %arg14[%get3A_1096, %get3A_1097] {strides = array<i32>} : memref<128x64xf32, #tpu.memory_space<vmem>>, vector<16xf32>,
        %get3A_1099 = arith.index_cast %add3A_1078 : i32 to index
        %get3A_1100 = arith.constant 16 : index
        %get3A_1101 = tpu.vector_load %arg15[%get3A_1099, %get3A_1100] {strides = array<i32>} : memref<128x64xf32, #tpu.memory_space<vmem>>, vector<16xf32>,
        %get3A_1102 = arith.index_cast %add3A_1078 : i32 to index
        %get3A_1103 = arith.constant 16 : index
        %get3A_1104 = tpu.vector_load %arg16[%get3A_1102, %get3A_1103] {strides = array<i32>} : memref<128x64xf32, #tpu.memory_space<vmem>>, vector<16xf32>,
        %mul3A_1105 = arith.mulf %get3A_1098, %get3A_1101 : vector<16xf32>
        %add3A_1106 = arith.addf %add3A_1093, %mul3A_1105 : vector<16xf32>
        %mul3A_1107 = arith.mulf %get3A_1098, %get3A_1104 : vector<16xf32>
        %add3A_1108 = arith.addf %add3A_1095, %mul3A_1107 : vector<16xf32>
        %get3A_1109 = arith.index_cast %add3A_1078 : i32 to index
        %get3A_1110 = arith.constant 32 : index
        %get3A_1111 = tpu.vector_load %arg14[%get3A_1109, %get3A_1110] {strides = array<i32>} : memref<128x64xf32, #tpu.memory_space<vmem>>, vector<16xf32>,
        %get3A_1112 = arith.index_cast %add3A_1078 : i32 to index
        %get3A_1113 = arith.constant 32 : index
        %get3A_1114 = tpu.vector_load %arg15[%get3A_1112, %get3A_1113] {strides = array<i32>} : memref<128x64xf32, #tpu.memory_space<vmem>>, vector<16xf32>,
        %get3A_1115 = arith.index_cast %add3A_1078 : i32 to index
        %get3A_1116 = arith.constant 32 : index
        %get3A_1117 = tpu.vector_load %arg16[%get3A_1115, %get3A_1116] {strides = array<i32>} : memref<128x64xf32, #tpu.memory_space<vmem>>, vector<16xf32>,
        %mul3A_1118 = arith.mulf %get3A_1111, %get3A_1114 : vector<16xf32>
        %add3A_1119 = arith.addf %add3A_1106, %mul3A_1118 : vector<16xf32>
        %mul3A_1120 = arith.mulf %get3A_1111, %get3A_1117 : vector<16xf32>
        %add3A_1121 = arith.addf %add3A_1108, %mul3A_1120 : vector<16xf32>
        %get3A_1122 = arith.index_cast %add3A_1078 : i32 to index
        %get3A_1123 = arith.constant 48 : index
        %get3A_1124 = tpu.vector_load %arg14[%get3A_1122, %get3A_1123] {strides = array<i32>} : memref<128x64xf32, #tpu.memory_space<vmem>>, vector<16xf32>,
        %get3A_1125 = arith.index_cast %add3A_1078 : i32 to index
        %get3A_1126 = arith.constant 48 : index
        %get3A_1127 = tpu.vector_load %arg15[%get3A_1125, %get3A_1126] {strides = array<i32>} : memref<128x64xf32, #tpu.memory_space<vmem>>, vector<16xf32>,
        %get3A_1128 = arith.index_cast %add3A_1078 : i32 to index
        %get3A_1129 = arith.constant 48 : index
        %get3A_1130 = tpu.vector_load %arg16[%get3A_1128, %get3A_1129] {strides = array<i32>} : memref<128x64xf32, #tpu.memory_space<vmem>>, vector<16xf32>,
        %mul3A_1131 = arith.mulf %get3A_1124, %get3A_1127 : vector<16xf32>
        %add3A_1132 = arith.addf %add3A_1119, %mul3A_1131 : vector<16xf32>
        %mul3A_1133 = arith.mulf %get3A_1124, %get3A_1130 : vector<16xf32>
        %add3A_1134 = arith.addf %add3A_1121, %mul3A_1133 : vector<16xf32>
        %reduce_sum3A_1135 = arith.constant true
        %reduce_sum3A_1136 = vector.broadcast %reduce_sum3A_1135 : i1 to vector<16xi1>
        %reduce_sum3A_1137 = tpu.scan <sum>, %add3A_1132 masked %reduce_sum3A_1136 : vector<16xf32>, vector<16xi1> -> vector<16xf32>
        %reduce_sum3A_1138 = vector.extract %reduce_sum3A_1137[15] : f32 from vector<16xf32>
        %reduce_sum3A_1139 = arith.constant true
        %reduce_sum3A_1140 = vector.broadcast %reduce_sum3A_1139 : i1 to vector<16xi1>
        %reduce_sum3A_1141 = tpu.scan <sum>, %add3A_1134 masked %reduce_sum3A_1140 : vector<16xf32>, vector<16xi1> -> vector<16xf32>
        %reduce_sum3A_1142 = vector.extract %reduce_sum3A_1141[15] : f32 from vector<16xf32>
        %eq3A_1143 = arith.constant 13 : i32
        %eq3A_1144 = vector.broadcast %eq3A_1143 : i32 to vector<16xi32>
        %eq3A_1145 = arith.cmpi eq, %iota3A, %eq3A_1144 : vector<16xi32>
        %broadcast_in_dim3A_1146 = vector.broadcast %reduce_sum3A_1138 : f32 to vector<16xf32>
        %select_n3A_1147 = arith.select %eq3A_1145, %broadcast_in_dim3A_1146, %select_n3A_1074 : vector<16xi1>, vector<16xf32>
        %broadcast_in_dim3A_1148 = vector.broadcast %reduce_sum3A_1142 : f32 to vector<16xf32>
        %select_n3A_1149 = arith.select %eq3A_1145, %broadcast_in_dim3A_1148, %select_n3A_1076 : vector<16xi1>, vector<16xf32>
        %add3A_1150 = arith.constant 14 : i32
        %add3A_1151 = arith.addi %multiple_of3A_128, %add3A_1150 : i32
        %broadcast_in_dim3A_1152 = arith.constant 0.000000e+00 : f32
        %broadcast_in_dim3A_1153 = vector.broadcast %broadcast_in_dim3A_1152 : f32 to vector<16xf32>
        %broadcast_in_dim3A_1154 = arith.constant 0.000000e+00 : f32
        %broadcast_in_dim3A_1155 = vector.broadcast %broadcast_in_dim3A_1154 : f32 to vector<16xf32>
        %get3A_1156 = arith.index_cast %add3A_1151 : i32 to index
        %get3A_1157 = arith.constant 0 : index
        %get3A_1158 = tpu.vector_load %arg14[%get3A_1156, %get3A_1157] {strides = array<i32>} : memref<128x64xf32, #tpu.memory_space<vmem>>, vector<16xf32>,
        %get3A_1159 = arith.index_cast %add3A_1151 : i32 to index
        %get3A_1160 = arith.constant 0 : index
        %get3A_1161 = tpu.vector_load %arg15[%get3A_1159, %get3A_1160] {strides = array<i32>} : memref<128x64xf32, #tpu.memory_space<vmem>>, vector<16xf32>,
        %get3A_1162 = arith.index_cast %add3A_1151 : i32 to index
        %get3A_1163 = arith.constant 0 : index
        %get3A_1164 = tpu.vector_load %arg16[%get3A_1162, %get3A_1163] {strides = array<i32>} : memref<128x64xf32, #tpu.memory_space<vmem>>, vector<16xf32>,
        %mul3A_1165 = arith.mulf %get3A_1158, %get3A_1161 : vector<16xf32>
        %add3A_1166 = arith.addf %broadcast_in_dim3A_1153, %mul3A_1165 : vector<16xf32>
        %mul3A_1167 = arith.mulf %get3A_1158, %get3A_1164 : vector<16xf32>
        %add3A_1168 = arith.addf %broadcast_in_dim3A_1155, %mul3A_1167 : vector<16xf32>
        %get3A_1169 = arith.index_cast %add3A_1151 : i32 to index
        %get3A_1170 = arith.constant 16 : index
        %get3A_1171 = tpu.vector_load %arg14[%get3A_1169, %get3A_1170] {strides = array<i32>} : memref<128x64xf32, #tpu.memory_space<vmem>>, vector<16xf32>,
        %get3A_1172 = arith.index_cast %add3A_1151 : i32 to index
        %get3A_1173 = arith.constant 16 : index
        %get3A_1174 = tpu.vector_load %arg15[%get3A_1172, %get3A_1173] {strides = array<i32>} : memref<128x64xf32, #tpu.memory_space<vmem>>, vector<16xf32>,
        %get3A_1175 = arith.index_cast %add3A_1151 : i32 to index
        %get3A_1176 = arith.constant 16 : index
        %get3A_1177 = tpu.vector_load %arg16[%get3A_1175, %get3A_1176] {strides = array<i32>} : memref<128x64xf32, #tpu.memory_space<vmem>>, vector<16xf32>,
        %mul3A_1178 = arith.mulf %get3A_1171, %get3A_1174 : vector<16xf32>
        %add3A_1179 = arith.addf %add3A_1166, %mul3A_1178 : vector<16xf32>
        %mul3A_1180 = arith.mulf %get3A_1171, %get3A_1177 : vector<16xf32>
        %add3A_1181 = arith.addf %add3A_1168, %mul3A_1180 : vector<16xf32>
        %get3A_1182 = arith.index_cast %add3A_1151 : i32 to index
        %get3A_1183 = arith.constant 32 : index
        %get3A_1184 = tpu.vector_load %arg14[%get3A_1182, %get3A_1183] {strides = array<i32>} : memref<128x64xf32, #tpu.memory_space<vmem>>, vector<16xf32>,
        %get3A_1185 = arith.index_cast %add3A_1151 : i32 to index
        %get3A_1186 = arith.constant 32 : index
        %get3A_1187 = tpu.vector_load %arg15[%get3A_1185, %get3A_1186] {strides = array<i32>} : memref<128x64xf32, #tpu.memory_space<vmem>>, vector<16xf32>,
        %get3A_1188 = arith.index_cast %add3A_1151 : i32 to index
        %get3A_1189 = arith.constant 32 : index
        %get3A_1190 = tpu.vector_load %arg16[%get3A_1188, %get3A_1189] {strides = array<i32>} : memref<128x64xf32, #tpu.memory_space<vmem>>, vector<16xf32>,
        %mul3A_1191 = arith.mulf %get3A_1184, %get3A_1187 : vector<16xf32>
        %add3A_1192 = arith.addf %add3A_1179, %mul3A_1191 : vector<16xf32>
        %mul3A_1193 = arith.mulf %get3A_1184, %get3A_1190 : vector<16xf32>
        %add3A_1194 = arith.addf %add3A_1181, %mul3A_1193 : vector<16xf32>
        %get3A_1195 = arith.index_cast %add3A_1151 : i32 to index
        %get3A_1196 = arith.constant 48 : index
        %get3A_1197 = tpu.vector_load %arg14[%get3A_1195, %get3A_1196] {strides = array<i32>} : memref<128x64xf32, #tpu.memory_space<vmem>>, vector<16xf32>,
        %get3A_1198 = arith.index_cast %add3A_1151 : i32 to index
        %get3A_1199 = arith.constant 48 : index
        %get3A_1200 = tpu.vector_load %arg15[%get3A_1198, %get3A_1199] {strides = array<i32>} : memref<128x64xf32, #tpu.memory_space<vmem>>, vector<16xf32>,
        %get3A_1201 = arith.index_cast %add3A_1151 : i32 to index
        %get3A_1202 = arith.constant 48 : index
        %get3A_1203 = tpu.vector_load %arg16[%get3A_1201, %get3A_1202] {strides = array<i32>} : memref<128x64xf32, #tpu.memory_space<vmem>>, vector<16xf32>,
        %mul3A_1204 = arith.mulf %get3A_1197, %get3A_1200 : vector<16xf32>
        %add3A_1205 = arith.addf %add3A_1192, %mul3A_1204 : vector<16xf32>
        %mul3A_1206 = arith.mulf %get3A_1197, %get3A_1203 : vector<16xf32>
        %add3A_1207 = arith.addf %add3A_1194, %mul3A_1206 : vector<16xf32>
        %reduce_sum3A_1208 = arith.constant true
        %reduce_sum3A_1209 = vector.broadcast %reduce_sum3A_1208 : i1 to vector<16xi1>
        %reduce_sum3A_1210 = tpu.scan <sum>, %add3A_1205 masked %reduce_sum3A_1209 : vector<16xf32>, vector<16xi1> -> vector<16xf32>
        %reduce_sum3A_1211 = vector.extract %reduce_sum3A_1210[15] : f32 from vector<16xf32>
        %reduce_sum3A_1212 = arith.constant true
        %reduce_sum3A_1213 = vector.broadcast %reduce_sum3A_1212 : i1 to vector<16xi1>
        %reduce_sum3A_1214 = tpu.scan <sum>, %add3A_1207 masked %reduce_sum3A_1213 : vector<16xf32>, vector<16xi1> -> vector<16xf32>
        %reduce_sum3A_1215 = vector.extract %reduce_sum3A_1214[15] : f32 from vector<16xf32>
        %eq3A_1216 = arith.constant 14 : i32
        %eq3A_1217 = vector.broadcast %eq3A_1216 : i32 to vector<16xi32>
        %eq3A_1218 = arith.cmpi eq, %iota3A, %eq3A_1217 : vector<16xi32>
        %broadcast_in_dim3A_1219 = vector.broadcast %reduce_sum3A_1211 : f32 to vector<16xf32>
        %select_n3A_1220 = arith.select %eq3A_1218, %broadcast_in_dim3A_1219, %select_n3A_1147 : vector<16xi1>, vector<16xf32>
        %broadcast_in_dim3A_1221 = vector.broadcast %reduce_sum3A_1215 : f32 to vector<16xf32>
        %select_n3A_1222 = arith.select %eq3A_1218, %broadcast_in_dim3A_1221, %select_n3A_1149 : vector<16xi1>, vector<16xf32>
        %add3A_1223 = arith.constant 15 : i32
        %add3A_1224 = arith.addi %multiple_of3A_128, %add3A_1223 : i32
        %broadcast_in_dim3A_1225 = arith.constant 0.000000e+00 : f32
        %broadcast_in_dim3A_1226 = vector.broadcast %broadcast_in_dim3A_1225 : f32 to vector<16xf32>
        %broadcast_in_dim3A_1227 = arith.constant 0.000000e+00 : f32
        %broadcast_in_dim3A_1228 = vector.broadcast %broadcast_in_dim3A_1227 : f32 to vector<16xf32>
        %get3A_1229 = arith.index_cast %add3A_1224 : i32 to index
        %get3A_1230 = arith.constant 0 : index
        %get3A_1231 = tpu.vector_load %arg14[%get3A_1229, %get3A_1230] {strides = array<i32>} : memref<128x64xf32, #tpu.memory_space<vmem>>, vector<16xf32>,
        %get3A_1232 = arith.index_cast %add3A_1224 : i32 to index
        %get3A_1233 = arith.constant 0 : index
        %get3A_1234 = tpu.vector_load %arg15[%get3A_1232, %get3A_1233] {strides = array<i32>} : memref<128x64xf32, #tpu.memory_space<vmem>>, vector<16xf32>,
        %get3A_1235 = arith.index_cast %add3A_1224 : i32 to index
        %get3A_1236 = arith.constant 0 : index
        %get3A_1237 = tpu.vector_load %arg16[%get3A_1235, %get3A_1236] {strides = array<i32>} : memref<128x64xf32, #tpu.memory_space<vmem>>, vector<16xf32>,
        %mul3A_1238 = arith.mulf %get3A_1231, %get3A_1234 : vector<16xf32>
        %add3A_1239 = arith.addf %broadcast_in_dim3A_1226, %mul3A_1238 : vector<16xf32>
        %mul3A_1240 = arith.mulf %get3A_1231, %get3A_1237 : vector<16xf32>
        %add3A_1241 = arith.addf %broadcast_in_dim3A_1228, %mul3A_1240 : vector<16xf32>
        %get3A_1242 = arith.index_cast %add3A_1224 : i32 to index
        %get3A_1243 = arith.constant 16 : index
        %get3A_1244 = tpu.vector_load %arg14[%get3A_1242, %get3A_1243] {strides = array<i32>} : memref<128x64xf32, #tpu.memory_space<vmem>>, vector<16xf32>,
        %get3A_1245 = arith.index_cast %add3A_1224 : i32 to index
        %get3A_1246 = arith.constant 16 : index
        %get3A_1247 = tpu.vector_load %arg15[%get3A_1245, %get3A_1246] {strides = array<i32>} : memref<128x64xf32, #tpu.memory_space<vmem>>, vector<16xf32>,
        %get3A_1248 = arith.index_cast %add3A_1224 : i32 to index
        %get3A_1249 = arith.constant 16 : index
        %get3A_1250 = tpu.vector_load %arg16[%get3A_1248, %get3A_1249] {strides = array<i32>} : memref<128x64xf32, #tpu.memory_space<vmem>>, vector<16xf32>,
        %mul3A_1251 = arith.mulf %get3A_1244, %get3A_1247 : vector<16xf32>
        %add3A_1252 = arith.addf %add3A_1239, %mul3A_1251 : vector<16xf32>
        %mul3A_1253 = arith.mulf %get3A_1244, %get3A_1250 : vector<16xf32>
        %add3A_1254 = arith.addf %add3A_1241, %mul3A_1253 : vector<16xf32>
        %get3A_1255 = arith.index_cast %add3A_1224 : i32 to index
        %get3A_1256 = arith.constant 32 : index
        %get3A_1257 = tpu.vector_load %arg14[%get3A_1255, %get3A_1256] {strides = array<i32>} : memref<128x64xf32, #tpu.memory_space<vmem>>, vector<16xf32>,
        %get3A_1258 = arith.index_cast %add3A_1224 : i32 to index
        %get3A_1259 = arith.constant 32 : index
        %get3A_1260 = tpu.vector_load %arg15[%get3A_1258, %get3A_1259] {strides = array<i32>} : memref<128x64xf32, #tpu.memory_space<vmem>>, vector<16xf32>,
        %get3A_1261 = arith.index_cast %add3A_1224 : i32 to index
        %get3A_1262 = arith.constant 32 : index
        %get3A_1263 = tpu.vector_load %arg16[%get3A_1261, %get3A_1262] {strides = array<i32>} : memref<128x64xf32, #tpu.memory_space<vmem>>, vector<16xf32>,
        %mul3A_1264 = arith.mulf %get3A_1257, %get3A_1260 : vector<16xf32>
        %add3A_1265 = arith.addf %add3A_1252, %mul3A_1264 : vector<16xf32>
        %mul3A_1266 = arith.mulf %get3A_1257, %get3A_1263 : vector<16xf32>
        %add3A_1267 = arith.addf %add3A_1254, %mul3A_1266 : vector<16xf32>
        %get3A_1268 = arith.index_cast %add3A_1224 : i32 to index
        %get3A_1269 = arith.constant 48 : index
        %get3A_1270 = tpu.vector_load %arg14[%get3A_1268, %get3A_1269] {strides = array<i32>} : memref<128x64xf32, #tpu.memory_space<vmem>>, vector<16xf32>,
        %get3A_1271 = arith.index_cast %add3A_1224 : i32 to index
        %get3A_1272 = arith.constant 48 : index
        %get3A_1273 = tpu.vector_load %arg15[%get3A_1271, %get3A_1272] {strides = array<i32>} : memref<128x64xf32, #tpu.memory_space<vmem>>, vector<16xf32>,
        %get3A_1274 = arith.index_cast %add3A_1224 : i32 to index
        %get3A_1275 = arith.constant 48 : index
        %get3A_1276 = tpu.vector_load %arg16[%get3A_1274, %get3A_1275] {strides = array<i32>} : memref<128x64xf32, #tpu.memory_space<vmem>>, vector<16xf32>,
        %mul3A_1277 = arith.mulf %get3A_1270, %get3A_1273 : vector<16xf32>
        %add3A_1278 = arith.addf %add3A_1265, %mul3A_1277 : vector<16xf32>
        %mul3A_1279 = arith.mulf %get3A_1270, %get3A_1276 : vector<16xf32>
        %add3A_1280 = arith.addf %add3A_1267, %mul3A_1279 : vector<16xf32>
        %reduce_sum3A_1281 = arith.constant true
        %reduce_sum3A_1282 = vector.broadcast %reduce_sum3A_1281 : i1 to vector<16xi1>
        %reduce_sum3A_1283 = tpu.scan <sum>, %add3A_1278 masked %reduce_sum3A_1282 : vector<16xf32>, vector<16xi1> -> vector<16xf32>
        %reduce_sum3A_1284 = vector.extract %reduce_sum3A_1283[15] : f32 from vector<16xf32>
        %reduce_sum3A_1285 = arith.constant true
        %reduce_sum3A_1286 = vector.broadcast %reduce_sum3A_1285 : i1 to vector<16xi1>
        %reduce_sum3A_1287 = tpu.scan <sum>, %add3A_1280 masked %reduce_sum3A_1286 : vector<16xf32>, vector<16xi1> -> vector<16xf32>
        %reduce_sum3A_1288 = vector.extract %reduce_sum3A_1287[15] : f32 from vector<16xf32>
        %eq3A_1289 = arith.constant 15 : i32
        %eq3A_1290 = vector.broadcast %eq3A_1289 : i32 to vector<16xi32>
        %eq3A_1291 = arith.cmpi eq, %iota3A, %eq3A_1290 : vector<16xi32>
        %broadcast_in_dim3A_1292 = vector.broadcast %reduce_sum3A_1284 : f32 to vector<16xf32>
        %select_n3A_1293 = arith.select %eq3A_1291, %broadcast_in_dim3A_1292, %select_n3A_1220 : vector<16xi1>, vector<16xf32>
        %broadcast_in_dim3A_1294 = vector.broadcast %reduce_sum3A_1288 : f32 to vector<16xf32>
        %select_n3A_1295 = arith.select %eq3A_1291, %broadcast_in_dim3A_1294, %select_n3A_1222 : vector<16xi1>, vector<16xf32>
        %add3A_1296 = arith.addi %multiple_of3A_118, %multiple_of3A_128 : i32
        %swap3A = arith.index_cast %add3A_1296 : i32 to index
        %swap3A_1297 = tpu.vector_load %arg17[%swap3A] {strides = array<i32>} : memref<10240xf32, #tpu.memory_space<vmem>>, vector<16xf32>,
        tpu.vector_store %arg17[%swap3A], %select_n3A_1293 {strides = array<i32>} : memref<10240xf32, #tpu.memory_space<vmem>>, vector<16xf32>,
        %add3A_1298 = arith.addi %multiple_of3A_118, %multiple_of3A_128 : i32
        %swap3A_1299 = arith.index_cast %add3A_1298 : i32 to index
        %swap3A_1300 = tpu.vector_load %arg18[%swap3A_1299] {strides = array<i32>} : memref<10240xf32, #tpu.memory_space<vmem>>, vector<16xf32>,
        tpu.vector_store %arg18[%swap3A_1299], %select_n3A_1295 {strides = array<i32>} : memref<10240xf32, #tpu.memory_space<vmem>>, vector<16xf32>,
      }
      %scan3A_124 = arith.constant 8 : i32
    }
    %scan3A_20 = arith.constant 40 : i32
    %dma_wait3A = arith.constant 0 : i32
    %dma_wait3A_21 = tpu.memref_slice %arg9[%dma_wait3A] : memref<10240xi32, #tpu.memory_space<vmem>> -> memref<128xi32, #tpu.memory_space<vmem>>
    %dma_wait3A_22 = arith.constant 0 : i32
    %dma_wait3A_23 = arith.constant 0 : i32
    %dma_wait3A_24 = tpu.memref_slice %arg2[%dma_wait3A_22, %dma_wait3A_23] : memref<1000000x64xf32, #tpu.memory_space<hbm>> -> memref<1000000x64xf32, #tpu.memory_space<hbm>>
    tpu.wait_indirect_dma semaphore(%arg19 : memref<!tpu.dma_semaphore, #tpu.memory_space<semaphore_mem>>) src(%dma_wait3A_24 : memref<1000000x64xf32, #tpu.memory_space<hbm>>) dst(%arg11 : memref<128x64xf32, #tpu.memory_space<vmem>>)
    %dma_wait3A_25 = arith.constant 0 : i32
    %dma_wait3A_26 = tpu.memref_slice %arg10[%dma_wait3A_25] : memref<10240xi32, #tpu.memory_space<vmem>> -> memref<128xi32, #tpu.memory_space<vmem>>
    %dma_wait3A_27 = arith.constant 0 : i32
    %dma_wait3A_28 = arith.constant 0 : i32
    %dma_wait3A_29 = tpu.memref_slice %arg3[%dma_wait3A_27, %dma_wait3A_28] : memref<100000x64xf32, #tpu.memory_space<hbm>> -> memref<100000x64xf32, #tpu.memory_space<hbm>>
    tpu.wait_indirect_dma semaphore(%arg19 : memref<!tpu.dma_semaphore, #tpu.memory_space<semaphore_mem>>) src(%dma_wait3A_29 : memref<100000x64xf32, #tpu.memory_space<hbm>>) dst(%arg12 : memref<128x64xf32, #tpu.memory_space<vmem>>)
    %dma_wait3A_30 = arith.constant 0 : i32
    %dma_wait3A_31 = tpu.memref_slice %arg10[%dma_wait3A_30] : memref<10240xi32, #tpu.memory_space<vmem>> -> memref<128xi32, #tpu.memory_space<vmem>>
    %dma_wait3A_32 = arith.constant 0 : i32
    %dma_wait3A_33 = arith.constant 0 : i32
    %dma_wait3A_34 = tpu.memref_slice %arg4[%dma_wait3A_32, %dma_wait3A_33] : memref<100000x64xf32, #tpu.memory_space<hbm>> -> memref<100000x64xf32, #tpu.memory_space<hbm>>
    tpu.wait_indirect_dma semaphore(%arg19 : memref<!tpu.dma_semaphore, #tpu.memory_space<semaphore_mem>>) src(%dma_wait3A_34 : memref<100000x64xf32, #tpu.memory_space<hbm>>) dst(%arg13 : memref<128x64xf32, #tpu.memory_space<vmem>>)
    "tpu.region"() ({
      %run_scoped3A = tpu.sem_alloc : memref<!tpu.dma_semaphore, #tpu.memory_space<semaphore_mem>>
      %dma_start3A_35 = tpu.memref_slice %arg7[%multiple_of3A] : memref<327680xf32, #tpu.memory_space<hbm>> -> memref<10240xf32, #tpu.memory_space<hbm>>
      %dma_start3A_36 = tpu.memref_slice %arg7[%multiple_of3A] : memref<327680xf32, #tpu.memory_space<hbm>> -> memref<10240xf32, #tpu.memory_space<hbm>>
      tpu.enqueue_dma source(%arg17 : memref<10240xf32, #tpu.memory_space<vmem>>) target(%dma_start3A_36 : memref<10240xf32, #tpu.memory_space<hbm>>) target_semaphore(%run_scoped3A : memref<!tpu.dma_semaphore, #tpu.memory_space<semaphore_mem>>)
      %dma_wait3A_37 = tpu.memref_slice %arg7[%multiple_of3A] : memref<327680xf32, #tpu.memory_space<hbm>> -> memref<10240xf32, #tpu.memory_space<hbm>>
      %dma_wait3A_38 = tpu.memref_slice %arg7[%multiple_of3A] : memref<327680xf32, #tpu.memory_space<hbm>> -> memref<10240xf32, #tpu.memory_space<hbm>>
      tpu.wait_dma2 semaphore(%run_scoped3A : memref<!tpu.dma_semaphore, #tpu.memory_space<semaphore_mem>>) src(%arg17 : memref<10240xf32, #tpu.memory_space<vmem>>) dst(%dma_wait3A_38 : memref<10240xf32, #tpu.memory_space<hbm>>)
      tpu.yield
    }) : () -> ()
    "tpu.region"() ({
      %run_scoped3A = tpu.sem_alloc : memref<!tpu.dma_semaphore, #tpu.memory_space<semaphore_mem>>
      %dma_start3A_35 = tpu.memref_slice %arg8[%multiple_of3A] : memref<327680xf32, #tpu.memory_space<hbm>> -> memref<10240xf32, #tpu.memory_space<hbm>>
      %dma_start3A_36 = tpu.memref_slice %arg8[%multiple_of3A] : memref<327680xf32, #tpu.memory_space<hbm>> -> memref<10240xf32, #tpu.memory_space<hbm>>
      tpu.enqueue_dma source(%arg18 : memref<10240xf32, #tpu.memory_space<vmem>>) target(%dma_start3A_36 : memref<10240xf32, #tpu.memory_space<hbm>>) target_semaphore(%run_scoped3A : memref<!tpu.dma_semaphore, #tpu.memory_space<semaphore_mem>>)
      %dma_wait3A_37 = tpu.memref_slice %arg8[%multiple_of3A] : memref<327680xf32, #tpu.memory_space<hbm>> -> memref<10240xf32, #tpu.memory_space<hbm>>
      %dma_wait3A_38 = tpu.memref_slice %arg8[%multiple_of3A] : memref<327680xf32, #tpu.memory_space<hbm>> -> memref<10240xf32, #tpu.memory_space<hbm>>
      tpu.wait_dma2 semaphore(%run_scoped3A : memref<!tpu.dma_semaphore, #tpu.memory_space<semaphore_mem>>) src(%arg18 : memref<10240xf32, #tpu.memory_space<vmem>>) dst(%dma_wait3A_38 : memref<10240xf32, #tpu.memory_space<hbm>>)
      tpu.yield
    }) : () -> ()
    return
  }
}

</mosaic_0001>

<sc_bundles>
// kernel: kernel.3.cloned.1.call-start
scs
__scs_entry_jumppad:
0x0: {  	(pc) =	sbr.rel $0x88, $3  }
0x1: {  	(tag) =	ssettag $0x0;
	lr =	simm.s32 $0x1  }
0x2: {  	[smem:$0x3F9C] =	sst lr;
	_ =	strace $0xD0000000  }
0x3: {  	_ = 	snop  }
0x4: {  	_ = 	snop  }
0x5: {  	_ = 	snop  }
0x6: {  	_ = 	snop  }
0x7: {  	_ = 	snop  }
__scs_overlays_trampoline_lowered:
0x8: {  	[smem:$0x3FAB] =	sst s0  }
0x9: {  	[smem:$0x3FAC] =	sst s1  }
0xa: {  	[smem:$0x3FAD] =	sst s2  }
0xb: {  	[smem:$0x3FAE] =	sst s3  }
0xc: {  	[smem:$0x3FAF] =	sst s4  }
0xd: {  	[smem:$0x3FB0] =	sst s5  }
0xe: {  	[smem:$0x3FB1] =	sst s6  }
0xf: {  	[smem:$0x3FB2] =	sst s7  }
0x10: {  	[smem:$0x3FB3] =	sst s8  }
0x11: {  	[smem:$0x3FB4] =	sst s9;
	s0 =	simm.s32 @!p0 $0x0  }
0x12: {  	s1 =	sld [smem:$0x3F9A];
	s0 =	simm.s32 @p0 $0x1  }
0x13: {  	[smem:$0x3FB5] =	sst s0;
	s0 =	simm.s32 @!p1 $0x0  }
0x14: {  	s2 =	sld [smem:$0x3F99];
	s0 =	simm.s32 @p1 $0x1  }
0x15: {  	[smem:$0x3FB6] =	sst s0;
	s0 =	simm.s32 @!p2 $0x0  }
0x16: {  	s3 =	sld [smem:$0x3FDB];
	s0 =	simm.s32 @p2 $0x1  }
0x17: {  	s4 =	simm.s32 $0x1BF5;
	[smem:$0x3FB8] =	sst s0  }
0x18: {  	s0 =	sld [smem:$0x3F9B];
	_ =	swait.ge [sflag:s4], $0x0  }
0x19: {  	s7 =	sld [smem:$0x3F9C]  }
0x1a: {  	s8 =	sadd.s32 $0xFFFFE003, lr  }
0x1b: {  	s9 =	sadd.s32 $0xFFFFFEF7, lr;
	s5 =	simm.s32 $0xFFFFFFFF;
	p2 =	slt.u32 s8, $0xFFFFF086  }
0x1c: {  	p1 =	slt.u32 s9, $0xF7A;
	s5 =	simm.s32 @!p2 $0x0  }
0x1d: {  	s5 =	simm.s32 @p1 $0x1;
	p0 =	seq.s32 s7, s2  }
0x1e: {  	s7 =	smul.u32 @!p0 $0xF7A, s2;
	p2 =	seq.s32 @!p0 s5, $0x0  }
0x1f: {  	s9 =	smul.u32 $0xF7A, s1;
	s8 =	simm.s32 @!p0 $0x1BF5;
	p2 =	por !p2, p0  }
0x20: {  	[sflag:s8] =	ssyncset.s32 @!p0 $0xFFFFF086;
	s6 =	sadd.s32 @!p0 s3, s7;
	s7 =	simm.s32 @!p0 $0x108  }
0x21: {  	s3 =	sadd.s32 s3, s9;
	s6 =	sadd.s32 @!p0 $0x88, s6;
	s7 =	simm.s32 @p2 $0x1082  }
0x22: {  	[simem:s7], [sflag:s8] =	dma.local @!p0 [hbm:s6], $0xF7A  }
0x23: {  	s9 =	sor.u32 $0xD0000000, s2;
	s6 =	simm.s32 $0x108;
	_ =	swait.ge @!p0 [sflag:s8], $0x0  }
0x24: {  	s3 =	sadd.s32 $0x88, s3;
	s6 =	simm.s32 @!p1 $0x1082;
	[sflag:s4] =	ssyncset.s32 $0xFFFFF086  }
0x25: {  	[simem:s6], [sflag:s4] =	dma.local [hbm:s3], $0xF7A  }
0x26: {  	[smem:$0x3F9C] =	sst s1;
	(tag) =	ssettag s2;
	_ =	strace s9  }
0x27: {  	s1 =	sld [smem:$0x3FAC]  }
0x28: {  	s2 =	sld [smem:$0x3FAD]  }
0x29: {  	s4 =	sld [smem:$0x3FAF]  }
0x2a: {  	p0 =	seq.s32 s5, $0x0;
	s5 =	sld [smem:$0x3FB0]  }
0x2b: {  	s6 =	sld [smem:$0x3FB1]  }
0x2c: {  	s7 =	sld [smem:$0x3FB2]  }
0x2d: {  	s3 =	simm.s32 $0x108;
	s8 =	sld [smem:$0x3FB3]  }
0x2e: {  	s3 =	simm.s32 @!p0 $0x1082;
	s9 =	sld [smem:$0x3FB4]  }
0x2f: {  	lr =	sadd.s32 s0, s3;
	s0 =	sld [smem:$0x3FAB]  }
0x30: {  	s3 =	sld [smem:$0x3FAE]  }
0x31: {  	[smem:$0x3FB7] =	sst s10  }
0x32: {  	s10 =	sld [smem:$0x3FB5];
	_ =	sdelay $0x3  }
0x33: {  	p0 =	seq.s32 s10, $0x1;
	s10 =	sld [smem:$0x3FB7];
	_ =	sdelay $0x3  }
0x34: {  	[smem:$0x3FB7] =	sst s10  }
0x35: {  	s10 =	sld [smem:$0x3FB6];
	_ =	sdelay $0x3  }
0x36: {  	p1 =	seq.s32 s10, $0x1;
	s10 =	sld [smem:$0x3FB7];
	_ =	sdelay $0x3  }
0x37: {  	[smem:$0x3FB7] =	sst s10  }
0x38: {  	s10 =	sld [smem:$0x3FB8]  }
0x39: {  	_ = 	snop;
	(pc) =	sbr.ind lr, $3  }
0x3a: {  	_ = 	snop  }
0x3b: {  	_ = 	snop  }
0x3c: {  	p2 =	seq.s32 s10, $0x1;
	s10 =	sld [smem:$0x3FB7]  }
0x3d: {  	_ =	shalt  }
0x3e: {  	_ =	shalt  }
0x3f: {  	_ =	shalt  }
0x40: {  	_ =	shalt  }
0x41: {  	_ =	shalt  }
0x42: {  	_ =	shalt  }
0x43: {  	_ =	shalt  }
0x44: {  	_ =	shalt  }
0x45: {  	_ =	shalt  }
0x46: {  	_ =	shalt  }
0x47: {  	_ =	shalt  }
0x48: {  	_ =	shalt  }
0x49: {  	_ =	shalt  }
0x4a: {  	_ =	shalt  }
0x4b: {  	_ =	shalt  }
0x4c: {  	_ =	shalt  }
0x4d: {  	_ =	shalt  }
0x4e: {  	_ =	shalt  }
0x4f: {  	_ =	shalt  }
0x50: {  	_ =	shalt  }
0x51: {  	_ =	shalt  }
0x52: {  	_ =	shalt  }
0x53: {  	_ =	shalt  }
0x54: {  	_ =	shalt  }
0x55: {  	_ =	shalt  }
0x56: {  	_ =	shalt  }
0x57: {  	_ =	shalt  }
0x58: {  	_ =	shalt  }
0x59: {  	_ =	shalt  }
0x5a: {  	_ =	shalt  }
0x5b: {  	_ =	shalt  }
0x5c: {  	_ =	shalt  }
0x5d: {  	_ =	shalt  }
0x5e: {  	_ =	shalt  }
0x5f: {  	_ =	shalt  }
0x60: {  	_ =	shalt  }
0x61: {  	_ =	shalt  }
0x62: {  	_ =	shalt  }
0x63: {  	_ =	shalt  }
0x64: {  	_ =	shalt  }
0x65: {  	_ =	shalt  }
0x66: {  	_ =	shalt  }
0x67: {  	_ =	shalt  }
0x68: {  	_ =	shalt  }
0x69: {  	_ =	shalt  }
0x6a: {  	_ =	shalt  }
0x6b: {  	_ =	shalt  }
0x6c: {  	_ =	shalt  }
0x6d: {  	_ =	shalt  }
0x6e: {  	_ =	shalt  }
0x6f: {  	_ =	shalt  }
0x70: {  	_ =	shalt  }
0x71: {  	_ =	shalt  }
0x72: {  	_ =	shalt  }
0x73: {  	_ =	shalt  }
0x74: {  	_ =	shalt  }
0x75: {  	_ =	shalt  }
0x76: {  	_ =	shalt  }
0x77: {  	_ =	shalt  }
0x78: {  	_ =	shalt  }
0x79: {  	_ =	shalt  }
0x7a: {  	_ =	shalt  }
0x7b: {  	_ =	shalt  }
0x7c: {  	_ =	shalt  }
0x7d: {  	_ =	shalt  }
0x7e: {  	_ =	shalt  }
0x7f: {  	_ =	shalt  }
0x80: {  	_ =	shalt  }
0x81: {  	_ =	shalt  }
0x82: {  	_ =	shalt  }
0x83: {  	_ =	shalt  }
0x84: {  	_ =	shalt  }
0x85: {  	_ =	shalt  }
0x86: {  	_ =	shalt  }
0x87: {  	_ =	shalt  }
.Lfunc_end0:
.L_simem_size_0:
called_computation_lowered:
.L_overlay_start_0:
0x88: {  	s2 =	sld [smem:$0x3FD9]  }
0x89: {  	s3 =	sld [smem:$0x3FFE];
	_ =	sdelay $0x1  }
0x8a: {  	s1 =	srdreg.scid  }
0x8b: {  	s0 =	sand.u32 $0x1, s1  }
0x8c: {  	s14 =	sshll.u32 s0, $0xA;
	s2 =	sadd.s32 s3, s2  }
0x8d: {  	s2 =	sadd.s32 s2, s14  }
0x8e: {  	[smem:$0x3FC3] =	sst s2  }
0x8f: {  	_ = 	snop  }
0x90: {  	s2 =	sld [smem:$0x3FD0];
	_ =	sdelay $0x2  }
0x91: {  	s15 =	simm.s32 $0xA;
	s4 =	simm.s32 $0x10  }
0x92: {  	[smem:s4], [sflag:s15] =	dma.local [hbm:s2], $0x1  }
0x93: {  	_ =	swait.eq [sflag:s15], $0x1  }
0x94: {  	[sflag:s15] =	ssyncset.done $0x0  }
0x95: {  	s16 =	sld [smem:$0x10];
	[sflag:s15] =	ssyncadd.s32 $0xFFFFFFFF  }
0x96: {  	s17 =	sld [smem:$0x11];
	(tm) =	ssettm $0x1  }
0x97: {  	s18 =	sld [smem:$0x3FFB];
	_ =	sdelay $0x3  }
0x98: {  	_ =	strace s18  }
0x99: {  	s4 =	sld [smem:$0x3FFC];
	_ =	sdelay $0x3  }
0x9a: {  	_ =	strace s4  }
0x9b: {  	s4 =	sld [smem:$0x3FFD];
	_ =	sdelay $0x3  }
0x9c: {  	_ =	strace s4  }
0x9d: {  	_ =	strace $0x8FFFFFFF  }
0x9e: {  	s19 =	sld [smem:$0x3FDB];
	_ =	sdelay $0x1  }
0x9f: {  	s5 =	simm.s32 $_scs_section_size  }
0xa0: {  	s6 =	simm.s32 $_size__tile_overlayer_lowered;
	s7 =	simm.s32 $_tile_overlayer_lowered  }
0xa1: {  	s22 =	simm.s32 $0x1BFF;
	s21 =	sshll.u32 s7, $0x1;
	s4 =	sadd.s32 s5, s19  }
0xa2: {  	s8 =	simm.s32 $0x0;
	s20 =	sshll.u32 s6, $0x1;
	s6 =	sadd.s32 s21, s4  }
0xa3: {  	[timem:s8], [sflag:s22] =	dma.local [hbm:s6], s20  }
0xa4: {  	_ =	swait.ge [sflag:s22], s20  }
0xa5: {  	s5 =	ssub.s32 $0x0, s20;
	[sflag:s22] =	ssyncset.done $0x0  }
0xa6: {  	[sflag:s22] =	ssyncadd.s32 s5;
	_ =	sdelay $0x1  }
0xa7: {  	s23 =	simm.s32 $0x1B8B  }
0xa8: {  	_ =	swait.ge [sflag:s23], $0x1  }
0xa9: {  	[sflag:s23] =	ssyncset.done $0x0  }
0xaa: {  	s25 =	simm.s32 $0x1B8E;
	s24 =	sld [smem:$0x3FFE];
	[sflag:s23] =	ssyncadd.s32 $0xFFFFFFFF  }
0xab: {  	s26 =	simm.s32 $execute0_lowered;
	[smem:$0x3FD2] =	sst s25  }
0xac: {  	s6 =	sshll.u32 s26, $0x1;
	_ =	strace $0x80000046;
	[dreg:$0x1] =	wrdreg $0xFFFFFFFF  }
0xad: {  	s28 =	simm.s32 $_size_execute0_lowered;
	s4 =	sadd.s32 s4, s6;
	[dreg:$0x0] =	wrdreg $0x0  }
0xae: {  	s6 =	sshll.u32 s28, $0x1;
	[dreg:$0x2] =	wrdreg s4  }
0xaf: {  	[dreg:$0x3] =	wrdreg s6  }
0xb0: {  	[dreg:$0x4] =	wrdreg $0xC0  }
0xb1: {  	_ =	task [dreg:s8], $0x5FFFF  }
0xb2: {  	[dreg:$0x1] =	wrdreg $0xFFFFFFFF  }
0xb3: {  	[dreg:$0x0] =	wrdreg $0x60  }
0xb4: {  	[dreg:$0x2] =	wrdreg s24  }
0xb5: {  	[dreg:$0x3] =	wrdreg s17  }
0xb6: {  	[dreg:$0x4] =	wrdreg s16  }
0xb7: {  	[dreg:$0x5] =	wrdreg $0x9  }
0xb8: {  	_ =	task.clear_ibuf [dreg:s8], $0x6FFFF;
	_ =	strace $0x90000046  }
0xb9: {  	s29 =	simm.s32 $0x9;
	_ =	strace $0x80000048  }
0xba: {  	_ =	swait.ge [sflag:s29], $0x1  }
0xbb: {  	[sflag:s29] =	ssyncadd.s32 $0xFFFFFFFF  }
0xbc: {  	_ =	strace $0x90000048  }
0xbd: {  	_ =	sfence  }
0xbe: {  	s30 =	sld [smem:$0x0];
	_ =	sdelay $0x2  }
0xbf: {  	s31 =	sshll.u32 s1, $0xD;
	s1 =	sshrl.u32 s1, $0x2  }
0xc0: {  	s3 =	sand.u32 $0x4000, s31;
	s1 =	sadd.s32 s1, s30  }
0xc1: {  	s0 =	sor.u32 s3, s0;
	s1 =	sshll.u32 s1, $0x11  }
0xc2: {  	s0 =	sor.u32 s1, s0  }
0xc3: {  	s0 =	sadd.s32 $0x8F2B, s0  }
0xc4: {  	[sflag:s0] =	ssyncadd.remote.s32 $0x1  }
0xc5: {  	_ =	sfence.sel $0xFFFF  }
0xc6: {  	[dreg:$0x0] =	wrdreg $0xFFFFFFFF;
	(pc) =	sbr.abs _section_cstart, $3  }
0xc7: {  	[dreg:$0x1] =	wrdreg $0xFFFFFFFF  }
0xc8: {  	_ =	task.clear_ibuf [dreg:s8], $0x2FFFF;
	_ =	strace $0x9FFFFFFF  }
0xc9: {  	(tm) =	ssettm $0x7FFFFFFF  }
tec
execute0_lowered:
.L_overlay_start_1:
0x0: {  	(tag) =	ssettag $0x1  }
0x1: {  	s0 =	rddreg [dreg:$0x0]  }
0x2: {  	s1 =	rddreg [dreg:$0x1]  }
0x3: {  	s7 =	rddreg [dreg:$0x2]  }
0x4: {  	s2 =	simm.s32 $0x0;
	s3 =	srdreg.scid;
	s5 =	stileid.u32  }
0x5: {  	s11 =	simm.s32 $0x3;
	s12 =	simm.s32 $0x2800;
	s13 =	simm.s32 $0x80  }
0x6: {  	s14 =	simm.s32 $0x5000;
	s15 =	simm.s32 $0x7000;
	s16 =	simm.s32 $0x9000  }
0x7: {  	s17 =	simm.s32 $0xB000;
	s18 =	simm.s32 $0xD000;
	s19 =	simm.s32 $0xF000  }
0x8: {  	s20 =	simm.s32 $0x1;
	s21 =	simm.s32 $0x2;
	s24 =	simm.s32 $0x0  }
0x9: {  	[smem:$0x7FF] =	sst s2;
	s4 =	sand.u32 $0x1, s3;
	s31 =	sshll.u32 s5, $0x1  }
0xa: {  	vm0 =	vmmov $0x1;
	vm1 =	vmmov $0x3;
	vm2 =	vmmov $0x7;
	s3 =	sadd.s32 $0xF44E00, s0;
	s5 =	sor.u32 s4, s31;
	s6 =	ssub.s32 $0x2, s4  }
0xb: {  	vm3 =	vmmov $0xf;
	vm4 =	vmmov $0x1f;
	vm5 =	vmmov $0x3f;
	_ =	strace $0x80000047;
	s8 =	smul.u32 $0x500, s5;
	s9 =	sshrl.u32 s6, $0x1  }
0xc: {  	vm6 =	vmmov $0x7f;
	vm7 =	vmmov $0xff;
	vm8 =	vmmov $0x1ff;
	s4 =	sadd.s32 $0x24CA00, s0;
	s5 =	sadd.s32 $0x189400, s0;
	s10 =	ssub.s32 s6, s9  }
0xd: {  	vm9 =	vmmov $0x3ff;
	vm10 =	vmmov $0x7ff;
	vm11 =	vmmov $0xfff;
	s0 =	sadd.s32 s8, s0;
	s6 =	sadd.s32 s1, s8;
	s7 =	sadd.s32 s7, s8  }
0xe: {  	vm12 =	vmmov $0x1fff;
	vm13 =	vmmov $0x3fff;
	vm14 =	vmmov $0x7fff;
	s10 =	smax.u32 s10, $0x1;
	s8 =	sadd.s32 $0x2A00, s0;
	s9 =	sadd.s32 $0xCA00, s0  }
.LBB2_1:
0xf: {  	[tilespmem:s2], [sflag:$0x3] =	stream.linear.gather [hbm4b:s6+s2], $0x2800, $0x38;
	[tilespmem:$0x16000] =	vst v63  }
0x10: {  	_ =	swait.ge [sflag:s11], $0x2800  }
0x11: {  	[sflag:s11] =	ssyncset.done $0x0  }
0x12: {  	[sflag:s11] =	ssyncadd.s32 $0xFFFFD800  }
0x13: {  	[tilespmem:s12], [sflag:$0x3] =	stream.linear.gather [hbm4b:s7+s2], $0x2800, $0x38;
	[tilespmem:$0x16000] =	vst v63  }
0x14: {  	_ =	swait.ge [sflag:s11], $0x2800  }
0x15: {  	[sflag:s11] =	ssyncset.done $0x0  }
0x16: {  	[sflag:s11] =	ssyncadd.s32 $0xFFFFD800  }
0x17: {  	[tilespmem:s14], [sflag:$0x1] =	stream.indirect.gather [hbm4b:s3+s13], $0x40, s2, s13, $0xb8;
	[tilespmem:$0x16000] =	vst v63  }
0x18: {  	s25 =	simm.s32 $0x13880;
	s26 =	simm.s32 $0x11080  }
0x19: {  	[tilespmem:s15], [sflag:$0x1] =	stream.indirect.gather [hbm4b:s4+s13], $0x40, s12, s13, $0xb8;
	[tilespmem:$0x16000] =	vst v63  }
0x1a: {  	s22 =	simm.s32 $0x11000;
	s1 =	simm.s32 $0x13800;
	s30 =	simm.s32 $0x0  }
0x1b: {  	[tilespmem:s16], [sflag:$0x1] =	stream.indirect.gather [hbm4b:s5+s13], $0x40, s12, s13, $0xb8;
	[tilespmem:$0x16000] =	vst v63  }
.LBB2_2:
0x1c: {  	s0 =	sshll.u32 s30, $0x8  }
0x1d: {  	s23 =	sor.u32 $0x80, s0  }
0x1e: {  	[tilespmem:s17], [sflag:$0x2] =	stream.indirect.gather [hbm4b:s3+s13], $0x40, s23, s13, $0xb8;
	[tilespmem:$0x16000] =	vst v63  }
0x1f: {  	s0 =	sadd.s32 $0x2880, s0  }
0x20: {  	[tilespmem:s18], [sflag:$0x2] =	stream.indirect.gather [hbm4b:s4+s13], $0x40, s0, s13, $0xb8;
	[tilespmem:$0x16000] =	vst v63  }
0x21: {  	_ = 	snop  }
0x22: {  	[tilespmem:s19], [sflag:$0x2] =	stream.indirect.gather [hbm4b:s5+s13], $0x40, s0, s13, $0xb8;
	[tilespmem:$0x16000] =	vst v63  }
0x23: {  	_ =	swait.ge [sflag:s20], $0x2000  }
0x24: {  	[sflag:s20] =	ssyncset.done $0x0  }
0x25: {  	[sflag:s20] =	ssyncadd.s32 $0xFFFFE000  }
0x26: {  	_ =	swait.ge [sflag:s20], $0x2000  }
0x27: {  	[sflag:s20] =	ssyncset.done $0x0  }
0x28: {  	[sflag:s20] =	ssyncadd.s32 $0xFFFFE000  }
0x29: {  	_ =	swait.ge [sflag:s20], $0x2000  }
0x2a: {  	[sflag:s20] =	ssyncset.done $0x0  }
0x2b: {  	s23 =	simm.s32 $0x0;
	[sflag:s20] =	ssyncadd.s32 $0xFFFFE000  }
0x2c: {  	v1 =	vld [tilespmem:s23+$0x93D0];
	_ =	sdelay $0x4  }
0x2d: {  	[tilespmem:$0x1FAB0] =	vst v1;
	v1 =	vld [tilespmem:s23+$0x9370];
	_ =	sdelay $0x4  }
0x2e: {  	[tilespmem:$0x1FB10] =	vst v1;
	v1 =	vld [tilespmem:s23+$0x93C0];
	_ =	sdelay $0x4  }
0x2f: {  	[tilespmem:$0x1FB40] =	vst v1;
	v1 =	vld [tilespmem:s23+$0x9360];
	_ =	sdelay $0x4  }
0x30: {  	[tilespmem:$0x1FBB0] =	vst v1;
	v1 =	vld [tilespmem:s23+$0x9350];
	_ =	sdelay $0x4  }
0x31: {  	[tilespmem:$0x1FBE0] =	vst v1;
	v1 =	vld [tilespmem:s23+$0x92B0];
	_ =	sdelay $0x4  }
0x32: {  	[tilespmem:$0x1FC30] =	vst v1;
	v1 =	vld [tilespmem:s23+$0x9340];
	_ =	sdelay $0x4  }
0x33: {  	[tilespmem:$0x1FC10] =	vst v1;
	v1 =	vld [tilespmem:s23+$0x7230];
	_ =	sdelay $0x4  }
0x34: {  	[tilespmem:$0x1F8D0] =	vst v1;
	v1 =	vld [tilespmem:s23+$0x9220];
	_ =	sdelay $0x4  }
0x35: {  	[tilespmem:$0x1F8E0] =	vst v1;
	v1 =	vld [tilespmem:s23+$0x9280];
	_ =	sdelay $0x4  }
0x36: {  	[tilespmem:$0x1FC00] =	vst v1;
	v1 =	vld [tilespmem:s23+$0x71F0];
	_ =	sdelay $0x4  }
0x37: {  	[tilespmem:$0x1F930] =	vst v1;
	v1 =	vld [tilespmem:s23+$0x7220];
	_ =	sdelay $0x4  }
0x38: {  	[tilespmem:$0x1F8B0] =	vst v1;
	v1 =	vld [tilespmem:s23+$0x91B0];
	_ =	sdelay $0x4  }
0x39: {  	[tilespmem:$0x1F990] =	vst v1;
	v1 =	vld [tilespmem:s23+$0x71B0];
	_ =	sdelay $0x4  }
0x3a: {  	[tilespmem:$0x1F980] =	vst v1;
	v1 =	vld [tilespmem:s23+$0x71E0];
	_ =	sdelay $0x4  }
0x3b: {  	[tilespmem:$0x1F900] =	vst v1;
	v1 =	vld [tilespmem:s23+$0x9170];
	_ =	sdelay $0x4  }
0x3c: {  	[tilespmem:$0x1F9F0] =	vst v1;
	v1 =	vld [tilespmem:s23+$0x91A0];
	_ =	sdelay $0x4  }
0x3d: {  	[tilespmem:$0x1F950] =	vst v1;
	v1 =	vld [tilespmem:s23+$0x7170];
	_ =	sdelay $0x4  }
0x3e: {  	[tilespmem:$0x1F9D0] =	vst v1;
	v1 =	vld [tilespmem:s23+$0x71A0];
	_ =	sdelay $0x4  }
0x3f: {  	[tilespmem:$0x1F940] =	vst v1;
	v1 =	vld [tilespmem:s23+$0x9160];
	_ =	sdelay $0x4  }
0x40: {  	[tilespmem:$0x1F9C0] =	vst v1;
	v1 =	vld [tilespmem:s23+$0x9190];
	_ =	sdelay $0x3  }
0x41: {  	v0 =	vld [tilespmem:s23+$0x93F0]  }
0x42: {  	[tilespmem:$0x1F920] =	vst v1;
	v1 =	vld [tilespmem:s23+$0x91C0]  }
0x43: {  	v63 =	vld [tilespmem:s23+$0x73F0]  }
0x44: {  	v27 =	vld [tilespmem:s23+$0x73E0]  }
0x45: {  	v45 =	vld [tilespmem:s23+$0x93B0]  }
0x46: {  	v30 =	vld [tilespmem:s23+$0x73B0]  }
0x47: {  	[tilespmem:$0x1FBD0] =	vst v1;
	v1 =	vld [tilespmem:s23+$0x7130]  }
0x48: {  	v21 =	vld [tilespmem:s23+$0x73D0]  }
0x49: {  	v35 =	vld [tilespmem:s23+$0x93A0]  }
0x4a: {  	v42 =	vld [tilespmem:s23+$0x7370]  }
0x4b: {  	v24 =	vld [tilespmem:s23+$0x73A0]  }
0x4c: {  	[tilespmem:$0x1FA10] =	vst v1;
	v1 =	vld [tilespmem:s23+$0x7160]  }
0x4d: {  	v61 =	vld [tilespmem:s23+$0x73C0]  }
0x4e: {  	v55 =	vld [tilespmem:s23+$0x9330]  }
0x4f: {  	v17 =	vld [tilespmem:s23+$0x9390]  }
0x50: {  	v50 =	vld [tilespmem:s23+$0x53F0]  }
0x51: {  	[tilespmem:$0x1F9B0] =	vst v1;
	v1 =	vld [tilespmem:s23+$0x7190]  }
0x52: {  	v47 =	vld [tilespmem:s23+$0x7330]  }
0x53: {  	v40 =	vld [tilespmem:s23+$0x7360]  }
0x54: {  	v12 =	vld [tilespmem:s23+$0x7390]  }
0x55: {  	v44 =	vld [tilespmem:s23+$0x9320]  }
0x56: {  	[tilespmem:$0x1F910] =	vst v1;
	v1 =	vld [tilespmem:s23+$0x90F0]  }
0x57: {  	v15 =	vld [tilespmem:s23+$0x9380]  }
0x58: {  	v57 =	vld [tilespmem:s23+$0x72F0]  }
0x59: {  	v34 =	vld [tilespmem:s23+$0x7320]  }
0x5a: {  	v20 =	vld [tilespmem:s23+$0x7350]  }
0x5b: {  	[tilespmem:$0x1FAA0] =	vst v1;
	v1 =	vld [tilespmem:s23+$0x9150]  }
0x5c: {  	v8 =	vld [tilespmem:s23+$0x7380]  }
0x5d: {  	v54 =	vld [tilespmem:s23+$0x92E0]  }
0x5e: {  	v31 =	vld [tilespmem:s23+$0x9310]  }
0x5f: {  	v11 =	vld [tilespmem:s23+$0x53E0]  }
0x60: {  	[tilespmem:$0x1F9A0] =	vst v1;
	v1 =	vld [tilespmem:s23+$0x70F0]  }
0x61: {  	v43 =	vld [tilespmem:s23+$0x72E0]  }
0x62: {  	v26 =	vld [tilespmem:s23+$0x7310]  }
0x63: {  	v14 =	vld [tilespmem:s23+$0x7340]  }
0x64: {  	v39 =	vld [tilespmem:s23+$0x92D0]  }
0x65: {  	[tilespmem:$0x1FA60] =	vst v1;
	v1 =	vld [tilespmem:s23+$0x7120]  }
0x66: {  	v25 =	vld [tilespmem:s23+$0x9300]  }
0x67: {  	v59 =	vld [tilespmem:s23+$0x72A0]  }
0x68: {  	v33 =	vld [tilespmem:s23+$0x72D0]  }
0x69: {  	v19 =	vld [tilespmem:s23+$0x7300]  }
0x6a: {  	[tilespmem:$0x1FA00] =	vst v1;
	v1 =	vld [tilespmem:s23+$0x7150]  }
0x6b: {  	v29 =	vld [tilespmem:s23+$0x92C0]  }
0x6c: {  	v18 =	vld [tilespmem:s23+$0x53B0]  }
0x6d: {  	v52 =	vld [tilespmem:s23+$0x7260]  }
0x6e: {  	v41 =	vld [tilespmem:s23+$0x7290]  }
0x6f: {  	[tilespmem:$0x1F960] =	vst v1;
	v1 =	vld [tilespmem:s23+$0x90B0]  }
0x70: {  	v23 =	vld [tilespmem:s23+$0x72C0]  }
0x71: {  	v51 =	vld [tilespmem:s23+$0x9250]  }
0x72: {  	v37 =	vld [tilespmem:s23+$0x7250]  }
0x73: {  	[tilespmem:$0x1FA20] =	vst v0;
	v0 =	vld [tilespmem:s23+$0x93E0]  }
0x74: {  	[tilespmem:$0x1FB30] =	vst v1;
	v1 =	vld [tilespmem:s23+$0x90E0]  }
0x75: {  	v32 =	vld [tilespmem:s23+$0x7280]  }
0x76: {  	v62 =	vld [tilespmem:s23+$0x9210]  }
0x77: {  	v38 =	vld [tilespmem:s23+$0x9240]  }
0x78: {  	[tilespmem:$0x1FA80] =	vst v0;
	v0 =	vld [tilespmem:s23+$0x92F0]  }
0x79: {  	[tilespmem:$0x1FA70] =	vst v1;
	v1 =	vld [tilespmem:s23+$0x9140]  }
0x7a: {  	v13 =	vld [tilespmem:s23+$0x5370]  }
0x7b: {  	v6 =	vld [tilespmem:s23+$0x53A0]  }
0x7c: {  	v7 =	vld [tilespmem:s23+$0x53C0]  }
0x7d: {  	[tilespmem:$0x1F870] =	vst v0;
	v0 =	vld [tilespmem:s23+$0x72B0]  }
0x7e: {  	[tilespmem:$0x1F970] =	vst v1;
	v1 =	vld [tilespmem:s23+$0x70B0]  }
0x7f: {  	v49 =	vld [tilespmem:s23+$0x7210]  }
0x80: {  	v28 =	vld [tilespmem:s23+$0x7240]  }
0x81: {  	v48 =	vld [tilespmem:s23+$0x9200]  }
0x82: {  	[tilespmem:$0x1F880] =	vst v0;
	v0 =	vld [tilespmem:s23+$0x9270]  }
0x83: {  	[tilespmem:$0x1FAF0] =	vst v1;
	v1 =	vld [tilespmem:s23+$0x70E0]  }
0x84: {  	v60 =	vld [tilespmem:s23+$0x71D0]  }
0x85: {  	v36 =	vld [tilespmem:s23+$0x7200]  }
0x86: {  	v16 =	vld [tilespmem:s23+$0x5330]  }
0x87: {  	[tilespmem:$0x1F8C0] =	vst v0;
	v0 =	vld [tilespmem:s23+$0x7270]  }
0x88: {  	[tilespmem:$0x1FA40] =	vst v1;
	v1 =	vld [tilespmem:s23+$0x7110]  }
0x89: {  	v9 =	vld [tilespmem:s23+$0x5360]  }
0x8a: {  	v4 =	vld [tilespmem:s23+$0x5390]  }
0x8b: {  	v46 =	vld [tilespmem:s23+$0x71C0]  }
0x8c: {  	[tilespmem:$0x1F890] =	vst v0;
	v0 =	vld [tilespmem:s23+$0x9230]  }
0x8d: {  	[tilespmem:$0x1F9E0] =	vst v1;
	v1 =	vld [tilespmem:s23+$0x9030]  }
0x8e: {  	v58 =	vld [tilespmem:s23+$0x9180]  }
0x8f: {  	v53 =	vld [tilespmem:s23+$0x7180]  }
0x90: {  	v22 =	vld [tilespmem:s23+$0x52F0]  }
0x91: {  	[tilespmem:$0x1F8F0] =	vst v0;
	v0 =	vld [tilespmem:s23+$0x9260]  }
0x92: {  	[tilespmem:$0x1FB80] =	vst v1;
	v1 =	vld [tilespmem:s23+$0x90A0]  }
0x93: {  	v10 =	vld [tilespmem:s23+$0x5320]  }
0x94: {  	v2 =	vld [tilespmem:s23+$0x5380]  }
0x95: {  	v5 =	vld [tilespmem:s23+$0x9100]  }
0x96: {  	[tilespmem:$0x1F8A0] =	vst v0;
	v0 =	vld [tilespmem:s23+$0x53D0]  }
0x97: {  	[tilespmem:$0x1FB00] =	vst v1;
	v1 =	vld [tilespmem:s23+$0x90D0]  }
0x98: {  	v3 =	vld [tilespmem:s23+$0x5350]  }
0x99: {  	v56 =	vld [tilespmem:s23+$0x7140]  }
0x9a: {  	[tilespmem:$0x1FBA0] =	vst v5;
	v5 =	vld [tilespmem:s23+$0x7030];
	v8 =	vmul.f32 v8, v2  }
0x9b: {  	[tilespmem:$0x1FAC0] =	vst v0;
	v21 =	vmul.f32 v21, v0;
	v0 =	vld [tilespmem:s23+$0x70A0]  }
0x9c: {  	v12 =	vmul.f32 v12, v4;
	v8 =	vadd.f32 $0.0e+00, v8;
	[tilespmem:$0x1FA50] =	vst v1;
	v1 =	vld [tilespmem:s23+$0x5340]  }
0x9d: {  	[tilespmem:$0x1FB50] =	vst v7;
	v61 =	vmul.f32 v61, v7;
	v7 =	vld [tilespmem:s23+$0x7070];
	v4 =	vmul.f32 v17, v4  }
0x9e: {  	[tilespmem:$0x1FA90] =	vst v11;
	v17 =	vmul.f32 v30, v18;
	v30 =	vld [tilespmem:s23+$0x52B0];
	v8 =	vadd.f32 v12, v8;
	v12 =	vmul.f32 v24, v6  }
0x9f: {  	v2 =	vmul.f32 v15, v2;
	v24 =	vld [tilespmem:s23+$0x5230];
	[tilespmem:$0x1FB60] =	vst v5  }
0xa0: {  	v61 =	vadd.f32 $0.0e+00, v61;
	v5 =	vld [tilespmem:s23+$0x5300];
	v8 =	vadd.f32 v12, v8;
	[tilespmem:$0x1FAD0] =	vst v0  }
0xa1: {  	v0 =	vmul.f32 v27, v11;
	[tilespmem:$0x1FC20] =	vst v1;
	v11 =	vmul.f32 v14, v1;
	v1 =	vadd.f32 $0.0e+00, v2;
	v2 =	vld [tilespmem:s23+$0x9020]  }
0xa2: {  	[tilespmem:$0x1FB90] =	vst v7;
	v7 =	vld [tilespmem:s23+$0x5310];
	v61 =	vadd.f32 v21, v61  }
0xa3: {  	v12 =	vmul.f32 v63, v50;
	v63 =	vadd.f32 v17, v8;
	v8 =	vld [tilespmem:s23+$0x52E0]  }
0xa4: {  	v17 =	vld [tilespmem:s23+$0x90C0];
	v0 =	vadd.f32 v0, v61  }
0xa5: {  	[tilespmem:$0x1FA30] =	vst v50;
	v15 =	vmul.f32 v20, v3;
	v21 =	vld [tilespmem:s23+$0x7100];
	v11 =	vadd.f32 $0.0e+00, v11  }
0xa6: {  	v50 =	vadd.f32 v12, v0;
	v0 =	vadd.f32 v4, v1;
	v1 =	vmul.f32 v19, v5;
	[tilespmem:$0x1FB70] =	vst v2;
	v2 =	vld [tilespmem:s23+$0x9090]  }
0xa7: {  	v14 =	vld [tilespmem:s23+$0x52C0];
	v4 =	vmul.f32 v35, v6;
	v6 =	vadd.f32 v15, v11;
	v11 =	vmul.f32 v40, v9  }
0xa8: {  	[tilespmem:$0x1FBC0] =	vst v9;
	v27 =	vld [tilespmem:s23+$0x70D0];
	v12 =	vmul.f32 v26, v7;
	v1 =	vadd.f32 $0.0e+00, v1  }
0xa9: {  	[tilespmem:$0x1FBF0] =	vst v3;
	v3 =	vmul.f32 v31, v7;
	v61 =	vld [tilespmem:s23+$0x52D0];
	v9 =	vmul.f32 v42, v13;
	v6 =	vadd.f32 v11, v6  }
0xaa: {  	v7 =	vld [tilespmem:s23+$0x5260];
	v0 =	vadd.f32 v4, v0;
	v4 =	vmul.f32 v45, v18;
	v1 =	vadd.f32 v12, v1  }
0xab: {  	v12 =	vmul.f32 v34, v10;
	v40 =	vadd.f32 v9, v6;
	v6 =	vld [tilespmem:s23+$0x5240];
	[tilespmem:$0x1FAE0] =	vst v2;
	v2 =	vmul.f32 v25, v5  }
0xac: {  	v15 =	vld [tilespmem:s23+$0x5280];
	v11 =	vadd.f32 v4, v0;
	v0 =	vmul.f32 v23, v14  }
0xad: {  	[tilespmem:$0x1FB20] =	vst v13;
	v13 =	vld [tilespmem:s23+$0x5290];
	v4 =	vmul.f32 v47, v16;
	v1 =	vadd.f32 v12, v1;
	v2 =	vadd.f32 $0.0e+00, v2  }
0xae: {  	v14 =	vmul.f32 v29, v14;
	v0 =	vadd.f32 $0.0e+00, v0;
	v9 =	vmul.f32 v33, v61;
	v12 =	vld [tilespmem:s23+$0x5250]  }
0xaf: {  	v42 =	vld [tilespmem:s23+$0x52A0];
	v5 =	vadd.f32 v4, v1;
	v2 =	vadd.f32 v3, v2;
	v3 =	vmul.f32 v44, v10  }
0xb0: {  	v23 =	vld [tilespmem:s23+$0x5220];
	v0 =	vadd.f32 v9, v0;
	v1 =	vmul.f32 v43, v8;
	v19 =	vmul.f32 v28, v6  }
0xb1: {  	v9 =	vmul.f32 v39, v61;
	v39 =	vld [tilespmem:s23+$0x51C0];
	v2 =	vadd.f32 v3, v2;
	v3 =	vmul.f32 v55, v16  }
0xb2: {  	v0 =	vadd.f32 v1, v0;
	v1 =	vmul.f32 v32, v15;
	v10 =	vld [tilespmem:$0x1F870];
	v19 =	vadd.f32 $0.0e+00, v19  }
0xb3: {  	v61 =	vmovc v15;
	v15 =	vld [tilespmem:s23+$0x5200];
	v20 =	vmul.f32 v37, v12;
	v4 =	vadd.f32 v3, v2;
	v2 =	vadd.f32 $0.0e+00, v14  }
0xb4: {  	v55 =	vld [tilespmem:s23+$0x7020];
	v14 =	vmul.f32 v57, v22  }
0xb5: {  	v16 =	vld [tilespmem:s23+$0x7060];
	v19 =	vadd.f32 v20, v19;
	v2 =	vadd.f32 v9, v2;
	v9 =	vmul.f32 v54, v8  }
0xb6: {  	v3 =	vld [tilespmem:s23+$0x5270];
	v8 =	vadd.f32 v14, v0;
	v0 =	vadd.f32 $0.0e+00, v1;
	v1 =	vmul.f32 v41, v13  }
0xb7: {  	v10 =	vmul.f32 v10, v22;
	v22 =	vmul.f32 v52, v7;
	v14 =	vld [tilespmem:s23+$0x5210];
	v9 =	vadd.f32 v9, v2  }
0xb8: {  	v2 =	vld [tilespmem:s23+$0x7090];
	v0 =	vadd.f32 v1, v0  }
0xb9: {  	v1 =	vadd.f32 v10, v9;
	v10 =	vadd.f32 v22, v19;
	v19 =	vld [tilespmem:s23+$0x70C0]  }
0xba: {  	v54 =	vmov v13;
	v13 =	vld [tilespmem:$0x1F890];
	_ =	sdelay $0x2  }
0xbb: {  	v20 =	vmul.f32 v59, v42;
	_ =	sdelay $0x1  }
0xbc: {  	v0 =	vadd.f32 v20, v0;
	v20 =	vmul.f32 v13, v3;
	v13 =	vld [tilespmem:$0x1F8A0];
	_ =	sdelay $0x1  }
0xbd: {  	v6 =	vmul.f32 v38, v6;
	_ =	sdelay $0x1  }
0xbe: {  	v6 =	vadd.f32 $0.0e+00, v6;
	v9 =	vmul.f32 v51, v12  }
0xbf: {  	v7 =	vmul.f32 v13, v7;
	v13 =	vld [tilespmem:$0x1F8C0]  }
0xc0: {  	v6 =	vadd.f32 v9, v6;
	v9 =	vld [tilespmem:$0x1F880];
	_ =	sdelay $0x1  }
0xc1: {  	v12 =	vmul.f32 v36, v15  }
0xc2: {  	v25 =	vmul.f32 v49, v14  }
0xc3: {  	v22 =	vadd.f32 $0.0e+00, v12;
	v6 =	vadd.f32 v7, v6;
	v3 =	vmul.f32 v13, v3  }
0xc4: {  	v9 =	vmul.f32 v9, v30  }
0xc5: {  	v7 =	vadd.f32 v25, v22;
	v22 =	vadd.f32 v3, v6;
	v6 =	vld [tilespmem:$0x1F8E0]  }
0xc6: {  	v12 =	vadd.f32 v9, v0;
	v0 =	vadd.f32 v20, v10;
	v9 =	vmul.f32 v48, v15;
	v10 =	vld [tilespmem:$0x1F8B0];
	_ =	sdelay $0x1  }
0xc7: {  	v14 =	vmul.f32 v62, v14;
	v9 =	vadd.f32 $0.0e+00, v9;
	v13 =	vld [tilespmem:$0x1F8D0]  }
0xc8: {  	v36 =	vld [tilespmem:s23+$0x51D0]  }
0xc9: {  	v26 =	vld [tilespmem:s23+$0x5180];
	v3 =	vadd.f32 v14, v9;
	v6 =	vmul.f32 v6, v23  }
0xca: {  	v35 =	vld [tilespmem:s23+$0x51E0];
	v10 =	vmul.f32 v10, v23  }
0xcb: {  	v3 =	vadd.f32 v6, v3;
	v6 =	vld [tilespmem:$0x1F8F0]  }
0xcc: {  	v7 =	vadd.f32 v10, v7;
	v10 =	vmul.f32 v46, v39;
	v15 =	vmul.f32 v13, v24;
	v13 =	vld [tilespmem:$0x1F900];
	_ =	sdelay $0x1  }
0xcd: {  	v9 =	vmul.f32 v60, v36;
	v15 =	vadd.f32 v15, v7;
	v7 =	vadd.f32 $0.0e+00, v10;
	_ =	sdelay $0x1  }
0xce: {  	v20 =	vld [tilespmem:s23+$0x5190];
	v7 =	vadd.f32 v9, v7;
	v9 =	vmul.f32 v58, v26;
	v6 =	vmul.f32 v6, v24  }
0xcf: {  	v24 =	vmul.f32 v53, v26;
	v26 =	vmul.f32 v13, v35;
	v13 =	vld [tilespmem:$0x1F920]  }
0xd0: {  	v38 =	vmov v30;
	v30 =	vadd.f32 v6, v3;
	v6 =	vld [tilespmem:$0x1F910];
	_ =	sdelay $0x4  }
0xd1: {  	v9 =	vadd.f32 $0.0e+00, v9;
	v6 =	vmul.f32 v6, v20;
	v20 =	vmul.f32 v13, v20  }
0xd2: {  	v25 =	vld [tilespmem:s23+$0x51A0]  }
0xd3: {  	v20 =	vadd.f32 v20, v9;
	v9 =	vld [tilespmem:$0x1F940]  }
0xd4: {  	v10 =	vld [tilespmem:s23+$0x5140]  }
0xd5: {  	v13 =	vld [tilespmem:$0x1F970]  }
0xd6: {  	v34 =	vld [tilespmem:s23+$0x51F0]  }
0xd7: {  	v23 =	vld [tilespmem:s23+$0x51B0];
	v3 =	vadd.f32 $0.0e+00, v24  }
0xd8: {  	v47 =	vmul.f32 v9, v25;
	v9 =	vld [tilespmem:$0x1F950]  }
0xd9: {  	v3 =	vadd.f32 v6, v3;
	v6 =	vld [tilespmem:$0x1F930]  }
0xda: {  	v48 =	vmul.f32 v13, v10;
	v13 =	vld [tilespmem:$0x1F980];
	_ =	sdelay $0x2  }
0xdb: {  	v25 =	vmul.f32 v9, v25  }
0xdc: {  	v28 =	vld [tilespmem:s23+$0x5150];
	v7 =	vadd.f32 v26, v7;
	v6 =	vmul.f32 v6, v34  }
0xdd: {  	v20 =	vadd.f32 v25, v20;
	v25 =	vmul.f32 v13, v23;
	v13 =	vld [tilespmem:$0x1F990]  }
0xde: {  	v37 =	vadd.f32 v6, v7;
	v7 =	vld [tilespmem:$0x1F960];
	_ =	sdelay $0x2  }
0xdf: {  	v62 =	vld [tilespmem:s23+$0x5170];
	v31 =	vmul.f32 v56, v10  }
0xe0: {  	v23 =	vmul.f32 v13, v23;
	v13 =	vld [tilespmem:$0x1F9D0]  }
0xe1: {  	v6 =	vadd.f32 $0.0e+00, v31;
	v7 =	vmul.f32 v7, v28;
	_ =	sdelay $0x1  }
0xe2: {  	v7 =	vadd.f32 v7, v6;
	v6 =	vld [tilespmem:$0x1F9A0]  }
0xe3: {  	v10 =	vld [tilespmem:s23+$0x5110]  }
0xe4: {  	v3 =	vadd.f32 v47, v3;
	v52 =	vmul.f32 v13, v62;
	v13 =	vld [tilespmem:$0x1F9E0]  }
0xe5: {  	v26 =	vld [tilespmem:s23+$0x5160]  }
0xe6: {  	v25 =	vadd.f32 v25, v3;
	v3 =	vld [tilespmem:$0x1F9C0]  }
0xe7: {  	v28 =	vmul.f32 v6, v28;
	v6 =	vld [tilespmem:$0x1F9B0];
	_ =	sdelay $0x1  }
0xe8: {  	v53 =	vmul.f32 v13, v10;
	v13 =	vld [tilespmem:$0x1F9F0]  }
0xe9: {  	v33 =	vadd.f32 $0.0e+00, v48;
	v9 =	vld [tilespmem:s23+$0x5100];
	_ =	sdelay $0x1  }
0xea: {  	v28 =	vadd.f32 v28, v33;
	v51 =	vmul.f32 v6, v26;
	v26 =	vmul.f32 v3, v26  }
0xeb: {  	v6 =	vld [tilespmem:s23+$0x5120]  }
0xec: {  	v26 =	vadd.f32 v26, v28;
	v28 =	vmul.f32 v13, v62;
	v13 =	vld [tilespmem:$0x1FA00]  }
0xed: {  	v21 =	vmul.f32 v21, v9;
	_ =	sdelay $0x1  }
0xee: {  	v21 =	vadd.f32 $0.0e+00, v21;
	v7 =	vadd.f32 v51, v7;
	_ =	sdelay $0x1  }
0xef: {  	v33 =	vadd.f32 v52, v7;
	v7 =	vadd.f32 v53, v21;
	v21 =	vmul.f32 v13, v6  }
0xf0: {  	v3 =	vld [tilespmem:s23+$0x5130]  }
0xf1: {  	v21 =	vadd.f32 v21, v7;
	v7 =	vld [tilespmem:$0x1FA10];
	_ =	sdelay $0x1  }
0xf2: {  	v57 =	vld [tilespmem:s23+$0x50F0]  }
0xf3: {  	v59 =	vld [tilespmem:s23+$0x7010]  }
0xf4: {  	v13 =	vld [tilespmem:$0x1FA30]  }
0xf5: {  	v60 =	vmul.f32 v7, v3;
	v7 =	vld [tilespmem:$0x1FA20]  }
0xf6: {  	v49 =	vld [tilespmem:s23+$0x50C0]  }
0xf7: {  	(xrf2) =	vadd.scan.msk.f32 $0xffff, v50;
	v29 =	vld [tilespmem:s23+$0x50A0]  }
0xf8: {  	(xrf2) =	vadd.scan.msk.f32 $0xffff, v63;
	v20 =	vadd.f32 v23, v20;
	v23 =	vld [tilespmem:s23+$0x50D0]  }
0xf9: {  	(xrf2) =	vadd.scan.msk.f32 $0xffff, v11;
	v56 =	vld [tilespmem:s23+$0x50E0]  }
0xfa: {  	(xrf2) =	vadd.scan.msk.f32 $0xffff, v40;
	v7 =	vmul.f32 v7, v13;
	v13 =	vld [tilespmem:$0x1FA40]  }
0xfb: {  	v11 =	vld [tilespmem:$0x1FA70];
	(xrf2) =	vadd.scan.msk.f32 $0xffff, v5;
	v19 =	vmul.f32 v19, v49  }
0xfc: {  	(xrf2) =	vadd.scan.msk.f32 $0xffff, v4;
	v4 =	vld [tilespmem:$0x1FAB0];
	v18 =	vmul.f32 v17, v49  }
0xfd: {  	v49 =	vld [tilespmem:s23+$0x5000];
	v19 =	vadd.f32 $0.0e+00, v19;
	v26 =	vadd.f32 v28, v26;
	v28 =	vmul.f32 v27, v23  }
0xfe: {  	v17 =	vld [tilespmem:$0x1FAA0]  }
0xff: {  	v19 =	vadd.f32 v28, v19;
	v28 =	vmul.f32 v13, v56;
	v13 =	vld [tilespmem:$0x1FA50]  }
0x100: {  	(xrf2) =	vadd.scan.msk.f32 $0xffff, v8;
	v8 =	vld [tilespmem:$0x1FAE0]  }
0x101: {  	v58 =	vld [tilespmem:s23+$0x5080]  }
0x102: {  	v31 =	vld [tilespmem:s23+$0x7080]  }
0x103: {  	(xrf2) =	vadd.scan.msk.f32 $0xffff, v1;
	v1 =	vld [tilespmem:$0x1FAF0]  }
0x104: {  	v18 =	vadd.f32 $0.0e+00, v18;
	v24 =	vld [tilespmem:s23+$0x9080];
	v23 =	vmul.f32 v13, v23  }
0x105: {  	v62 =	vld [tilespmem:s23+$0x5090]  }
0x106: {  	v13 =	vld [tilespmem:$0x1FA60];
	v18 =	vadd.f32 v23, v18;
	v23 =	vmul.f32 v11, v56  }
0x107: {  	v27 =	vmul.f32 v31, v58;
	v31 =	vld [tilespmem:s23+$0x50B0]  }
0x108: {  	v18 =	vadd.f32 v23, v18;
	v23 =	vmul.f32 v17, v57;
	v17 =	vld [tilespmem:$0x1FAC0]  }
0x109: {  	v5 =	vmul.f32 v24, v58;
	v24 =	vld [tilespmem:s23+$0x5010]  }
0x10a: {  	v11 =	vld [tilespmem:$0x1FA80]  }
0x10b: {  	v19 =	vadd.f32 v28, v19;
	v28 =	vmul.f32 v13, v57;
	v13 =	vld [tilespmem:$0x1FA90]  }
0x10c: {  	v50 =	vmul.f32 v1, v31;
	v1 =	vld [tilespmem:$0x1FB00]  }
0x10d: {  	v5 =	vadd.f32 $0.0e+00, v5;
	v8 =	vmul.f32 v8, v62;
	v4 =	vmul.f32 v4, v17;
	v17 =	vld [tilespmem:$0x1FAD0]  }
0x10e: {  	v48 =	vld [tilespmem:s23+$0x7000]  }
0x10f: {  	v2 =	vmul.f32 v2, v62;
	v5 =	vadd.f32 v8, v5;
	v8 =	vld [tilespmem:$0x1FB20];
	v18 =	vadd.f32 v23, v18  }
0x110: {  	v23 =	vld [tilespmem:s23+$0x5020];
	v13 =	vmul.f32 v11, v13;
	v11 =	vadd.f32 v28, v19;
	v19 =	vadd.f32 $0.0e+00, v27  }
0x111: {  	v27 =	vld [tilespmem:s23+$0x9000]  }
0x112: {  	v2 =	vadd.f32 v2, v19;
	v19 =	vmul.f32 v17, v29;
	v29 =	vmul.f32 v1, v29;
	v1 =	vld [tilespmem:$0x1FB10]  }
0x113: {  	v17 =	vld [tilespmem:$0x1FB30]  }
0x114: {  	v2 =	vadd.f32 v19, v2;
	v19 =	vmul.f32 v48, v49  }
0x115: {  	(xrf2) =	vadd.scan.msk.f32 $0xffff, v12  }
0x116: {  	(xrf2) =	vadd.scan.msk.f32 $0xffff, v0;
	v5 =	vadd.f32 v29, v5;
	v0 =	vadd.f32 $0.0e+00, v19;
	v19 =	vmul.f32 v59, v24  }
0x117: {  	v12 =	vld [tilespmem:s23+$0x5040];
	v32 =	vadd.f32 v50, v2;
	v2 =	vmul.f32 v27, v49;
	v1 =	vmul.f32 v1, v8;
	v8, _, _ =	vpop (xrf2);
	(xrf2) =	vadd.scan.msk.f32 $0xffff, v22  }
0x118: {  	v14 =	vld [tilespmem:s23+$0x9010];
	v27 =	vmul.f32 v17, v31;
	v29, _, _ =	vpop (xrf2);
	(xrf2) =	vadd.scan.msk.f32 $0xffff, v15;
	v15 =	vadd.f32 v19, v0;
	v19 =	vmul.f32 v55, v23  }
0x119: {  	v51 =	vld [tilespmem:s23+$0x5030]  }
0x11a: {  	v27 =	vadd.f32 v27, v5;
	v5 =	vadd.f32 v19, v15;
	v15 =	vld [tilespmem:$0x1FB60]  }
0x11b: {  	v52 =	vld [tilespmem:s23+$0x7050]  }
0x11c: {  	v56 =	vld [tilespmem:s23+$0x9060]  }
0x11d: {  	v14 =	vmul.f32 v14, v24;
	v17 =	vld [tilespmem:$0x1FB50];
	v2 =	vadd.f32 $0.0e+00, v2  }
0x11e: {  	v0 =	vld [tilespmem:$0x1FB40]  }
0x11f: {  	v14 =	vadd.f32 v14, v2;
	v2 =	vld [tilespmem:$0x1FB70];
	v15 =	vmul.f32 v15, v51  }
0x120: {  	v28 =	vld [tilespmem:s23+$0x7040]  }
0x121: {  	v15 =	vadd.f32 v15, v5;
	v5 =	vld [tilespmem:$0x1FB80]  }
0x122: {  	v24 =	vld [tilespmem:s23+$0x5060]  }
0x123: {  	v22 =	vld [tilespmem:s23+$0x5050];
	v53 =	vmul.f32 v0, v17;
	v0, _, _ =	vpop (xrf2);
	(xrf2) =	vadd.scan.msk.f32 $0xffff, v30  }
0x124: {  	v31 =	vld [tilespmem:s23+$0x9040];
	v30, _, _ =	vpop (xrf2);
	(xrf2) =	vadd.scan.msk.f32 $0xffff, v37;
	v23 =	vmul.f32 v2, v23  }
0x125: {  	v17 =	vld [tilespmem:$0x1FBA0];
	v55, _, _ =	vpop (xrf2);
	(xrf2) =	vadd.scan.msk.f32 $0xffff, v25  }
0x126: {  	v19 =	vmul.f32 v28, v12;
	v28 =	vld [tilespmem:s23+$0x9050];
	v2, _, _ =	vpop (xrf2);
	(xrf2) =	vadd.scan.msk.f32 $0xffff, v20;
	v14 =	vadd.f32 v23, v14;
	v23 =	vmul.f32 v5, v51  }
0x127: {  	v21 =	vadd.f32 v60, v21;
	v57, _, _ =	vpop (xrf2);
	(xrf2) =	vadd.scan.msk.f32 $0xffff, v33  }
0x128: {  	v5, _, _ =	vpop (xrf2);
	(xrf2) =	vadd.scan.msk.f32 $0xffff, v26  }
0x129: {  	v19 =	vadd.f32 $0.0e+00, v19;
	v12 =	vmul.f32 v31, v12;
	v31 =	vld [tilespmem:s23+$0x9110];
	v20 =	vmul.f32 v52, v22;
	v26, _, _ =	vpop (xrf2);
	(xrf2) =	vadd.scan.msk.f32 $0xffff, v21  }
0x12a: {  	v16 =	vmul.f32 v16, v24;
	v9 =	vmul.f32 v17, v9;
	v17 =	vld [tilespmem:$0x1FBC0];
	v14 =	vadd.f32 v23, v14;
	(xrf2) =	vadd.scan.msk.f32 $0xffff, v11;
	v23, _, _ =	vpop (xrf2)  }
0x12b: {  	v19 =	vadd.f32 v20, v19;
	v21 =	vmul.f32 v28, v22;
	v28, _, _ =	vpop (xrf2);
	(xrf2) =	vadd.scan.msk.f32 $0xffff, v18;
	v18 =	vmul.f32 v56, v24;
	v24 =	vld [tilespmem:$0x1FBB0]  }
0x12c: {  	v25 =	vld [tilespmem:s23+$0x5070]  }
0x12d: {  	v11 =	vadd.f32 v16, v19;
	v16 =	vld [tilespmem:$0x1FB90];
	_ =	sdelay $0x1  }
0x12e: {  	v20 =	vld [tilespmem:s23+$0x9070]  }
0x12f: {  	v24 =	vmul.f32 v24, v17;
	v17 =	vld [tilespmem:$0x1FBD0]  }
0x130: {  	v12 =	vadd.f32 $0.0e+00, v12;
	v22 =	vld [tilespmem:s23+$0x9120];
	v58, _, _ =	vpop (xrf2);
	(xrf2) =	vadd.scan.msk.f32 $0xffff, v32  }
0x131: {  	v10 =	vmul.f32 v31, v10;
	v19 =	vld [tilespmem:s23+$0x91D0];
	v16 =	vmul.f32 v16, v25;
	v31, _, _ =	vpop (xrf2);
	(xrf2) =	vadd.scan.msk.f32 $0xffff, v27  }
0x132: {  	v12 =	vadd.f32 v21, v12;
	v27, _, _ =	vpop (xrf2);
	(xrf2) =	vadd.scan.msk.f32 $0xffff, v15;
	v15 =	vld [tilespmem:$0x1FBE0]  }
0x133: {  	v11 =	vadd.f32 v16, v11;
	v16 =	vld [tilespmem:s23+$0x91E0]  }
0x134: {  	v12 =	vadd.f32 v18, v12;
	v18 =	vmul.f32 v20, v25;
	v20 =	vmul.f32 v17, v39;
	v17 =	vld [tilespmem:$0x1FBF0]  }
0x135: {  	v6 =	vmul.f32 v22, v6  }
0x136: {  	v22, _, _ =	vpop (xrf2);
	(xrf2) =	vadd.scan.msk.f32 $0xffff, v14;
	v12 =	vadd.f32 v18, v12;
	v18 =	vmul.f32 v19, v36;
	v14 =	vadd.f32 $0.0e+00, v20  }
0x137: {  	v9 =	vadd.f32 $0.0e+00, v9  }
0x138: {  	v21 =	vld [tilespmem:s23+$0x9130];
	v16 =	vmul.f32 v16, v35;
	v14 =	vadd.f32 v18, v14  }
0x139: {  	v9 =	vadd.f32 v10, v9;
	v15 =	vmul.f32 v15, v17;
	v17 =	vld [tilespmem:$0x1FC20]  }
0x13a: {  	v14 =	vadd.f32 v16, v14;
	v16 =	vld [tilespmem:$0x1FC10]  }
0x13b: {  	v6 =	vadd.f32 v6, v9;
	v9 =	vld [tilespmem:$0x1FC00]  }
0x13c: {  	v10 =	vld [tilespmem:s23+$0x91F0]  }
0x13d: {  	v25 =	vld [tilespmem:s23+$0x9290]  }
0x13e: {  	v3 =	vmul.f32 v21, v3;
	v19 =	vld [tilespmem:s23+$0x92A0]  }
0x13f: {  	v20, _, _ =	vpop (xrf2);
	(xrf2) =	vadd.scan.msk.f32 $0xffff, v11;
	v16 =	vmul.f32 v16, v17;
	v17 =	vld [tilespmem:$0x1FC30]  }
0x140: {  	v3 =	vadd.f32 v3, v6;
	v9 =	vmul.f32 v9, v61;
	v11, _, _ =	vpop (xrf2);
	(xrf2) =	vadd.scan.msk.f32 $0xffff, v12  }
0x141: {  	v10 =	vmul.f32 v10, v34;
	v12, _, _ =	vpop (xrf2)  }
0x142: {  	v6 =	vadd.f32 $0.0e+00, v9;
	v9 =	vmul.f32 v25, v54;
	v21, _, _ =	vpop (xrf2)  }
0x143: {  	v25, _, _ =	vpop (xrf2);
	v10 =	vadd.f32 v10, v14  }
0x144: {  	v6 =	vadd.f32 v9, v6;
	v9 =	vmul.f32 v19, v42;
	(xrf2) =	vadd.scan.msk.f32 $0xffff, v3;
	v3, _, _ =	vpop (xrf2);
	v17 =	vmul.f32 v17, v38  }
0x145: {  	v41 =	vadd.f32 $0.0e+00, v53;
	v19, _, _ =	vpop (xrf2);
	v14 =	vadd.f32 $0.0e+00, v16  }
0x146: {  	v6 =	vadd.f32 v9, v6;
	v16 =	vbroadcast v30, $0xF;
	v30, _, _ =	vpop (xrf2)  }
0x147: {  	v4 =	vadd.f32 v4, v41;
	(xrf2) =	vadd.scan.msk.f32 $0xffff, v10;
	v10, _, _ =	vpop (xrf2);
	v14 =	vadd.f32 v15, v14  }
0x148: {  	v26 =	vbroadcast v26, $0xF;
	v23 =	vbroadcast v23, $0xF;
	v6 =	vadd.f32 v17, v6;
	v17, _, _ =	vpop (xrf2)  }
0x149: {  	v22 =	vbroadcast v22, $0xF;
	v18 =	vbroadcast v29, $0xF;
	v14 =	vadd.f32 v24, v14;
	v24, _, _ =	vpop (xrf2)  }
0x14a: {  	v4 =	vadd.f32 v13, v4;
	v9 =	vbroadcast v57, $0xF;
	v29 =	vbroadcast v55, $0xF;
	v13, _, _ =	vpop (xrf2)  }
0x14b: {  	v21 =	vbroadcast v21, $0xF;
	v13 =	vbroadcast v13, $0xF  }
0x14c: {  	v4 =	vadd.f32 v7, v4;
	(xrf2) =	vadd.scan.msk.f32 $0xffff, v6;
	v6 =	vbroadcast v10, $0xF;
	v10 =	vbroadcast v24, $0xF  }
0x14d: {  	v19 =	vbroadcast v19, $0xF;
	v1 =	vadd.f32 v1, v14;
	v14 =	vbroadcast v17, $0xF  }
0x14e: {  	v7 =	vbroadcast v30, $0xF;
	v6 =	vsel vm0, v6, v10;
	v10 =	vbroadcast v25, $0xF  }
0x14f: {  	v3 =	vbroadcast v3, $0xF;
	(xrf2) =	vadd.scan.msk.f32 $0xffff, v1;
	v1 =	vsel vm0, v14, v13;
	v6 =	vsel vm1, v6, v19;
	v13, _, _ =	vpop (xrf2)  }
0x150: {  	v1 =	vsel vm1, v1, v7;
	v6 =	vsel vm2, v6, v10;
	v7 =	vbroadcast v13, $0xF  }
0x151: {  	v11 =	vbroadcast v11, $0xF;
	v1 =	vsel vm2, v1, v3;
	v3 =	vsel vm3, v6, v21  }
0x152: {  	v6 =	vbroadcast v12, $0xF;
	v1 =	vsel vm3, v1, v7;
	v7 =	vbroadcast v20, $0xF  }
0x153: {  	v15 =	vbroadcast v27, $0xF;
	v27 =	vbroadcast v58, $0xF;
	v3 =	vsel vm4, v3, v11;
	v10, _, _ =	vpop (xrf2)  }
0x154: {  	(xrf2) =	vadd.scan.msk.f32 $0xffff, v4;
	v3 =	vsel vm5, v3, v22;
	v4 =	vbroadcast v10, $0xF;
	v1 =	vsel vm4, v1, v6  }
0x155: {  	v3 =	vsel vm6, v3, v15;
	v6 =	vbroadcast v31, $0xF;
	v1 =	vsel vm5, v1, v7  }
0x156: {  	v3 =	vsel vm7, v3, v27;
	v1 =	vsel vm6, v1, v4;
	v4 =	vbroadcast v28, $0xF;
	v7, _, _ =	vpop (xrf2)  }
0x157: {  	v3 =	vsel vm8, v3, v23;
	v1 =	vsel vm7, v1, v6;
	v6 =	vbroadcast v7, $0xF  }
0x158: {  	v3 =	vsel vm9, v3, v26;
	v1 =	vsel vm8, v1, v4;
	v4 =	vbroadcast v5, $0xF  }
0x159: {  	v2 =	vbroadcast v2, $0xF;
	v3 =	vsel vm10, v3, v9;
	v1 =	vsel vm9, v1, v6  }
0x15a: {  	v3 =	vsel vm11, v3, v29;
	v1 =	vsel vm10, v1, v4  }
0x15b: {  	v5, _, _ =	vpop (xrf2);
	v1 =	vsel vm11, v1, v2;
	v2 =	vsel vm12, v3, v16  }
0x15c: {  	v4 =	vbroadcast v5, $0xF;
	v2 =	vsel vm13, v2, v18  }
0x15d: {  	v0 =	vbroadcast v0, $0xF  }
0x15e: {  	v1 =	vsel vm12, v1, v4  }
0x15f: {  	v0 =	vsel vm13, v1, v0;
	v1 =	vsel vm14, v2, v8;
	v2, _, _ =	vpop (xrf2)  }
0x160: {  	[tilespmem:s22+$0x0] =	vst v1;
	v0 =	vsel vm14, v0, v2  }
0x161: {  	s31 =	simm.s32 $0x400;
	[tilespmem:s1+$0x0] =	vst v0  }
0x162: {  	v0 =	vld [tilespmem:s31+$0x93F0];
	_ =	sdelay $0x4  }
0x163: {  	[tilespmem:$0x1FEF0] =	vst v0;
	v0 =	vld [tilespmem:s31+$0x93E0];
	_ =	sdelay $0x4  }
0x164: {  	[tilespmem:$0x1FF50] =	vst v0;
	v0 =	vld [tilespmem:s31+$0x93D0];
	_ =	sdelay $0x4  }
0x165: {  	[tilespmem:$0x1FF90] =	vst v0;
	v0 =	vld [tilespmem:s31+$0x9370];
	_ =	sdelay $0x4  }
0x166: {  	[tilespmem:$0x1FFD0] =	vst v0;
	v0 =	vld [tilespmem:s31+$0x93C0];
	_ =	sdelay $0x4  }
0x167: {  	[tilespmem:$0x1FC40] =	vst v0;
	v0 =	vld [tilespmem:s31+$0x9360];
	_ =	sdelay $0x4  }
0x168: {  	[tilespmem:$0x1FC50] =	vst v0;
	v0 =	vld [tilespmem:s31+$0x92F0];
	_ =	sdelay $0x4  }
0x169: {  	[tilespmem:$0x1FD30] =	vst v0;
	v0 =	vld [tilespmem:s31+$0x9350];
	_ =	sdelay $0x4  }
0x16a: {  	[tilespmem:$0x1FC60] =	vst v0;
	v0 =	vld [tilespmem:s31+$0x92B0];
	_ =	sdelay $0x4  }
0x16b: {  	[tilespmem:$0x1FC70] =	vst v0;
	v0 =	vld [tilespmem:s31+$0x9340];
	_ =	sdelay $0x4  }
0x16c: {  	[tilespmem:$0x1FC80] =	vst v0;
	v0 =	vld [tilespmem:s31+$0x72B0];
	_ =	sdelay $0x4  }
0x16d: {  	[tilespmem:$0x1FD40] =	vst v0;
	v0 =	vld [tilespmem:s31+$0x9270];
	_ =	sdelay $0x4  }
0x16e: {  	[tilespmem:$0x1FD80] =	vst v0;
	v0 =	vld [tilespmem:s31+$0x7270];
	_ =	sdelay $0x4  }
0x16f: {  	[tilespmem:$0x1FD50] =	vst v0;
	v0 =	vld [tilespmem:s31+$0x9230];
	_ =	sdelay $0x4  }
0x170: {  	[tilespmem:$0x1FDB0] =	vst v0;
	v0 =	vld [tilespmem:s31+$0x9260];
	_ =	sdelay $0x4  }
0x171: {  	[tilespmem:$0x1FD60] =	vst v0;
	v0 =	vld [tilespmem:s31+$0x7230];
	_ =	sdelay $0x4  }
0x172: {  	[tilespmem:$0x1FD90] =	vst v0;
	v0 =	vld [tilespmem:s31+$0x9220];
	_ =	sdelay $0x4  }
0x173: {  	[tilespmem:$0x1FDA0] =	vst v0;
	v0 =	vld [tilespmem:s31+$0x9280];
	_ =	sdelay $0x4  }
0x174: {  	[tilespmem:$0x1FC90] =	vst v0;
	v0 =	vld [tilespmem:s31+$0x71F0];
	_ =	sdelay $0x4  }
0x175: {  	[tilespmem:$0x1FDF0] =	vst v0;
	v0 =	vld [tilespmem:s31+$0x7220];
	_ =	sdelay $0x4  }
0x176: {  	[tilespmem:$0x1FD70] =	vst v0;
	v0 =	vld [tilespmem:s31+$0x91B0];
	_ =	sdelay $0x4  }
0x177: {  	[tilespmem:$0x1FE50] =	vst v0;
	v0 =	vld [tilespmem:s31+$0x71B0];
	_ =	sdelay $0x4  }
0x178: {  	[tilespmem:$0x1FE40] =	vst v0;
	v0 =	vld [tilespmem:s31+$0x71E0];
	_ =	sdelay $0x4  }
0x179: {  	[tilespmem:$0x1FDC0] =	vst v0;
	v0 =	vld [tilespmem:s31+$0x9170];
	_ =	sdelay $0x4  }
0x17a: {  	[tilespmem:$0x1FEB0] =	vst v0;
	v0 =	vld [tilespmem:s31+$0x91A0];
	_ =	sdelay $0x4  }
0x17b: {  	[tilespmem:$0x1FE10] =	vst v0;
	v0 =	vld [tilespmem:s31+$0x7170];
	_ =	sdelay $0x4  }
0x17c: {  	[tilespmem:$0x1FE90] =	vst v0;
	v0 =	vld [tilespmem:s31+$0x71A0];
	_ =	sdelay $0x4  }
0x17d: {  	[tilespmem:$0x1FE00] =	vst v0;
	v0 =	vld [tilespmem:s31+$0x9160];
	_ =	sdelay $0x4  }
0x17e: {  	[tilespmem:$0x1FE80] =	vst v0;
	v0 =	vld [tilespmem:s31+$0x9190];
	_ =	sdelay $0x3  }
0x17f: {  	v27 =	vld [tilespmem:s31+$0x73F0]  }
0x180: {  	[tilespmem:$0x1FDE0] =	vst v0;
	v0 =	vld [tilespmem:s31+$0x91C0]  }
0x181: {  	v19 =	vld [tilespmem:s31+$0x73E0]  }
0x182: {  	v59 =	vld [tilespmem:s31+$0x93B0]  }
0x183: {  	v43 =	vld [tilespmem:s31+$0x73B0]  }
0x184: {  	v54 =	vld [tilespmem:s31+$0x73D0]  }
0x185: {  	[tilespmem:$0x1FCA0] =	vst v0;
	v0 =	vld [tilespmem:s31+$0x7130]  }
0x186: {  	v50 =	vld [tilespmem:s31+$0x93A0]  }
0x187: {  	v35 =	vld [tilespmem:s31+$0x7370]  }
0x188: {  	v17 =	vld [tilespmem:s31+$0x73A0]  }
0x189: {  	v10 =	vld [tilespmem:s31+$0x73C0]  }
0x18a: {  	[tilespmem:$0x1FEE0] =	vst v0;
	v0 =	vld [tilespmem:s31+$0x7160]  }
0x18b: {  	v49 =	vld [tilespmem:s31+$0x9330]  }
0x18c: {  	v16 =	vld [tilespmem:s31+$0x9390]  }
0x18d: {  	v15 =	vld [tilespmem:s31+$0x53F0]  }
0x18e: {  	v45 =	vld [tilespmem:s31+$0x7330]  }
0x18f: {  	[tilespmem:$0x1FE70] =	vst v0;
	v0 =	vld [tilespmem:s31+$0x7190]  }
0x190: {  	v61 =	vld [tilespmem:s31+$0x7360]  }
0x191: {  	v13 =	vld [tilespmem:s31+$0x7390]  }
0x192: {  	v42 =	vld [tilespmem:s31+$0x9320]  }
0x193: {  	v14 =	vld [tilespmem:s31+$0x9380]  }
0x194: {  	[tilespmem:$0x1FDD0] =	vst v0;
	v0 =	vld [tilespmem:s31+$0x90F0]  }
0x195: {  	v51 =	vld [tilespmem:s31+$0x72F0]  }
0x196: {  	v33 =	vld [tilespmem:s31+$0x7320]  }
0x197: {  	v22 =	vld [tilespmem:s31+$0x7350]  }
0x198: {  	v2 =	vld [tilespmem:s31+$0x70B0]  }
0x199: {  	[tilespmem:$0x1FF80] =	vst v0;
	v0 =	vld [tilespmem:s31+$0x9150]  }
0x19a: {  	v8 =	vld [tilespmem:s31+$0x7380]  }
0x19b: {  	v58 =	vld [tilespmem:s31+$0x92E0]  }
0x19c: {  	v29 =	vld [tilespmem:s31+$0x9310]  }
0x19d: {  	[tilespmem:$0x1FFC0] =	vst v2;
	v2 =	vld [tilespmem:s31+$0x70E0]  }
0x19e: {  	[tilespmem:$0x1FE60] =	vst v0;
	v0 =	vld [tilespmem:s31+$0x70F0]  }
0x19f: {  	v9 =	vld [tilespmem:s31+$0x53E0]  }
0x1a0: {  	v34 =	vld [tilespmem:s31+$0x72E0]  }
0x1a1: {  	v24 =	vld [tilespmem:s31+$0x7310]  }
0x1a2: {  	[tilespmem:$0x1FF10] =	vst v2;
	v2 =	vld [tilespmem:s31+$0x7110]  }
0x1a3: {  	[tilespmem:$0x1FF40] =	vst v0;
	v0 =	vld [tilespmem:s31+$0x7120]  }
0x1a4: {  	v11 =	vld [tilespmem:s31+$0x7340]  }
0x1a5: {  	v40 =	vld [tilespmem:s31+$0x92D0]  }
0x1a6: {  	v26 =	vld [tilespmem:s31+$0x9300]  }
0x1a7: {  	[tilespmem:$0x1FEA0] =	vst v2;
	v2 =	vld [tilespmem:s31+$0x9030]  }
0x1a8: {  	[tilespmem:$0x1FEC0] =	vst v0;
	v0 =	vld [tilespmem:s31+$0x7150]  }
0x1a9: {  	v52 =	vld [tilespmem:s31+$0x72A0]  }
0x1aa: {  	v32 =	vld [tilespmem:s31+$0x72D0]  }
0x1ab: {  	v20 =	vld [tilespmem:s31+$0x7300]  }
0x1ac: {  	[tilespmem:$0x1FCB0] =	vst v2;
	v2 =	vld [tilespmem:s31+$0x90A0]  }
0x1ad: {  	[tilespmem:$0x1FE20] =	vst v0;
	v0 =	vld [tilespmem:s31+$0x90B0]  }
0x1ae: {  	v31 =	vld [tilespmem:s31+$0x92C0]  }
0x1af: {  	v18 =	vld [tilespmem:s31+$0x53B0]  }
0x1b0: {  	v5 =	vld [tilespmem:s31+$0x53D0]  }
0x1b1: {  	[tilespmem:$0x1FFB0] =	vst v2;
	v2 =	vld [tilespmem:s31+$0x90D0]  }
0x1b2: {  	[tilespmem:$0x1FFE0] =	vst v0;
	v0 =	vld [tilespmem:s31+$0x90E0]  }
0x1b3: {  	v62 =	vld [tilespmem:s31+$0x7260]  }
0x1b4: {  	v23 =	vld [tilespmem:s31+$0x72C0]  }
0x1b5: {  	v48 =	vld [tilespmem:s31+$0x9250]  }
0x1b6: {  	[tilespmem:$0x1FF20] =	vst v2;
	v2 =	vld [tilespmem:s31+$0x9100]  }
0x1b7: {  	[tilespmem:$0x1FF30] =	vst v0;
	v0 =	vld [tilespmem:s31+$0x9140]  }
0x1b8: {  	v7 =	vld [tilespmem:s31+$0x53A0]  }
0x1b9: {  	v1 =	vld [tilespmem:s31+$0x53C0]  }
0x1ba: {  	[tilespmem:$0x1FFA0] =	vst v5;
	v54 =	vmul.f32 v54, v5;
	v5 =	vld [tilespmem:s31+$0x70A0]  }
0x1bb: {  	[tilespmem:$0x1FCC0] =	vst v2;
	v2 =	vld [tilespmem:s31+$0x7030]  }
0x1bc: {  	[tilespmem:$0x1FE30] =	vst v0;
	v0 =	vld [tilespmem:s31+$0x5380]  }
0x1bd: {  	v3 =	vld [tilespmem:s31+$0x5390]  }
0x1be: {  	v39 =	vld [tilespmem:s31+$0x5340]  }
0x1bf: {  	[tilespmem:$0x1FCE0] =	vst v1;
	v10 =	vmul.f32 v10, v1;
	v1 =	vld [tilespmem:s31+$0x5300]  }
0x1c0: {  	[tilespmem:$0x1FF70] =	vst v5;
	v5 =	vld [tilespmem:s31+$0x70D0]  }
0x1c1: {  	v10 =	vadd.f32 $0.0e+00, v10;
	[tilespmem:$0x1FCD0] =	vst v2;
	v2 =	vld [tilespmem:s31+$0x7070];
	v8 =	vmul.f32 v8, v0  }
0x1c2: {  	v38 =	vld [tilespmem:s31+$0x9240];
	v13 =	vmul.f32 v13, v3;
	v0 =	vmul.f32 v14, v0  }
0x1c3: {  	v63 =	vld [tilespmem:s31+$0x5350];
	v19 =	vmul.f32 v19, v9;
	v54 =	vadd.f32 v54, v10;
	v8 =	vadd.f32 $0.0e+00, v8  }
0x1c4: {  	v4 =	vld [tilespmem:s31+$0x5360];
	v3 =	vmul.f32 v16, v3;
	v11 =	vmul.f32 v11, v39;
	v0 =	vadd.f32 $0.0e+00, v0  }
0x1c5: {  	v19 =	vadd.f32 v19, v54;
	v54 =	vld [tilespmem:s31+$0x52D0];
	[tilespmem:$0x1FED0] =	vst v5;
	v14 =	vmul.f32 v17, v7;
	v13 =	vadd.f32 v13, v8  }
0x1c6: {  	v5 =	vmul.f32 v50, v7;
	[tilespmem:$0x1FCF0] =	vst v2;
	v2 =	vld [tilespmem:s31+$0x5310];
	v0 =	vadd.f32 v3, v0;
	v3 =	vmul.f32 v20, v1  }
0x1c7: {  	v16 =	vld [tilespmem:s31+$0x52C0];
	v1 =	vmul.f32 v26, v1;
	v13 =	vadd.f32 v14, v13;
	v14 =	vmul.f32 v27, v15  }
0x1c8: {  	v6 =	vld [tilespmem:s31+$0x5320];
	[tilespmem:$0x1FF00] =	vst v15;
	v11 =	vadd.f32 $0.0e+00, v11;
	v27 =	vmul.f32 v43, v18;
	v15 =	vmul.f32 v22, v63  }
0x1c9: {  	v12 =	vld [tilespmem:s31+$0x5370];
	v3 =	vadd.f32 $0.0e+00, v3;
	v0 =	vadd.f32 v5, v0;
	v5 =	vmul.f32 v59, v18  }
0x1ca: {  	v21 =	vld [tilespmem:s31+$0x5330];
	v1 =	vadd.f32 $0.0e+00, v1;
	v18 =	vmul.f32 v32, v54;
	v14 =	vadd.f32 v14, v19  }
0x1cb: {  	v28 =	vld [tilespmem:s31+$0x7240];
	v11 =	vadd.f32 v15, v11;
	v19 =	vmul.f32 v24, v2;
	v2 =	vmul.f32 v29, v2  }
0x1cc: {  	v25 =	vld [tilespmem:s31+$0x52F0];
	v15 =	vmul.f32 v61, v4;
	v5 =	vadd.f32 v5, v0;
	v0 =	vmul.f32 v23, v16  }
0x1cd: {  	v17 =	vld [tilespmem:s31+$0x9020];
	v8 =	vadd.f32 v27, v13;
	v1 =	vadd.f32 v2, v1;
	v2 =	vmul.f32 v42, v6  }
0x1ce: {  	v13 =	vld [tilespmem:s31+$0x52E0];
	v7 =	vadd.f32 v15, v11;
	v11 =	vmul.f32 v35, v12;
	v0 =	vadd.f32 $0.0e+00, v0  }
0x1cf: {  	[tilespmem:$0x1FFF0] =	vst v4;
	v16 =	vmul.f32 v31, v16;
	v4 =	vld [tilespmem:$0x1FD30];
	v1 =	vadd.f32 v2, v1;
	v2 =	vmul.f32 v49, v21  }
0x1d0: {  	v7 =	vadd.f32 v11, v7;
	v11 =	vld [tilespmem:s31+$0x5240];
	v0 =	vadd.f32 v18, v0  }
0x1d1: {  	v37 =	vld [tilespmem:s31+$0x7250];
	v18 =	vmul.f32 v40, v54;
	v1 =	vadd.f32 v2, v1;
	v2 =	vadd.f32 $0.0e+00, v16  }
0x1d2: {  	v20 =	vld [tilespmem:s31+$0x5250];
	v3 =	vadd.f32 v19, v3;
	v15 =	vmul.f32 v33, v6  }
0x1d3: {  	[tilespmem:$0x1FD10] =	vst v17;
	v17 =	vld [tilespmem:s31+$0x52B0];
	v6 =	vmul.f32 v34, v13;
	v13 =	vmul.f32 v58, v13;
	v2 =	vadd.f32 v18, v2  }
0x1d4: {  	[tilespmem:$0x1FF60] =	vst v9;
	v3 =	vadd.f32 v15, v3;
	v15 =	vmul.f32 v45, v21;
	v9 =	vmul.f32 v4, v25;
	v4 =	vld [tilespmem:$0x1FD40]  }
0x1d5: {  	v30 =	vld [tilespmem:s31+$0x7280];
	v18 =	vmul.f32 v28, v11;
	v11 =	vmul.f32 v38, v11;
	v2 =	vadd.f32 v13, v2  }
0x1d6: {  	v61 =	vld [tilespmem:s31+$0x5280];
	v3 =	vadd.f32 v15, v3  }
0x1d7: {  	v15 =	vld [tilespmem:s31+$0x5260];
	v11 =	vadd.f32 $0.0e+00, v11;
	v2 =	vadd.f32 v9, v2;
	v9 =	vmul.f32 v48, v20  }
0x1d8: {  	v16 =	vld [tilespmem:s31+$0x5270]  }
0x1d9: {  	v9 =	vadd.f32 v9, v11;
	v11 =	vmul.f32 v4, v17;
	v4 =	vld [tilespmem:$0x1FD50]  }
0x1da: {  	v41 =	vld [tilespmem:s31+$0x7290];
	v13 =	vadd.f32 $0.0e+00, v18;
	v18 =	vmul.f32 v37, v20  }
0x1db: {  	[tilespmem:$0x1FD20] =	vst v63;
	v63 =	vld [tilespmem:s31+$0x5290]  }
0x1dc: {  	v36 =	vld [tilespmem:s31+$0x7200];
	v21 =	vmul.f32 v51, v25;
	v25 =	vmul.f32 v62, v15;
	v13 =	vadd.f32 v18, v13  }
0x1dd: {  	[tilespmem:$0x1FD00] =	vst v39;
	v39 =	vld [tilespmem:s31+$0x52A0];
	v0 =	vadd.f32 v6, v0  }
0x1de: {  	v6 =	vmul.f32 v30, v61;
	v13 =	vadd.f32 v25, v13;
	v25 =	vmul.f32 v4, v16;
	v4 =	vld [tilespmem:$0x1FD60]  }
0x1df: {  	v23 =	vld [tilespmem:s31+$0x5200]  }
0x1e0: {  	v47 =	vld [tilespmem:s31+$0x7210];
	v22 =	vmul.f32 v41, v63;
	v6 =	vadd.f32 $0.0e+00, v6  }
0x1e1: {  	v24 =	vld [tilespmem:s31+$0x5210]  }
0x1e2: {  	v6 =	vadd.f32 v22, v6;
	v22 =	vld [tilespmem:s31+$0x5220];
	v18 =	vmul.f32 v52, v39  }
0x1e3: {  	v15 =	vmul.f32 v4, v15;
	v4 =	vld [tilespmem:$0x1FD70]  }
0x1e4: {  	v6 =	vadd.f32 v18, v6;
	v18 =	vmul.f32 v36, v23;
	_ =	sdelay $0x1  }
0x1e5: {  	v29 =	vmul.f32 v47, v24;
	v18 =	vadd.f32 $0.0e+00, v18;
	_ =	sdelay $0x1  }
0x1e6: {  	v9 =	vadd.f32 v15, v9;
	v15 =	vadd.f32 v29, v18;
	v18 =	vmul.f32 v4, v22;
	v4 =	vld [tilespmem:$0x1FD80];
	_ =	sdelay $0x3  }
0x1e7: {  	v26 =	vld [tilespmem:s31+$0x5230]  }
0x1e8: {  	v16 =	vmul.f32 v4, v16;
	v4 =	vld [tilespmem:$0x1FD90];
	_ =	sdelay $0x3  }
0x1e9: {  	v46 =	vld [tilespmem:s31+$0x9200]  }
0x1ea: {  	v6 =	vadd.f32 v11, v6;
	v11 =	vadd.f32 v25, v13;
	v25 =	vmul.f32 v4, v26;
	v4 =	vld [tilespmem:$0x1FDA0]  }
0x1eb: {  	v53 =	vld [tilespmem:s31+$0x9210];
	_ =	sdelay $0x2  }
0x1ec: {  	v44 =	vld [tilespmem:s31+$0x71C0];
	v13 =	vmul.f32 v46, v23  }
0x1ed: {  	v9 =	vadd.f32 v16, v9;
	v16 =	vmul.f32 v4, v22;
	v4 =	vld [tilespmem:$0x1FDB0]  }
0x1ee: {  	v24 =	vmul.f32 v53, v24;
	v30 =	vld [tilespmem:s31+$0x51C0];
	v13 =	vadd.f32 $0.0e+00, v13  }
0x1ef: {  	v55 =	vld [tilespmem:s31+$0x71D0]  }
0x1f0: {  	v27 =	vld [tilespmem:s31+$0x51D0];
	v13 =	vadd.f32 v24, v13  }
0x1f1: {  	v28 =	vld [tilespmem:s31+$0x51E0]  }
0x1f2: {  	v13 =	vadd.f32 v16, v13;
	v16 =	vmul.f32 v4, v26;
	v4 =	vld [tilespmem:$0x1FDC0]  }
0x1f3: {  	v15 =	vadd.f32 v18, v15;
	v18 =	vmul.f32 v44, v30;
	_ =	sdelay $0x1  }
0x1f4: {  	v24 =	vmul.f32 v55, v27;
	v18 =	vadd.f32 $0.0e+00, v18  }
0x1f5: {  	v23 =	vld [tilespmem:s31+$0x5190]  }
0x1f6: {  	(xrf2) =	vadd.scan.msk.f32 $0xffff, v14;
	v14 =	vadd.f32 v24, v18;
	v24 =	vmul.f32 v4, v28;
	v4 =	vld [tilespmem:$0x1FDD0];
	_ =	sdelay $0x3  }
0x1f7: {  	v60 =	vld [tilespmem:s31+$0x7180]  }
0x1f8: {  	v19 =	vmov v12;
	v12 =	vadd.f32 v16, v13;
	v16 =	vmul.f32 v4, v23;
	v4 =	vld [tilespmem:$0x1FDE0]  }
0x1f9: {  	v31 =	vld [tilespmem:s31+$0x5180];
	_ =	sdelay $0x2  }
0x1fa: {  	(xrf2) =	vadd.scan.msk.f32 $0xffff, v8;
	v29 =	vld [tilespmem:s31+$0x51F0]  }
0x1fb: {  	(xrf2) =	vadd.scan.msk.f32 $0xffff, v5;
	v5 =	vadd.f32 v24, v14;
	v14 =	vmul.f32 v4, v23;
	v4 =	vld [tilespmem:$0x1FDF0]  }
0x1fc: {  	v57 =	vld [tilespmem:s31+$0x9180];
	v26 =	vmul.f32 v60, v31;
	_ =	sdelay $0x1  }
0x1fd: {  	v13 =	vadd.f32 $0.0e+00, v26  }
0x1fe: {  	v59 =	vld [tilespmem:s31+$0x51A0]  }
0x1ff: {  	(xrf2) =	vadd.scan.msk.f32 $0xffff, v7;
	v7 =	vadd.f32 v16, v13;
	v13 =	vmul.f32 v4, v29;
	v4 =	vld [tilespmem:$0x1FE00]  }
0x200: {  	v18 =	vmul.f32 v57, v31;
	_ =	sdelay $0x1  }
0x201: {  	v18 =	vadd.f32 $0.0e+00, v18;
	_ =	sdelay $0x1  }
0x202: {  	(xrf2) =	vadd.scan.msk.f32 $0xffff, v3;
	v3 =	vadd.f32 v14, v18;
	v14 =	vmul.f32 v4, v59;
	v4 =	vld [tilespmem:$0x1FE10];
	_ =	sdelay $0x3  }
0x203: {  	v31 =	vld [tilespmem:s31+$0x5150]  }
0x204: {  	v18 =	vmul.f32 v4, v59;
	v4 =	vld [tilespmem:$0x1FE20];
	_ =	sdelay $0x3  }
0x205: {  	v15 =	vadd.f32 v25, v15;
	v25 =	vld [tilespmem:s31+$0x5140]  }
0x206: {  	(xrf2) =	vadd.scan.msk.f32 $0xffff, v1;
	v1 =	vadd.f32 v13, v5;
	v13 =	vmul.f32 v4, v31;
	v4 =	vld [tilespmem:$0x1FE30];
	_ =	sdelay $0x3  }
0x207: {  	v22 =	vld [tilespmem:s31+$0x51B0]  }
0x208: {  	v7 =	vadd.f32 v14, v7;
	v14 =	vmul.f32 v4, v25;
	v4 =	vld [tilespmem:$0x1FE50];
	_ =	sdelay $0x4  }
0x209: {  	v3 =	vadd.f32 v18, v3;
	v18 =	vmul.f32 v4, v22;
	v4 =	vld [tilespmem:$0x1FE60]  }
0x20a: {  	v21 =	vadd.f32 v21, v0;
	_ =	sdelay $0x1  }
0x20b: {  	(xrf2) =	vadd.scan.msk.f32 $0xffff, v21  }
0x20c: {  	(xrf2) =	vadd.scan.msk.f32 $0xffff, v2;
	v23 =	vld [tilespmem:s31+$0x5160]  }
0x20d: {  	(xrf2) =	vadd.scan.msk.f32 $0xffff, v6;
	v6 =	vmul.f32 v4, v31;
	v4 =	vld [tilespmem:$0x1FE70];
	_ =	sdelay $0x4  }
0x20e: {  	v21 =	vmul.f32 v4, v23;
	v4 =	vld [tilespmem:$0x1FE80];
	_ =	sdelay $0x3  }
0x20f: {  	v24 =	vld [tilespmem:s31+$0x5170]  }
0x210: {  	v8 =	vmul.f32 v4, v23;
	v4 =	vld [tilespmem:$0x1FE90];
	_ =	sdelay $0x3  }
0x211: {  	v53 =	vld [tilespmem:s31+$0x5110];
	(xrf2) =	vadd.scan.msk.f32 $0xffff, v11  }
0x212: {  	(xrf2) =	vadd.scan.msk.f32 $0xffff, v9;
	v9 =	vmul.f32 v4, v24;
	v4 =	vld [tilespmem:$0x1FEA0];
	_ =	sdelay $0x1  }
0x213: {  	v56 =	vld [tilespmem:s31+$0x7140]  }
0x214: {  	v10 =	vld [tilespmem:s31+$0x7100];
	v14 =	vadd.f32 $0.0e+00, v14  }
0x215: {  	v2 =	vld [tilespmem:$0x1FE40]  }
0x216: {  	v6 =	vadd.f32 v6, v14;
	v14 =	vmul.f32 v4, v53;
	v4 =	vld [tilespmem:$0x1FEB0]  }
0x217: {  	v52 =	vld [tilespmem:s31+$0x5100]  }
0x218: {  	v16 =	vmul.f32 v56, v25;
	_ =	sdelay $0x1  }
0x219: {  	v2 =	vmul.f32 v2, v22;
	v56 =	vld [tilespmem:s31+$0x5120];
	v5 =	vadd.f32 $0.0e+00, v16  }
0x21a: {  	v6 =	vadd.f32 v8, v6;
	v8 =	vmul.f32 v4, v24;
	v4 =	vld [tilespmem:$0x1FEC0]  }
0x21b: {  	v2 =	vadd.f32 v2, v7;
	v7 =	vmul.f32 v10, v52;
	v5 =	vadd.f32 v13, v5  }
0x21c: {  	v20 =	vld [tilespmem:s31+$0x70C0]  }
0x21d: {  	v32, _, _ =	vpop (xrf2);
	v11 =	vld [tilespmem:s31+$0x50D0];
	(xrf2) =	vadd.scan.msk.f32 $0xffff, v15;
	v7 =	vadd.f32 $0.0e+00, v7;
	v5 =	vadd.f32 v21, v5  }
0x21e: {  	v59, _, _ =	vpop (xrf2);
	(xrf2) =	vadd.scan.msk.f32 $0xffff, v12;
	v13 =	vld [tilespmem:s31+$0x50C0]  }
0x21f: {  	v58, _, _ =	vpop (xrf2);
	(xrf2) =	vadd.scan.msk.f32 $0xffff, v1;
	v1 =	vadd.f32 v9, v5;
	v5 =	vadd.f32 v14, v7;
	v7 =	vmul.f32 v4, v56;
	v4 =	vld [tilespmem:$0x1FED0];
	_ =	sdelay $0x3  }
0x220: {  	v54 =	vld [tilespmem:s31+$0x5130]  }
0x221: {  	v12 =	vmul.f32 v20, v13;
	v9 =	vmul.f32 v4, v11;
	v4 =	vld [tilespmem:$0x1FEE0]  }
0x222: {  	v3 =	vadd.f32 v18, v3  }
0x223: {  	v31, _, _ =	vpop (xrf2);
	(xrf2) =	vadd.scan.msk.f32 $0xffff, v2;
	v2 =	vadd.f32 v8, v6;
	v6 =	vadd.f32 $0.0e+00, v12  }
0x224: {  	v36, _, _ =	vpop (xrf2);
	(xrf2) =	vadd.scan.msk.f32 $0xffff, v3  }
0x225: {  	v8, _, _ =	vpop (xrf2);
	(xrf2) =	vadd.scan.msk.f32 $0xffff, v1;
	v1 =	vadd.f32 v9, v6;
	v6 =	vld [tilespmem:$0x1FF00]  }
0x226: {  	v5 =	vadd.f32 v7, v5;
	v7 =	vmul.f32 v4, v54;
	v4 =	vld [tilespmem:$0x1FEF0];
	_ =	sdelay $0x3  }
0x227: {  	v15 =	vld [tilespmem:s31+$0x50E0]  }
0x228: {  	v33 =	vmul.f32 v4, v6;
	v4 =	vld [tilespmem:$0x1FF10];
	_ =	sdelay $0x3  }
0x229: {  	v50 =	vld [tilespmem:s31+$0x90C0]  }
0x22a: {  	v9 =	vmul.f32 v4, v15;
	v4 =	vld [tilespmem:$0x1FF30]  }
0x22b: {  	v43 =	vld [tilespmem:s31+$0x9090]  }
0x22c: {  	v35 =	vld [tilespmem:s31+$0x7020]  }
0x22d: {  	v40 =	vld [tilespmem:s31+$0x7060]  }
0x22e: {  	v14 =	vld [tilespmem:s31+$0x50F0]  }
0x22f: {  	v20 =	vadd.f32 v7, v5;
	v7 =	vmul.f32 v4, v15;
	v4 =	vld [tilespmem:$0x1FF40]  }
0x230: {  	v16 =	vld [tilespmem:s31+$0x7080]  }
0x231: {  	v18 =	vld [tilespmem:s31+$0x5080]  }
0x232: {  	v41, _, _ =	vpop (xrf2);
	(xrf2) =	vadd.scan.msk.f32 $0xffff, v2;
	v2 =	vld [tilespmem:$0x1FF20]  }
0x233: {  	v0 =	vld [tilespmem:s31+$0x7090]  }
0x234: {  	v10 =	vld [tilespmem:s31+$0x5090];
	v1 =	vadd.f32 v9, v1;
	v9 =	vmul.f32 v4, v14  }
0x235: {  	v3 =	vmul.f32 v50, v13;
	v13 =	vld [tilespmem:s31+$0x50A0]  }
0x236: {  	v22 =	vadd.f32 v9, v1;
	v1 =	vld [tilespmem:$0x1FF70]  }
0x237: {  	v60 =	vld [tilespmem:s31+$0x9010];
	v3 =	vadd.f32 $0.0e+00, v3;
	v2 =	vmul.f32 v2, v11;
	v5 =	vmul.f32 v16, v18  }
0x238: {  	v26 =	vld [tilespmem:s31+$0x9080]  }
0x239: {  	v0 =	vmul.f32 v0, v10;
	v2 =	vadd.f32 v2, v3;
	v3 =	vld [tilespmem:$0x1FF50];
	v5 =	vadd.f32 $0.0e+00, v5  }
0x23a: {  	v4 =	vld [tilespmem:$0x1FF60]  }
0x23b: {  	v21 =	vld [tilespmem:s31+$0x50B0];
	v0 =	vadd.f32 v0, v5;
	v1 =	vmul.f32 v1, v13  }
0x23c: {  	v12 =	vld [tilespmem:s31+$0x7010]  }
0x23d: {  	v0 =	vadd.f32 v1, v0;
	v1 =	vld [tilespmem:$0x1FFB0]  }
0x23e: {  	v11 =	vld [tilespmem:s31+$0x5020]  }
0x23f: {  	v16 =	vld [tilespmem:s31+$0x7000];
	v37 =	vmul.f32 v3, v4;
	v3 =	vmul.f32 v26, v18  }
0x240: {  	v15 =	vld [tilespmem:s31+$0x5000]  }
0x241: {  	v5 =	vmul.f32 v43, v10;
	v10 =	vadd.f32 $0.0e+00, v3;
	v3 =	vld [tilespmem:$0x1FF80]  }
0x242: {  	v13 =	vmul.f32 v1, v13;
	v1 =	vld [tilespmem:$0x1FFC0]  }
0x243: {  	v2 =	vadd.f32 v7, v2;
	v7 =	vld [tilespmem:s31+$0x7040]  }
0x244: {  	v6, _, _ =	vpop (xrf2);
	v9 =	vld [tilespmem:s31+$0x5010]  }
0x245: {  	v44, _, _ =	vpop (xrf2);
	v18 =	vld [tilespmem:s31+$0x9000]  }
0x246: {  	v45, _, _ =	vpop (xrf2);
	v4 =	vld [tilespmem:$0x1FFA0]  }
0x247: {  	v38, _, _ =	vpop (xrf2);
	v14 =	vmul.f32 v3, v14;
	v3 =	vld [tilespmem:$0x1FF90];
	v24 =	vmul.f32 v1, v21  }
0x248: {  	v48, _, _ =	vpop (xrf2);
	v1 =	vld [tilespmem:$0x1FFD0]  }
0x249: {  	(xrf2) =	vadd.scan.msk.f32 $0xffff, v20;
	v43, _, _ =	vpop (xrf2);
	v20 =	vadd.f32 v14, v2;
	v14 =	vadd.f32 v24, v0;
	v0 =	vld [tilespmem:$0x1FFE0]  }
0x24a: {  	v50, _, _ =	vpop (xrf2);
	v23 =	vadd.f32 v5, v10;
	v5 =	vld [tilespmem:s31+$0x5030]  }
0x24b: {  	v57, _, _ =	vpop (xrf2);
	v25 =	vmul.f32 v16, v15;
	v10 =	vld [tilespmem:s31+$0x5040]  }
0x24c: {  	(xrf2) =	vadd.scan.msk.f32 $0xffff, v22;
	v26, _, _ =	vpop (xrf2);
	v16 =	vmul.f32 v18, v15;
	v15 =	vadd.f32 v13, v23;
	v13 =	vld [tilespmem:s31+$0x7050]  }
0x24d: {  	s28 =	smov.u32 s22;
	v2, _, _ =	vpop (xrf2);
	(xrf2) =	vadd.scan.msk.f32 $0xffff, v20;
	v20 =	vadd.f32 $0.0e+00, v25;
	v25 =	vld [tilespmem:$0x1FFF0];
	v3 =	vmul.f32 v3, v4;
	v1 =	vmul.f32 v1, v19  }
0x24e: {  	s29 =	smov.u32 s1;
	s0 =	sshll.u32 s30, $0x1;
	s23 =	simm.s32 $0x2000;
	v34 =	vmov v17;
	v18 =	vmul.f32 v0, v21;
	v21 =	vmul.f32 v12, v9;
	v0, _, _ =	vpop (xrf2);
	v12 =	vld [tilespmem:s31+$0x5050]  }
.LBB2_3:
0x24f: {  	v4 =	vld [tilespmem:$0x1FC40]  }
0x250: {  	v17 =	vld [tilespmem:$0x1FCE0];
	_ =	sdelay $0x4  }
0x251: {  	v23 =	vmul.f32 v4, v17;
	v4 =	vld [tilespmem:$0x1FCD0];
	_ =	sdelay $0x4  }
0x252: {  	v17 =	vmul.f32 v4, v5;
	v4 =	vld [tilespmem:$0x1FD10];
	_ =	sdelay $0x4  }
0x253: {  	v20 =	vadd.f32 v21, v20;
	v21 =	vmul.f32 v35, v11;
	v11 =	vmul.f32 v4, v11;
	v4 =	vld [tilespmem:$0x1FCB0];
	_ =	sdelay $0x1  }
0x254: {  	(xrf2) =	vadd.scan.msk.f32 $0xffff, v14;
	v14 =	vadd.f32 $0.0e+00, v16;
	v9 =	vmul.f32 v60, v9  }
0x255: {  	v16 =	vld [tilespmem:s31+$0x5060]  }
0x256: {  	v7 =	vmul.f32 v7, v10;
	v9 =	vadd.f32 v9, v14;
	v14 =	vld [tilespmem:s31+$0x5070]  }
0x257: {  	v5 =	vmul.f32 v4, v5;
	v4 =	vld [tilespmem:$0x1FCF0]  }
0x258: {  	v13 =	vmul.f32 v13, v12;
	v7 =	vadd.f32 $0.0e+00, v7;
	_ =	sdelay $0x1  }
0x259: {  	v7 =	vadd.f32 v13, v7;
	v13 =	vmul.f32 v40, v16;
	_ =	sdelay $0x1  }
0x25a: {  	v7 =	vadd.f32 v13, v7;
	v13 =	vmul.f32 v4, v14;
	v4 =	vld [tilespmem:$0x1FCC0]  }
0x25b: {  	v22 =	vld [tilespmem:s31+$0x9040];
	v20 =	vadd.f32 v21, v20  }
0x25c: {  	v15 =	vadd.f32 v18, v15  }
0x25d: {  	v24 =	vld [tilespmem:s31+$0x9050];
	v17 =	vadd.f32 v17, v20  }
0x25e: {  	v18, _, _ =	vpop (xrf2);
	(xrf2) =	vadd.scan.msk.f32 $0xffff, v15;
	v20 =	vld [tilespmem:s31+$0x9060]  }
0x25f: {  	v21, _, _ =	vpop (xrf2);
	(xrf2) =	vadd.scan.msk.f32 $0xffff, v17;
	v17 =	vmul.f32 v4, v52;
	v4 =	vld [tilespmem:$0x1FC50]  }
0x260: {  	v10 =	vmul.f32 v22, v10;
	v9 =	vadd.f32 v11, v9;
	_ =	sdelay $0x1  }
0x261: {  	v5 =	vadd.f32 v5, v9;
	v9 =	vadd.f32 $0.0e+00, v10;
	v10 =	vmul.f32 v24, v12  }
0x262: {  	v22 =	vld [tilespmem:s31+$0x9070]  }
0x263: {  	v9 =	vadd.f32 v10, v9;
	v10 =	vmul.f32 v20, v16;
	v20 =	vmul.f32 v4, v25;
	v4 =	vld [tilespmem:$0x1FCA0];
	_ =	sdelay $0x2  }
0x264: {  	v11 =	vld [tilespmem:s31+$0x9110]  }
0x265: {  	v15, _, _ =	vpop (xrf2);
	(xrf2) =	vadd.scan.msk.f32 $0xffff, v5;
	v5 =	vadd.f32 v13, v7;
	v7 =	vadd.f32 $0.0e+00, v17;
	v17 =	vld [tilespmem:$0x1FD20]  }
0x266: {  	v9 =	vadd.f32 v10, v9;
	v10 =	vmul.f32 v22, v14;
	v14 =	vmul.f32 v4, v30;
	v4 =	vld [tilespmem:$0x1FC60]  }
0x267: {  	v12 =	vld [tilespmem:s31+$0x9120]  }
0x268: {  	v19 =	vadd.f32 $0.0e+00, v23;
	v23 =	vld [tilespmem:s31+$0x91D0]  }
0x269: {  	v16 =	vld [tilespmem:s31+$0x9130]  }
0x26a: {  	v11 =	vmul.f32 v11, v53;
	v13 =	vld [tilespmem:s31+$0x91E0]  }
0x26b: {  	v24 =	vmul.f32 v4, v17;
	v4 =	vld [tilespmem:$0x1FC90]  }
0x26c: {  	v3 =	vadd.f32 v3, v19;
	v7 =	vadd.f32 v11, v7;
	v11 =	vmul.f32 v12, v56;
	v12 =	vld [tilespmem:s31+$0x91F0]  }
0x26d: {  	v19, _, _ =	vpop (xrf2);
	(xrf2) =	vadd.scan.msk.f32 $0xffff, v5;
	v5 =	vadd.f32 v10, v9;
	v10 =	vmul.f32 v23, v27;
	v9 =	vadd.f32 $0.0e+00, v14  }
0x26e: {  	v22 =	vld [tilespmem:s31+$0x9290]  }
0x26f: {  	v9 =	vadd.f32 v10, v9;
	v10 =	vmul.f32 v13, v28  }
0x270: {  	v7 =	vadd.f32 v11, v7;
	v11 =	vmul.f32 v16, v54;
	v4 =	vmul.f32 v4, v61  }
0x271: {  	v9 =	vadd.f32 v10, v9;
	v10 =	vmul.f32 v12, v29;
	v12 =	vld [tilespmem:$0x1FD00]  }
0x272: {  	v23, _, _ =	vpop (xrf2);
	(xrf2) =	vadd.scan.msk.f32 $0xffff, v5;
	v5 =	vadd.f32 v11, v7;
	v7 =	vadd.f32 $0.0e+00, v4;
	v4 =	vld [tilespmem:$0x1FC80]  }
0x273: {  	v11 =	vmul.f32 v22, v63;
	v14 =	vld [tilespmem:s31+$0x92A0];
	_ =	sdelay $0x1  }
0x274: {  	v7 =	vadd.f32 v11, v7;
	v11 =	vld [tilespmem:$0x1FC70];
	_ =	sdelay $0x1  }
0x275: {  	v2 =	vbroadcast v2, $0xF;
	v17 =	vmul.f32 v4, v12  }
0x276: {  	v0 =	vbroadcast v0, $0xF;
	v16, _, _ =	vpop (xrf2);
	(xrf2) =	vadd.scan.msk.f32 $0xffff, v5;
	v4 =	vmul.f32 v14, v39  }
0x277: {  	v18 =	vbroadcast v18, $0xF;
	v5 =	vadd.f32 v10, v9;
	v9 =	vadd.f32 $0.0e+00, v17  }
0x278: {  	v15 =	vbroadcast v15, $0xF;
	v11 =	vmul.f32 v11, v34;
	v4 =	vadd.f32 v4, v7  }
0x279: {  	v19 =	vbroadcast v19, $0xF;
	v25 =	vbroadcast v57, $0xF;
	v12, _, _ =	vpop (xrf2);
	(xrf2) =	vadd.scan.msk.f32 $0xffff, v5;
	v9 =	vadd.f32 v24, v9  }
0x27a: {  	v22 =	vbroadcast v44, $0xF;
	v13 =	vbroadcast v59, $0xF;
	v4 =	vadd.f32 v11, v4  }
0x27b: {  	v10 =	vbroadcast v31, $0xF;
	v14 =	vbroadcast v36, $0xF;
	v20 =	vadd.f32 v20, v9  }
0x27c: {  	v3 =	vadd.f32 v37, v3;
	v5 =	vbroadcast v50, $0xF;
	v7 =	vbroadcast v41, $0xF;
	v11, _, _ =	vpop (xrf2);
	(xrf2) =	vadd.scan.msk.f32 $0xffff, v4  }
0x27d: {  	v4 =	vbroadcast v16, $0xF;
	v11 =	vbroadcast v11, $0xF;
	v1 =	vadd.f32 v1, v20;
	v9, _, _ =	vpop (xrf2)  }
0x27e: {  	v3 =	vadd.f32 v33, v3;
	v20 =	vbroadcast v12, $0xF;
	v9 =	vbroadcast v9, $0xF  }
0x27f: {  	v16 =	vbroadcast v21, $0xF;
	v4 =	vsel vm0, v4, v11;
	v11 =	vbroadcast v23, $0xF;
	(xrf2) =	vadd.scan.msk.f32 $0xffff, v1  }
0x280: {  	v17 =	vbroadcast v45, $0xF;
	v12, _, _ =	vpop (xrf2);
	v4 =	vsel vm1, v4, v19;
	v1 =	vsel vm0, v20, v9  }
0x281: {  	v4 =	vsel vm2, v4, v16;
	v1 =	vsel vm1, v1, v11;
	v11 =	vbroadcast v12, $0xF  }
0x282: {  	v24 =	vbroadcast v48, $0xF;
	v4 =	vsel vm3, v4, v18;
	v1 =	vsel vm2, v1, v15  }
0x283: {  	v2 =	vsel vm4, v4, v2;
	v9, _, _ =	vpop (xrf2);
	(xrf2) =	vadd.scan.msk.f32 $0xffff, v3;
	v1 =	vsel vm3, v1, v11;
	v11 =	vbroadcast v26, $0xF  }
0x284: {  	v0 =	vsel vm4, v1, v0;
	v1 =	vsel vm5, v2, v25;
	v2 =	vbroadcast v9, $0xF  }
0x285: {  	v3 =	vbroadcast v43, $0xF;
	v0 =	vsel vm5, v0, v11;
	v1 =	vsel vm6, v1, v5  }
0x286: {  	v4, _, _ =	vpop (xrf2);
	v0 =	vsel vm6, v0, v2;
	v1 =	vsel vm7, v1, v24;
	v2 =	vbroadcast v38, $0xF  }
0x287: {  	v0 =	vsel vm7, v0, v3;
	v1 =	vsel vm8, v1, v17;
	v3 =	vbroadcast v4, $0xF  }
0x288: {  	v0 =	vsel vm8, v0, v2;
	v1 =	vsel vm9, v1, v22;
	v2 =	vbroadcast v6, $0xF  }
0x289: {  	v0 =	vsel vm9, v0, v3;
	v1 =	vsel vm10, v1, v7;
	v3 =	vbroadcast v8, $0xF;
	v4, _, _ =	vpop (xrf2)  }
0x28a: {  	v0 =	vsel vm10, v0, v2;
	v1 =	vsel vm11, v1, v14;
	v4 =	vbroadcast v4, $0xF  }
0x28b: {  	v0 =	vsel vm11, v0, v3;
	v1 =	vsel vm12, v1, v10;
	v3 =	vbroadcast v58, $0xF  }
0x28c: {  	v0 =	vsel vm12, v0, v4;
	v1 =	vsel vm13, v1, v13  }
0x28d: {  	s28 =	sadd.s32 $0x10, s28;
	v2, _, _ =	vpop (xrf2);
	v0 =	vsel vm13, v0, v3;
	v1 =	vsel vm14, v1, v32  }
0x28e: {  	s29 =	sadd.s32 $0x10, s29;
	v0 =	vsel vm14, v0, v2;
	[tilespmem:s28+$0x0] =	vst v1  }
0x28f: {  	s31 =	sshra.s32 s23, $0x2;
	[tilespmem:s29+$0x0] =	vst v0  }
0x290: {  	v0 =	vld [tilespmem:s31+$0x93F0];
	_ =	sdelay $0x4  }
0x291: {  	[tilespmem:$0x1F780] =	vst v0;
	v0 =	vld [tilespmem:s31+$0x93E0];
	_ =	sdelay $0x4  }
0x292: {  	[tilespmem:$0x1F7D0] =	vst v0;
	v0 =	vld [tilespmem:s31+$0x93D0];
	_ =	sdelay $0x4  }
0x293: {  	[tilespmem:$0x1F800] =	vst v0;
	v0 =	vld [tilespmem:s31+$0x9370];
	_ =	sdelay $0x4  }
0x294: {  	[tilespmem:$0x1F840] =	vst v0;
	v0 =	vld [tilespmem:s31+$0x93C0];
	_ =	sdelay $0x4  }
0x295: {  	[tilespmem:$0x1FC40] =	vst v0;
	v0 =	vld [tilespmem:s31+$0x9330];
	_ =	sdelay $0x4  }
0x296: {  	[tilespmem:$0x1F5D0] =	vst v0;
	v0 =	vld [tilespmem:s31+$0x9360];
	_ =	sdelay $0x4  }
0x297: {  	[tilespmem:$0x1FC50] =	vst v0;
	v0 =	vld [tilespmem:s31+$0x92F0];
	_ =	sdelay $0x4  }
0x298: {  	[tilespmem:$0x1F5E0] =	vst v0;
	v0 =	vld [tilespmem:s31+$0x9350];
	_ =	sdelay $0x4  }
0x299: {  	[tilespmem:$0x1FC60] =	vst v0;
	v0 =	vld [tilespmem:s31+$0x92B0];
	_ =	sdelay $0x4  }
0x29a: {  	[tilespmem:$0x1FC70] =	vst v0;
	v0 =	vld [tilespmem:s31+$0x9340];
	_ =	sdelay $0x4  }
0x29b: {  	[tilespmem:$0x1FC80] =	vst v0;
	v0 =	vld [tilespmem:s31+$0x72B0];
	_ =	sdelay $0x4  }
0x29c: {  	[tilespmem:$0x1F5F0] =	vst v0;
	v0 =	vld [tilespmem:s31+$0x9270];
	_ =	sdelay $0x4  }
0x29d: {  	[tilespmem:$0x1F620] =	vst v0;
	v0 =	vld [tilespmem:s31+$0x7270];
	_ =	sdelay $0x4  }
0x29e: {  	[tilespmem:$0x1F600] =	vst v0;
	v0 =	vld [tilespmem:s31+$0x9230];
	_ =	sdelay $0x4  }
0x29f: {  	[tilespmem:$0x1F660] =	vst v0;
	v0 =	vld [tilespmem:s31+$0x9260];
	_ =	sdelay $0x4  }
0x2a0: {  	[tilespmem:$0x1F610] =	vst v0;
	v0 =	vld [tilespmem:s31+$0x7230];
	_ =	sdelay $0x4  }
0x2a1: {  	[tilespmem:$0x1F640] =	vst v0;
	v0 =	vld [tilespmem:s31+$0x9220];
	_ =	sdelay $0x4  }
0x2a2: {  	[tilespmem:$0x1F650] =	vst v0;
	v0 =	vld [tilespmem:s31+$0x9280];
	_ =	sdelay $0x4  }
0x2a3: {  	[tilespmem:$0x1FC90] =	vst v0;
	v0 =	vld [tilespmem:s31+$0x71F0];
	_ =	sdelay $0x4  }
0x2a4: {  	[tilespmem:$0x1F680] =	vst v0;
	v0 =	vld [tilespmem:s31+$0x7220];
	_ =	sdelay $0x4  }
0x2a5: {  	[tilespmem:$0x1F630] =	vst v0;
	v0 =	vld [tilespmem:s31+$0x91B0];
	_ =	sdelay $0x4  }
0x2a6: {  	[tilespmem:$0x1F6E0] =	vst v0;
	v0 =	vld [tilespmem:s31+$0x71B0];
	_ =	sdelay $0x4  }
0x2a7: {  	[tilespmem:$0x1F6B0] =	vst v0;
	v0 =	vld [tilespmem:s31+$0x71E0];
	_ =	sdelay $0x4  }
0x2a8: {  	[tilespmem:$0x1F670] =	vst v0;
	v0 =	vld [tilespmem:s31+$0x9170];
	_ =	sdelay $0x4  }
0x2a9: {  	[tilespmem:$0x1F740] =	vst v0;
	v0 =	vld [tilespmem:s31+$0x91A0];
	_ =	sdelay $0x4  }
0x2aa: {  	[tilespmem:$0x1F6C0] =	vst v0;
	v0 =	vld [tilespmem:s31+$0x7170];
	_ =	sdelay $0x4  }
0x2ab: {  	[tilespmem:$0x1F710] =	vst v0;
	v0 =	vld [tilespmem:s31+$0x71A0];
	_ =	sdelay $0x4  }
0x2ac: {  	[tilespmem:$0x1F690] =	vst v0;
	v0 =	vld [tilespmem:s31+$0x9160];
	_ =	sdelay $0x4  }
0x2ad: {  	[tilespmem:$0x1F720] =	vst v0;
	v0 =	vld [tilespmem:s31+$0x9190];
	_ =	sdelay $0x4  }
0x2ae: {  	[tilespmem:$0x1F6A0] =	vst v0;
	v0 =	vld [tilespmem:s31+$0x91C0];
	_ =	sdelay $0x4  }
0x2af: {  	[tilespmem:$0x1FCA0] =	vst v0;
	v0 =	vld [tilespmem:s31+$0x7130];
	_ =	sdelay $0x4  }
0x2b0: {  	[tilespmem:$0x1F760] =	vst v0;
	v0 =	vld [tilespmem:s31+$0x7160];
	_ =	sdelay $0x4  }
0x2b1: {  	[tilespmem:$0x1F6F0] =	vst v0;
	v0 =	vld [tilespmem:s31+$0x90F0]  }
0x2b2: {  	v35 =	vld [tilespmem:s31+$0x73F0]  }
0x2b3: {  	v22 =	vld [tilespmem:s31+$0x73E0]  }
0x2b4: {  	v43 =	vld [tilespmem:s31+$0x93B0]  }
0x2b5: {  	v39 =	vld [tilespmem:s31+$0x73B0]  }
0x2b6: {  	[tilespmem:$0x1F7F0] =	vst v0;
	v0 =	vld [tilespmem:s31+$0x9150]  }
0x2b7: {  	v63 =	vld [tilespmem:s31+$0x73D0]  }
0x2b8: {  	v36 =	vld [tilespmem:s31+$0x93A0]  }
0x2b9: {  	v44 =	vld [tilespmem:s31+$0x7370]  }
0x2ba: {  	v46 =	vld [tilespmem:s31+$0x73A0]  }
0x2bb: {  	[tilespmem:$0x1F700] =	vst v0;
	v0 =	vld [tilespmem:s31+$0x70F0]  }
0x2bc: {  	v11 =	vld [tilespmem:s31+$0x73C0]  }
0x2bd: {  	v19 =	vld [tilespmem:s31+$0x9390]  }
0x2be: {  	v16 =	vld [tilespmem:s31+$0x53F0]  }
0x2bf: {  	v45 =	vld [tilespmem:s31+$0x7330]  }
0x2c0: {  	[tilespmem:$0x1F7B0] =	vst v0;
	v0 =	vld [tilespmem:s31+$0x7120]  }
0x2c1: {  	v31 =	vld [tilespmem:s31+$0x7360]  }
0x2c2: {  	v13 =	vld [tilespmem:s31+$0x7390]  }
0x2c3: {  	v41 =	vld [tilespmem:s31+$0x9320]  }
0x2c4: {  	v10 =	vld [tilespmem:s31+$0x9380]  }
0x2c5: {  	[tilespmem:$0x1F750] =	vst v0;
	v0 =	vld [tilespmem:s31+$0x7150]  }
0x2c6: {  	v60 =	vld [tilespmem:s31+$0x72F0]  }
0x2c7: {  	v59 =	vld [tilespmem:s31+$0x7320]  }
0x2c8: {  	v28 =	vld [tilespmem:s31+$0x7350]  }
0x2c9: {  	v7 =	vld [tilespmem:s31+$0x7380]  }
0x2ca: {  	[tilespmem:$0x1F6D0] =	vst v0;
	v0 =	vld [tilespmem:s31+$0x90B0]  }
0x2cb: {  	v54 =	vld [tilespmem:s31+$0x92E0]  }
0x2cc: {  	v61 =	vld [tilespmem:s31+$0x9310]  }
0x2cd: {  	v8 =	vld [tilespmem:s31+$0x53E0]  }
0x2ce: {  	v40 =	vld [tilespmem:s31+$0x72E0]  }
0x2cf: {  	[tilespmem:$0x1F860] =	vst v0;
	v0 =	vld [tilespmem:s31+$0x90E0]  }
0x2d0: {  	v26 =	vld [tilespmem:s31+$0x7310]  }
0x2d1: {  	v18 =	vld [tilespmem:s31+$0x7340]  }
0x2d2: {  	v38 =	vld [tilespmem:s31+$0x92D0]  }
0x2d3: {  	v23 =	vld [tilespmem:s31+$0x9300]  }
0x2d4: {  	[tilespmem:$0x1F7C0] =	vst v0;
	v0 =	vld [tilespmem:s31+$0x70B0]  }
0x2d5: {  	v52 =	vld [tilespmem:s31+$0x72A0]  }
0x2d6: {  	v30 =	vld [tilespmem:s31+$0x72D0]  }
0x2d7: {  	v20 =	vld [tilespmem:s31+$0x7300]  }
0x2d8: {  	v29 =	vld [tilespmem:s31+$0x92C0]  }
0x2d9: {  	[tilespmem:$0x1F820] =	vst v0;
	v0 =	vld [tilespmem:s31+$0x70E0]  }
0x2da: {  	v14 =	vld [tilespmem:s31+$0x53B0]  }
0x2db: {  	v6 =	vld [tilespmem:s31+$0x53D0]  }
0x2dc: {  	v50 =	vld [tilespmem:s31+$0x7260]  }
0x2dd: {  	v58 =	vld [tilespmem:s31+$0x7290]  }
0x2de: {  	[tilespmem:$0x1F770] =	vst v0;
	v0 =	vld [tilespmem:s31+$0x7110]  }
0x2df: {  	v21 =	vld [tilespmem:s31+$0x72C0]  }
0x2e0: {  	v47 =	vld [tilespmem:s31+$0x9250]  }
0x2e1: {  	v34 =	vld [tilespmem:s31+$0x7250]  }
0x2e2: {  	v27 =	vld [tilespmem:s31+$0x7280]  }
0x2e3: {  	[tilespmem:$0x1F730] =	vst v0;
	v0 =	vld [tilespmem:s31+$0x9030]  }
0x2e4: {  	v57 =	vld [tilespmem:s31+$0x9210]  }
0x2e5: {  	v33 =	vld [tilespmem:s31+$0x9240]  }
0x2e6: {  	v4 =	vld [tilespmem:s31+$0x53C0]  }
0x2e7: {  	v1 =	vld [tilespmem:s31+$0x5380]  }
0x2e8: {  	[tilespmem:$0x1FCB0] =	vst v0;
	v0 =	vld [tilespmem:s31+$0x90A0]  }
0x2e9: {  	v12 =	vld [tilespmem:s31+$0x5370]  }
0x2ea: {  	v3 =	vld [tilespmem:s31+$0x5390]  }
0x2eb: {  	v9 =	vld [tilespmem:s31+$0x53A0]  }
0x2ec: {  	[tilespmem:$0x1FCE0] =	vst v4;
	v11 =	vmul.f32 v11, v4;
	v4 =	vld [tilespmem:s31+$0x9100]  }
0x2ed: {  	v7 =	vmul.f32 v7, v1;
	[tilespmem:$0x1F830] =	vst v0;
	v0 =	vld [tilespmem:s31+$0x90D0]  }
0x2ee: {  	v49 =	vld [tilespmem:s31+$0x7210];
	v63 =	vmul.f32 v63, v6;
	v1 =	vmul.f32 v10, v1;
	v11 =	vadd.f32 $0.0e+00, v11  }
0x2ef: {  	v24 =	vld [tilespmem:s31+$0x7240];
	v13 =	vmul.f32 v13, v3;
	v7 =	vadd.f32 $0.0e+00, v7  }
0x2f0: {  	v11 =	vadd.f32 v63, v11;
	v63 =	vadd.f32 $0.0e+00, v1;
	v1 =	vmul.f32 v19, v3;
	v19 =	vld [tilespmem:s31+$0x5310]  }
0x2f1: {  	v22 =	vmul.f32 v22, v8;
	[tilespmem:$0x1FCC0] =	vst v4;
	v4 =	vld [tilespmem:s31+$0x7030]  }
0x2f2: {  	v7 =	vadd.f32 v13, v7;
	[tilespmem:$0x1F7A0] =	vst v0;
	v0 =	vld [tilespmem:s31+$0x5340]  }
0x2f3: {  	v13 =	vmul.f32 v46, v9;
	v10 =	vadd.f32 v22, v11;
	v11 =	vmul.f32 v35, v16;
	v22 =	vld [tilespmem:s31+$0x5300]  }
0x2f4: {  	v2 =	vld [tilespmem:s31+$0x5350];
	[tilespmem:$0x1F790] =	vst v16  }
0x2f5: {  	v25 =	vld [tilespmem:s31+$0x5360];
	[tilespmem:$0x1F7E0] =	vst v8;
	v7 =	vadd.f32 v13, v7;
	v13 =	vmul.f32 v39, v14;
	v10 =	vadd.f32 v11, v10  }
0x2f6: {  	v5 =	vld [tilespmem:s31+$0x5320];
	[tilespmem:$0x1F810] =	vst v6;
	v16 =	vmul.f32 v61, v19  }
0x2f7: {  	[tilespmem:$0x1FCD0] =	vst v4;
	v4 =	vld [tilespmem:s31+$0x7070];
	(xrf2) =	vadd.scan.msk.f32 $0xffff, v10;
	v10 =	vadd.f32 v13, v7;
	v8 =	vmul.f32 v18, v0  }
0x2f8: {  	v17 =	vld [tilespmem:s31+$0x5330];
	[tilespmem:$0x1FD00] =	vst v0;
	v0 =	vadd.f32 v1, v63;
	v1 =	vmul.f32 v36, v9;
	v9 =	vmul.f32 v20, v22  }
0x2f9: {  	v6 =	vld [tilespmem:s31+$0x52C0];
	(xrf2) =	vadd.scan.msk.f32 $0xffff, v10;
	v10 =	vmul.f32 v26, v19;
	v3 =	vadd.f32 $0.0e+00, v8;
	v8 =	vmul.f32 v28, v2  }
0x2fa: {  	v13 =	vld [tilespmem:s31+$0x52D0];
	v0 =	vadd.f32 v1, v0;
	v1 =	vmul.f32 v43, v14;
	v9 =	vadd.f32 $0.0e+00, v9  }
0x2fb: {  	[tilespmem:$0x1FD20] =	vst v2;
	v2 =	vld [tilespmem:s31+$0x9020];
	v14 =	vmul.f32 v23, v22;
	v3 =	vadd.f32 v8, v3;
	v8 =	vmul.f32 v31, v25  }
0x2fc: {  	[tilespmem:$0x1FCF0] =	vst v4;
	v4 =	vld [tilespmem:$0x1F5D0];
	v1 =	vadd.f32 v1, v0;
	v9 =	vadd.f32 v10, v9;
	v10 =	vmul.f32 v59, v5  }
0x2fd: {  	v51 =	vld [tilespmem:s31+$0x9200];
	v14 =	vadd.f32 $0.0e+00, v14;
	v3 =	vadd.f32 v8, v3;
	v8 =	vmul.f32 v44, v12  }
0x2fe: {  	(xrf2) =	vadd.scan.msk.f32 $0xffff, v1;
	v1 =	vld [tilespmem:s31+$0x52E0];
	v9 =	vadd.f32 v10, v9;
	v10 =	vmul.f32 v45, v17  }
0x2ff: {  	v15 =	vld [tilespmem:s31+$0x52F0];
	[tilespmem:$0x1F850] =	vst v12;
	v12 =	vmul.f32 v21, v6;
	v14 =	vadd.f32 v16, v14;
	v8 =	vadd.f32 v8, v3  }
0x300: {  	v61 =	vld [tilespmem:s31+$0x5280];
	v6 =	vmul.f32 v29, v6;
	[tilespmem:$0x1FD10] =	vst v2;
	v2 =	vmul.f32 v41, v5;
	v9 =	vadd.f32 v10, v9  }
0x301: {  	v5 =	vmul.f32 v4, v17;
	v4 =	vld [tilespmem:$0x1F5E0];
	(xrf2) =	vadd.scan.msk.f32 $0xffff, v8;
	v8 =	vadd.f32 $0.0e+00, v12;
	v12 =	vmul.f32 v30, v13  }
0x302: {  	v22, _, _ =	vpop (xrf2);
	v10 =	vld [tilespmem:s31+$0x5240];
	v6 =	vadd.f32 $0.0e+00, v6;
	(xrf2) =	vadd.scan.msk.f32 $0xffff, v9;
	v9 =	vmul.f32 v38, v13  }
0x303: {  	v62 =	vld [tilespmem:s31+$0x7200];
	v2 =	vadd.f32 v2, v14;
	v8 =	vadd.f32 v12, v8;
	v12 =	vmul.f32 v40, v1  }
0x304: {  	v63 =	vld [tilespmem:s31+$0x5290];
	v1 =	vmul.f32 v54, v1;
	v6 =	vadd.f32 v9, v6  }
0x305: {  	v2 =	vadd.f32 v5, v2;
	v5 =	vld [tilespmem:s31+$0x5250];
	v8 =	vadd.f32 v12, v8;
	v12 =	vmul.f32 v60, v15  }
0x306: {  	v39 =	vld [tilespmem:s31+$0x52A0];
	v4 =	vmul.f32 v4, v15;
	v1 =	vadd.f32 v1, v6  }
0x307: {  	v21 =	vld [tilespmem:s31+$0x52B0];
	v13 =	vmul.f32 v27, v61;
	v8 =	vadd.f32 v12, v8;
	v12 =	vmul.f32 v24, v10  }
0x308: {  	v59, _, _ =	vpop (xrf2);
	(xrf2) =	vadd.scan.msk.f32 $0xffff, v2;
	v10 =	vmul.f32 v33, v10;
	v4 =	vadd.f32 v4, v1;
	v1 =	vld [tilespmem:$0x1F5F0]  }
0x309: {  	v2 =	vld [tilespmem:s31+$0x5260];
	v9 =	vadd.f32 $0.0e+00, v13;
	v13 =	vmul.f32 v58, v63;
	v58, _, _ =	vpop (xrf2);
	(xrf2) =	vadd.scan.msk.f32 $0xffff, v8;
	v8 =	vadd.f32 $0.0e+00, v12  }
0x30a: {  	v6 =	vld [tilespmem:s31+$0x5200];
	v12 =	vmul.f32 v34, v5;
	v10 =	vadd.f32 $0.0e+00, v10;
	v5 =	vmul.f32 v47, v5  }
0x30b: {  	v15 =	vld [tilespmem:s31+$0x5210];
	v9 =	vadd.f32 v13, v9;
	v13 =	vmul.f32 v52, v39  }
0x30c: {  	v5 =	vadd.f32 v5, v10;
	v10 =	vld [tilespmem:$0x1F610]  }
0x30d: {  	v53 =	vld [tilespmem:s31+$0x71D0];
	v9 =	vadd.f32 v13, v9;
	v13 =	vmul.f32 v1, v21  }
0x30e: {  	v48 =	vld [tilespmem:s31+$0x7190]  }
0x30f: {  	v32 =	vld [tilespmem:s31+$0x71C0];
	v9 =	vadd.f32 v13, v9;
	v13 =	vmul.f32 v62, v6  }
0x310: {  	v14 =	vld [tilespmem:s31+$0x5270];
	v8 =	vadd.f32 v12, v8;
	v12 =	vmul.f32 v50, v2  }
0x311: {  	v31, _, _ =	vpop (xrf2);
	(xrf2) =	vadd.scan.msk.f32 $0xffff, v4;
	v4 =	vld [tilespmem:s31+$0x5220];
	v2 =	vmul.f32 v10, v2;
	v10 =	vadd.f32 $0.0e+00, v13;
	v13 =	vmul.f32 v49, v15  }
0x312: {  	v17 =	vadd.f32 v12, v8;
	v12 =	vld [tilespmem:$0x1F600]  }
0x313: {  	v10 =	vadd.f32 v13, v10;
	v13 =	vld [tilespmem:$0x1F630]  }
0x314: {  	v55 =	vld [tilespmem:s31+$0x7180]  }
0x315: {  	v28 =	vld [tilespmem:s31+$0x51E0]  }
0x316: {  	v16 =	vld [tilespmem:s31+$0x5230]  }
0x317: {  	v12 =	vmul.f32 v12, v14;
	v2 =	vadd.f32 v2, v5;
	v5 =	vld [tilespmem:$0x1F620]  }
0x318: {  	v30 =	vld [tilespmem:s31+$0x51C0];
	v13 =	vmul.f32 v13, v4  }
0x319: {  	v27 =	vld [tilespmem:s31+$0x51D0];
	v6 =	vmul.f32 v51, v6;
	v12 =	vadd.f32 v12, v17  }
0x31a: {  	v36, _, _ =	vpop (xrf2);
	(xrf2) =	vadd.scan.msk.f32 $0xffff, v9;
	v10 =	vadd.f32 v13, v10;
	v13 =	vld [tilespmem:$0x1F640]  }
0x31b: {  	v8, _, _ =	vpop (xrf2);
	v6 =	vadd.f32 $0.0e+00, v6;
	v17 =	vld [tilespmem:$0x1F670];
	(xrf2) =	vadd.scan.msk.f32 $0xffff, v12;
	v12 =	vmul.f32 v57, v15  }
0x31c: {  	v5 =	vmul.f32 v5, v14;
	v14 =	vld [tilespmem:s31+$0x5180]  }
0x31d: {  	v12 =	vadd.f32 v12, v6;
	v6 =	vld [tilespmem:$0x1F650]  }
0x31e: {  	v15 =	vmul.f32 v32, v30;
	v2 =	vadd.f32 v5, v2;
	v5 =	vld [tilespmem:s31+$0x5190]  }
0x31f: {  	v13 =	vmul.f32 v13, v16  }
0x320: {  	v18 =	vmul.f32 v53, v27;
	v15 =	vadd.f32 $0.0e+00, v15  }
0x321: {  	v10 =	vadd.f32 v13, v10;
	v13 =	vmul.f32 v55, v14  }
0x322: {  	v29 =	vld [tilespmem:s31+$0x51F0];
	v41, _, _ =	vpop (xrf2);
	v15 =	vadd.f32 v18, v15;
	v18 =	vmul.f32 v17, v28;
	(xrf2) =	vadd.scan.msk.f32 $0xffff, v2  }
0x323: {  	v17 =	vld [tilespmem:$0x1F680];
	v4 =	vmul.f32 v6, v4;
	v6, _, _ =	vpop (xrf2);
	(xrf2) =	vadd.scan.msk.f32 $0xffff, v10;
	v10 =	vadd.f32 $0.0e+00, v13;
	v13 =	vmul.f32 v48, v5  }
0x324: {  	v2 =	vld [tilespmem:s31+$0x51A0]  }
0x325: {  	v10 =	vadd.f32 v13, v10;
	v13 =	vld [tilespmem:$0x1F690];
	_ =	sdelay $0x1  }
0x326: {  	v42 =	vld [tilespmem:s31+$0x9180]  }
0x327: {  	v4 =	vadd.f32 v4, v12;
	v12 =	vld [tilespmem:$0x1F660]  }
0x328: {  	v15 =	vadd.f32 v18, v15;
	v18 =	vmul.f32 v17, v29;
	v17 =	vld [tilespmem:$0x1F6A0]  }
0x329: {  	v56 =	vld [tilespmem:s31+$0x9140];
	v13 =	vmul.f32 v13, v2  }
0x32a: {  	v19 =	vld [tilespmem:s31+$0x51B0]  }
0x32b: {  	v14 =	vmul.f32 v42, v14;
	v10 =	vadd.f32 v13, v10;
	v13 =	vld [tilespmem:$0x1F6B0]  }
0x32c: {  	v37 =	vld [tilespmem:s31+$0x7140]  }
0x32d: {  	v14 =	vadd.f32 $0.0e+00, v14;
	v12 =	vmul.f32 v12, v16;
	v16 =	vld [tilespmem:s31+$0x5140];
	v5 =	vmul.f32 v17, v5  }
0x32e: {  	v46 =	vld [tilespmem:s31+$0x70D0]  }
0x32f: {  	v5 =	vadd.f32 v5, v14;
	v14 =	vld [tilespmem:$0x1F6C0]  }
0x330: {  	v7 =	vld [tilespmem:s31+$0x7100];
	v4 =	vadd.f32 v12, v4;
	v13 =	vmul.f32 v13, v19  }
0x331: {  	v15 =	vadd.f32 v18, v15;
	v17 =	vld [tilespmem:$0x1F6D0]  }
0x332: {  	v44, _, _ =	vpop (xrf2);
	v12 =	vld [tilespmem:s31+$0x5150];
	(xrf2) =	vadd.scan.msk.f32 $0xffff, v4;
	v10 =	vadd.f32 v13, v10;
	v13 =	vmul.f32 v56, v16  }
0x333: {  	v52 =	vld [tilespmem:s31+$0x5100];
	v45, _, _ =	vpop (xrf2);
	(xrf2) =	vadd.scan.msk.f32 $0xffff, v15  }
0x334: {  	v38, _, _ =	vpop (xrf2);
	v2 =	vmul.f32 v14, v2;
	(xrf2) =	vadd.scan.msk.f32 $0xffff, v10;
	v10 =	vadd.f32 $0.0e+00, v13;
	v13 =	vld [tilespmem:$0x1F700]  }
0x335: {  	v4 =	vld [tilespmem:s31+$0x5160];
	v18 =	vmul.f32 v37, v16  }
0x336: {  	v2 =	vadd.f32 v2, v5;
	v5 =	vld [tilespmem:$0x1F6E0]  }
0x337: {  	v15 =	vadd.f32 $0.0e+00, v18;
	v18 =	vmul.f32 v17, v12;
	v17 =	vld [tilespmem:$0x1F6F0]  }
0x338: {  	v53 =	vld [tilespmem:s31+$0x5110]  }
0x339: {  	v34 =	vmov v21;
	v21 =	vld [tilespmem:s31+$0x5170];
	v12 =	vmul.f32 v13, v12  }
0x33a: {  	v9 =	vld [tilespmem:s31+$0x70C0]  }
0x33b: {  	v5 =	vmul.f32 v5, v19;
	v10 =	vadd.f32 v12, v10;
	v12 =	vld [tilespmem:$0x1F720]  }
0x33c: {  	v15 =	vadd.f32 v18, v15;
	v18 =	vmul.f32 v17, v4;
	v17 =	vld [tilespmem:$0x1F770]  }
0x33d: {  	v16 =	vld [tilespmem:s31+$0x50C0];
	v2 =	vadd.f32 v5, v2  }
0x33e: {  	v5 =	vld [tilespmem:s31+$0x50D0]  }
0x33f: {  	v48, _, _ =	vpop (xrf2);
	(xrf2) =	vadd.scan.msk.f32 $0xffff, v2;
	v2 =	vld [tilespmem:s31+$0x50E0]  }
0x340: {  	v13 =	vadd.f32 v18, v15;
	v15 =	vld [tilespmem:$0x1F710];
	v4 =	vmul.f32 v12, v4  }
0x341: {  	v12 =	vld [tilespmem:$0x1F730]  }
0x342: {  	v9 =	vmul.f32 v9, v16;
	v4 =	vadd.f32 v4, v10;
	v10 =	vld [tilespmem:$0x1F740];
	_ =	sdelay $0x1  }
0x343: {  	v35 =	vld [tilespmem:s31+$0x7020];
	v19 =	vmul.f32 v46, v5;
	v9 =	vadd.f32 $0.0e+00, v9  }
0x344: {  	v11 =	vld [tilespmem:s31+$0x70A0];
	v7 =	vmul.f32 v7, v52  }
0x345: {  	v9 =	vadd.f32 v19, v9;
	v19 =	vmul.f32 v17, v2;
	v17 =	vld [tilespmem:$0x1F780];
	v15 =	vmul.f32 v15, v21  }
0x346: {  	v7 =	vadd.f32 $0.0e+00, v7;
	v12 =	vmul.f32 v12, v53;
	v10 =	vmul.f32 v10, v21;
	v21 =	vld [tilespmem:$0x1F790]  }
0x347: {  	v56 =	vld [tilespmem:s31+$0x5120]  }
0x348: {  	v7 =	vadd.f32 v12, v7;
	v12 =	vld [tilespmem:$0x1F750]  }
0x349: {  	v3 =	vld [tilespmem:s31+$0x90C0]  }
0x34a: {  	v20 =	vld [tilespmem:s31+$0x9080]  }
0x34b: {  	v33 =	vmul.f32 v17, v21;
	v17 =	vld [tilespmem:$0x1F7A0]  }
0x34c: {  	v23 =	vld [tilespmem:s31+$0x9000]  }
0x34d: {  	v0 =	vld [tilespmem:s31+$0x9090];
	v12 =	vmul.f32 v12, v56  }
0x34e: {  	v54 =	vld [tilespmem:s31+$0x5130];
	v3 =	vmul.f32 v3, v16  }
0x34f: {  	v7 =	vadd.f32 v12, v7;
	v12 =	vld [tilespmem:$0x1F760]  }
0x350: {  	v14 =	vld [tilespmem:s31+$0x7080];
	v3 =	vadd.f32 $0.0e+00, v3;
	v5 =	vmul.f32 v17, v5  }
0x351: {  	v18 =	vld [tilespmem:s31+$0x5080]  }
0x352: {  	v3 =	vadd.f32 v5, v3;
	v5 =	vld [tilespmem:$0x1F7C0]  }
0x353: {  	v40 =	vld [tilespmem:s31+$0x7060]  }
0x354: {  	v13 =	vadd.f32 v15, v13;
	v15 =	vld [tilespmem:s31+$0x50F0];
	v12 =	vmul.f32 v12, v54  }
0x355: {  	v17 =	vld [tilespmem:$0x1F7E0]  }
0x356: {  	v7 =	vadd.f32 v12, v7;
	v12 =	vmul.f32 v14, v18;
	v14 =	vld [tilespmem:$0x1F7B0]  }
0x357: {  	v2 =	vmul.f32 v5, v2;
	v5 =	vld [tilespmem:$0x1F7D0]  }
0x358: {  	v60 =	vld [tilespmem:s31+$0x9010]  }
0x359: {  	v1 =	vld [tilespmem:s31+$0x7090]  }
0x35a: {  	v4 =	vadd.f32 v10, v4;
	v10 =	vld [tilespmem:s31+$0x5090]  }
0x35b: {  	v32 =	vmov v22;
	v22 =	vld [tilespmem:s31+$0x50B0];
	v43, _, _ =	vpop (xrf2);
	v9 =	vadd.f32 v19, v9;
	(xrf2) =	vadd.scan.msk.f32 $0xffff, v13;
	v14 =	vmul.f32 v14, v15  }
0x35c: {  	v50, _, _ =	vpop (xrf2);
	(xrf2) =	vadd.scan.msk.f32 $0xffff, v4;
	v4 =	vld [tilespmem:s31+$0x50A0];
	v37 =	vmul.f32 v5, v17;
	v5 =	vadd.f32 $0.0e+00, v12  }
0x35d: {  	v12 =	vadd.f32 v14, v9;
	v14 =	vmul.f32 v20, v18;
	v17 =	vadd.f32 v2, v3;
	v3 =	vld [tilespmem:$0x1F7F0]  }
0x35e: {  	v16 =	vld [tilespmem:s31+$0x7000];
	v57, _, _ =	vpop (xrf2);
	(xrf2) =	vadd.scan.msk.f32 $0xffff, v7  }
0x35f: {  	v19 =	vld [tilespmem:s31+$0x5000];
	v26, _, _ =	vpop (xrf2);
	v0 =	vmul.f32 v0, v10;
	(xrf2) =	vadd.scan.msk.f32 $0xffff, v12;
	v12 =	vadd.f32 $0.0e+00, v14  }
0x360: {  	v13 =	vld [tilespmem:s31+$0x7010];
	v1 =	vmul.f32 v1, v10  }
0x361: {  	v24 =	vadd.f32 v0, v12;
	v0 =	vld [tilespmem:$0x1F830]  }
0x362: {  	v10 =	vld [tilespmem:s31+$0x5040];
	v18 =	vmul.f32 v11, v4;
	v1 =	vadd.f32 v1, v5;
	v15 =	vmul.f32 v3, v15  }
0x363: {  	v9 =	vld [tilespmem:s31+$0x5010]  }
0x364: {  	v14 =	vadd.f32 v15, v17;
	v15 =	vmul.f32 v16, v19;
	v16 =	vadd.f32 v18, v1;
	v1 =	vld [tilespmem:$0x1F820]  }
0x365: {  	v5 =	vld [tilespmem:$0x1F810]  }
0x366: {  	v3 =	vld [tilespmem:$0x1F800];
	v4 =	vmul.f32 v0, v4  }
0x367: {  	v0 =	vld [tilespmem:$0x1F840]  }
0x368: {  	v20 =	vadd.f32 $0.0e+00, v15;
	v15 =	vadd.f32 v4, v24;
	v4 =	vld [tilespmem:$0x1F860]  }
0x369: {  	p0 =	sne.s32 s23, $0x7000;
	v18 =	vmul.f32 v1, v22;
	v1 =	vld [tilespmem:$0x1F850]  }
.Ltmp0:
0x36a: {  	v7 =	vld [tilespmem:s31+$0x7040];
	(pc) =	sbr.rel @p0 .LBB2_3-.Ltmp0, $4  }
0x36b: {  	v11 =	vld [tilespmem:s31+$0x5020]  }
0x36c: {  	v12 =	vld [tilespmem:s31+$0x5050];
	v21 =	vmul.f32 v13, v9  }
0x36d: {  	v2, _, _ =	vpop (xrf2);
	v13 =	vld [tilespmem:s31+$0x7050];
	(xrf2) =	vadd.scan.msk.f32 $0xffff, v14;
	v3 =	vmul.f32 v3, v5;
	v14 =	vadd.f32 v18, v16;
	v16 =	vmul.f32 v23, v19  }
0x36e: {  	s23 =	sadd.s32 $0x1000, s23;
	v5 =	vld [tilespmem:s31+$0x5030];
	v18 =	vmul.f32 v4, v22;
	v1 =	vmul.f32 v0, v1;
	v0, _, _ =	vpop (xrf2)  }
0x36f: {  	v19 =	vld [tilespmem:$0x1FC40];
	v9 =	vmul.f32 v60, v9;
	v16 =	vadd.f32 $0.0e+00, v16  }
0x370: {  	v17 =	vld [tilespmem:$0x1FCE0]  }
0x371: {  	v9 =	vadd.f32 v9, v16;
	v16 =	vld [tilespmem:$0x1FD10];
	_ =	sdelay $0x3  }
0x372: {  	v4 =	vadd.f32 v21, v20;
	v20 =	vmul.f32 v35, v11  }
0x373: {  	v19 =	vmul.f32 v19, v17;
	v17 =	vld [tilespmem:$0x1FCD0];
	v11 =	vmul.f32 v16, v11  }
0x374: {  	v15 =	vadd.f32 v18, v15;
	v18 =	vld [tilespmem:s31+$0x5060]  }
0x375: {  	v7 =	vmul.f32 v7, v10;
	v9 =	vadd.f32 v11, v9;
	v11 =	vld [tilespmem:$0x1FCB0]  }
0x376: {  	v21 =	vld [tilespmem:s31+$0x9040]  }
0x377: {  	v22 =	vld [tilespmem:s31+$0x9050];
	v7 =	vadd.f32 $0.0e+00, v7;
	v13 =	vmul.f32 v13, v12  }
0x378: {  	(xrf2) =	vadd.scan.msk.f32 $0xffff, v14;
	v14 =	vld [tilespmem:s31+$0x9070];
	v4 =	vadd.f32 v20, v4;
	v20 =	vmul.f32 v17, v5  }
0x379: {  	v7 =	vadd.f32 v13, v7;
	v13 =	vmul.f32 v40, v18;
	v16 =	vld [tilespmem:s31+$0x5070]  }
0x37a: {  	v17 =	vadd.f32 $0.0e+00, v19;
	v19 =	vld [tilespmem:s31+$0x9060];
	v4 =	vadd.f32 v20, v4;
	v5 =	vmul.f32 v11, v5  }
0x37b: {  	(xrf2) =	vadd.scan.msk.f32 $0xffff, v15;
	v10 =	vmul.f32 v21, v10;
	v7 =	vadd.f32 v13, v7;
	v13 =	vld [tilespmem:$0x1FCC0]  }
0x37c: {  	(xrf2) =	vadd.scan.msk.f32 $0xffff, v4;
	v4 =	vadd.f32 v5, v9;
	v9 =	vmul.f32 v22, v12;
	v12 =	vld [tilespmem:$0x1FCF0]  }
0x37d: {  	v21 =	vld [tilespmem:$0x1FD20];
	v5 =	vadd.f32 $0.0e+00, v10  }
0x37e: {  	v11 =	vld [tilespmem:s31+$0x9110]  }
0x37f: {  	v20 =	vld [tilespmem:$0x1FC60];
	v5 =	vadd.f32 v9, v5;
	v9 =	vmul.f32 v19, v18  }
0x380: {  	v13 =	vmul.f32 v13, v52;
	v10 =	vld [tilespmem:s31+$0x9120]  }
0x381: {  	v5 =	vadd.f32 v9, v5;
	v9 =	vmul.f32 v14, v16;
	v14 =	vld [tilespmem:$0x1FCA0];
	v12 =	vmul.f32 v12, v16  }
0x382: {  	v15 =	vld [tilespmem:s31+$0x91D0]  }
0x383: {  	v11 =	vmul.f32 v11, v53;
	v7 =	vadd.f32 v12, v7;
	v12 =	vadd.f32 $0.0e+00, v13  }
0x384: {  	v3 =	vadd.f32 v3, v17;
	v17 =	vld [tilespmem:s31+$0x9130]  }
0x385: {  	v19, _, _ =	vpop (xrf2);
	v10 =	vmul.f32 v10, v56;
	v13 =	vld [tilespmem:s31+$0x91E0];
	v11 =	vadd.f32 v11, v12  }
0x386: {  	v20 =	vmul.f32 v20, v21;
	v21, _, _ =	vpop (xrf2);
	(xrf2) =	vadd.scan.msk.f32 $0xffff, v4;
	v14 =	vmul.f32 v14, v30;
	v12 =	vld [tilespmem:s31+$0x91F0]  }
0x387: {  	v4 =	vadd.f32 v9, v5;
	v9 =	vmul.f32 v15, v27;
	v15, _, _ =	vpop (xrf2);
	(xrf2) =	vadd.scan.msk.f32 $0xffff, v7;
	v7 =	vadd.f32 v10, v11;
	v11 =	vld [tilespmem:$0x1FC90]  }
0x388: {  	v5 =	vadd.f32 $0.0e+00, v14  }
0x389: {  	v16 =	vld [tilespmem:s31+$0x9290]  }
0x38a: {  	v22 =	vld [tilespmem:$0x1FD00];
	v5 =	vadd.f32 v9, v5;
	v9 =	vmul.f32 v13, v28  }
0x38b: {  	v14 =	vld [tilespmem:s31+$0x92A0];
	v10 =	vmul.f32 v17, v54  }
0x38c: {  	v5 =	vadd.f32 v9, v5;
	v9 =	vmul.f32 v12, v29;
	v12 =	vld [tilespmem:$0x1FC80];
	v11 =	vmul.f32 v11, v61;
	_ =	sdelay $0x1  }
0x38d: {  	v7 =	vadd.f32 v10, v7;
	v10 =	vadd.f32 $0.0e+00, v11;
	v11 =	vmul.f32 v16, v63  }
0x38e: {  	v18 =	vld [tilespmem:$0x1FC50]  }
0x38f: {  	v10 =	vadd.f32 v11, v10;
	v11 =	vmul.f32 v14, v39;
	v14 =	vld [tilespmem:$0x1FC70]  }
0x390: {  	v17, _, _ =	vpop (xrf2);
	(xrf2) =	vadd.scan.msk.f32 $0xffff, v4;
	v12 =	vmul.f32 v12, v22;
	_ =	sdelay $0x1  }
0x391: {  	(xrf2) =	vadd.scan.msk.f32 $0xffff, v7;
	v7 =	vadd.f32 $0.0e+00, v12;
	_ =	sdelay $0x1  }
0x392: {  	v18 =	vmul.f32 v18, v25;
	v7 =	vadd.f32 v20, v7;
	v14 =	vmul.f32 v14, v34  }
0x393: {  	v5 =	vadd.f32 v9, v5  }
0x394: {  	v4, _, _ =	vpop (xrf2);
	v10 =	vadd.f32 v11, v10;
	v7 =	vadd.f32 v18, v7  }
0x395: {  	v23 =	vbroadcast v44, $0xF;
	v16, _, _ =	vpop (xrf2)  }
0x396: {  	v2 =	vbroadcast v2, $0xF;
	v24 =	vbroadcast v57, $0xF;
	(xrf2) =	vadd.scan.msk.f32 $0xffff, v5;
	v10 =	vadd.f32 v14, v10;
	v14, _, _ =	vpop (xrf2)  }
0x397: {  	v0 =	vbroadcast v0, $0xF;
	v18, _, _ =	vpop (xrf2);
	v14 =	vbroadcast v14, $0xF  }
0x398: {  	v1 =	vadd.f32 v1, v7;
	(xrf2) =	vadd.scan.msk.f32 $0xffff, v10;
	v10 =	vbroadcast v16, $0xF;
	v16 =	vbroadcast v18, $0xF;
	v7, _, _ =	vpop (xrf2)  }
0x399: {  	v3 =	vadd.f32 v37, v3;
	v17 =	vbroadcast v17, $0xF;
	v7 =	vbroadcast v7, $0xF  }
0x39a: {  	v4 =	vbroadcast v4, $0xF;
	v10 =	vsel vm0, v10, v16;
	v16 =	vbroadcast v21, $0xF  }
0x39b: {  	v19 =	vbroadcast v19, $0xF;
	(xrf2) =	vadd.scan.msk.f32 $0xffff, v1;
	v1 =	vsel vm0, v14, v7;
	v7 =	vsel vm1, v10, v17;
	v14, _, _ =	vpop (xrf2)  }
0x39c: {  	v1 =	vsel vm1, v1, v4;
	v4 =	vsel vm2, v7, v16;
	v7 =	vbroadcast v14, $0xF  }
0x39d: {  	v3 =	vadd.f32 v33, v3;
	v9 =	vbroadcast v31, $0xF;
	v10 =	vbroadcast v15, $0xF  }
0x39e: {  	v5 =	vbroadcast v50, $0xF;
	v22 =	vbroadcast v45, $0xF;
	v4 =	vsel vm3, v4, v19  }
0x39f: {  	v1 =	vsel vm2, v1, v10;
	v2 =	vsel vm4, v4, v2;
	v4 =	vbroadcast v26, $0xF  }
0x3a0: {  	v11 =	vbroadcast v41, $0xF;
	v20 =	vbroadcast v48, $0xF;
	v1 =	vsel vm3, v1, v7;
	v7, _, _ =	vpop (xrf2)  }
0x3a1: {  	(xrf2) =	vadd.scan.msk.f32 $0xffff, v3;
	v0 =	vsel vm4, v1, v0;
	v1 =	vsel vm5, v2, v24;
	v2 =	vbroadcast v7, $0xF  }
0x3a2: {  	v3 =	vbroadcast v43, $0xF;
	v0 =	vsel vm5, v0, v4;
	v1 =	vsel vm6, v1, v5  }
0x3a3: {  	v1 =	vsel vm7, v1, v20;
	v4, _, _ =	vpop (xrf2);
	v0 =	vsel vm6, v0, v2;
	v2 =	vbroadcast v38, $0xF  }
0x3a4: {  	v1 =	vsel vm8, v1, v22;
	v0 =	vsel vm7, v0, v3;
	v3 =	vbroadcast v4, $0xF  }
0x3a5: {  	v1 =	vsel vm9, v1, v23;
	v0 =	vsel vm8, v0, v2;
	v2 =	vbroadcast v6, $0xF  }
0x3a6: {  	v12 =	vbroadcast v36, $0xF;
	v1 =	vsel vm10, v1, v11;
	v4, _, _ =	vpop (xrf2);
	v0 =	vsel vm9, v0, v3  }
0x3a7: {  	v3 =	vbroadcast v8, $0xF;
	v0 =	vsel vm10, v0, v2;
	v2 =	vbroadcast v4, $0xF  }
0x3a8: {  	v13 =	vbroadcast v59, $0xF;
	v1 =	vsel vm11, v1, v12  }
0x3a9: {  	v1 =	vsel vm12, v1, v9;
	v0 =	vsel vm11, v0, v3;
	v3 =	vbroadcast v58, $0xF  }
0x3aa: {  	v1 =	vsel vm13, v1, v13;
	v0 =	vsel vm12, v0, v2  }
0x3ab: {  	s23 =	sadd.s32 $0x10, s28;
	s0 =	smin.u32 s0, $0x4D;
	v1 =	vsel vm14, v1, v32;
	v0 =	vsel vm13, v0, v3;
	v2, _, _ =	vpop (xrf2)  }
0x3ac: {  	s29 =	sadd.s32 $0x10, s29;
	s0 =	sshll.u32 s0, $0x7;
	[tilespmem:s23+$0x0] =	vst v1;
	v0 =	vsel vm14, v0, v2  }
0x3ad: {  	[tilespmem:s29+$0x0] =	vst v0;
	s29 =	sadd.s32 $0x100, s0  }
0x3ae: {  	[tilespmem:s14], [sflag:$0x1] =	stream.indirect.gather [hbm4b:s3+s13], $0x40, s29, s13, $0xb8;
	[tilespmem:$0x16000] =	vst v63  }
0x3af: {  	s0 =	sadd.s32 $0x2900, s0  }
0x3b0: {  	[tilespmem:s15], [sflag:$0x1] =	stream.indirect.gather [hbm4b:s4+s13], $0x40, s0, s13, $0xb8;
	[tilespmem:$0x16000] =	vst v63  }
0x3b1: {  	_ = 	snop  }
0x3b2: {  	[tilespmem:s16], [sflag:$0x1] =	stream.indirect.gather [hbm4b:s5+s13], $0x40, s0, s13, $0xb8;
	[tilespmem:$0x16000] =	vst v63  }
0x3b3: {  	_ =	swait.ge [sflag:s21], $0x2000  }
0x3b4: {  	[sflag:s21] =	ssyncset.done $0x0  }
0x3b5: {  	[sflag:s21] =	ssyncadd.s32 $0xFFFFE000  }
0x3b6: {  	_ =	swait.ge [sflag:s21], $0x2000  }
0x3b7: {  	[sflag:s21] =	ssyncset.done $0x0  }
0x3b8: {  	[sflag:s21] =	ssyncadd.s32 $0xFFFFE000  }
0x3b9: {  	_ =	swait.ge [sflag:s21], $0x2000  }
0x3ba: {  	[sflag:s21] =	ssyncset.done $0x0  }
0x3bb: {  	s29 =	simm.s32 $0x0;
	[sflag:s21] =	ssyncadd.s32 $0xFFFFE000  }
0x3bc: {  	v1 =	vld [tilespmem:s29+$0xF3D0];
	_ =	sdelay $0x4  }
0x3bd: {  	[tilespmem:$0x1F080] =	vst v1;
	v1 =	vld [tilespmem:s29+$0xF370];
	_ =	sdelay $0x4  }
0x3be: {  	[tilespmem:$0x1F0E0] =	vst v1;
	v1 =	vld [tilespmem:s29+$0xF3C0];
	_ =	sdelay $0x4  }
0x3bf: {  	[tilespmem:$0x1F110] =	vst v1;
	v1 =	vld [tilespmem:s29+$0xF360];
	_ =	sdelay $0x4  }
0x3c0: {  	[tilespmem:$0x1F180] =	vst v1;
	v1 =	vld [tilespmem:s29+$0xF350];
	_ =	sdelay $0x4  }
0x3c1: {  	[tilespmem:$0x1F1B0] =	vst v1;
	v1 =	vld [tilespmem:s29+$0xF2B0];
	_ =	sdelay $0x4  }
0x3c2: {  	[tilespmem:$0x1F200] =	vst v1;
	v1 =	vld [tilespmem:s29+$0xF340];
	_ =	sdelay $0x4  }
0x3c3: {  	[tilespmem:$0x1F1E0] =	vst v1;
	v1 =	vld [tilespmem:s29+$0xD230];
	_ =	sdelay $0x4  }
0x3c4: {  	[tilespmem:$0x1EEA0] =	vst v1;
	v1 =	vld [tilespmem:s29+$0xF220];
	_ =	sdelay $0x4  }
0x3c5: {  	[tilespmem:$0x1EEB0] =	vst v1;
	v1 =	vld [tilespmem:s29+$0xF280];
	_ =	sdelay $0x4  }
0x3c6: {  	[tilespmem:$0x1F1D0] =	vst v1;
	v1 =	vld [tilespmem:s29+$0xD1F0];
	_ =	sdelay $0x4  }
0x3c7: {  	[tilespmem:$0x1EF00] =	vst v1;
	v1 =	vld [tilespmem:s29+$0xD220];
	_ =	sdelay $0x4  }
0x3c8: {  	[tilespmem:$0x1EE80] =	vst v1;
	v1 =	vld [tilespmem:s29+$0xF1B0];
	_ =	sdelay $0x4  }
0x3c9: {  	[tilespmem:$0x1EF60] =	vst v1;
	v1 =	vld [tilespmem:s29+$0xD1B0];
	_ =	sdelay $0x4  }
0x3ca: {  	[tilespmem:$0x1EF50] =	vst v1;
	v1 =	vld [tilespmem:s29+$0xD1E0];
	_ =	sdelay $0x4  }
0x3cb: {  	[tilespmem:$0x1EED0] =	vst v1;
	v1 =	vld [tilespmem:s29+$0xF170];
	_ =	sdelay $0x4  }
0x3cc: {  	[tilespmem:$0x1EFC0] =	vst v1;
	v1 =	vld [tilespmem:s29+$0xF1A0];
	_ =	sdelay $0x4  }
0x3cd: {  	[tilespmem:$0x1EF20] =	vst v1;
	v1 =	vld [tilespmem:s29+$0xD170];
	_ =	sdelay $0x4  }
0x3ce: {  	[tilespmem:$0x1EFA0] =	vst v1;
	v1 =	vld [tilespmem:s29+$0xD1A0];
	_ =	sdelay $0x4  }
0x3cf: {  	[tilespmem:$0x1EF10] =	vst v1;
	v1 =	vld [tilespmem:s29+$0xF160];
	_ =	sdelay $0x4  }
0x3d0: {  	[tilespmem:$0x1EF90] =	vst v1;
	v1 =	vld [tilespmem:s29+$0xF190];
	_ =	sdelay $0x4  }
0x3d1: {  	[tilespmem:$0x1EEF0] =	vst v1;
	v1 =	vld [tilespmem:s29+$0xF1C0]  }
0x3d2: {  	v0 =	vld [tilespmem:s29+$0xF3F0]  }
0x3d3: {  	v63 =	vld [tilespmem:s29+$0xD3F0]  }
0x3d4: {  	v27 =	vld [tilespmem:s29+$0xD3E0]  }
0x3d5: {  	v45 =	vld [tilespmem:s29+$0xF3B0]  }
0x3d6: {  	[tilespmem:$0x1F1A0] =	vst v1;
	v1 =	vld [tilespmem:s29+$0xD130]  }
0x3d7: {  	v30 =	vld [tilespmem:s29+$0xD3B0]  }
0x3d8: {  	v21 =	vld [tilespmem:s29+$0xD3D0]  }
0x3d9: {  	v35 =	vld [tilespmem:s29+$0xF3A0]  }
0x3da: {  	v42 =	vld [tilespmem:s29+$0xD370]  }
0x3db: {  	[tilespmem:$0x1EFE0] =	vst v1;
	v1 =	vld [tilespmem:s29+$0xD160]  }
0x3dc: {  	v24 =	vld [tilespmem:s29+$0xD3A0]  }
0x3dd: {  	v61 =	vld [tilespmem:s29+$0xD3C0]  }
0x3de: {  	v55 =	vld [tilespmem:s29+$0xF330]  }
0x3df: {  	v17 =	vld [tilespmem:s29+$0xF390]  }
0x3e0: {  	[tilespmem:$0x1EF80] =	vst v1;
	v1 =	vld [tilespmem:s29+$0xD190]  }
0x3e1: {  	v50 =	vld [tilespmem:s29+$0xB3F0]  }
0x3e2: {  	v47 =	vld [tilespmem:s29+$0xD330]  }
0x3e3: {  	v40 =	vld [tilespmem:s29+$0xD360]  }
0x3e4: {  	v12 =	vld [tilespmem:s29+$0xD390]  }
0x3e5: {  	[tilespmem:$0x1EEE0] =	vst v1;
	v1 =	vld [tilespmem:s29+$0xF0F0]  }
0x3e6: {  	v44 =	vld [tilespmem:s29+$0xF320]  }
0x3e7: {  	v15 =	vld [tilespmem:s29+$0xF380]  }
0x3e8: {  	v57 =	vld [tilespmem:s29+$0xD2F0]  }
0x3e9: {  	v34 =	vld [tilespmem:s29+$0xD320]  }
0x3ea: {  	[tilespmem:$0x1F070] =	vst v1;
	v1 =	vld [tilespmem:s29+$0xF150]  }
0x3eb: {  	v20 =	vld [tilespmem:s29+$0xD350]  }
0x3ec: {  	v8 =	vld [tilespmem:s29+$0xD380]  }
0x3ed: {  	v54 =	vld [tilespmem:s29+$0xF2E0]  }
0x3ee: {  	v31 =	vld [tilespmem:s29+$0xF310]  }
0x3ef: {  	[tilespmem:$0x1EF70] =	vst v1;
	v1 =	vld [tilespmem:s29+$0xD0F0]  }
0x3f0: {  	v11 =	vld [tilespmem:s29+$0xB3E0]  }
0x3f1: {  	v43 =	vld [tilespmem:s29+$0xD2E0]  }
0x3f2: {  	v26 =	vld [tilespmem:s29+$0xD310]  }
0x3f3: {  	v14 =	vld [tilespmem:s29+$0xD340]  }
0x3f4: {  	[tilespmem:$0x1F030] =	vst v1;
	v1 =	vld [tilespmem:s29+$0xD120]  }
0x3f5: {  	v39 =	vld [tilespmem:s29+$0xF2D0]  }
0x3f6: {  	v25 =	vld [tilespmem:s29+$0xF300]  }
0x3f7: {  	v59 =	vld [tilespmem:s29+$0xD2A0]  }
0x3f8: {  	v33 =	vld [tilespmem:s29+$0xD2D0]  }
0x3f9: {  	[tilespmem:$0x1EFD0] =	vst v1;
	v1 =	vld [tilespmem:s29+$0xD150]  }
0x3fa: {  	v19 =	vld [tilespmem:s29+$0xD300]  }
0x3fb: {  	v29 =	vld [tilespmem:s29+$0xF2C0]  }
0x3fc: {  	v18 =	vld [tilespmem:s29+$0xB3B0]  }
0x3fd: {  	v52 =	vld [tilespmem:s29+$0xD260]  }
0x3fe: {  	[tilespmem:$0x1EF30] =	vst v1;
	v1 =	vld [tilespmem:s29+$0xF0B0]  }
0x3ff: {  	v41 =	vld [tilespmem:s29+$0xD290]  }
0x400: {  	v23 =	vld [tilespmem:s29+$0xD2C0]  }
0x401: {  	v51 =	vld [tilespmem:s29+$0xF250]  }
0x402: {  	[tilespmem:$0x1EFF0] =	vst v0;
	v0 =	vld [tilespmem:s29+$0xF3E0]  }
0x403: {  	[tilespmem:$0x1F100] =	vst v1;
	v1 =	vld [tilespmem:s29+$0xF0E0]  }
0x404: {  	v37 =	vld [tilespmem:s29+$0xD250]  }
0x405: {  	v32 =	vld [tilespmem:s29+$0xD280]  }
0x406: {  	v62 =	vld [tilespmem:s29+$0xF210]  }
0x407: {  	[tilespmem:$0x1F050] =	vst v0;
	v0 =	vld [tilespmem:s29+$0xF2F0]  }
0x408: {  	[tilespmem:$0x1F040] =	vst v1;
	v1 =	vld [tilespmem:s29+$0xF140]  }
0x409: {  	v38 =	vld [tilespmem:s29+$0xF240]  }
0x40a: {  	v13 =	vld [tilespmem:s29+$0xB370]  }
0x40b: {  	v6 =	vld [tilespmem:s29+$0xB3A0]  }
0x40c: {  	[tilespmem:$0x1EE40] =	vst v0;
	v0 =	vld [tilespmem:s29+$0xD2B0]  }
0x40d: {  	[tilespmem:$0x1EF40] =	vst v1;
	v1 =	vld [tilespmem:s29+$0xD0B0]  }
0x40e: {  	v7 =	vld [tilespmem:s29+$0xB3C0]  }
0x40f: {  	v49 =	vld [tilespmem:s29+$0xD210]  }
0x410: {  	v28 =	vld [tilespmem:s29+$0xD240]  }
0x411: {  	[tilespmem:$0x1EE50] =	vst v0;
	v0 =	vld [tilespmem:s29+$0xF270]  }
0x412: {  	[tilespmem:$0x1F0C0] =	vst v1;
	v1 =	vld [tilespmem:s29+$0xD0E0]  }
0x413: {  	v48 =	vld [tilespmem:s29+$0xF200]  }
0x414: {  	v60 =	vld [tilespmem:s29+$0xD1D0]  }
0x415: {  	v36 =	vld [tilespmem:s29+$0xD200]  }
0x416: {  	[tilespmem:$0x1EE90] =	vst v0;
	v0 =	vld [tilespmem:s29+$0xD270]  }
0x417: {  	[tilespmem:$0x1F010] =	vst v1;
	v1 =	vld [tilespmem:s29+$0xD110]  }
0x418: {  	v16 =	vld [tilespmem:s29+$0xB330]  }
0x419: {  	v9 =	vld [tilespmem:s29+$0xB360]  }
0x41a: {  	v4 =	vld [tilespmem:s29+$0xB390]  }
0x41b: {  	[tilespmem:$0x1EE60] =	vst v0;
	v0 =	vld [tilespmem:s29+$0xF230]  }
0x41c: {  	[tilespmem:$0x1EFB0] =	vst v1;
	v1 =	vld [tilespmem:s29+$0xF030]  }
0x41d: {  	v46 =	vld [tilespmem:s29+$0xD1C0]  }
0x41e: {  	v58 =	vld [tilespmem:s29+$0xF180]  }
0x41f: {  	v53 =	vld [tilespmem:s29+$0xD180]  }
0x420: {  	[tilespmem:$0x1EEC0] =	vst v0;
	v0 =	vld [tilespmem:s29+$0xF260]  }
0x421: {  	[tilespmem:$0x1F150] =	vst v1;
	v1 =	vld [tilespmem:s29+$0xF0A0]  }
0x422: {  	v22 =	vld [tilespmem:s29+$0xB2F0]  }
0x423: {  	v5 =	vld [tilespmem:s29+$0xF100]  }
0x424: {  	v2 =	vld [tilespmem:s29+$0xB380]  }
0x425: {  	[tilespmem:$0x1EE70] =	vst v0;
	v0 =	vld [tilespmem:s29+$0xB3D0]  }
0x426: {  	[tilespmem:$0x1F0D0] =	vst v1;
	v1 =	vld [tilespmem:s29+$0xF0D0]  }
0x427: {  	v10 =	vld [tilespmem:s29+$0xB320]  }
0x428: {  	[tilespmem:$0x1F170] =	vst v5;
	v5 =	vld [tilespmem:s29+$0xD030]  }
0x429: {  	[tilespmem:$0x1F120] =	vst v7;
	v61 =	vmul.f32 v61, v7;
	v7 =	vld [tilespmem:s29+$0xD070]  }
0x42a: {  	v8 =	vmul.f32 v8, v2;
	[tilespmem:$0x1F090] =	vst v0;
	v21 =	vmul.f32 v21, v0;
	v0 =	vld [tilespmem:s29+$0xD0A0]  }
0x42b: {  	[tilespmem:$0x1F020] =	vst v1;
	v1 =	vld [tilespmem:s29+$0xB340]  }
0x42c: {  	v3 =	vld [tilespmem:s29+$0xB350];
	[tilespmem:$0x1F060] =	vst v11;
	v12 =	vmul.f32 v12, v4;
	v8 =	vadd.f32 $0.0e+00, v8  }
0x42d: {  	v56 =	vld [tilespmem:s29+$0xD140];
	v2 =	vmul.f32 v15, v2;
	v61 =	vadd.f32 $0.0e+00, v61;
	[tilespmem:$0x1F130] =	vst v5  }
0x42e: {  	v4 =	vmul.f32 v17, v4;
	v8 =	vadd.f32 v12, v8;
	v12 =	vmul.f32 v24, v6;
	v5 =	vld [tilespmem:s29+$0xB300];
	[tilespmem:$0x1F160] =	vst v7  }
0x42f: {  	v17 =	vmul.f32 v30, v18;
	v7 =	vld [tilespmem:s29+$0xB310];
	v61 =	vadd.f32 v21, v61;
	[tilespmem:$0x1F0A0] =	vst v0;
	v0 =	vmul.f32 v27, v11  }
0x430: {  	v8 =	vadd.f32 v12, v8;
	[tilespmem:$0x1F1F0] =	vst v1;
	v11 =	vmul.f32 v14, v1;
	v1 =	vadd.f32 $0.0e+00, v2;
	v2 =	vld [tilespmem:s29+$0xF020]  }
0x431: {  	v30 =	vld [tilespmem:s29+$0xB2B0];
	v12 =	vmul.f32 v63, v50;
	v0 =	vadd.f32 v0, v61  }
0x432: {  	v63 =	vadd.f32 v17, v8;
	v8 =	vld [tilespmem:s29+$0xB2E0]  }
0x433: {  	[tilespmem:$0x1F000] =	vst v50;
	v15 =	vmul.f32 v20, v3;
	v17 =	vld [tilespmem:s29+$0xF0C0];
	v50 =	vadd.f32 v12, v0  }
0x434: {  	v14 =	vld [tilespmem:s29+$0xB2C0];
	v11 =	vadd.f32 $0.0e+00, v11;
	v0 =	vadd.f32 v4, v1;
	v1 =	vmul.f32 v19, v5  }
0x435: {  	v12 =	vmul.f32 v26, v7;
	v4 =	vmul.f32 v35, v6;
	[tilespmem:$0x1F140] =	vst v2;
	v2 =	vld [tilespmem:s29+$0xF090]  }
0x436: {  	v61 =	vld [tilespmem:s29+$0xB2D0];
	v6 =	vadd.f32 v15, v11;
	v11 =	vmul.f32 v40, v9;
	v1 =	vadd.f32 $0.0e+00, v1  }
0x437: {  	[tilespmem:$0x1F1C0] =	vst v3;
	v3 =	vmul.f32 v31, v7;
	v21 =	vld [tilespmem:s29+$0xD100];
	v0 =	vadd.f32 v4, v0;
	v4 =	vmul.f32 v45, v18  }
0x438: {  	[tilespmem:$0x1F190] =	vst v9;
	v27 =	vld [tilespmem:s29+$0xD0D0];
	v9 =	vmul.f32 v42, v13;
	v6 =	vadd.f32 v11, v6;
	v1 =	vadd.f32 v12, v1  }
0x439: {  	v7 =	vld [tilespmem:s29+$0xB260];
	v12 =	vmul.f32 v34, v10;
	v11 =	vadd.f32 v4, v0;
	v0 =	vmul.f32 v23, v14  }
0x43a: {  	v15 =	vld [tilespmem:s29+$0xB280];
	v4 =	vmul.f32 v47, v16;
	v40 =	vadd.f32 v9, v6;
	[tilespmem:$0x1F0B0] =	vst v2;
	v2 =	vmul.f32 v25, v5  }
0x43b: {  	[tilespmem:$0x1F0F0] =	vst v13;
	v13 =	vld [tilespmem:s29+$0xB290];
	v1 =	vadd.f32 v12, v1;
	v0 =	vadd.f32 $0.0e+00, v0;
	v9 =	vmul.f32 v33, v61  }
0x43c: {  	v42 =	vld [tilespmem:s29+$0xB2A0];
	v2 =	vadd.f32 $0.0e+00, v2  }
0x43d: {  	v23 =	vld [tilespmem:s29+$0xB220];
	v5 =	vadd.f32 v4, v1;
	v0 =	vadd.f32 v9, v0;
	v1 =	vmul.f32 v43, v8  }
0x43e: {  	v6 =	vld [tilespmem:s29+$0xB240];
	v2 =	vadd.f32 v3, v2;
	v3 =	vmul.f32 v44, v10  }
0x43f: {  	v14 =	vmul.f32 v29, v14;
	v12 =	vld [tilespmem:s29+$0xB250];
	v9 =	vmul.f32 v39, v61;
	v0 =	vadd.f32 v1, v0  }
0x440: {  	v61 =	vmovc v15;
	v1 =	vmul.f32 v32, v15;
	v15 =	vld [tilespmem:s29+$0xB200];
	v2 =	vadd.f32 v3, v2;
	v3 =	vmul.f32 v55, v16  }
0x441: {  	v10 =	vld [tilespmem:$0x1EE40]  }
0x442: {  	v55 =	vld [tilespmem:s29+$0xD020];
	v4 =	vadd.f32 v3, v2;
	v2 =	vadd.f32 $0.0e+00, v14  }
0x443: {  	v16 =	vld [tilespmem:s29+$0xD060];
	v14 =	vmul.f32 v57, v22  }
0x444: {  	v3 =	vld [tilespmem:s29+$0xB270];
	v2 =	vadd.f32 v9, v2;
	v9 =	vmul.f32 v54, v8  }
0x445: {  	v8 =	vadd.f32 v14, v0;
	v14 =	vld [tilespmem:s29+$0xB210]  }
0x446: {  	v9 =	vadd.f32 v9, v2;
	v2 =	vld [tilespmem:s29+$0xD090]  }
0x447: {  	v19 =	vmul.f32 v28, v6;
	v24 =	vld [tilespmem:s29+$0xB230]  }
0x448: {  	v0 =	vadd.f32 $0.0e+00, v1;
	v1 =	vmul.f32 v41, v13;
	v54 =	vmov v13;
	v13 =	vld [tilespmem:$0x1EE60]  }
0x449: {  	v20 =	vmul.f32 v37, v12;
	v19 =	vadd.f32 $0.0e+00, v19;
	_ =	sdelay $0x1  }
0x44a: {  	v19 =	vadd.f32 v20, v19;
	v20 =	vmul.f32 v59, v42;
	v0 =	vadd.f32 v1, v0;
	_ =	sdelay $0x1  }
0x44b: {  	v0 =	vadd.f32 v20, v0;
	v20 =	vmul.f32 v13, v3;
	v13 =	vld [tilespmem:$0x1EE70];
	_ =	sdelay $0x1  }
0x44c: {  	v6 =	vmul.f32 v38, v6;
	v10 =	vmul.f32 v10, v22;
	_ =	sdelay $0x1  }
0x44d: {  	v6 =	vadd.f32 $0.0e+00, v6;
	v1 =	vadd.f32 v10, v9;
	v9 =	vmul.f32 v51, v12  }
0x44e: {  	v22 =	vmul.f32 v52, v7;
	v7 =	vmul.f32 v13, v7;
	v13 =	vld [tilespmem:$0x1EE90]  }
0x44f: {  	v6 =	vadd.f32 v9, v6;
	v9 =	vld [tilespmem:$0x1EE50];
	_ =	sdelay $0x1  }
0x450: {  	v12 =	vmul.f32 v36, v15  }
0x451: {  	v10 =	vadd.f32 v22, v19;
	v25 =	vmul.f32 v49, v14  }
0x452: {  	v22 =	vadd.f32 $0.0e+00, v12;
	v6 =	vadd.f32 v7, v6;
	v3 =	vmul.f32 v13, v3  }
0x453: {  	v9 =	vmul.f32 v9, v30  }
0x454: {  	v7 =	vadd.f32 v25, v22;
	v22 =	vadd.f32 v3, v6;
	v6 =	vld [tilespmem:$0x1EEB0]  }
0x455: {  	v12 =	vadd.f32 v9, v0;
	v0 =	vadd.f32 v20, v10;
	v9 =	vmul.f32 v48, v15;
	v10 =	vld [tilespmem:$0x1EE80]  }
0x456: {  	v39 =	vld [tilespmem:s29+$0xB1C0]  }
0x457: {  	v14 =	vmul.f32 v62, v14;
	v9 =	vadd.f32 $0.0e+00, v9;
	v13 =	vld [tilespmem:$0x1EEA0]  }
0x458: {  	v26 =	vld [tilespmem:s29+$0xB180]  }
0x459: {  	v36 =	vld [tilespmem:s29+$0xB1D0];
	v3 =	vadd.f32 v14, v9;
	v6 =	vmul.f32 v6, v23  }
0x45a: {  	v35 =	vld [tilespmem:s29+$0xB1E0];
	v10 =	vmul.f32 v10, v23  }
0x45b: {  	v3 =	vadd.f32 v6, v3;
	v6 =	vld [tilespmem:$0x1EEC0]  }
0x45c: {  	v7 =	vadd.f32 v10, v7;
	v10 =	vmul.f32 v46, v39;
	v15 =	vmul.f32 v13, v24;
	v13 =	vld [tilespmem:$0x1EED0];
	_ =	sdelay $0x1  }
0x45d: {  	v9 =	vmul.f32 v60, v36;
	v15 =	vadd.f32 v15, v7;
	v7 =	vadd.f32 $0.0e+00, v10;
	_ =	sdelay $0x1  }
0x45e: {  	v20 =	vld [tilespmem:s29+$0xB190];
	v7 =	vadd.f32 v9, v7;
	v9 =	vmul.f32 v58, v26;
	v6 =	vmul.f32 v6, v24  }
0x45f: {  	v24 =	vmul.f32 v53, v26;
	v26 =	vmul.f32 v13, v35;
	v13 =	vld [tilespmem:$0x1EEF0]  }
0x460: {  	v38 =	vmov v30;
	v30 =	vadd.f32 v6, v3;
	v6 =	vld [tilespmem:$0x1EEE0];
	_ =	sdelay $0x4  }
0x461: {  	v9 =	vadd.f32 $0.0e+00, v9;
	v6 =	vmul.f32 v6, v20;
	v20 =	vmul.f32 v13, v20  }
0x462: {  	v25 =	vld [tilespmem:s29+$0xB1A0]  }
0x463: {  	v20 =	vadd.f32 v20, v9;
	v9 =	vld [tilespmem:$0x1EF10]  }
0x464: {  	v10 =	vld [tilespmem:s29+$0xB140]  }
0x465: {  	v13 =	vld [tilespmem:$0x1EF40]  }
0x466: {  	v34 =	vld [tilespmem:s29+$0xB1F0]  }
0x467: {  	v23 =	vld [tilespmem:s29+$0xB1B0];
	v3 =	vadd.f32 $0.0e+00, v24  }
0x468: {  	v48 =	vmul.f32 v9, v25;
	v9 =	vld [tilespmem:$0x1EF20]  }
0x469: {  	v3 =	vadd.f32 v6, v3;
	v6 =	vld [tilespmem:$0x1EF00]  }
0x46a: {  	v49 =	vmul.f32 v13, v10;
	v13 =	vld [tilespmem:$0x1EF50];
	_ =	sdelay $0x2  }
0x46b: {  	v25 =	vmul.f32 v9, v25  }
0x46c: {  	v28 =	vld [tilespmem:s29+$0xB150];
	v7 =	vadd.f32 v26, v7;
	v6 =	vmul.f32 v6, v34  }
0x46d: {  	v20 =	vadd.f32 v25, v20;
	v25 =	vmul.f32 v13, v23;
	v13 =	vld [tilespmem:$0x1EF60]  }
0x46e: {  	v37 =	vadd.f32 v6, v7;
	v7 =	vld [tilespmem:$0x1EF30];
	_ =	sdelay $0x2  }
0x46f: {  	v62 =	vld [tilespmem:s29+$0xB170];
	v31 =	vmul.f32 v56, v10  }
0x470: {  	v23 =	vmul.f32 v13, v23;
	v13 =	vld [tilespmem:$0x1EFA0]  }
0x471: {  	v6 =	vadd.f32 $0.0e+00, v31;
	v7 =	vmul.f32 v7, v28;
	_ =	sdelay $0x1  }
0x472: {  	v7 =	vadd.f32 v7, v6;
	v6 =	vld [tilespmem:$0x1EF70]  }
0x473: {  	v10 =	vld [tilespmem:s29+$0xB110]  }
0x474: {  	v3 =	vadd.f32 v48, v3;
	v53 =	vmul.f32 v13, v62;
	v13 =	vld [tilespmem:$0x1EFB0]  }
0x475: {  	v26 =	vld [tilespmem:s29+$0xB160]  }
0x476: {  	v25 =	vadd.f32 v25, v3;
	v3 =	vld [tilespmem:$0x1EF90]  }
0x477: {  	v28 =	vmul.f32 v6, v28;
	v6 =	vld [tilespmem:$0x1EF80];
	_ =	sdelay $0x1  }
0x478: {  	v56 =	vmul.f32 v13, v10;
	v13 =	vld [tilespmem:$0x1EFC0]  }
0x479: {  	v33 =	vadd.f32 $0.0e+00, v49;
	v9 =	vld [tilespmem:s29+$0xB100];
	_ =	sdelay $0x1  }
0x47a: {  	v28 =	vadd.f32 v28, v33;
	v52 =	vmul.f32 v6, v26;
	v26 =	vmul.f32 v3, v26  }
0x47b: {  	v6 =	vld [tilespmem:s29+$0xB120]  }
0x47c: {  	v26 =	vadd.f32 v26, v28;
	v28 =	vmul.f32 v13, v62;
	v13 =	vld [tilespmem:$0x1EFD0]  }
0x47d: {  	v21 =	vmul.f32 v21, v9;
	_ =	sdelay $0x1  }
0x47e: {  	v21 =	vadd.f32 $0.0e+00, v21;
	v7 =	vadd.f32 v52, v7;
	_ =	sdelay $0x1  }
0x47f: {  	v33 =	vadd.f32 v53, v7;
	v7 =	vadd.f32 v56, v21;
	v21 =	vmul.f32 v13, v6  }
0x480: {  	v3 =	vld [tilespmem:s29+$0xB130]  }
0x481: {  	v21 =	vadd.f32 v21, v7;
	v7 =	vld [tilespmem:$0x1EFE0]  }
0x482: {  	v57 =	vld [tilespmem:s29+$0xB0E0]  }
0x483: {  	v59 =	vld [tilespmem:s29+$0xB080]  }
0x484: {  	v19 =	vld [tilespmem:s29+$0xD0C0]  }
0x485: {  	v13 =	vld [tilespmem:$0x1F000]  }
0x486: {  	v62 =	vmul.f32 v7, v3;
	v7 =	vld [tilespmem:$0x1EFF0]  }
0x487: {  	v51 =	vld [tilespmem:s29+$0xB0C0]  }
0x488: {  	(xrf2) =	vadd.scan.msk.f32 $0xffff, v50;
	v29 =	vld [tilespmem:s29+$0xB0A0]  }
0x489: {  	(xrf2) =	vadd.scan.msk.f32 $0xffff, v63;
	v20 =	vadd.f32 v23, v20;
	v23 =	vld [tilespmem:s29+$0xB0D0]  }
0x48a: {  	v50 =	vld [tilespmem:s29+$0xB000];
	(xrf2) =	vadd.scan.msk.f32 $0xffff, v11  }
0x48b: {  	(xrf2) =	vadd.scan.msk.f32 $0xffff, v40;
	v7 =	vmul.f32 v7, v13;
	v13 =	vld [tilespmem:$0x1F010]  }
0x48c: {  	v11 =	vld [tilespmem:$0x1F040];
	(xrf2) =	vadd.scan.msk.f32 $0xffff, v5;
	v19 =	vmul.f32 v19, v51  }
0x48d: {  	(xrf2) =	vadd.scan.msk.f32 $0xffff, v4;
	v4 =	vld [tilespmem:$0x1F080]  }
0x48e: {  	(xrf2) =	vadd.scan.msk.f32 $0xffff, v8;
	v8 =	vld [tilespmem:$0x1F0B0];
	v19 =	vadd.f32 $0.0e+00, v19;
	v26 =	vadd.f32 v28, v26;
	v28 =	vmul.f32 v27, v23  }
0x48f: {  	v18 =	vmul.f32 v17, v51;
	v17 =	vld [tilespmem:$0x1F070]  }
0x490: {  	v19 =	vadd.f32 v28, v19;
	v28 =	vmul.f32 v13, v57;
	v13 =	vld [tilespmem:$0x1F020]  }
0x491: {  	(xrf2) =	vadd.scan.msk.f32 $0xffff, v1;
	v1 =	vld [tilespmem:$0x1F0C0]  }
0x492: {  	v60 =	vld [tilespmem:s29+$0xD010]  }
0x493: {  	v31 =	vld [tilespmem:s29+$0xD080]  }
0x494: {  	v58 =	vld [tilespmem:s29+$0xB0F0]  }
0x495: {  	v18 =	vadd.f32 $0.0e+00, v18;
	v24 =	vld [tilespmem:s29+$0xF080];
	v23 =	vmul.f32 v13, v23  }
0x496: {  	v48 =	vld [tilespmem:s29+$0xB090]  }
0x497: {  	v13 =	vld [tilespmem:$0x1F030];
	v18 =	vadd.f32 v23, v18;
	v23 =	vmul.f32 v11, v57  }
0x498: {  	v27 =	vmul.f32 v31, v59;
	v31 =	vld [tilespmem:s29+$0xB0B0]  }
0x499: {  	v18 =	vadd.f32 v23, v18;
	v23 =	vmul.f32 v17, v58;
	v17 =	vld [tilespmem:$0x1F090]  }
0x49a: {  	v5 =	vmul.f32 v24, v59;
	v24 =	vld [tilespmem:s29+$0xB010]  }
0x49b: {  	v11 =	vld [tilespmem:$0x1F050]  }
0x49c: {  	v19 =	vadd.f32 v28, v19;
	v28 =	vmul.f32 v13, v58;
	v13 =	vld [tilespmem:$0x1F060]  }
0x49d: {  	v51 =	vmul.f32 v1, v31;
	v1 =	vld [tilespmem:$0x1F0D0]  }
0x49e: {  	v5 =	vadd.f32 $0.0e+00, v5;
	v8 =	vmul.f32 v8, v48;
	v4 =	vmul.f32 v4, v17;
	v17 =	vld [tilespmem:$0x1F0A0]  }
0x49f: {  	v49 =	vld [tilespmem:s29+$0xD000]  }
0x4a0: {  	v2 =	vmul.f32 v2, v48;
	v5 =	vadd.f32 v8, v5;
	v8 =	vld [tilespmem:$0x1F0F0];
	v18 =	vadd.f32 v23, v18  }
0x4a1: {  	v23 =	vld [tilespmem:s29+$0xB020];
	v13 =	vmul.f32 v11, v13;
	v11 =	vadd.f32 v28, v19;
	v19 =	vadd.f32 $0.0e+00, v27  }
0x4a2: {  	v27 =	vld [tilespmem:s29+$0xF000]  }
0x4a3: {  	v2 =	vadd.f32 v2, v19;
	v19 =	vmul.f32 v17, v29;
	v29 =	vmul.f32 v1, v29;
	v1 =	vld [tilespmem:$0x1F0E0]  }
0x4a4: {  	v17 =	vld [tilespmem:$0x1F100]  }
0x4a5: {  	v2 =	vadd.f32 v19, v2;
	v19 =	vmul.f32 v49, v50  }
0x4a6: {  	(xrf2) =	vadd.scan.msk.f32 $0xffff, v12  }
0x4a7: {  	(xrf2) =	vadd.scan.msk.f32 $0xffff, v0;
	v5 =	vadd.f32 v29, v5;
	v0 =	vadd.f32 $0.0e+00, v19;
	v19 =	vmul.f32 v60, v24  }
0x4a8: {  	v12 =	vld [tilespmem:s29+$0xB040];
	(xrf2) =	vadd.scan.msk.f32 $0xffff, v22;
	v32 =	vadd.f32 v51, v2;
	v2 =	vmul.f32 v27, v50;
	v1 =	vmul.f32 v1, v8  }
0x4a9: {  	v14 =	vld [tilespmem:s29+$0xF010];
	v8, _, _ =	vpop (xrf2);
	v27 =	vmul.f32 v17, v31;
	(xrf2) =	vadd.scan.msk.f32 $0xffff, v15;
	v15 =	vadd.f32 v19, v0;
	v19 =	vmul.f32 v55, v23  }
0x4aa: {  	v52 =	vld [tilespmem:s29+$0xB030]  }
0x4ab: {  	v27 =	vadd.f32 v27, v5;
	v5 =	vadd.f32 v19, v15;
	v15 =	vld [tilespmem:$0x1F130]  }
0x4ac: {  	v22 =	vld [tilespmem:s29+$0xB050]  }
0x4ad: {  	v53 =	vld [tilespmem:s29+$0xD050]  }
0x4ae: {  	v14 =	vmul.f32 v14, v24;
	v17 =	vld [tilespmem:$0x1F120];
	v2 =	vadd.f32 $0.0e+00, v2  }
0x4af: {  	v0 =	vld [tilespmem:$0x1F110]  }
0x4b0: {  	v14 =	vadd.f32 v14, v2;
	v2 =	vld [tilespmem:$0x1F140];
	v15 =	vmul.f32 v15, v52  }
0x4b1: {  	v28 =	vld [tilespmem:s29+$0xD040]  }
0x4b2: {  	v15 =	vadd.f32 v15, v5;
	v5 =	vld [tilespmem:$0x1F150]  }
0x4b3: {  	v58 =	vld [tilespmem:s29+$0xF060];
	v29, _, _ =	vpop (xrf2)  }
0x4b4: {  	v24 =	vld [tilespmem:s29+$0xB060];
	(xrf2) =	vadd.scan.msk.f32 $0xffff, v30;
	v56 =	vmul.f32 v0, v17;
	v0, _, _ =	vpop (xrf2)  }
0x4b5: {  	v31 =	vld [tilespmem:s29+$0xF040];
	(xrf2) =	vadd.scan.msk.f32 $0xffff, v37;
	v30, _, _ =	vpop (xrf2);
	v23 =	vmul.f32 v2, v23  }
0x4b6: {  	v17 =	vld [tilespmem:$0x1F170];
	(xrf2) =	vadd.scan.msk.f32 $0xffff, v25;
	v57, _, _ =	vpop (xrf2)  }
0x4b7: {  	v19 =	vmul.f32 v28, v12;
	v28 =	vld [tilespmem:s29+$0xF050];
	v2, _, _ =	vpop (xrf2);
	(xrf2) =	vadd.scan.msk.f32 $0xffff, v20;
	v14 =	vadd.f32 v23, v14;
	v23 =	vmul.f32 v5, v52  }
0x4b8: {  	v21 =	vadd.f32 v62, v21;
	v59, _, _ =	vpop (xrf2);
	(xrf2) =	vadd.scan.msk.f32 $0xffff, v33  }
0x4b9: {  	v5, _, _ =	vpop (xrf2);
	(xrf2) =	vadd.scan.msk.f32 $0xffff, v26  }
0x4ba: {  	v19 =	vadd.f32 $0.0e+00, v19;
	v12 =	vmul.f32 v31, v12;
	v31 =	vld [tilespmem:s29+$0xF110];
	v20 =	vmul.f32 v53, v22;
	v26, _, _ =	vpop (xrf2);
	(xrf2) =	vadd.scan.msk.f32 $0xffff, v21  }
0x4bb: {  	v16 =	vmul.f32 v16, v24;
	v9 =	vmul.f32 v17, v9;
	v17 =	vld [tilespmem:$0x1F190];
	v14 =	vadd.f32 v23, v14;
	v23, _, _ =	vpop (xrf2);
	(xrf2) =	vadd.scan.msk.f32 $0xffff, v11  }
0x4bc: {  	v19 =	vadd.f32 v20, v19;
	v21 =	vmul.f32 v28, v22;
	v28, _, _ =	vpop (xrf2);
	(xrf2) =	vadd.scan.msk.f32 $0xffff, v18;
	v18 =	vmul.f32 v58, v24;
	v24 =	vld [tilespmem:$0x1F180]  }
0x4bd: {  	v25 =	vld [tilespmem:s29+$0xB070]  }
0x4be: {  	v11 =	vadd.f32 v16, v19;
	v16 =	vld [tilespmem:$0x1F160];
	_ =	sdelay $0x1  }
0x4bf: {  	v20 =	vld [tilespmem:s29+$0xF070]  }
0x4c0: {  	v24 =	vmul.f32 v24, v17;
	v17 =	vld [tilespmem:$0x1F1A0]  }
0x4c1: {  	v12 =	vadd.f32 $0.0e+00, v12;
	v22 =	vld [tilespmem:s29+$0xF120];
	v60, _, _ =	vpop (xrf2);
	(xrf2) =	vadd.scan.msk.f32 $0xffff, v32  }
0x4c2: {  	v10 =	vmul.f32 v31, v10;
	v19 =	vld [tilespmem:s29+$0xF1D0];
	v31, _, _ =	vpop (xrf2);
	(xrf2) =	vadd.scan.msk.f32 $0xffff, v27;
	v16 =	vmul.f32 v16, v25  }
0x4c3: {  	v12 =	vadd.f32 v21, v12;
	v27, _, _ =	vpop (xrf2);
	(xrf2) =	vadd.scan.msk.f32 $0xffff, v15;
	v15 =	vld [tilespmem:$0x1F1B0]  }
0x4c4: {  	v11 =	vadd.f32 v16, v11;
	v16 =	vld [tilespmem:s29+$0xF1E0]  }
0x4c5: {  	v12 =	vadd.f32 v18, v12;
	v18 =	vmul.f32 v20, v25;
	v20 =	vmul.f32 v17, v39;
	v17 =	vld [tilespmem:$0x1F1C0]  }
0x4c6: {  	v6 =	vmul.f32 v22, v6  }
0x4c7: {  	v22, _, _ =	vpop (xrf2);
	(xrf2) =	vadd.scan.msk.f32 $0xffff, v14;
	v12 =	vadd.f32 v18, v12;
	v18 =	vmul.f32 v19, v36;
	v14 =	vadd.f32 $0.0e+00, v20  }
0x4c8: {  	v9 =	vadd.f32 $0.0e+00, v9  }
0x4c9: {  	v21 =	vld [tilespmem:s29+$0xF130];
	v16 =	vmul.f32 v16, v35;
	v14 =	vadd.f32 v18, v14  }
0x4ca: {  	v9 =	vadd.f32 v10, v9;
	v15 =	vmul.f32 v15, v17;
	v17 =	vld [tilespmem:$0x1F1F0]  }
0x4cb: {  	v14 =	vadd.f32 v16, v14;
	v16 =	vld [tilespmem:$0x1F1E0]  }
0x4cc: {  	v6 =	vadd.f32 v6, v9;
	v9 =	vld [tilespmem:$0x1F1D0]  }
0x4cd: {  	v10 =	vld [tilespmem:s29+$0xF1F0]  }
0x4ce: {  	v25 =	vld [tilespmem:s29+$0xF290]  }
0x4cf: {  	v3 =	vmul.f32 v21, v3;
	v19 =	vld [tilespmem:s29+$0xF2A0]  }
0x4d0: {  	v20, _, _ =	vpop (xrf2);
	(xrf2) =	vadd.scan.msk.f32 $0xffff, v11;
	v16 =	vmul.f32 v16, v17;
	v17 =	vld [tilespmem:$0x1F200]  }
0x4d1: {  	v3 =	vadd.f32 v3, v6;
	v9 =	vmul.f32 v9, v61;
	v11, _, _ =	vpop (xrf2);
	(xrf2) =	vadd.scan.msk.f32 $0xffff, v12  }
0x4d2: {  	v10 =	vmul.f32 v10, v34;
	v12, _, _ =	vpop (xrf2)  }
0x4d3: {  	v6 =	vadd.f32 $0.0e+00, v9;
	v9 =	vmul.f32 v25, v54;
	v21, _, _ =	vpop (xrf2)  }
0x4d4: {  	v25, _, _ =	vpop (xrf2);
	v10 =	vadd.f32 v10, v14  }
0x4d5: {  	v6 =	vadd.f32 v9, v6;
	v9 =	vmul.f32 v19, v42;
	(xrf2) =	vadd.scan.msk.f32 $0xffff, v3;
	v3, _, _ =	vpop (xrf2);
	v17 =	vmul.f32 v17, v38  }
0x4d6: {  	v41 =	vadd.f32 $0.0e+00, v56;
	v19, _, _ =	vpop (xrf2);
	v14 =	vadd.f32 $0.0e+00, v16  }
0x4d7: {  	v6 =	vadd.f32 v9, v6;
	v16 =	vbroadcast v30, $0xF;
	v30, _, _ =	vpop (xrf2)  }
0x4d8: {  	v4 =	vadd.f32 v4, v41;
	(xrf2) =	vadd.scan.msk.f32 $0xffff, v10;
	v10, _, _ =	vpop (xrf2);
	v14 =	vadd.f32 v15, v14  }
0x4d9: {  	v26 =	vbroadcast v26, $0xF;
	v23 =	vbroadcast v23, $0xF;
	v6 =	vadd.f32 v17, v6;
	v17, _, _ =	vpop (xrf2)  }
0x4da: {  	v22 =	vbroadcast v22, $0xF;
	v18 =	vbroadcast v29, $0xF;
	v14 =	vadd.f32 v24, v14;
	v24, _, _ =	vpop (xrf2)  }
0x4db: {  	v4 =	vadd.f32 v13, v4;
	v9 =	vbroadcast v59, $0xF;
	v29 =	vbroadcast v57, $0xF;
	v13, _, _ =	vpop (xrf2)  }
0x4dc: {  	v21 =	vbroadcast v21, $0xF;
	v13 =	vbroadcast v13, $0xF  }
0x4dd: {  	v4 =	vadd.f32 v7, v4;
	(xrf2) =	vadd.scan.msk.f32 $0xffff, v6;
	v6 =	vbroadcast v10, $0xF;
	v10 =	vbroadcast v24, $0xF  }
0x4de: {  	v19 =	vbroadcast v19, $0xF;
	v1 =	vadd.f32 v1, v14;
	v14 =	vbroadcast v17, $0xF  }
0x4df: {  	v7 =	vbroadcast v30, $0xF;
	v6 =	vsel vm0, v6, v10;
	v10 =	vbroadcast v25, $0xF  }
0x4e0: {  	v3 =	vbroadcast v3, $0xF;
	(xrf2) =	vadd.scan.msk.f32 $0xffff, v1;
	v1 =	vsel vm0, v14, v13;
	v6 =	vsel vm1, v6, v19;
	v13, _, _ =	vpop (xrf2)  }
0x4e1: {  	v1 =	vsel vm1, v1, v7;
	v6 =	vsel vm2, v6, v10;
	v7 =	vbroadcast v13, $0xF  }
0x4e2: {  	v11 =	vbroadcast v11, $0xF;
	v1 =	vsel vm2, v1, v3;
	v3 =	vsel vm3, v6, v21  }
0x4e3: {  	v6 =	vbroadcast v12, $0xF;
	v1 =	vsel vm3, v1, v7;
	v7 =	vbroadcast v20, $0xF  }
0x4e4: {  	v15 =	vbroadcast v27, $0xF;
	v27 =	vbroadcast v60, $0xF;
	v3 =	vsel vm4, v3, v11;
	v10, _, _ =	vpop (xrf2)  }
0x4e5: {  	(xrf2) =	vadd.scan.msk.f32 $0xffff, v4;
	v3 =	vsel vm5, v3, v22;
	v4 =	vbroadcast v10, $0xF;
	v1 =	vsel vm4, v1, v6  }
0x4e6: {  	v3 =	vsel vm6, v3, v15;
	v6 =	vbroadcast v31, $0xF;
	v1 =	vsel vm5, v1, v7  }
0x4e7: {  	v3 =	vsel vm7, v3, v27;
	v1 =	vsel vm6, v1, v4;
	v4 =	vbroadcast v28, $0xF;
	v7, _, _ =	vpop (xrf2)  }
0x4e8: {  	v3 =	vsel vm8, v3, v23;
	v1 =	vsel vm7, v1, v6;
	v6 =	vbroadcast v7, $0xF  }
0x4e9: {  	v3 =	vsel vm9, v3, v26;
	v1 =	vsel vm8, v1, v4;
	v4 =	vbroadcast v5, $0xF  }
0x4ea: {  	v2 =	vbroadcast v2, $0xF;
	v3 =	vsel vm10, v3, v9;
	v1 =	vsel vm9, v1, v6  }
0x4eb: {  	v3 =	vsel vm11, v3, v29;
	v1 =	vsel vm10, v1, v4  }
0x4ec: {  	v5, _, _ =	vpop (xrf2);
	v1 =	vsel vm11, v1, v2;
	v2 =	vsel vm12, v3, v16  }
0x4ed: {  	v4 =	vbroadcast v5, $0xF;
	v2 =	vsel vm13, v2, v18  }
0x4ee: {  	v0 =	vbroadcast v0, $0xF  }
0x4ef: {  	v1 =	vsel vm12, v1, v4  }
0x4f0: {  	v0 =	vsel vm13, v1, v0;
	v1 =	vsel vm14, v2, v8;
	v2, _, _ =	vpop (xrf2)  }
0x4f1: {  	[tilespmem:s26+$0x0] =	vst v1;
	v0 =	vsel vm14, v0, v2  }
0x4f2: {  	s31 =	simm.s32 $0x400;
	[tilespmem:s25+$0x0] =	vst v0  }
0x4f3: {  	v0 =	vld [tilespmem:s31+$0xF3F0];
	_ =	sdelay $0x4  }
0x4f4: {  	[tilespmem:$0x1F4E0] =	vst v0;
	v0 =	vld [tilespmem:s31+$0xF3E0];
	_ =	sdelay $0x4  }
0x4f5: {  	[tilespmem:$0x1F530] =	vst v0;
	v0 =	vld [tilespmem:s31+$0xF3D0];
	_ =	sdelay $0x4  }
0x4f6: {  	[tilespmem:$0x1F570] =	vst v0;
	v0 =	vld [tilespmem:s31+$0xF370];
	_ =	sdelay $0x4  }
0x4f7: {  	[tilespmem:$0x1F5B0] =	vst v0;
	v0 =	vld [tilespmem:s31+$0xF3C0];
	_ =	sdelay $0x4  }
0x4f8: {  	[tilespmem:$0x1F210] =	vst v0;
	v0 =	vld [tilespmem:s31+$0xF360];
	_ =	sdelay $0x4  }
0x4f9: {  	[tilespmem:$0x1F220] =	vst v0;
	v0 =	vld [tilespmem:s31+$0xF2F0];
	_ =	sdelay $0x4  }
0x4fa: {  	[tilespmem:$0x1F310] =	vst v0;
	v0 =	vld [tilespmem:s31+$0xF350];
	_ =	sdelay $0x4  }
0x4fb: {  	[tilespmem:$0x1F230] =	vst v0;
	v0 =	vld [tilespmem:s31+$0xF2B0];
	_ =	sdelay $0x4  }
0x4fc: {  	[tilespmem:$0x1F240] =	vst v0;
	v0 =	vld [tilespmem:s31+$0xF340];
	_ =	sdelay $0x4  }
0x4fd: {  	[tilespmem:$0x1F250] =	vst v0;
	v0 =	vld [tilespmem:s31+$0xD2B0];
	_ =	sdelay $0x4  }
0x4fe: {  	[tilespmem:$0x1F320] =	vst v0;
	v0 =	vld [tilespmem:s31+$0xF270];
	_ =	sdelay $0x4  }
0x4ff: {  	[tilespmem:$0x1F360] =	vst v0;
	v0 =	vld [tilespmem:s31+$0xD270];
	_ =	sdelay $0x4  }
0x500: {  	[tilespmem:$0x1F330] =	vst v0;
	v0 =	vld [tilespmem:s31+$0xF230];
	_ =	sdelay $0x4  }
0x501: {  	[tilespmem:$0x1F390] =	vst v0;
	v0 =	vld [tilespmem:s31+$0xF260];
	_ =	sdelay $0x4  }
0x502: {  	[tilespmem:$0x1F340] =	vst v0;
	v0 =	vld [tilespmem:s31+$0xD230];
	_ =	sdelay $0x4  }
0x503: {  	[tilespmem:$0x1F370] =	vst v0;
	v0 =	vld [tilespmem:s31+$0xF220];
	_ =	sdelay $0x4  }
0x504: {  	[tilespmem:$0x1F380] =	vst v0;
	v0 =	vld [tilespmem:s31+$0xF280];
	_ =	sdelay $0x4  }
0x505: {  	[tilespmem:$0x1F260] =	vst v0;
	v0 =	vld [tilespmem:s31+$0xD1F0];
	_ =	sdelay $0x4  }
0x506: {  	[tilespmem:$0x1F3D0] =	vst v0;
	v0 =	vld [tilespmem:s31+$0xD220];
	_ =	sdelay $0x4  }
0x507: {  	[tilespmem:$0x1F350] =	vst v0;
	v0 =	vld [tilespmem:s31+$0xF1B0];
	_ =	sdelay $0x4  }
0x508: {  	[tilespmem:$0x1F430] =	vst v0;
	v0 =	vld [tilespmem:s31+$0xD1B0];
	_ =	sdelay $0x4  }
0x509: {  	[tilespmem:$0x1F420] =	vst v0;
	v0 =	vld [tilespmem:s31+$0xD1E0];
	_ =	sdelay $0x4  }
0x50a: {  	[tilespmem:$0x1F3A0] =	vst v0;
	v0 =	vld [tilespmem:s31+$0xF170];
	_ =	sdelay $0x4  }
0x50b: {  	[tilespmem:$0x1F490] =	vst v0;
	v0 =	vld [tilespmem:s31+$0xF1A0];
	_ =	sdelay $0x4  }
0x50c: {  	[tilespmem:$0x1F3F0] =	vst v0;
	v0 =	vld [tilespmem:s31+$0xD170];
	_ =	sdelay $0x4  }
0x50d: {  	[tilespmem:$0x1F470] =	vst v0;
	v0 =	vld [tilespmem:s31+$0xD1A0];
	_ =	sdelay $0x4  }
0x50e: {  	[tilespmem:$0x1F3E0] =	vst v0;
	v0 =	vld [tilespmem:s31+$0xF160];
	_ =	sdelay $0x4  }
0x50f: {  	[tilespmem:$0x1F460] =	vst v0;
	v0 =	vld [tilespmem:s31+$0xF190];
	_ =	sdelay $0x4  }
0x510: {  	[tilespmem:$0x1F3C0] =	vst v0;
	v0 =	vld [tilespmem:s31+$0xF1C0];
	_ =	sdelay $0x4  }
0x511: {  	[tilespmem:$0x1F270] =	vst v0;
	v0 =	vld [tilespmem:s31+$0xD130];
	_ =	sdelay $0x4  }
0x512: {  	[tilespmem:$0x1F4D0] =	vst v0;
	v0 =	vld [tilespmem:s31+$0xD160];
	_ =	sdelay $0x4  }
0x513: {  	[tilespmem:$0x1F450] =	vst v0;
	v0 =	vld [tilespmem:s31+$0xD190];
	_ =	sdelay $0x4  }
0x514: {  	[tilespmem:$0x1F3B0] =	vst v0;
	v0 =	vld [tilespmem:s31+$0xF0F0];
	_ =	sdelay $0x4  }
0x515: {  	[tilespmem:$0x1F560] =	vst v0;
	v0 =	vld [tilespmem:s31+$0xF150];
	_ =	sdelay $0x1  }
0x516: {  	v31 =	vld [tilespmem:s31+$0xD3F0]  }
0x517: {  	v21 =	vld [tilespmem:s31+$0xD3E0]  }
0x518: {  	v43 =	vld [tilespmem:s31+$0xF3B0]  }
0x519: {  	[tilespmem:$0x1F440] =	vst v0;
	v0 =	vld [tilespmem:s31+$0xD0F0]  }
0x51a: {  	v45 =	vld [tilespmem:s31+$0xD3B0]  }
0x51b: {  	v54 =	vld [tilespmem:s31+$0xD3D0]  }
0x51c: {  	v33 =	vld [tilespmem:s31+$0xF3A0]  }
0x51d: {  	v37 =	vld [tilespmem:s31+$0xD370]  }
0x51e: {  	[tilespmem:$0x1F520] =	vst v0;
	v0 =	vld [tilespmem:s31+$0xD120]  }
0x51f: {  	v24 =	vld [tilespmem:s31+$0xD3A0]  }
0x520: {  	v10 =	vld [tilespmem:s31+$0xD3C0]  }
0x521: {  	v52 =	vld [tilespmem:s31+$0xF330]  }
0x522: {  	v17 =	vld [tilespmem:s31+$0xF390]  }
0x523: {  	[tilespmem:$0x1F4B0] =	vst v0;
	v0 =	vld [tilespmem:s31+$0xD150]  }
0x524: {  	v20 =	vld [tilespmem:s31+$0xB3F0]  }
0x525: {  	v46 =	vld [tilespmem:s31+$0xD330]  }
0x526: {  	v50 =	vld [tilespmem:s31+$0xD360]  }
0x527: {  	v13 =	vld [tilespmem:s31+$0xD390]  }
0x528: {  	[tilespmem:$0x1F400] =	vst v0;
	v0 =	vld [tilespmem:s31+$0xF0B0]  }
0x529: {  	v42 =	vld [tilespmem:s31+$0xF320]  }
0x52a: {  	v14 =	vld [tilespmem:s31+$0xF380]  }
0x52b: {  	v53 =	vld [tilespmem:s31+$0xD2F0]  }
0x52c: {  	v32 =	vld [tilespmem:s31+$0xD320]  }
0x52d: {  	[tilespmem:$0x1F5C0] =	vst v0;
	v0 =	vld [tilespmem:s31+$0xF0E0]  }
0x52e: {  	v15 =	vld [tilespmem:s31+$0xD350]  }
0x52f: {  	v8 =	vld [tilespmem:s31+$0xD380]  }
0x530: {  	v60 =	vld [tilespmem:s31+$0xF2E0]  }
0x531: {  	v28 =	vld [tilespmem:s31+$0xF310]  }
0x532: {  	[tilespmem:$0x1F510] =	vst v0;
	v0 =	vld [tilespmem:s31+$0xF140]  }
0x533: {  	v9 =	vld [tilespmem:s31+$0xB3E0]  }
0x534: {  	v41 =	vld [tilespmem:s31+$0xD2E0]  }
0x535: {  	v23 =	vld [tilespmem:s31+$0xD310]  }
0x536: {  	v11 =	vld [tilespmem:s31+$0xD340]  }
0x537: {  	[tilespmem:$0x1F410] =	vst v0;
	v0 =	vld [tilespmem:s31+$0xD0B0]  }
0x538: {  	v39 =	vld [tilespmem:s31+$0xF2D0]  }
0x539: {  	v25 =	vld [tilespmem:s31+$0xF300]  }
0x53a: {  	v59 =	vld [tilespmem:s31+$0xD2A0]  }
0x53b: {  	v30 =	vld [tilespmem:s31+$0xD2D0]  }
0x53c: {  	[tilespmem:$0x1F5A0] =	vst v0;
	v0 =	vld [tilespmem:s31+$0xD0E0]  }
0x53d: {  	v12 =	vld [tilespmem:s31+$0xD300]  }
0x53e: {  	v27 =	vld [tilespmem:s31+$0xF2C0]  }
0x53f: {  	v18 =	vld [tilespmem:s31+$0xB3B0]  }
0x540: {  	v5 =	vld [tilespmem:s31+$0xB3D0]  }
0x541: {  	[tilespmem:$0x1F4F0] =	vst v0;
	v0 =	vld [tilespmem:s31+$0xD110]  }
0x542: {  	v51 =	vld [tilespmem:s31+$0xD260]  }
0x543: {  	v40 =	vld [tilespmem:s31+$0xD290]  }
0x544: {  	v22 =	vld [tilespmem:s31+$0xD2C0]  }
0x545: {  	v49 =	vld [tilespmem:s31+$0xF250]  }
0x546: {  	[tilespmem:$0x1F480] =	vst v0;
	v0 =	vld [tilespmem:s31+$0xF030]  }
0x547: {  	v36 =	vld [tilespmem:s31+$0xD250]  }
0x548: {  	v29 =	vld [tilespmem:s31+$0xD280]  }
0x549: {  	v7 =	vld [tilespmem:s31+$0xB3A0]  }
0x54a: {  	v4 =	vld [tilespmem:s31+$0xF100]  }
0x54b: {  	[tilespmem:$0x1F280] =	vst v0;
	v0 =	vld [tilespmem:s31+$0xF0A0]  }
0x54c: {  	v2 =	vld [tilespmem:s31+$0xB3C0]  }
0x54d: {  	v3 =	vld [tilespmem:s31+$0xB390]  }
0x54e: {  	v1 =	vld [tilespmem:s31+$0xB380]  }
0x54f: {  	[tilespmem:$0x1F290] =	vst v4;
	v4 =	vld [tilespmem:s31+$0xD030]  }
0x550: {  	[tilespmem:$0x1F590] =	vst v0;
	v0 =	vld [tilespmem:s31+$0xF0D0]  }
0x551: {  	v62 =	vld [tilespmem:s31+$0xB360]  }
0x552: {  	v19 =	vld [tilespmem:s31+$0xB2F0];
	v10 =	vmul.f32 v10, v2  }
0x553: {  	[tilespmem:$0x1F580] =	vst v5;
	v8 =	vmul.f32 v8, v1;
	v54 =	vmul.f32 v54, v5;
	v5 =	vld [tilespmem:s31+$0xD0A0]  }
0x554: {  	[tilespmem:$0x1F2A0] =	vst v4;
	v4 =	vld [tilespmem:s31+$0xD070]  }
0x555: {  	v13 =	vmul.f32 v13, v3;
	v10 =	vadd.f32 $0.0e+00, v10;
	v8 =	vadd.f32 $0.0e+00, v8;
	[tilespmem:$0x1F500] =	vst v0;
	v0 =	vld [tilespmem:s31+$0xB340]  }
0x556: {  	v63 =	vld [tilespmem:s31+$0xB350];
	v21 =	vmul.f32 v21, v9  }
0x557: {  	[tilespmem:$0x1F2B0] =	vst v2;
	v2 =	vld [tilespmem:s31+$0xB300];
	v10 =	vadd.f32 v54, v10;
	v8 =	vadd.f32 v13, v8;
	v13 =	vmul.f32 v24, v7  }
0x558: {  	v1 =	vmul.f32 v14, v1;
	v3 =	vmul.f32 v17, v3;
	[tilespmem:$0x1F550] =	vst v5;
	v5 =	vld [tilespmem:s31+$0xD0D0]  }
0x559: {  	v10 =	vadd.f32 v21, v10;
	v8 =	vadd.f32 v13, v8;
	v13 =	vmul.f32 v31, v20;
	[tilespmem:$0x1F2C0] =	vst v4;
	v4 =	vld [tilespmem:s31+$0xB310]  }
0x55a: {  	v17 =	vmul.f32 v45, v18;
	[tilespmem:$0x1F2D0] =	vst v0;
	v11 =	vmul.f32 v11, v0;
	v0 =	vadd.f32 $0.0e+00, v1;
	v1 =	vld [tilespmem:s31+$0xF020]  }
0x55b: {  	[tilespmem:$0x1F540] =	vst v9;
	v10 =	vadd.f32 v13, v10;
	v9 =	vld [tilespmem:$0x1F310]  }
0x55c: {  	v6 =	vld [tilespmem:s31+$0xB320];
	v15 =	vmul.f32 v15, v63;
	v8 =	vadd.f32 v17, v8;
	v11 =	vadd.f32 $0.0e+00, v11  }
0x55d: {  	v14 =	vld [tilespmem:s31+$0xB2C0];
	v17 =	vmul.f32 v50, v62;
	v0 =	vadd.f32 v3, v0;
	v3 =	vmul.f32 v12, v2  }
0x55e: {  	v16 =	vld [tilespmem:s31+$0xB370];
	[tilespmem:$0x1F4C0] =	vst v5;
	v5 =	vmul.f32 v33, v7;
	v7 =	vmul.f32 v43, v18;
	v11 =	vadd.f32 v15, v11  }
0x55f: {  	v21 =	vld [tilespmem:s31+$0xB2D0];
	v3 =	vadd.f32 $0.0e+00, v3;
	v15 =	vmul.f32 v23, v4;
	[tilespmem:$0x1F2E0] =	vst v1;
	v1 =	vmul.f32 v25, v2  }
0x560: {  	v38 =	vld [tilespmem:s31+$0xB330];
	v9 =	vmul.f32 v9, v19;
	v0 =	vadd.f32 v5, v0;
	v11 =	vadd.f32 v17, v11  }
0x561: {  	v55 =	vld [tilespmem:s31+$0xF210];
	v2 =	vmul.f32 v28, v4;
	v3 =	vadd.f32 v15, v3;
	v1 =	vadd.f32 $0.0e+00, v1  }
0x562: {  	v26 =	vld [tilespmem:s31+$0xD240];
	v17 =	vmul.f32 v32, v6;
	v7 =	vadd.f32 v7, v0;
	v0 =	vmul.f32 v22, v14  }
0x563: {  	v12 =	vld [tilespmem:s31+$0xB2E0];
	v5 =	vmul.f32 v37, v16;
	v1 =	vadd.f32 v2, v1;
	v2 =	vmul.f32 v42, v6  }
0x564: {  	v15 =	vmovc v16;
	v16 =	vld [tilespmem:s31+$0xB240];
	v3 =	vadd.f32 v17, v3;
	v0 =	vadd.f32 $0.0e+00, v0;
	v17 =	vmul.f32 v30, v21  }
0x565: {  	v35 =	vld [tilespmem:s31+$0xF240];
	v14 =	vmul.f32 v27, v14;
	v1 =	vadd.f32 v2, v1;
	v2 =	vmul.f32 v52, v38  }
0x566: {  	v18 =	vld [tilespmem:s31+$0xB250];
	v4 =	vmul.f32 v46, v38;
	v11 =	vadd.f32 v5, v11;
	v0 =	vadd.f32 v17, v0  }
0x567: {  	v13 =	vld [tilespmem:s31+$0xB280];
	v17 =	vmul.f32 v39, v21;
	v1 =	vadd.f32 v2, v1;
	v2 =	vadd.f32 $0.0e+00, v14  }
0x568: {  	v5 =	vld [tilespmem:s31+$0xB260];
	v3 =	vadd.f32 v4, v3;
	v4 =	vmul.f32 v41, v12;
	v21 =	vmul.f32 v53, v19  }
0x569: {  	v12 =	vmul.f32 v60, v12;
	v19 =	vld [tilespmem:$0x1F330];
	v2 =	vadd.f32 v17, v2;
	v17 =	vmul.f32 v26, v16  }
0x56a: {  	v14 =	vld [tilespmem:s31+$0xB270]  }
0x56b: {  	v47 =	vld [tilespmem:s31+$0xD210];
	v2 =	vadd.f32 v12, v2;
	v12 =	vadd.f32 $0.0e+00, v17;
	v17 =	vmul.f32 v36, v18  }
0x56c: {  	[tilespmem:$0x1F300] =	vst v62;
	v62 =	vld [tilespmem:s31+$0xB290];
	v16 =	vmul.f32 v35, v16  }
0x56d: {  	[tilespmem:$0x1F2F0] =	vst v63;
	v63 =	vld [tilespmem:s31+$0xB2B0];
	v0 =	vadd.f32 v4, v0;
	v25 =	vmul.f32 v51, v5;
	v12 =	vadd.f32 v17, v12  }
0x56e: {  	v6 =	vld [tilespmem:s31+$0xB2A0];
	v16 =	vadd.f32 $0.0e+00, v16;
	v2 =	vadd.f32 v9, v2;
	v9 =	vmul.f32 v49, v18  }
0x56f: {  	v4 =	vmul.f32 v29, v13;
	v12 =	vadd.f32 v25, v12;
	v25 =	vmul.f32 v19, v14;
	v19 =	vld [tilespmem:$0x1F340]  }
0x570: {  	v9 =	vadd.f32 v9, v16;
	v16 =	vld [tilespmem:$0x1F320]  }
0x571: {  	v48 =	vld [tilespmem:s31+$0xF200];
	v22 =	vmul.f32 v40, v62;
	v4 =	vadd.f32 $0.0e+00, v4  }
0x572: {  	v23 =	vld [tilespmem:s31+$0xB200]  }
0x573: {  	v24 =	vld [tilespmem:s31+$0xB210];
	v4 =	vadd.f32 v22, v4;
	v17 =	vmul.f32 v59, v6  }
0x574: {  	v5 =	vmul.f32 v19, v5;
	v19 =	vld [tilespmem:$0x1F360]  }
0x575: {  	v4 =	vadd.f32 v17, v4;
	v16 =	vmul.f32 v16, v63;
	_ =	sdelay $0x1  }
0x576: {  	v34 =	vld [tilespmem:s31+$0xD200];
	v4 =	vadd.f32 v16, v4;
	v16 =	vmul.f32 v48, v23  }
0x577: {  	v27 =	vmul.f32 v47, v24;
	v24 =	vmul.f32 v55, v24  }
0x578: {  	v5 =	vadd.f32 v5, v9;
	v16 =	vadd.f32 $0.0e+00, v16;
	v14 =	vmul.f32 v19, v14  }
0x579: {  	v22 =	vld [tilespmem:s31+$0xB220]  }
0x57a: {  	v5 =	vadd.f32 v14, v5;
	v14 =	vadd.f32 v24, v16;
	v16 =	vld [tilespmem:$0x1F380]  }
0x57b: {  	v56 =	vld [tilespmem:s31+$0xD1D0];
	v17 =	vmul.f32 v34, v23  }
0x57c: {  	v44 =	vld [tilespmem:s31+$0xD1C0]  }
0x57d: {  	v61 =	vld [tilespmem:s31+$0xD180];
	v17 =	vadd.f32 $0.0e+00, v17  }
0x57e: {  	v26 =	vld [tilespmem:s31+$0xB230]  }
0x57f: {  	v9 =	vadd.f32 v27, v17;
	v17 =	vld [tilespmem:$0x1F350];
	v16 =	vmul.f32 v16, v22  }
0x580: {  	v19 =	vld [tilespmem:$0x1F370]  }
0x581: {  	v14 =	vadd.f32 v16, v14;
	v16 =	vld [tilespmem:$0x1F390]  }
0x582: {  	v32 =	vld [tilespmem:s31+$0xB1C0]  }
0x583: {  	v33 =	vld [tilespmem:s31+$0xB1D0]  }
0x584: {  	v28 =	vld [tilespmem:s31+$0xB180]  }
0x585: {  	v30 =	vld [tilespmem:s31+$0xB1E0];
	v17 =	vmul.f32 v17, v22  }
0x586: {  	v12 =	vadd.f32 v25, v12;
	v25 =	vmul.f32 v19, v26;
	v19 =	vld [tilespmem:$0x1F3A0];
	v16 =	vmul.f32 v16, v26  }
0x587: {  	(xrf2) =	vadd.scan.msk.f32 $0xffff, v10;
	v23 =	vld [tilespmem:s31+$0xB190];
	v9 =	vadd.f32 v17, v9;
	v17 =	vmul.f32 v44, v32  }
0x588: {  	(xrf2) =	vadd.scan.msk.f32 $0xffff, v8;
	v8 =	vadd.f32 v16, v14;
	v16 =	vld [tilespmem:$0x1F3B0]  }
0x589: {  	v24 =	vmul.f32 v56, v33;
	v17 =	vadd.f32 $0.0e+00, v17;
	_ =	sdelay $0x1  }
0x58a: {  	v58 =	vld [tilespmem:s31+$0xF180];
	v10 =	vadd.f32 v24, v17;
	v24 =	vmul.f32 v19, v30;
	v26 =	vmul.f32 v61, v28;
	_ =	sdelay $0x1  }
0x58b: {  	(xrf2) =	vadd.scan.msk.f32 $0xffff, v7;
	v7 =	vadd.f32 v24, v10;
	v10 =	vld [tilespmem:$0x1F3C0];
	v14 =	vadd.f32 $0.0e+00, v26;
	v16 =	vmul.f32 v16, v23  }
0x58c: {  	v31 =	vld [tilespmem:s31+$0xB1F0]  }
0x58d: {  	(xrf2) =	vadd.scan.msk.f32 $0xffff, v11;
	v11 =	vadd.f32 v16, v14;
	v14 =	vld [tilespmem:$0x1F3D0]  }
0x58e: {  	v57 =	vld [tilespmem:s31+$0xD140];
	v17 =	vmul.f32 v58, v28  }
0x58f: {  	v54 =	vld [tilespmem:s31+$0xD100]  }
0x590: {  	v27 =	vld [tilespmem:s31+$0xB1A0];
	v17 =	vadd.f32 $0.0e+00, v17;
	v10 =	vmul.f32 v10, v23  }
0x591: {  	v9 =	vadd.f32 v25, v9;
	v25 =	vld [tilespmem:s31+$0xB140]  }
0x592: {  	(xrf2) =	vadd.scan.msk.f32 $0xffff, v3;
	v3 =	vadd.f32 v10, v17;
	v10 =	vld [tilespmem:$0x1F3E0];
	v14 =	vmul.f32 v14, v31  }
0x593: {  	v28 =	vld [tilespmem:s31+$0xB150]  }
0x594: {  	v21 =	vadd.f32 v21, v0;
	(xrf2) =	vadd.scan.msk.f32 $0xffff, v1;
	v1 =	vadd.f32 v14, v7;
	v14 =	vld [tilespmem:$0x1F400]  }
0x595: {  	v19 =	vld [tilespmem:$0x1F450]  }
0x596: {  	(xrf2) =	vadd.scan.msk.f32 $0xffff, v21;
	v23 =	vld [tilespmem:s31+$0xB160]  }
0x597: {  	(xrf2) =	vadd.scan.msk.f32 $0xffff, v2;
	v2 =	vld [tilespmem:$0x1F420];
	v16 =	vmul.f32 v57, v25;
	v10 =	vmul.f32 v10, v27  }
0x598: {  	v22 =	vld [tilespmem:s31+$0xB1B0]  }
0x599: {  	v10 =	vadd.f32 v10, v11;
	v11 =	vld [tilespmem:$0x1F410];
	v7 =	vadd.f32 $0.0e+00, v16;
	v14 =	vmul.f32 v14, v28  }
0x59a: {  	v17 =	vld [tilespmem:$0x1F3F0]  }
0x59b: {  	(xrf2) =	vadd.scan.msk.f32 $0xffff, v4;
	v4 =	vld [tilespmem:$0x1F440];
	v21 =	vmul.f32 v19, v23;
	v7 =	vadd.f32 v14, v7  }
0x59c: {  	v55 =	vld [tilespmem:s31+$0xB100];
	(xrf2) =	vadd.scan.msk.f32 $0xffff, v12  }
0x59d: {  	(xrf2) =	vadd.scan.msk.f32 $0xffff, v5;
	v5 =	vadd.f32 v21, v7;
	v7 =	vld [tilespmem:$0x1F460]  }
0x59e: {  	v11 =	vmul.f32 v11, v25  }
0x59f: {  	v59, _, _ =	vpop (xrf2);
	(xrf2) =	vadd.scan.msk.f32 $0xffff, v9;
	v9 =	vld [tilespmem:$0x1F470];
	v2 =	vmul.f32 v2, v22;
	v17 =	vmul.f32 v17, v27  }
0x5a0: {  	v24 =	vld [tilespmem:s31+$0xB170];
	v4 =	vmul.f32 v4, v28;
	v11 =	vadd.f32 $0.0e+00, v11  }
0x5a1: {  	v3 =	vadd.f32 v17, v3;
	v17 =	vld [tilespmem:$0x1F430];
	v2 =	vadd.f32 v2, v10;
	v10 =	vmul.f32 v54, v55  }
0x5a2: {  	v57 =	vld [tilespmem:s31+$0xB110];
	v4 =	vadd.f32 v4, v11;
	v7 =	vmul.f32 v7, v23  }
0x5a3: {  	v11 =	vadd.f32 $0.0e+00, v10;
	v10 =	vld [tilespmem:$0x1F480]  }
0x5a4: {  	v7 =	vadd.f32 v7, v4;
	v4 =	vld [tilespmem:$0x1F490];
	_ =	sdelay $0x1  }
0x5a5: {  	v17 =	vmul.f32 v17, v22  }
0x5a6: {  	v9 =	vmul.f32 v9, v24  }
0x5a7: {  	v56 =	vld [tilespmem:s31+$0xB120];
	v3 =	vadd.f32 v17, v3;
	v17 =	vmul.f32 v10, v57;
	v10, _, _ =	vpop (xrf2);
	(xrf2) =	vadd.scan.msk.f32 $0xffff, v8  }
0x5a8: {  	v22 =	vmul.f32 v4, v24;
	v4, _, _ =	vpop (xrf2);
	(xrf2) =	vadd.scan.msk.f32 $0xffff, v1;
	v1 =	vadd.f32 v9, v5;
	v5 =	vld [tilespmem:$0x1F4B0];
	_ =	sdelay $0x2  }
0x5a9: {  	v50 =	vld [tilespmem:s31+$0xF0C0]  }
0x5aa: {  	v18 =	vld [tilespmem:s31+$0xD0C0]  }
0x5ab: {  	v58 =	vld [tilespmem:s31+$0xB130];
	[tilespmem:$0x1F4A0] =	vst v4;
	v4 =	vadd.f32 v17, v11;
	v11 =	vmul.f32 v5, v56  }
0x5ac: {  	v14 =	vld [tilespmem:s31+$0xB0C0]  }
0x5ad: {  	v11 =	vadd.f32 v11, v4;
	v4 =	vld [tilespmem:$0x1F4D0];
	_ =	sdelay $0x3  }
0x5ae: {  	v18 =	vmul.f32 v18, v14;
	v8, _, _ =	vpop (xrf2);
	(xrf2) =	vadd.scan.msk.f32 $0xffff, v2  }
0x5af: {  	v9, _, _ =	vpop (xrf2);
	(xrf2) =	vadd.scan.msk.f32 $0xffff, v3;
	v3 =	vmul.f32 v50, v14;
	v14 =	vmul.f32 v4, v58;
	v4 =	vld [tilespmem:$0x1F4E0];
	_ =	sdelay $0x1  }
0x5b0: {  	v12 =	vld [tilespmem:s31+$0xB0D0]  }
0x5b1: {  	v5 =	vld [tilespmem:$0x1F4C0]  }
0x5b2: {  	v21 =	vld [tilespmem:s31+$0xB0E0]  }
0x5b3: {  	v34 =	vmul.f32 v4, v20;
	v4 =	vld [tilespmem:$0x1F4F0];
	_ =	sdelay $0x2  }
0x5b4: {  	v2 =	vadd.f32 v22, v7;
	v7 =	vadd.f32 $0.0e+00, v18;
	v18 =	vmul.f32 v5, v12;
	_ =	sdelay $0x1  }
0x5b5: {  	v54, _, _ =	vpop (xrf2);
	(xrf2) =	vadd.scan.msk.f32 $0xffff, v1;
	v1 =	vadd.f32 v18, v7;
	v7 =	vmul.f32 v4, v21;
	v4 =	vld [tilespmem:$0x1F510];
	_ =	sdelay $0x1  }
0x5b6: {  	v42, _, _ =	vpop (xrf2);
	(xrf2) =	vadd.scan.msk.f32 $0xffff, v2;
	v2 =	vld [tilespmem:$0x1F500];
	_ =	sdelay $0x1  }
0x5b7: {  	v17 =	vld [tilespmem:s31+$0xB0F0]  }
0x5b8: {  	v1 =	vadd.f32 v7, v1;
	v7 =	vmul.f32 v4, v21;
	v4 =	vld [tilespmem:$0x1F520];
	_ =	sdelay $0x1  }
0x5b9: {  	v26 =	vld [tilespmem:s31+$0xF080];
	v3 =	vadd.f32 $0.0e+00, v3;
	v2 =	vmul.f32 v2, v12  }
0x5ba: {  	v23 =	vld [tilespmem:s31+$0xB080]  }
0x5bb: {  	v2 =	vadd.f32 v2, v3;
	v3 =	vld [tilespmem:$0x1F530]  }
0x5bc: {  	v11 =	vadd.f32 v14, v11;
	v14 =	vmul.f32 v4, v17;
	v4 =	vld [tilespmem:$0x1F540];
	_ =	sdelay $0x3  }
0x5bd: {  	v16 =	vld [tilespmem:s31+$0xD080]  }
0x5be: {  	v18 =	vld [tilespmem:s31+$0xB0A0];
	v52 =	vmul.f32 v3, v4;
	v3 =	vmul.f32 v26, v23  }
0x5bf: {  	v4 =	vld [tilespmem:$0x1F550]  }
0x5c0: {  	v21 =	vadd.f32 $0.0e+00, v3;
	v3 =	vld [tilespmem:$0x1F560];
	_ =	sdelay $0x3  }
0x5c1: {  	v12 =	vmul.f32 v16, v23;
	v16 =	vmul.f32 v4, v18;
	v4 =	vld [tilespmem:$0x1F580]  }
0x5c2: {  	v17 =	vmul.f32 v3, v17;
	v3 =	vld [tilespmem:$0x1F570]  }
0x5c3: {  	v45 =	vld [tilespmem:s31+$0xF090]  }
0x5c4: {  	v43 =	vld [tilespmem:s31+$0xD060]  }
0x5c5: {  	v37 =	vld [tilespmem:s31+$0xD020]  }
0x5c6: {  	v0 =	vld [tilespmem:s31+$0xD090]  }
0x5c7: {  	v3 =	vmul.f32 v3, v4;
	v4 =	vld [tilespmem:$0x1F590]  }
0x5c8: {  	v22 =	vld [tilespmem:s31+$0xB090]  }
0x5c9: {  	v60 =	vld [tilespmem:s31+$0xF010]  }
0x5ca: {  	v61 =	vld [tilespmem:s31+$0xB000]  }
0x5cb: {  	v28 =	vld [tilespmem:s31+$0xB0B0]  }
0x5cc: {  	v18 =	vmul.f32 v4, v18;
	v4 =	vld [tilespmem:$0x1F5A0]  }
0x5cd: {  	v27 =	vld [tilespmem:s31+$0xD010];
	v0 =	vmul.f32 v0, v22;
	v12 =	vadd.f32 $0.0e+00, v12  }
0x5ce: {  	v24 =	vld [tilespmem:s31+$0xD000];
	v25, _, _ =	vpop (xrf2)  }
0x5cf: {  	v41, _, _ =	vpop (xrf2);
	v0 =	vadd.f32 v0, v12;
	v12 =	vld [tilespmem:s31+$0xD040];
	v2 =	vadd.f32 v7, v2;
	v7 =	vmul.f32 v45, v22  }
0x5d0: {  	v44, _, _ =	vpop (xrf2);
	v1 =	vadd.f32 v14, v1;
	v14 =	vld [tilespmem:s31+$0xB010]  }
0x5d1: {  	v39, _, _ =	vpop (xrf2);
	v23 =	vld [tilespmem:s31+$0xF000];
	v22 =	vadd.f32 v7, v21;
	v0 =	vadd.f32 v16, v0;
	v21 =	vmul.f32 v4, v28  }
0x5d2: {  	v46, _, _ =	vpop (xrf2);
	v17 =	vadd.f32 v17, v2;
	v2 =	vld [tilespmem:$0x1F5B0]  }
0x5d3: {  	v45, _, _ =	vpop (xrf2);
	v21 =	vadd.f32 v21, v0;
	v0 =	vld [tilespmem:$0x1F5C0]  }
0x5d4: {  	(xrf2) =	vadd.scan.msk.f32 $0xffff, v11;
	v11 =	vld [tilespmem:s31+$0xB040];
	v50, _, _ =	vpop (xrf2)  }
0x5d5: {  	v38, _, _ =	vpop (xrf2);
	v26 =	vmul.f32 v24, v61;
	v7 =	vld [tilespmem:s31+$0xB030]  }
0x5d6: {  	v29, _, _ =	vpop (xrf2);
	(xrf2) =	vadd.scan.msk.f32 $0xffff, v1;
	v16 =	vld [tilespmem:s31+$0xB020]  }
0x5d7: {  	v1, _, _ =	vpop (xrf2);
	v26 =	vadd.f32 $0.0e+00, v26;
	v27 =	vmul.f32 v27, v14;
	v24 =	vmul.f32 v23, v61;
	(xrf2) =	vadd.scan.msk.f32 $0xffff, v17;
	v17 =	vld [tilespmem:s31+$0xB050]  }
0x5d8: {  	s28 =	smov.u32 s26;
	s23 =	simm.s32 $0x2000;
	s0 =	smov.u32 s25;
	v2 =	vmul.f32 v2, v15;
	v22 =	vadd.f32 v18, v22;
	v18 =	vld [tilespmem:s31+$0xD050];
	v23 =	vmul.f32 v0, v28;
	v0, _, _ =	vpop (xrf2)  }
.LBB2_5:
0x5d9: {  	v4 =	vld [tilespmem:$0x1F210]  }
0x5da: {  	v5 =	vld [tilespmem:$0x1F2B0];
	_ =	sdelay $0x4  }
0x5db: {  	v53 =	vmul.f32 v4, v5;
	v4 =	vld [tilespmem:$0x1F2A0];
	_ =	sdelay $0x4  }
0x5dc: {  	v5 =	vmul.f32 v4, v7;
	v4 =	vld [tilespmem:$0x1F2E0];
	_ =	sdelay $0x4  }
0x5dd: {  	v26 =	vadd.f32 v27, v26;
	v27 =	vmul.f32 v37, v16;
	v16 =	vmul.f32 v4, v16;
	v4 =	vld [tilespmem:$0x1F280];
	_ =	sdelay $0x2  }
0x5de: {  	(xrf2) =	vadd.scan.msk.f32 $0xffff, v21;
	v21 =	vadd.f32 $0.0e+00, v24;
	v24 =	vld [tilespmem:s31+$0xB060]  }
0x5df: {  	v20 =	vld [tilespmem:s31+$0xB070];
	v12 =	vmul.f32 v12, v11  }
0x5e0: {  	v7 =	vmul.f32 v4, v7;
	v4 =	vld [tilespmem:$0x1F2C0]  }
0x5e1: {  	v18 =	vmul.f32 v18, v17;
	v12 =	vadd.f32 $0.0e+00, v12;
	_ =	sdelay $0x1  }
0x5e2: {  	v12 =	vadd.f32 v18, v12;
	v18 =	vmul.f32 v43, v24;
	_ =	sdelay $0x1  }
0x5e3: {  	v12 =	vadd.f32 v18, v12;
	v18 =	vmul.f32 v4, v20;
	v4 =	vld [tilespmem:$0x1F290]  }
0x5e4: {  	v28 =	vld [tilespmem:s31+$0xF040];
	v22 =	vadd.f32 v23, v22;
	v26 =	vadd.f32 v27, v26  }
0x5e5: {  	v40 =	vld [tilespmem:s31+$0xF050];
	v14 =	vmul.f32 v60, v14  }
0x5e6: {  	v23, _, _ =	vpop (xrf2);
	(xrf2) =	vadd.scan.msk.f32 $0xffff, v22;
	v22 =	vadd.f32 v5, v26;
	v26 =	vld [tilespmem:s31+$0xF060]  }
0x5e7: {  	v14 =	vadd.f32 v14, v21;
	v5 =	vld [tilespmem:$0x1F300]  }
0x5e8: {  	v15 =	vmul.f32 v4, v55;
	v4 =	vld [tilespmem:$0x1F220]  }
0x5e9: {  	v11 =	vmul.f32 v28, v11;
	v14 =	vadd.f32 v16, v14;
	_ =	sdelay $0x1  }
0x5ea: {  	v11 =	vadd.f32 $0.0e+00, v11;
	v7 =	vadd.f32 v7, v14;
	v14 =	vmul.f32 v40, v17  }
0x5eb: {  	v28 =	vld [tilespmem:s31+$0xF070]  }
0x5ec: {  	v11 =	vadd.f32 v14, v11;
	v14 =	vmul.f32 v26, v24;
	v26 =	vmul.f32 v4, v5;
	v4 =	vld [tilespmem:$0x1F270];
	_ =	sdelay $0x3  }
0x5ed: {  	v5 =	vld [tilespmem:$0x1F2F0]  }
0x5ee: {  	v11 =	vadd.f32 v14, v11;
	v14 =	vmul.f32 v28, v20;
	v20 =	vmul.f32 v4, v32;
	v4 =	vld [tilespmem:$0x1F230];
	_ =	sdelay $0x3  }
0x5ef: {  	v16 =	vld [tilespmem:s31+$0xF110]  }
0x5f0: {  	v21 =	vadd.f32 $0.0e+00, v53;
	v60 =	vmul.f32 v4, v5;
	v4 =	vld [tilespmem:$0x1F260]  }
0x5f1: {  	v17 =	vld [tilespmem:s31+$0xF120]  }
0x5f2: {  	v35 =	vld [tilespmem:s31+$0xF1D0]  }
0x5f3: {  	v27, _, _ =	vpop (xrf2);
	v3 =	vadd.f32 v3, v21;
	(xrf2) =	vadd.scan.msk.f32 $0xffff, v22;
	v24 =	vld [tilespmem:s31+$0xF130]  }
0x5f4: {  	v21, _, _ =	vpop (xrf2);
	v16 =	vmul.f32 v16, v57;
	(xrf2) =	vadd.scan.msk.f32 $0xffff, v7;
	v7 =	vadd.f32 v18, v12;
	v18 =	vld [tilespmem:s31+$0xF1E0];
	v12 =	vadd.f32 $0.0e+00, v15  }
0x5f5: {  	v5 =	vmul.f32 v4, v13;
	v4 =	vld [tilespmem:$0x1F250]  }
0x5f6: {  	v12 =	vadd.f32 v16, v12;
	v16 =	vmul.f32 v17, v56;
	v13 =	vld [tilespmem:$0x1F2D0]  }
0x5f7: {  	v28 =	vld [tilespmem:s31+$0xF290]  }
0x5f8: {  	v22, _, _ =	vpop (xrf2);
	(xrf2) =	vadd.scan.msk.f32 $0xffff, v7;
	v7 =	vadd.f32 v14, v11;
	v17 =	vld [tilespmem:s31+$0xF1F0];
	v12 =	vadd.f32 v16, v12;
	v16 =	vmul.f32 v24, v58  }
0x5f9: {  	v14 =	vmul.f32 v35, v33;
	v11 =	vadd.f32 $0.0e+00, v20;
	v20 =	vld [tilespmem:s31+$0xF2A0]  }
0x5fa: {  	v61, _, _ =	vpop (xrf2);
	(xrf2) =	vadd.scan.msk.f32 $0xffff, v7;
	v7 =	vadd.f32 v16, v12  }
0x5fb: {  	v11 =	vadd.f32 v14, v11;
	v14 =	vmul.f32 v18, v30;
	v16 =	vmul.f32 v4, v13;
	v4 =	vld [tilespmem:$0x1F240]  }
0x5fc: {  	v12 =	vmul.f32 v28, v62;
	v5 =	vadd.f32 $0.0e+00, v5  }
0x5fd: {  	v17 =	vmul.f32 v17, v31;
	v11 =	vadd.f32 v14, v11  }
0x5fe: {  	v15, _, _ =	vpop (xrf2);
	(xrf2) =	vadd.scan.msk.f32 $0xffff, v7;
	v5 =	vadd.f32 v12, v5;
	v12 =	vmul.f32 v20, v6  }
0x5ff: {  	v7 =	vadd.f32 v17, v11;
	v11 =	vadd.f32 $0.0e+00, v16  }
0x600: {  	v5 =	vadd.f32 v12, v5;
	v13 =	vmul.f32 v4, v63  }
0x601: {  	v14, _, _ =	vpop (xrf2);
	(xrf2) =	vadd.scan.msk.f32 $0xffff, v7;
	v11 =	vadd.f32 v60, v11  }
0x602: {  	v5 =	vadd.f32 v13, v5;
	_ =	sdelay $0x1  }
0x603: {  	v0 =	vbroadcast v0, $0xF;
	v20 =	vbroadcast v22, $0xF;
	v4 =	vadd.f32 v26, v11;
	v13, _, _ =	vpop (xrf2);
	(xrf2) =	vadd.scan.msk.f32 $0xffff, v5  }
0x604: {  	v3 =	vadd.f32 v52, v3;
	v5 =	vbroadcast v15, $0xF;
	v13 =	vbroadcast v13, $0xF;
	v11, _, _ =	vpop (xrf2)  }
0x605: {  	v2 =	vadd.f32 v2, v4;
	v4 =	vbroadcast v14, $0xF;
	v11 =	vbroadcast v11, $0xF  }
0x606: {  	v22 =	vbroadcast v23, $0xF;
	v5 =	vsel vm0, v5, v13;
	v13 =	vbroadcast v61, $0xF  }
0x607: {  	v15 =	vbroadcast v27, $0xF;
	(xrf2) =	vadd.scan.msk.f32 $0xffff, v2;
	v14, _, _ =	vpop (xrf2);
	v2 =	vsel vm0, v4, v11;
	v4 =	vbroadcast v21, $0xF  }
0x608: {  	v5 =	vsel vm1, v5, v20;
	v2 =	vsel vm1, v2, v13;
	v13 =	vbroadcast v14, $0xF  }
0x609: {  	v3 =	vadd.f32 v34, v3;
	v5 =	vsel vm2, v5, v15;
	v2 =	vsel vm2, v2, v4  }
0x60a: {  	v5 =	vsel vm3, v5, v22;
	v4 =	vbroadcast v29, $0xF;
	v11, _, _ =	vpop (xrf2);
	v2 =	vsel vm3, v2, v13  }
0x60b: {  	v1 =	vbroadcast v1, $0xF;
	v0 =	vsel vm4, v2, v0;
	v2 =	vbroadcast v11, $0xF  }
0x60c: {  	v19 =	vbroadcast v38, $0xF;
	(xrf2) =	vadd.scan.msk.f32 $0xffff, v3;
	v3 =	vbroadcast v45, $0xF;
	v0 =	vsel vm5, v0, v4  }
0x60d: {  	v1 =	vsel vm4, v5, v1;
	v0 =	vsel vm6, v0, v2;
	v2 =	vbroadcast v39, $0xF;
	v5, _, _ =	vpop (xrf2)  }
0x60e: {  	v18 =	vbroadcast v46, $0xF;
	v0 =	vsel vm7, v0, v3;
	v3 =	vbroadcast v5, $0xF  }
0x60f: {  	v7 =	vbroadcast v50, $0xF;
	v0 =	vsel vm8, v0, v2;
	v2 =	vbroadcast v25, $0xF  }
0x610: {  	v1 =	vsel vm5, v1, v19;
	v0 =	vsel vm9, v0, v3;
	v3 =	vbroadcast v54, $0xF  }
0x611: {  	v16 =	vbroadcast v44, $0xF;
	v1 =	vsel vm6, v1, v7;
	v0 =	vsel vm10, v0, v2  }
0x612: {  	v17 =	vbroadcast v41, $0xF;
	v1 =	vsel vm7, v1, v18;
	v0 =	vsel vm11, v0, v3;
	v3 =	vld [tilespmem:$0x1F4A0]  }
0x613: {  	v12 =	vbroadcast v42, $0xF;
	v1 =	vsel vm8, v1, v16  }
0x614: {  	v9 =	vbroadcast v9, $0xF;
	v1 =	vsel vm9, v1, v17  }
0x615: {  	v8 =	vbroadcast v8, $0xF;
	v5, _, _ =	vpop (xrf2);
	v1 =	vsel vm10, v1, v12  }
0x616: {  	v10 =	vbroadcast v10, $0xF;
	v4 =	vbroadcast v5, $0xF;
	v1 =	vsel vm11, v1, v9  }
0x617: {  	v1 =	vsel vm12, v1, v8;
	v3 =	vbroadcast v3, $0xF  }
0x618: {  	v0 =	vsel vm12, v0, v4;
	v1 =	vsel vm13, v1, v10  }
0x619: {  	s28 =	sadd.s32 $0x10, s28;
	v2, _, _ =	vpop (xrf2);
	v1 =	vsel vm14, v1, v59;
	v0 =	vsel vm13, v0, v3  }
0x61a: {  	s0 =	sadd.s32 $0x10, s0;
	[tilespmem:s28+$0x0] =	vst v1;
	v0 =	vsel vm14, v0, v2  }
0x61b: {  	s31 =	sshra.s32 s23, $0x2;
	[tilespmem:s0+$0x0] =	vst v0  }
0x61c: {  	v0 =	vld [tilespmem:s31+$0xF3F0];
	_ =	sdelay $0x4  }
0x61d: {  	[tilespmem:$0x1ED60] =	vst v0;
	v0 =	vld [tilespmem:s31+$0xF3E0];
	_ =	sdelay $0x4  }
0x61e: {  	[tilespmem:$0x1EDB0] =	vst v0;
	v0 =	vld [tilespmem:s31+$0xF3D0];
	_ =	sdelay $0x4  }
0x61f: {  	[tilespmem:$0x1EDE0] =	vst v0;
	v0 =	vld [tilespmem:s31+$0xF370];
	_ =	sdelay $0x4  }
0x620: {  	[tilespmem:$0x1EE20] =	vst v0;
	v0 =	vld [tilespmem:s31+$0xF3C0];
	_ =	sdelay $0x4  }
0x621: {  	[tilespmem:$0x1F210] =	vst v0;
	v0 =	vld [tilespmem:s31+$0xF330];
	_ =	sdelay $0x4  }
0x622: {  	[tilespmem:$0x1EBC0] =	vst v0;
	v0 =	vld [tilespmem:s31+$0xF360];
	_ =	sdelay $0x4  }
0x623: {  	[tilespmem:$0x1F220] =	vst v0;
	v0 =	vld [tilespmem:s31+$0xF2F0];
	_ =	sdelay $0x4  }
0x624: {  	[tilespmem:$0x1EBD0] =	vst v0;
	v0 =	vld [tilespmem:s31+$0xF350];
	_ =	sdelay $0x4  }
0x625: {  	[tilespmem:$0x1F230] =	vst v0;
	v0 =	vld [tilespmem:s31+$0xF2B0];
	_ =	sdelay $0x4  }
0x626: {  	[tilespmem:$0x1F240] =	vst v0;
	v0 =	vld [tilespmem:s31+$0xF340];
	_ =	sdelay $0x4  }
0x627: {  	[tilespmem:$0x1F250] =	vst v0;
	v0 =	vld [tilespmem:s31+$0xD2B0];
	_ =	sdelay $0x4  }
0x628: {  	[tilespmem:$0x1EBE0] =	vst v0;
	v0 =	vld [tilespmem:s31+$0xF270];
	_ =	sdelay $0x4  }
0x629: {  	[tilespmem:$0x1EC10] =	vst v0;
	v0 =	vld [tilespmem:s31+$0xD270];
	_ =	sdelay $0x4  }
0x62a: {  	[tilespmem:$0x1EBF0] =	vst v0;
	v0 =	vld [tilespmem:s31+$0xF230];
	_ =	sdelay $0x4  }
0x62b: {  	[tilespmem:$0x1EC50] =	vst v0;
	v0 =	vld [tilespmem:s31+$0xF260];
	_ =	sdelay $0x4  }
0x62c: {  	[tilespmem:$0x1EC00] =	vst v0;
	v0 =	vld [tilespmem:s31+$0xD230];
	_ =	sdelay $0x4  }
0x62d: {  	[tilespmem:$0x1EC30] =	vst v0;
	v0 =	vld [tilespmem:s31+$0xF220];
	_ =	sdelay $0x4  }
0x62e: {  	[tilespmem:$0x1EC40] =	vst v0;
	v0 =	vld [tilespmem:s31+$0xF280];
	_ =	sdelay $0x4  }
0x62f: {  	[tilespmem:$0x1F260] =	vst v0;
	v0 =	vld [tilespmem:s31+$0xD1F0];
	_ =	sdelay $0x4  }
0x630: {  	[tilespmem:$0x1EC70] =	vst v0;
	v0 =	vld [tilespmem:s31+$0xD220];
	_ =	sdelay $0x4  }
0x631: {  	[tilespmem:$0x1EC20] =	vst v0;
	v0 =	vld [tilespmem:s31+$0xF1B0];
	_ =	sdelay $0x4  }
0x632: {  	[tilespmem:$0x1ECC0] =	vst v0;
	v0 =	vld [tilespmem:s31+$0xD1B0];
	_ =	sdelay $0x4  }
0x633: {  	[tilespmem:$0x1ECA0] =	vst v0;
	v0 =	vld [tilespmem:s31+$0xD1E0];
	_ =	sdelay $0x4  }
0x634: {  	[tilespmem:$0x1EC60] =	vst v0;
	v0 =	vld [tilespmem:s31+$0xF170];
	_ =	sdelay $0x4  }
0x635: {  	[tilespmem:$0x1ED20] =	vst v0;
	v0 =	vld [tilespmem:s31+$0xF1A0];
	_ =	sdelay $0x1  }
0x636: {  	v37 =	vld [tilespmem:s31+$0xD3F0]  }
0x637: {  	v48 =	vld [tilespmem:s31+$0xD3E0]  }
0x638: {  	v42 =	vld [tilespmem:s31+$0xF3B0]  }
0x639: {  	[tilespmem:$0x1ECB0] =	vst v0;
	v0 =	vld [tilespmem:s31+$0xD170]  }
0x63a: {  	v34 =	vld [tilespmem:s31+$0xD3B0]  }
0x63b: {  	v63 =	vld [tilespmem:s31+$0xD3D0]  }
0x63c: {  	v33 =	vld [tilespmem:s31+$0xF3A0]  }
0x63d: {  	v43 =	vld [tilespmem:s31+$0xD370]  }
0x63e: {  	[tilespmem:$0x1ECF0] =	vst v0;
	v0 =	vld [tilespmem:s31+$0xD1A0]  }
0x63f: {  	v61 =	vld [tilespmem:s31+$0xD3A0]  }
0x640: {  	v12 =	vld [tilespmem:s31+$0xD3C0]  }
0x641: {  	v24 =	vld [tilespmem:s31+$0xF390]  }
0x642: {  	v14 =	vld [tilespmem:s31+$0xB3F0]  }
0x643: {  	[tilespmem:$0x1EC80] =	vst v0;
	v0 =	vld [tilespmem:s31+$0xF160]  }
0x644: {  	v45 =	vld [tilespmem:s31+$0xD330]  }
0x645: {  	v30 =	vld [tilespmem:s31+$0xD360]  }
0x646: {  	v13 =	vld [tilespmem:s31+$0xD390]  }
0x647: {  	v41 =	vld [tilespmem:s31+$0xF320]  }
0x648: {  	[tilespmem:$0x1ED00] =	vst v0;
	v0 =	vld [tilespmem:s31+$0xF190]  }
0x649: {  	v10 =	vld [tilespmem:s31+$0xF380]  }
0x64a: {  	v57 =	vld [tilespmem:s31+$0xD2F0]  }
0x64b: {  	v31 =	vld [tilespmem:s31+$0xD320]  }
0x64c: {  	v23 =	vld [tilespmem:s31+$0xD350]  }
0x64d: {  	[tilespmem:$0x1EC90] =	vst v0;
	v0 =	vld [tilespmem:s31+$0xF1C0]  }
0x64e: {  	v7 =	vld [tilespmem:s31+$0xD380]  }
0x64f: {  	v55 =	vld [tilespmem:s31+$0xF2E0]  }
0x650: {  	v28 =	vld [tilespmem:s31+$0xF310]  }
0x651: {  	v8 =	vld [tilespmem:s31+$0xB3E0]  }
0x652: {  	[tilespmem:$0x1F270] =	vst v0;
	v0 =	vld [tilespmem:s31+$0xD130]  }
0x653: {  	v38 =	vld [tilespmem:s31+$0xD2E0]  }
0x654: {  	v62 =	vld [tilespmem:s31+$0xD310]  }
0x655: {  	v17 =	vld [tilespmem:s31+$0xD340]  }
0x656: {  	v35 =	vld [tilespmem:s31+$0xF2D0]  }
0x657: {  	[tilespmem:$0x1ED40] =	vst v0;
	v0 =	vld [tilespmem:s31+$0xD160]  }
0x658: {  	v20 =	vld [tilespmem:s31+$0xF300]  }
0x659: {  	v50 =	vld [tilespmem:s31+$0xD2A0]  }
0x65a: {  	v26 =	vld [tilespmem:s31+$0xD2D0]  }
0x65b: {  	v18 =	vld [tilespmem:s31+$0xD300]  }
0x65c: {  	[tilespmem:$0x1ECD0] =	vst v0;
	v0 =	vld [tilespmem:s31+$0xF0F0]  }
0x65d: {  	v25 =	vld [tilespmem:s31+$0xF2C0]  }
0x65e: {  	v11 =	vld [tilespmem:s31+$0xB3B0]  }
0x65f: {  	v6 =	vld [tilespmem:s31+$0xB3D0]  }
0x660: {  	v46 =	vld [tilespmem:s31+$0xD260]  }
0x661: {  	[tilespmem:$0x1EDD0] =	vst v0;
	v0 =	vld [tilespmem:s31+$0xF150]  }
0x662: {  	v54 =	vld [tilespmem:s31+$0xD290]  }
0x663: {  	v19 =	vld [tilespmem:s31+$0xD2C0]  }
0x664: {  	v44 =	vld [tilespmem:s31+$0xF250]  }
0x665: {  	v3 =	vld [tilespmem:s31+$0xB3C0]  }
0x666: {  	[tilespmem:$0x1ECE0] =	vst v0;
	v0 =	vld [tilespmem:s31+$0xD0F0]  }
0x667: {  	v32 =	vld [tilespmem:s31+$0xD250]  }
0x668: {  	v22 =	vld [tilespmem:s31+$0xD280]  }
0x669: {  	v60 =	vld [tilespmem:s31+$0xF210]  }
0x66a: {  	[tilespmem:$0x1F2B0] =	vst v3;
	v12 =	vmul.f32 v12, v3;
	v3 =	vld [tilespmem:s31+$0xF030]  }
0x66b: {  	[tilespmem:$0x1ED90] =	vst v0;
	v0 =	vld [tilespmem:s31+$0xD120]  }
0x66c: {  	v59 =	vld [tilespmem:s31+$0xF240]  }
0x66d: {  	v40 =	vld [tilespmem:s31+$0xB370]  }
0x66e: {  	v9 =	vld [tilespmem:s31+$0xB3A0]  }
0x66f: {  	[tilespmem:$0x1F280] =	vst v3;
	v3 =	vld [tilespmem:s31+$0xF0A0]  }
0x670: {  	[tilespmem:$0x1ED30] =	vst v0;
	v0 =	vld [tilespmem:s31+$0xF0B0]  }
0x671: {  	v39 =	vld [tilespmem:s31+$0xD210]  }
0x672: {  	v21 =	vld [tilespmem:s31+$0xD240]  }
0x673: {  	v51 =	vld [tilespmem:s31+$0xF200]  }
0x674: {  	[tilespmem:$0x1EE10] =	vst v3;
	v3 =	vld [tilespmem:s31+$0xF0D0]  }
0x675: {  	[tilespmem:$0x1EE30] =	vst v0;
	v0 =	vld [tilespmem:s31+$0xF0E0]  }
0x676: {  	v52 =	vld [tilespmem:s31+$0xD1D0]  }
0x677: {  	v27 =	vld [tilespmem:s31+$0xD200]  }
0x678: {  	v15 =	vld [tilespmem:s31+$0xB330]  }
0x679: {  	[tilespmem:$0x1ED80] =	vst v3;
	v3 =	vld [tilespmem:s31+$0xB340]  }
0x67a: {  	[tilespmem:$0x1EDA0] =	vst v0;
	v0 =	vld [tilespmem:s31+$0xB380]  }
0x67b: {  	v1 =	vld [tilespmem:s31+$0xB390]  }
0x67c: {  	v5 =	vld [tilespmem:s31+$0xB360]  }
0x67d: {  	v47 =	vld [tilespmem:s31+$0xD190]  }
0x67e: {  	v2 =	vld [tilespmem:s31+$0xB350];
	v63 =	vmul.f32 v63, v6;
	v48 =	vmul.f32 v48, v8;
	v12 =	vadd.f32 $0.0e+00, v12  }
0x67f: {  	v29 =	vld [tilespmem:s31+$0xD1C0];
	[tilespmem:$0x1EDC0] =	vst v8;
	v8 =	vmul.f32 v17, v3;
	v7 =	vmul.f32 v7, v0  }
0x680: {  	v49 =	vld [tilespmem:s31+$0xF180];
	v13 =	vmul.f32 v13, v1;
	v12 =	vadd.f32 v63, v12;
	v0 =	vmul.f32 v10, v0  }
0x681: {  	v4 =	vld [tilespmem:s31+$0xB320];
	v1 =	vmul.f32 v24, v1;
	[tilespmem:$0x1F2D0] =	vst v3;
	v3 =	vadd.f32 $0.0e+00, v8;
	v7 =	vadd.f32 $0.0e+00, v7  }
0x682: {  	v10 =	vadd.f32 v48, v12;
	v12 =	vmul.f32 v37, v14;
	v37 =	vld [tilespmem:s31+$0xB300];
	v0 =	vadd.f32 $0.0e+00, v0  }
0x683: {  	v63 =	vld [tilespmem:s31+$0xF100];
	v8 =	vmul.f32 v23, v2;
	v7 =	vadd.f32 v13, v7;
	v13 =	vmul.f32 v61, v9  }
0x684: {  	v10 =	vadd.f32 v12, v10;
	v12 =	vld [tilespmem:s31+$0xB310];
	v0 =	vadd.f32 v1, v0;
	v1 =	vmul.f32 v33, v9  }
0x685: {  	[tilespmem:$0x1F2F0] =	vst v2;
	v2 =	vld [tilespmem:s31+$0xF020];
	v3 =	vadd.f32 v8, v3;
	v7 =	vadd.f32 v13, v7;
	v13 =	vmul.f32 v34, v11  }
0x686: {  	v16 =	vld [tilespmem:s31+$0xB2F0];
	v8 =	vmul.f32 v30, v5;
	v0 =	vadd.f32 v1, v0;
	v1 =	vmul.f32 v42, v11  }
0x687: {  	[tilespmem:$0x1EDF0] =	vst v6;
	v6 =	vld [tilespmem:s31+$0xB2C0];
	(xrf2) =	vadd.scan.msk.f32 $0xffff, v10;
	v9 =	vmul.f32 v18, v37;
	v7 =	vadd.f32 v13, v7  }
0x688: {  	[tilespmem:$0x1F290] =	vst v63;
	v63 =	vld [tilespmem:s31+$0xD030];
	v3 =	vadd.f32 v8, v3;
	v0 =	vadd.f32 v1, v0  }
0x689: {  	v8 =	vmul.f32 v43, v40;
	v10 =	vld [tilespmem:s31+$0xB2D0];
	(xrf2) =	vadd.scan.msk.f32 $0xffff, v7;
	v7 =	vadd.f32 $0.0e+00, v9;
	v9 =	vmul.f32 v62, v12  }
0x68a: {  	v36 =	vld [tilespmem:s31+$0xD0B0];
	[tilespmem:$0x1F2E0] =	vst v2;
	v2 =	vmul.f32 v41, v4;
	v13 =	vmul.f32 v20, v37;
	(xrf2) =	vadd.scan.msk.f32 $0xffff, v0  }
0x68b: {  	v3 =	vadd.f32 v8, v3;
	v7 =	vadd.f32 v9, v7;
	v9 =	vmul.f32 v31, v4;
	v4 =	vld [tilespmem:$0x1EBC0]  }
0x68c: {  	[tilespmem:$0x1ED70] =	vst v14;
	v8 =	vmul.f32 v19, v6;
	v14 =	vld [tilespmem:s31+$0xB2E0];
	v17 =	vadd.f32 $0.0e+00, v13;
	v12 =	vmul.f32 v28, v12  }
0x68d: {  	[tilespmem:$0x1F2A0] =	vst v63;
	v13 =	vld [tilespmem:s31+$0xB280];
	v7 =	vadd.f32 v9, v7;
	v9 =	vmul.f32 v45, v15  }
0x68e: {  	v63 =	vld [tilespmem:s31+$0xD070];
	v11 =	vadd.f32 v12, v17;
	(xrf2) =	vadd.scan.msk.f32 $0xffff, v3;
	v3 =	vadd.f32 $0.0e+00, v8;
	v8 =	vmul.f32 v26, v10  }
0x68f: {  	v62 =	vld [tilespmem:s31+$0xB290];
	v7 =	vadd.f32 v9, v7;
	v9 =	vmul.f32 v25, v6  }
0x690: {  	[tilespmem:$0x1F300] =	vst v5;
	v2 =	vadd.f32 v2, v11;
	v11 =	vld [tilespmem:s31+$0xB240];
	v3 =	vadd.f32 v8, v3;
	v5 =	vmul.f32 v4, v15  }
0x691: {  	v18, _, _ =	vpop (xrf2);
	v8 =	vmul.f32 v38, v14;
	v6 =	vld [tilespmem:s31+$0xB2A0];
	(xrf2) =	vadd.scan.msk.f32 $0xffff, v7;
	v7 =	vadd.f32 $0.0e+00, v9;
	v9 =	vmul.f32 v35, v10  }
0x692: {  	v12 =	vmul.f32 v22, v13;
	v2 =	vadd.f32 v5, v2;
	v5 =	vld [tilespmem:s31+$0xB250]  }
0x693: {  	v58 =	vld [tilespmem:s31+$0xD150];
	v3 =	vadd.f32 v8, v3;
	v8 =	vmul.f32 v57, v16;
	v10, _, _ =	vpop (xrf2);
	v7 =	vadd.f32 v9, v7  }
0x694: {  	v9 =	vmul.f32 v55, v14;
	v14 =	vld [tilespmem:s31+$0xB260];
	(xrf2) =	vadd.scan.msk.f32 $0xffff, v2;
	v2 =	vadd.f32 $0.0e+00, v12;
	v12 =	vmul.f32 v54, v62;
	v4, _, _ =	vpop (xrf2)  }
0x695: {  	v3 =	vadd.f32 v8, v3;
	v17 =	vmul.f32 v21, v11;
	[tilespmem:$0x1F4A0] =	vst v4;
	v4 =	vld [tilespmem:$0x1EBD0]  }
0x696: {  	[tilespmem:$0x1EE00] =	vst v36;
	v36 =	vld [tilespmem:s31+$0xD0E0];
	v7 =	vadd.f32 v9, v7;
	v9 =	vmul.f32 v50, v6;
	v2 =	vadd.f32 v12, v2  }
0x697: {  	[tilespmem:$0x1F2C0] =	vst v63;
	v63 =	vld [tilespmem:s31+$0xB2B0];
	(xrf2) =	vadd.scan.msk.f32 $0xffff, v3;
	v3 =	vadd.f32 $0.0e+00, v17;
	v12 =	vmul.f32 v32, v5  }
0x698: {  	v19 =	vadd.f32 v9, v2;
	v2 =	vld [tilespmem:$0x1EBE0]  }
0x699: {  	v15 =	vld [tilespmem:s31+$0xB270];
	v3 =	vadd.f32 v12, v3;
	v12 =	vmul.f32 v46, v14  }
0x69a: {  	v4 =	vmul.f32 v4, v16;
	v16 =	vld [tilespmem:s31+$0xB200]  }
0x69b: {  	v3 =	vadd.f32 v12, v3;
	v12 =	vld [tilespmem:$0x1EBF0]  }
0x69c: {  	v11 =	vmul.f32 v59, v11;
	v4 =	vadd.f32 v4, v7;
	v7 =	vld [tilespmem:s31+$0xB210]  }
0x69d: {  	v53 =	vld [tilespmem:s31+$0xD180];
	v17 =	vmul.f32 v2, v63  }
0x69e: {  	v56 =	vld [tilespmem:s31+$0xF140];
	v11 =	vadd.f32 $0.0e+00, v11;
	v5 =	vmul.f32 v44, v5  }
0x69f: {  	[tilespmem:$0x1ED50] =	vst v36;
	v36 =	vld [tilespmem:s31+$0xD110];
	v59 =	vmov v18;
	v17 =	vadd.f32 v17, v19;
	v18 =	vmul.f32 v27, v16  }
0x6a0: {  	v8, _, _ =	vpop (xrf2);
	v5 =	vadd.f32 v5, v11;
	v11 =	vld [tilespmem:$0x1EC00];
	(xrf2) =	vadd.scan.msk.f32 $0xffff, v4  }
0x6a1: {  	v24 =	vld [tilespmem:s31+$0xD0A0];
	v9, _, _ =	vpop (xrf2);
	v12 =	vmul.f32 v12, v15;
	(xrf2) =	vadd.scan.msk.f32 $0xffff, v17;
	v17 =	vadd.f32 $0.0e+00, v18;
	v18 =	vmul.f32 v39, v7  }
0x6a2: {  	v4 =	vld [tilespmem:s31+$0xB220]  }
0x6a3: {  	v3 =	vadd.f32 v12, v3;
	v12 =	vmul.f32 v51, v16;
	v16 =	vadd.f32 v18, v17;
	v17 =	vld [tilespmem:$0x1EC20]  }
0x6a4: {  	[tilespmem:$0x1ED10] =	vst v36;
	v36 =	vld [tilespmem:s31+$0xD140]  }
0x6a5: {  	v23 =	vld [tilespmem:$0x1ED70];
	v11 =	vmul.f32 v11, v14  }
0x6a6: {  	v30 =	vld [tilespmem:s31+$0xB1E0]  }
0x6a7: {  	v5 =	vadd.f32 v11, v5;
	v11 =	vld [tilespmem:$0x1EC10]  }
0x6a8: {  	v33 =	vld [tilespmem:s31+$0xB1D0];
	v17 =	vmul.f32 v17, v4  }
0x6a9: {  	v19 =	vld [tilespmem:s31+$0xB230]  }
0x6aa: {  	v16 =	vadd.f32 v17, v16;
	v17 =	vld [tilespmem:$0x1EC30]  }
0x6ab: {  	v32 =	vld [tilespmem:s31+$0xB1C0];
	v54, _, _ =	vpop (xrf2);
	v7 =	vmul.f32 v60, v7;
	(xrf2) =	vadd.scan.msk.f32 $0xffff, v3;
	v3 =	vadd.f32 $0.0e+00, v12  }
0x6ac: {  	v11 =	vmul.f32 v11, v15;
	v15 =	vld [tilespmem:s31+$0xB180]  }
0x6ad: {  	v3 =	vadd.f32 v7, v3;
	v7 =	vld [tilespmem:$0x1EC40]  }
0x6ae: {  	v5 =	vadd.f32 v11, v5;
	v11 =	vld [tilespmem:s31+$0xB190]  }
0x6af: {  	v43 =	vld [tilespmem:s31+$0xD060];
	v17 =	vmul.f32 v17, v19  }
0x6b0: {  	v48 =	vld [tilespmem:s31+$0xD0D0];
	v12 =	vmul.f32 v29, v32  }
0x6b1: {  	v61 =	vld [tilespmem:s31+$0xD100];
	v16 =	vadd.f32 v17, v16;
	v17 =	vmul.f32 v53, v15  }
0x6b2: {  	v1 =	vld [tilespmem:s31+$0xF090];
	v42, _, _ =	vpop (xrf2);
	(xrf2) =	vadd.scan.msk.f32 $0xffff, v5;
	v4 =	vmul.f32 v7, v4;
	v7 =	vadd.f32 $0.0e+00, v12;
	v12 =	vmul.f32 v52, v33  }
0x6b3: {  	v25, _, _ =	vpop (xrf2);
	v5 =	vld [tilespmem:s31+$0xB1A0];
	(xrf2) =	vadd.scan.msk.f32 $0xffff, v16;
	v16 =	vadd.f32 $0.0e+00, v17;
	v17 =	vmul.f32 v47, v11  }
0x6b4: {  	v7 =	vadd.f32 v12, v7;
	v12 =	vld [tilespmem:$0x1EC60]  }
0x6b5: {  	v16 =	vadd.f32 v17, v16;
	v17 =	vld [tilespmem:$0x1EC80]  }
0x6b6: {  	v37 =	vld [tilespmem:s31+$0xD020]  }
0x6b7: {  	v31 =	vld [tilespmem:s31+$0xB1F0]  }
0x6b8: {  	v21 =	vld [tilespmem:$0x1EC90]  }
0x6b9: {  	v3 =	vadd.f32 v4, v3;
	v4 =	vld [tilespmem:$0x1EC50];
	v12 =	vmul.f32 v12, v30  }
0x6ba: {  	v18 =	vld [tilespmem:s31+$0xB1B0];
	v17 =	vmul.f32 v17, v5  }
0x6bb: {  	v15 =	vmul.f32 v49, v15;
	v7 =	vadd.f32 v12, v7;
	v12 =	vld [tilespmem:$0x1EC70]  }
0x6bc: {  	v16 =	vadd.f32 v17, v16;
	v17 =	vld [tilespmem:$0x1ECA0]  }
0x6bd: {  	v20 =	vld [tilespmem:s31+$0xF080];
	v15 =	vadd.f32 $0.0e+00, v15;
	v11 =	vmul.f32 v21, v11  }
0x6be: {  	v4 =	vmul.f32 v4, v19;
	v19 =	vld [tilespmem:s31+$0xB140]  }
0x6bf: {  	v11 =	vadd.f32 v11, v15;
	v15 =	vld [tilespmem:$0x1ECB0]  }
0x6c0: {  	v3 =	vadd.f32 v4, v3;
	v4 =	vld [tilespmem:s31+$0xB150];
	v12 =	vmul.f32 v12, v31  }
0x6c1: {  	v0 =	vld [tilespmem:s31+$0xF0C0];
	v17 =	vmul.f32 v17, v18  }
0x6c2: {  	v22 =	vld [tilespmem:$0x1ED60];
	v7 =	vadd.f32 v12, v7  }
0x6c3: {  	v57 =	vld [tilespmem:s31+$0xB110];
	v41, _, _ =	vpop (xrf2);
	(xrf2) =	vadd.scan.msk.f32 $0xffff, v3;
	v12 =	vmul.f32 v36, v19;
	v16 =	vadd.f32 v17, v16;
	v17 =	vmul.f32 v56, v19  }
0x6c4: {  	v55 =	vld [tilespmem:s31+$0xB100];
	v44, _, _ =	vpop (xrf2);
	v5 =	vmul.f32 v15, v5;
	(xrf2) =	vadd.scan.msk.f32 $0xffff, v7  }
0x6c5: {  	v39, _, _ =	vpop (xrf2);
	v15 =	vmul.f32 v58, v4;
	v12 =	vadd.f32 $0.0e+00, v12;
	(xrf2) =	vadd.scan.msk.f32 $0xffff, v16;
	v16 =	vadd.f32 $0.0e+00, v17;
	v17 =	vld [tilespmem:$0x1ECE0]  }
0x6c6: {  	v3 =	vld [tilespmem:s31+$0xB160]  }
0x6c7: {  	v12 =	vadd.f32 v15, v12;
	v15 =	vld [tilespmem:$0x1ECD0]  }
0x6c8: {  	v34 =	vmul.f32 v22, v23;
	v22 =	vld [tilespmem:s31+$0xB0A0]  }
0x6c9: {  	v23 =	vld [tilespmem:s31+$0xB0B0]  }
0x6ca: {  	v2 =	vld [tilespmem:s31+$0xD090];
	v4 =	vmul.f32 v17, v4  }
0x6cb: {  	v5 =	vadd.f32 v5, v11;
	v11 =	vld [tilespmem:$0x1ECC0]  }
0x6cc: {  	v15 =	vmul.f32 v15, v3;
	v4 =	vadd.f32 v4, v16;
	v16 =	vld [tilespmem:$0x1ED00]  }
0x6cd: {  	v21 =	vld [tilespmem:s31+$0xB170]  }
0x6ce: {  	v12 =	vadd.f32 v15, v12;
	v15 =	vld [tilespmem:$0x1ECF0]  }
0x6cf: {  	v14 =	vld [tilespmem:s31+$0xD0C0];
	v17 =	vmul.f32 v61, v55  }
0x6d0: {  	v11 =	vmul.f32 v11, v18;
	v18 =	vld [tilespmem:s31+$0xB0C0]  }
0x6d1: {  	v3 =	vmul.f32 v16, v3;
	v16 =	vadd.f32 $0.0e+00, v17;
	v17 =	vld [tilespmem:$0x1ED10]  }
0x6d2: {  	v5 =	vadd.f32 v11, v5;
	v11 =	vld [tilespmem:s31+$0xB0D0]  }
0x6d3: {  	v15 =	vmul.f32 v15, v21;
	v3 =	vadd.f32 v3, v4;
	v4 =	vld [tilespmem:$0x1ED20]  }
0x6d4: {  	v60 =	vld [tilespmem:s31+$0xF010]  }
0x6d5: {  	v7 =	vld [tilespmem:s31+$0xD080];
	v14 =	vmul.f32 v14, v18;
	v12 =	vadd.f32 v15, v12  }
0x6d6: {  	v46, _, _ =	vpop (xrf2);
	v56 =	vld [tilespmem:s31+$0xB120];
	(xrf2) =	vadd.scan.msk.f32 $0xffff, v5;
	v17 =	vmul.f32 v17, v57  }
0x6d7: {  	v45, _, _ =	vpop (xrf2);
	v19 =	vld [tilespmem:s31+$0xB080];
	(xrf2) =	vadd.scan.msk.f32 $0xffff, v12;
	v12 =	vadd.f32 $0.0e+00, v14  }
0x6d8: {  	v14 =	vmul.f32 v48, v11;
	v4 =	vmul.f32 v4, v21;
	v16 =	vadd.f32 v17, v16;
	v17 =	vld [tilespmem:$0x1ED30]  }
0x6d9: {  	v5 =	vld [tilespmem:s31+$0xB0E0]  }
0x6da: {  	v12 =	vadd.f32 v14, v12;
	v14 =	vld [tilespmem:$0x1ED50];
	v3 =	vadd.f32 v4, v3  }
0x6db: {  	v4 =	vld [tilespmem:s31+$0xB090]  }
0x6dc: {  	v50, _, _ =	vpop (xrf2);
	(xrf2) =	vadd.scan.msk.f32 $0xffff, v3;
	v3 =	vld [tilespmem:$0x1ED80]  }
0x6dd: {  	v58 =	vld [tilespmem:s31+$0xB130];
	v17 =	vmul.f32 v17, v56  }
0x6de: {  	v0 =	vmul.f32 v0, v18;
	v18 =	vld [tilespmem:s31+$0xD000];
	v7 =	vmul.f32 v7, v19  }
0x6df: {  	v16 =	vadd.f32 v17, v16;
	v17 =	vld [tilespmem:$0x1ED40]  }
0x6e0: {  	v7 =	vadd.f32 $0.0e+00, v7;
	v15 =	vld [tilespmem:s31+$0xB0F0];
	v14 =	vmul.f32 v14, v5;
	v2 =	vmul.f32 v2, v4  }
0x6e1: {  	v0 =	vadd.f32 $0.0e+00, v0;
	v19 =	vmul.f32 v20, v19;
	v21 =	vld [tilespmem:s31+$0xD010];
	v3 =	vmul.f32 v3, v11  }
0x6e2: {  	v20 =	vmul.f32 v24, v22;
	v12 =	vadd.f32 v14, v12;
	v14 =	vld [tilespmem:$0x1ED90];
	v2 =	vadd.f32 v2, v7  }
0x6e3: {  	v0 =	vadd.f32 v3, v0;
	v3 =	vld [tilespmem:$0x1EDA0]  }
0x6e4: {  	v20 =	vadd.f32 v20, v2;
	v2 =	vld [tilespmem:$0x1EE00];
	v17 =	vmul.f32 v17, v58  }
0x6e5: {  	v7 =	vld [tilespmem:$0x1EDF0]  }
0x6e6: {  	v11 =	vadd.f32 v17, v16;
	v17 =	vld [tilespmem:s31+$0xB000]  }
0x6e7: {  	v16 =	vld [tilespmem:$0x1EDC0]  }
0x6e8: {  	v3 =	vmul.f32 v3, v5;
	v5 =	vld [tilespmem:$0x1EDB0]  }
0x6e9: {  	v14 =	vmul.f32 v14, v15;
	v24 =	vmul.f32 v2, v23;
	v2 =	vld [tilespmem:$0x1EE10]  }
0x6ea: {  	v0 =	vadd.f32 v3, v0;
	v3 =	vld [tilespmem:$0x1EDD0]  }
0x6eb: {  	v38, _, _ =	vpop (xrf2);
	(xrf2) =	vadd.scan.msk.f32 $0xffff, v11;
	v11 =	vadd.f32 v14, v12;
	v14 =	vld [tilespmem:s31+$0xB010]  }
0x6ec: {  	v19 =	vadd.f32 $0.0e+00, v19;
	v4 =	vmul.f32 v1, v4;
	v12 =	vld [tilespmem:s31+$0xD040]  }
0x6ed: {  	v52 =	vmul.f32 v5, v16;
	v5 =	vld [tilespmem:s31+$0xF000]  }
0x6ee: {  	v4 =	vadd.f32 v4, v19;
	v19 =	vmul.f32 v2, v22;
	v2 =	vld [tilespmem:$0x1EE20]  }
0x6ef: {  	v15 =	vmul.f32 v3, v15;
	v3 =	vld [tilespmem:$0x1EDE0]  }
0x6f0: {  	p0 =	sne.s32 s23, $0x7000;
	v22 =	vadd.f32 v19, v4;
	v4 =	vld [tilespmem:$0x1EE30]  }
.Ltmp1:
0x6f1: {  	v29, _, _ =	vpop (xrf2);
	(xrf2) =	vadd.scan.msk.f32 $0xffff, v11;
	v11 =	vld [tilespmem:s31+$0xB040];
	(pc) =	sbr.rel @p0 .LBB2_5-.Ltmp1, $4  }
0x6f2: {  	v16 =	vld [tilespmem:s31+$0xB020]  }
0x6f3: {  	v27 =	vmul.f32 v21, v14;
	v28 =	vadd.f32 v15, v0;
	v15 =	vmul.f32 v18, v17;
	v18 =	vld [tilespmem:s31+$0xD050]  }
0x6f4: {  	v1, _, _ =	vpop (xrf2);
	v21 =	vadd.f32 v24, v20;
	v2 =	vmul.f32 v2, v40;
	v24 =	vmul.f32 v5, v17;
	v17 =	vld [tilespmem:s31+$0xB050]  }
0x6f5: {  	s23 =	sadd.s32 $0x1000, s23;
	v0, _, _ =	vpop (xrf2);
	(xrf2) =	vadd.scan.msk.f32 $0xffff, v28;
	v26 =	vadd.f32 $0.0e+00, v15;
	v3 =	vmul.f32 v3, v7;
	v7 =	vld [tilespmem:s31+$0xB030];
	v23 =	vmul.f32 v4, v23  }
0x6f6: {  	v4 =	vld [tilespmem:s31+$0xF040]  }
0x6f7: {  	v15 =	vld [tilespmem:s31+$0xB060]  }
0x6f8: {  	v61 =	vld [tilespmem:s31+$0xF050]  }
0x6f9: {  	v28 =	vld [tilespmem:s31+$0xF060]  }
0x6fa: {  	v35 =	vld [tilespmem:$0x1F2A0]  }
0x6fb: {  	v36 =	vld [tilespmem:s31+$0xF110]  }
0x6fc: {  	v47 =	vld [tilespmem:s31+$0xF070]  }
0x6fd: {  	v51 =	vld [tilespmem:s31+$0xF120]  }
0x6fe: {  	v53 =	vld [tilespmem:$0x1F290]  }
0x6ff: {  	v5 =	vmul.f32 v60, v14;
	v60 =	vadd.f32 $0.0e+00, v24;
	v24 =	vld [tilespmem:s31+$0xF1E0]  }
0x700: {  	v19 =	vadd.f32 v27, v26;
	v26 =	vld [tilespmem:$0x1F2E0]  }
0x701: {  	v27 =	vld [tilespmem:s31+$0xB070]  }
0x702: {  	v20 =	vmul.f32 v37, v16;
	v37 =	vld [tilespmem:$0x1F280]  }
0x703: {  	v12 =	vmul.f32 v12, v11;
	v5 =	vadd.f32 v5, v60;
	v60 =	vld [tilespmem:$0x1F2C0]  }
0x704: {  	v22 =	vadd.f32 v23, v22;
	v23 =	vld [tilespmem:$0x1F270];
	v18 =	vmul.f32 v18, v17;
	v4 =	vmul.f32 v4, v11  }
0x705: {  	v12 =	vadd.f32 $0.0e+00, v12;
	v48 =	vmul.f32 v61, v17;
	v49 =	vmul.f32 v43, v15;
	v61 =	vld [tilespmem:s31+$0xF130]  }
0x706: {  	v19 =	vadd.f32 v20, v19;
	v11 =	vmul.f32 v36, v57;
	v36 =	vld [tilespmem:$0x1F210];
	v14 =	vmul.f32 v26, v16  }
0x707: {  	(xrf2) =	vadd.scan.msk.f32 $0xffff, v21;
	v12 =	vadd.f32 v18, v12;
	v40 =	vmul.f32 v37, v7;
	v21 =	vmul.f32 v47, v27;
	v37 =	vld [tilespmem:$0x1F2B0]  }
0x708: {  	v18 =	vmul.f32 v60, v27;
	v27 =	vld [tilespmem:s31+$0xF290];
	v5 =	vadd.f32 v14, v5;
	v14 =	vmul.f32 v35, v7  }
0x709: {  	v4 =	vadd.f32 $0.0e+00, v4;
	v12 =	vadd.f32 v49, v12;
	v49 =	vld [tilespmem:$0x1F2D0]  }
0x70a: {  	v1 =	vbroadcast v1, $0xF;
	v35 =	vld [tilespmem:s31+$0xF2A0];
	v14 =	vadd.f32 v14, v19;
	v19 =	vmul.f32 v53, v55  }
0x70b: {  	v0 =	vbroadcast v0, $0xF;
	v15 =	vmul.f32 v28, v15;
	v4 =	vadd.f32 v48, v4;
	v55 =	vld [tilespmem:s31+$0xF1D0]  }
0x70c: {  	(xrf2) =	vadd.scan.msk.f32 $0xffff, v22;
	v43 =	vmul.f32 v24, v30;
	v5 =	vadd.f32 v40, v5;
	v40 =	vld [tilespmem:$0x1F260];
	v22 =	vadd.f32 $0.0e+00, v19  }
0x70d: {  	v7 =	vmul.f32 v51, v56;
	v48 =	vld [tilespmem:$0x1F250];
	v4 =	vadd.f32 v15, v4;
	(xrf2) =	vadd.scan.msk.f32 $0xffff, v14;
	v14 =	vmul.f32 v23, v32  }
0x70e: {  	v12 =	vadd.f32 v18, v12;
	v53 =	vld [tilespmem:$0x1F230];
	v16 =	vmul.f32 v36, v37;
	v26 =	vadd.f32 v11, v22  }
0x70f: {  	v37 =	vbroadcast v38, $0xF;
	v32 =	vld [tilespmem:s31+$0xF1F0];
	v4 =	vadd.f32 v21, v4;
	v14 =	vadd.f32 $0.0e+00, v14  }
0x710: {  	(xrf2) =	vadd.scan.msk.f32 $0xffff, v5;
	v21 =	vld [tilespmem:$0x1F240];
	v28 =	vmul.f32 v55, v33;
	v33 =	vmul.f32 v61, v58;
	v5 =	vadd.f32 v7, v26  }
0x711: {  	v38 =	vbroadcast v50, $0xF;
	(xrf2) =	vadd.scan.msk.f32 $0xffff, v12;
	v13 =	vmul.f32 v40, v13;
	v55 =	vld [tilespmem:$0x1F2F0]  }
0x712: {  	v11 =	vmul.f32 v27, v62;
	v62 =	vld [tilespmem:$0x1F300];
	(xrf2) =	vadd.scan.msk.f32 $0xffff, v4;
	v12 =	vadd.f32 v28, v14;
	v5 =	vadd.f32 v33, v5  }
0x713: {  	v50 =	vbroadcast v41, $0xF;
	v16 =	vadd.f32 $0.0e+00, v16;
	v61 =	vld [tilespmem:$0x1F220];
	v13 =	vadd.f32 $0.0e+00, v13  }
0x714: {  	v47, _, _ =	vpop (xrf2);
	v17 =	vmul.f32 v48, v49;
	v56 =	vmul.f32 v32, v31;
	v12 =	vadd.f32 v43, v12;
	(xrf2) =	vadd.scan.msk.f32 $0xffff, v5  }
0x715: {  	v51, _, _ =	vpop (xrf2);
	v48 =	vbroadcast v45, $0xF;
	v4 =	vmul.f32 v35, v6;
	v11 =	vadd.f32 v11, v13  }
0x716: {  	v57, _, _ =	vpop (xrf2);
	v60 =	vadd.f32 $0.0e+00, v17;
	v19 =	vmul.f32 v53, v55;
	v12 =	vadd.f32 v56, v12  }
0x717: {  	v49 =	vbroadcast v44, $0xF;
	v58, _, _ =	vpop (xrf2);
	v17 =	vmul.f32 v21, v63;
	v4 =	vadd.f32 v4, v11  }
0x718: {  	v3 =	vadd.f32 v3, v16;
	v20, _, _ =	vpop (xrf2);
	v15 =	vmul.f32 v61, v62;
	v22 =	vadd.f32 v19, v60;
	(xrf2) =	vadd.scan.msk.f32 $0xffff, v12  }
0x719: {  	v40 =	vbroadcast v29, $0xF;
	v6 =	vbroadcast v58, $0xF;
	v23, _, _ =	vpop (xrf2);
	v4 =	vadd.f32 v17, v4  }
0x71a: {  	v7 =	vbroadcast v47, $0xF;
	v47 =	vbroadcast v46, $0xF;
	v24, _, _ =	vpop (xrf2);
	v11 =	vadd.f32 v15, v22  }
0x71b: {  	v58 =	vbroadcast v54, $0xF;
	v3 =	vadd.f32 v52, v3;
	v32 =	vbroadcast v20, $0xF;
	v26, _, _ =	vpop (xrf2);
	(xrf2) =	vadd.scan.msk.f32 $0xffff, v4  }
0x71c: {  	v13 =	vbroadcast v23, $0xF;
	v15 =	vbroadcast v26, $0xF;
	v27, _, _ =	vpop (xrf2);
	v2 =	vadd.f32 v2, v11  }
0x71d: {  	v28 =	vbroadcast v24, $0xF;
	v30 =	vbroadcast v27, $0xF  }
0x71e: {  	v33 =	vbroadcast v51, $0xF;
	v3 =	vadd.f32 v34, v3;
	v31 =	vsel vm0, v13, v15;
	v34, _, _ =	vpop (xrf2);
	(xrf2) =	vadd.scan.msk.f32 $0xffff, v2  }
0x71f: {  	v5 =	vbroadcast v57, $0xF;
	v11 =	vsel vm0, v28, v30;
	v4 =	vsel vm1, v31, v6  }
0x720: {  	v11 =	vsel vm1, v11, v32;
	v4 =	vsel vm2, v4, v33;
	v35 =	vbroadcast v34, $0xF  }
0x721: {  	v51 =	vbroadcast v39, $0xF;
	v36 =	vsel vm2, v11, v5;
	v4 =	vsel vm3, v4, v7  }
0x722: {  	v53 =	vbroadcast v42, $0xF;
	v1 =	vsel vm4, v4, v1;
	v2 =	vsel vm3, v36, v35;
	v43, _, _ =	vpop (xrf2);
	(xrf2) =	vadd.scan.msk.f32 $0xffff, v3  }
0x723: {  	v1 =	vsel vm5, v1, v37;
	v0 =	vsel vm4, v2, v0;
	v2 =	vbroadcast v43, $0xF  }
0x724: {  	v55 =	vbroadcast v25, $0xF;
	v1 =	vsel vm6, v1, v38;
	v0 =	vsel vm5, v0, v40  }
0x725: {  	v57 =	vbroadcast v8, $0xF;
	v62 =	vld [tilespmem:$0x1F4A0];
	v1 =	vsel vm7, v1, v47;
	v52, _, _ =	vpop (xrf2);
	v0 =	vsel vm6, v0, v2  }
0x726: {  	v1 =	vsel vm8, v1, v49;
	v3 =	vbroadcast v52, $0xF;
	v0 =	vsel vm7, v0, v48  }
0x727: {  	v56 =	vbroadcast v9, $0xF;
	v1 =	vsel vm9, v1, v50;
	v0 =	vsel vm8, v0, v51  }
0x728: {  	s30 =	sadd.s32 $0x1, s30;
	v61 =	vbroadcast v10, $0xF;
	v1 =	vsel vm10, v1, v53;
	v0 =	vsel vm9, v0, v3;
	v60, _, _ =	vpop (xrf2)  }
0x729: {  	p0 =	sne.s32 s30, $0x28;
	v1 =	vsel vm11, v1, v56;
	v0 =	vsel vm10, v0, v55;
	v4 =	vbroadcast v60, $0xF  }
.Ltmp2:
0x72a: {  	v1 =	vsel vm12, v1, v57;
	v3 =	vbroadcast v62, $0xF;
	v0 =	vsel vm11, v0, v58;
	(pc) =	sbr.rel @p0 .LBB2_2-.Ltmp2, $4  }
0x72b: {  	v1 =	vsel vm13, v1, v61;
	v0 =	vsel vm12, v0, v4  }
0x72c: {  	s23 =	sadd.s32 $0x10, s28;
	v1 =	vsel vm14, v1, v59;
	v63, _, _ =	vpop (xrf2);
	v0 =	vsel vm13, v0, v3  }
0x72d: {  	s0 =	sadd.s32 $0x10, s0;
	s1 =	sadd.s32 $0x100, s1;
	[tilespmem:s23+$0x0] =	vst v1;
	v0 =	vsel vm14, v0, v63  }
0x72e: {  	s22 =	sadd.s32 $0x100, s22;
	s25 =	sadd.s32 $0x100, s25;
	s26 =	sadd.s32 $0x100, s26;
	[tilespmem:s0+$0x0] =	vst v0  }
0x72f: {  	_ =	swait.ge [sflag:s20], $0x2000  }
0x730: {  	[sflag:s20] =	ssyncset.done $0x0  }
0x731: {  	[sflag:s20] =	ssyncadd.s32 $0xFFFFE000  }
0x732: {  	_ =	swait.ge [sflag:s20], $0x2000  }
0x733: {  	[sflag:s20] =	ssyncset.done $0x0  }
0x734: {  	[sflag:s20] =	ssyncadd.s32 $0xFFFFE000  }
0x735: {  	_ =	swait.ge [sflag:s20], $0x2000  }
0x736: {  	[sflag:s20] =	ssyncset.done $0x0  }
0x737: {  	s0 =	simm.s32 $0x11000;
	[sflag:s20] =	ssyncadd.s32 $0xFFFFE000  }
0x738: {  	[hbm4b:s8+s2] =	stream.linear.scatter [tilespmem:s0], [sflag:$0x3], $0x2800, $0x38;
	[tilespmem:$0x16000] =	vst v63  }
0x739: {  	s24 =	sadd.s32 $0x1, s24;
	_ =	swait.ge [sflag:s11], $0x2800  }
0x73a: {  	p0 =	sne.s32 s24, s10;
	[sflag:s11] =	ssyncset.done $0x0  }
.Ltmp3:
0x73b: {  	s31 =	simm.s32 $0x13800;
	[sflag:s11] =	ssyncadd.s32 $0xFFFFD800;
	(pc) =	sbr.rel @p0 .LBB2_1-.Ltmp3, $4  }
0x73c: {  	[hbm4b:s9+s2] =	stream.linear.scatter [tilespmem:s31], [sflag:$0x3], $0x2800, $0x38;
	[tilespmem:$0x16000] =	vst v63  }
0x73d: {  	_ =	swait.ge [sflag:s11], $0x2800  }
0x73e: {  	[sflag:s11] =	ssyncset.done $0x0  }
0x73f: {  	[sflag:s11] =	ssyncadd.s32 $0xFFFFD800  }
0x740: {  	_ =	sfence.sel $0x180000  }
0x741: {  	[bflag:$0x0] =	sbarrier.arrive $0xFFFF  }
0x742: {  	_ =	strace $0x90000047  }
0x743: {  	s0 =	stileid.u32;
	[bflag:$0x2] =	sbarrier.arrive $0xFFFF  }
0x744: {  	p0 =	sne.s32 s0, $0x0;
	s0 =	rddreg [dreg:$0x3]  }
0x745: {  	s0 =	sadd.s32 @!p0 $0x100000, s0  }
0x746: {  	[sflag:s0] =	ssyncadd.tile.s32 @!p0 $0x1;
	_ =	shalt  }
.Lfunc_end2:
_tile_overlayer_lowered:
.L_overlay_start_2:
0x747: {  	(tag) =	ssettag $0x2  }
0x748: {  	s0 =	rddreg [dreg:$0x0];
	s2 =	stileid.u32  }
0x749: {  	s1 =	rddreg [dreg:$0x1];
	p0 =	sne.s32 s2, $0x0  }
0x74a: {  	s3 =	rddreg [dreg:$0x2];
	[bflag:$0x3] =	sbarrier.arrive $0xFFFF;
	s2 =	simm.s32 @!p0 $0x1C03  }
0x74b: {  	[timem:s3], [sflag:s2] =	dma.local @!p0 [hbm:s0], s1  }
0x74c: {  	s0 =	simm.s32 @!p0 $0x3  }
0x74d: {  	_ =	swait.ge @!p0 [sflag:s0], s1  }
0x74e: {  	s1 =	ssub.s32 @!p0 $0x0, s1;
	[sflag:s0] =	ssyncset.done @!p0 $0x0  }
0x74f: {  	[sflag:s0] =	ssyncadd.s32 @!p0 s1  }
0x750: {  	[bflag:$0x3] =	sbarrier.arrive $0xFFFF  }
0x751: {  	_ =	shalt  }

</sc_bundles>
